<compile_context>
chip_gen: v7x
topology: tpu7x:2x2x1
jax: 0.10.2.dev20260603
libtpu: 0.0.44.dev20260713+nightly
codegen_flags: <defaults>
</compile_context>

<pallas_src>
import jax
import jax.numpy as jnp
from jax import lax
from jax.experimental import pallas as pl
from jax.experimental.pallas import tpu as pltpu
from jax.experimental.pallas import tpu_sc as plsc

_N, _R = 4096, 1024
_NC, _NS, _L = 2, 16, 16
_NW = _NC * _NS
_ROWS = _N // _NW
_W = 3 * _R
_CHUNKS = _R // _L
_UNROLL = 8


def _sc_body(refs_hbm, slices_hbm, lens_hbm, out_hbm, lens_out_hbm,
             in0, in1, out0, out1, slices_blk, lens_blk, lens_res,
             sin0, sin1, sout0, sout1):
    wid = lax.axis_index("s") * _NC + lax.axis_index("c")
    base = wid * _ROWS
    pltpu.sync_copy(lens_hbm.at[pl.ds(base, _ROWS)], lens_blk.at[pl.ds(0, _ROWS)])
    pltpu.sync_copy(slices_hbm.at[pl.ds(2 * base, 2 * _ROWS)], slices_blk)

    iota = lax.iota(jnp.int32, _L)
    iota3 = 3 * iota
    lane0 = iota == 0
    m0 = (iota % 3) == 0
    m1 = ((iota + 16) % 3) == 0
    m2 = ((iota + 32) % 3) == 0

    def compute_row(i, in_row, out_row):
        idx_i = jnp.full((_L,), i, jnp.int32)
        s0 = plsc.load_gather(slices_blk, [2 * idx_i])
        s1 = plsc.load_gather(slices_blk, [2 * idx_i + 1])
        ln = plsc.load_gather(lens_blk, [idx_i])
        f0 = jnp.where(m0, 0, s0)
        f1 = jnp.where(m1, 0, s0)
        f2 = jnp.where(m2, 0, s0)
        for j in range(_CHUNKS):
            b = 48 * j
            out_row[pl.ds(b, _L)] = f0
            out_row[pl.ds(b + 16, _L)] = f1
            out_row[pl.ds(b + 32, _L)] = f2
        ln_s = lens_blk[pl.ds(i, _L)][0]
        nblocks = (ln_s + (_UNROLL * _L - 1)) // (_UNROLL * _L)

        def block_body(blk, cnt3m):
            rb0 = blk * (_UNROLL * _L)
            r = rb0 + iota
            g0 = 3 * rb0 + iota3
            for k in range(_UNROLL):
                ga = g0 + (48 * k)
                rk = r + (16 * k)
                rid = plsc.load_gather(in_row, [ga])
                rbv = plsc.load_gather(in_row, [ga + 1])
                rev = plsc.load_gather(in_row, [ga + 2])
                keep = (rk < ln) & (rev >= rbv) & (s0 <= rbv) & (s1 >= rev)
                cs3 = 3 * plsc.cumsum(keep.astype(jnp.int32))
                p3 = cnt3m + cs3
                plsc.store_scatter(out_row, [p3], rid, mask=keep)
                plsc.store_scatter(out_row, [p3 + 1], rbv + s0, mask=keep)
                plsc.store_scatter(out_row, [p3 + 2], rev + s0, mask=keep)
                cnt3m = cnt3m + 3 * plsc.all_reduce_population_count(keep)
            return cnt3m

        cnt3m = lax.fori_loop(0, nblocks, block_body,
                              jnp.full((_L,), -3, jnp.int32))
        plsc.store_scatter(lens_res, [idx_i], (cnt3m + 3) // 3, mask=lane0)

    def start_in(i, buf, sem):
        pltpu.make_async_copy(refs_hbm.at[base + i], buf, sem).start()

    def wait_in(buf, sem):
        pltpu.make_async_copy(refs_hbm.at[base], buf, sem).wait()

    def start_out(i, buf, sem):
        pltpu.make_async_copy(buf, out_hbm.at[base + i], sem).start()

    def wait_out(buf, sem):
        pltpu.make_async_copy(buf, out_hbm.at[base], sem).wait()

    start_in(0, in0, sin0)

    def loop_body(g, carry):
        r0 = 2 * g
        start_in(r0 + 1, in1, sin1)
        wait_in(in0, sin0)

        @pl.when(g > 0)
        def _():
            wait_out(out0, sout0)

        compute_row(r0, in0, out0)
        start_out(r0, out0, sout0)
        start_in(jnp.minimum(r0 + 2, _ROWS - 1), in0, sin0)
        wait_in(in1, sin1)

        @pl.when(g > 0)
        def _():
            wait_out(out1, sout1)

        compute_row(r0 + 1, in1, out1)
        start_out(r0 + 1, out1, sout1)
        return carry

    lax.fori_loop(0, _ROWS // 2, loop_body, 0)
    wait_in(in0, sin0)
    wait_out(out0, sout0)
    wait_out(out1, sout1)
    pltpu.sync_copy(lens_res, lens_out_hbm.at[pl.ds(base, _ROWS)])


@jax.jit
def _run(refs2, slices_flat, ref_lens):
    mesh = plsc.VectorSubcoreMesh(core_axis_name="c", subcore_axis_name="s",
                                  num_cores=_NC, num_subcores=_NS)
    f = pl.kernel(
        _sc_body,
        out_type=(jax.ShapeDtypeStruct((_N, _W), jnp.int32),
                  jax.ShapeDtypeStruct((_N,), jnp.int32)),
        mesh=mesh,
        compiler_params=pltpu.CompilerParams(needs_layout_passes=False),
        scratch_types=[
            pltpu.VMEM((_W,), jnp.int32),
            pltpu.VMEM((_W,), jnp.int32),
            pltpu.VMEM((_W,), jnp.int32),
            pltpu.VMEM((_W,), jnp.int32),
            pltpu.VMEM((2 * _ROWS,), jnp.int32),
            pltpu.VMEM((_ROWS + _L,), jnp.int32),
            pltpu.VMEM((_ROWS,), jnp.int32),
            pltpu.SemaphoreType.DMA,
            pltpu.SemaphoreType.DMA,
            pltpu.SemaphoreType.DMA,
            pltpu.SemaphoreType.DMA,
        ],
    )
    return f(refs2, slices_flat, ref_lens)


def kernel(ref, slices, ref_lens):
    n, r, _ = ref.shape
    chunked2, lens = _run(ref.reshape(n, 3 * r), slices.reshape(-1), ref_lens)
    return chunked2.reshape(n, r, 3), lens

# --- scband reference (transcript-rebuilt; emitter-appended) ---
"""Pipeline reference for scband-chunk-token-sequences-by-slices-30992484008318 (READ-ONLY COPY).

The authoritative reference and input builder live on the scoring server;
editing this copy changes nothing except your own understanding.
"""

import jax, jax.numpy as jnp
import numpy as np

PARTIAL = False
RETAIN = False


def setup_inputs(seed: int = 0) -> dict:
    key = jax.random.key(seed)
    k1, k2, k3 = jax.random.split(key, 3)
    N, R, F = 4096, 1024, 8192
    refs = jax.random.randint(k1, (N, R, 3), 0, F, dtype=jnp.int32)
    slices = jax.random.randint(k2, (N, 2), 0, F, dtype=jnp.int32)
    ref_lens = jax.random.randint(k3, (N,), 0, R, dtype=jnp.int32)
    return {"ref": refs, "slices": slices, "ref_lens": ref_lens}


def reference(ref, slices, ref_lens):
    refs = ref
    N, R = refs.shape[0], refs.shape[1]
    arange = jnp.arange(R)
    # length mask
    mask = ref_lens[:, None] > arange[None, :]
    # valid-boundary mask: start,end >= 0 and end >= start
    mask = mask & jnp.all(refs[..., 1:] >= 0, axis=2) & (refs[..., 2] >= refs[..., 1])
    if PARTIAL:
        mask = mask & (slices[:, :1] < refs[..., 2]) & (slices[:, 1:] > refs[..., 1])
    else:
        mask = mask & (slices[:, :1] <= refs[..., 1]) & (slices[:, 1:] >= refs[..., 2])
    chunked_lens = jnp.sum(mask.astype(jnp.int32), axis=1)
    # stable argsort brings kept (mask=True) triples to the front in original order,
    # reproducing torch's boolean-select + masked_scatter_ compaction
    order = jnp.argsort(jnp.logical_not(mask).astype(jnp.int32), axis=1)
    compacted = jnp.take_along_axis(refs, order[:, :, None], axis=1)
    valid = chunked_lens[:, None] > arange[None, :]
    # positions past chunked_lens are uninitialized in torch (new_empty); zero them
    # here for determinism
    chunked = jnp.where(valid[:, :, None], compacted, 0)
    if not RETAIN:
        offset = slices[:, 0][:, None, None]
        chunked = chunked.at[:, :, 1:].add(offset)
    return chunked, chunked_lens

if __name__ == "__main__":
    import jax
    _d = setup_inputs()
    print(jax.jit(kernel)(*tuple(_d.values())))

</pallas_src>

<mosaic_0001>
#map = affine_map<(d0, d1) -> (0, 0)>
#map1 = affine_map<(d0, d1) -> (0)>
module attributes {stable_mosaic.version = 14 : i64} {
  func.func @_sc_body(%arg0: i32, %arg1: i32, %arg2: memref<4096x3072xi32, #tpu.memory_space<hbm>>, %arg3: memref<8192xi32, #tpu.memory_space<hbm>>, %arg4: memref<4096xi32, #tpu.memory_space<hbm>>, %arg5: memref<4096x3072xi32, #tpu.memory_space<hbm>>, %arg6: memref<4096xi32, #tpu.memory_space<hbm>>, %arg7: memref<3072xi32, #tpu.memory_space<vmem>>, %arg8: memref<3072xi32, #tpu.memory_space<vmem>>, %arg9: memref<3072xi32, #tpu.memory_space<vmem>>, %arg10: memref<3072xi32, #tpu.memory_space<vmem>>, %arg11: memref<256xi32, #tpu.memory_space<vmem>>, %arg12: memref<144xi32, #tpu.memory_space<vmem>>, %arg13: memref<128xi32, #tpu.memory_space<vmem>>, %arg14: memref<!tpu.dma_semaphore, #tpu.memory_space<semaphore_mem>>, %arg15: memref<!tpu.dma_semaphore, #tpu.memory_space<semaphore_mem>>, %arg16: memref<!tpu.dma_semaphore, #tpu.memory_space<semaphore_mem>>, %arg17: memref<!tpu.dma_semaphore, #tpu.memory_space<semaphore_mem>>) attributes {dimension_semantics = [#tpu.dimension_semantics<core_parallel>, #tpu.dimension_semantics<subcore_parallel>], iteration_bounds = array<i64: 2, 16>, scalar_prefetch = 0 : i64, scratch_operands = 11 : i64, tpu.core_type = #tpu.core_type<sc_vector_subcore>, window_params = [{transform_indices = #map}, {transform_indices = #map1}, {transform_indices = #map1}, {transform_indices = #map}, {transform_indices = #map1}]} {
    %mul3A = arith.constant 2 : i32
    %mul3A_0 = arith.muli %arg1, %mul3A : i32
    %add3A = arith.addi %mul3A_0, %arg0 : i32
    %mul3A_1 = arith.constant 128 : i32
    %mul3A_2 = arith.muli %add3A, %mul3A_1 : i32
    "tpu.region"() ({
      %run_scoped3A = tpu.sem_alloc : memref<!tpu.dma_semaphore, #tpu.memory_space<semaphore_mem>>
      %dma_start3A_114 = arith.constant 0 : i32
      %dma_start3A_115 = tpu.memref_slice %arg12[%dma_start3A_114] : memref<144xi32, #tpu.memory_space<vmem>> -> memref<128xi32, #tpu.memory_space<vmem>>
      %dma_start3A_116 = tpu.memref_slice %arg4[%mul3A_2] : memref<4096xi32, #tpu.memory_space<hbm>> -> memref<128xi32, #tpu.memory_space<hbm>>
      %dma_start3A_117 = arith.constant 0 : i32
      %dma_start3A_118 = tpu.memref_slice %arg12[%dma_start3A_117] : memref<144xi32, #tpu.memory_space<vmem>> -> memref<128xi32, #tpu.memory_space<vmem>>
      %dma_start3A_119 = tpu.memref_slice %arg4[%mul3A_2] : memref<4096xi32, #tpu.memory_space<hbm>> -> memref<128xi32, #tpu.memory_space<hbm>>
      tpu.enqueue_dma source(%dma_start3A_119 : memref<128xi32, #tpu.memory_space<hbm>>) target(%dma_start3A_118 : memref<128xi32, #tpu.memory_space<vmem>>) target_semaphore(%run_scoped3A : memref<!tpu.dma_semaphore, #tpu.memory_space<semaphore_mem>>)
      %dma_wait3A_120 = arith.constant 0 : i32
      %dma_wait3A_121 = tpu.memref_slice %arg12[%dma_wait3A_120] : memref<144xi32, #tpu.memory_space<vmem>> -> memref<128xi32, #tpu.memory_space<vmem>>
      %dma_wait3A_122 = tpu.memref_slice %arg4[%mul3A_2] : memref<4096xi32, #tpu.memory_space<hbm>> -> memref<128xi32, #tpu.memory_space<hbm>>
      %dma_wait3A_123 = arith.constant 0 : i32
      %dma_wait3A_124 = tpu.memref_slice %arg12[%dma_wait3A_123] : memref<144xi32, #tpu.memory_space<vmem>> -> memref<128xi32, #tpu.memory_space<vmem>>
      %dma_wait3A_125 = tpu.memref_slice %arg4[%mul3A_2] : memref<4096xi32, #tpu.memory_space<hbm>> -> memref<128xi32, #tpu.memory_space<hbm>>
      tpu.wait_dma2 semaphore(%run_scoped3A : memref<!tpu.dma_semaphore, #tpu.memory_space<semaphore_mem>>) src(%dma_wait3A_125 : memref<128xi32, #tpu.memory_space<hbm>>) dst(%dma_wait3A_124 : memref<128xi32, #tpu.memory_space<vmem>>)
      tpu.yield
    }) : () -> ()
    %mul3A_3 = arith.constant 2 : i32
    %mul3A_4 = arith.muli %mul3A_3, %mul3A_2 : i32
    "tpu.region"() ({
      %run_scoped3A = tpu.sem_alloc : memref<!tpu.dma_semaphore, #tpu.memory_space<semaphore_mem>>
      %dma_start3A_114 = tpu.memref_slice %arg3[%mul3A_4] : memref<8192xi32, #tpu.memory_space<hbm>> -> memref<256xi32, #tpu.memory_space<hbm>>
      %dma_start3A_115 = tpu.memref_slice %arg3[%mul3A_4] : memref<8192xi32, #tpu.memory_space<hbm>> -> memref<256xi32, #tpu.memory_space<hbm>>
      tpu.enqueue_dma source(%dma_start3A_115 : memref<256xi32, #tpu.memory_space<hbm>>) target(%arg11 : memref<256xi32, #tpu.memory_space<vmem>>) target_semaphore(%run_scoped3A : memref<!tpu.dma_semaphore, #tpu.memory_space<semaphore_mem>>)
      %dma_wait3A_116 = tpu.memref_slice %arg3[%mul3A_4] : memref<8192xi32, #tpu.memory_space<hbm>> -> memref<256xi32, #tpu.memory_space<hbm>>
      %dma_wait3A_117 = tpu.memref_slice %arg3[%mul3A_4] : memref<8192xi32, #tpu.memory_space<hbm>> -> memref<256xi32, #tpu.memory_space<hbm>>
      tpu.wait_dma2 semaphore(%run_scoped3A : memref<!tpu.dma_semaphore, #tpu.memory_space<semaphore_mem>>) src(%dma_wait3A_117 : memref<256xi32, #tpu.memory_space<hbm>>) dst(%arg11 : memref<256xi32, #tpu.memory_space<vmem>>)
      tpu.yield
    }) : () -> ()
    %iota3A = tpu.iota {dimensions = array<i32: 0>} : vector<16xi32>
    %mul3A_5 = arith.constant 3 : i32
    %mul3A_6 = vector.broadcast %mul3A_5 : i32 to vector<16xi32>
    %mul3A_7 = arith.muli %mul3A_6, %iota3A : vector<16xi32>
    %eq3A = arith.constant 0 : i32
    %eq3A_8 = vector.broadcast %eq3A : i32 to vector<16xi32>
    %eq3A_9 = arith.cmpi eq, %iota3A, %eq3A_8 : vector<16xi32>
    %jit3A = arith.constant 3 : i32
    %eq3A_10 = arith.constant 0 : i32
    %eq3A_11 = arith.cmpi eq, %jit3A, %eq3A_10 : i32
    %jit3A_12 = arith.constant 1 : i32
    %select_n3A = arith.select %eq3A_11, %jit3A_12, %jit3A : i32
    %rem3A = vector.broadcast %select_n3A : i32 to vector<16xi32>
    %rem3A_13 = arith.remsi %iota3A, %rem3A : vector<16xi32>
    %ne3A = arith.constant 0 : i32
    %ne3A_14 = vector.broadcast %ne3A : i32 to vector<16xi32>
    %ne3A_15 = arith.cmpi ne, %rem3A_13, %ne3A_14 : vector<16xi32>
    %lt3A = arith.constant 0 : i32
    %lt3A_16 = vector.broadcast %lt3A : i32 to vector<16xi32>
    %lt3A_17 = arith.cmpi slt, %rem3A_13, %lt3A_16 : vector<16xi32>
    %lt3A_18 = arith.constant 0 : i32
    %lt3A_19 = arith.cmpi slt, %select_n3A, %lt3A_18 : i32
    %ne3A_20 = vector.broadcast %lt3A_19 : i1 to vector<16xi1>
    %ne3A_21 = vector.broadcast %ne3A_20 : vector<16xi1> to vector<16xi1>
    %ne3A_22 = arith.xori %lt3A_17, %ne3A_21 : vector<16xi1>
    %and3A = arith.andi %ne3A_22, %ne3A_15 : vector<16xi1>
    %add3A_23 = vector.broadcast %select_n3A : i32 to vector<16xi32>
    %add3A_24 = arith.addi %rem3A_13, %add3A_23 : vector<16xi32>
    %select_n3A_25 = arith.select %and3A, %add3A_24, %rem3A_13 : vector<16xi1>, vector<16xi32>
    %eq3A_26 = arith.constant 0 : i32
    %eq3A_27 = vector.broadcast %eq3A_26 : i32 to vector<16xi32>
    %eq3A_28 = arith.cmpi eq, %select_n3A_25, %eq3A_27 : vector<16xi32>
    %add3A_29 = arith.constant 16 : i32
    %add3A_30 = vector.broadcast %add3A_29 : i32 to vector<16xi32>
    %add3A_31 = arith.addi %iota3A, %add3A_30 : vector<16xi32>
    %jit3A_32 = arith.constant 3 : i32
    %eq3A_33 = arith.constant 0 : i32
    %eq3A_34 = arith.cmpi eq, %jit3A_32, %eq3A_33 : i32
    %jit3A_35 = arith.constant 1 : i32
    %select_n3A_36 = arith.select %eq3A_34, %jit3A_35, %jit3A_32 : i32
    %rem3A_37 = vector.broadcast %select_n3A_36 : i32 to vector<16xi32>
    %rem3A_38 = arith.remsi %add3A_31, %rem3A_37 : vector<16xi32>
    %ne3A_39 = arith.constant 0 : i32
    %ne3A_40 = vector.broadcast %ne3A_39 : i32 to vector<16xi32>
    %ne3A_41 = arith.cmpi ne, %rem3A_38, %ne3A_40 : vector<16xi32>
    %lt3A_42 = arith.constant 0 : i32
    %lt3A_43 = vector.broadcast %lt3A_42 : i32 to vector<16xi32>
    %lt3A_44 = arith.cmpi slt, %rem3A_38, %lt3A_43 : vector<16xi32>
    %lt3A_45 = arith.constant 0 : i32
    %lt3A_46 = arith.cmpi slt, %select_n3A_36, %lt3A_45 : i32
    %ne3A_47 = vector.broadcast %lt3A_46 : i1 to vector<16xi1>
    %ne3A_48 = vector.broadcast %ne3A_47 : vector<16xi1> to vector<16xi1>
    %ne3A_49 = arith.xori %lt3A_44, %ne3A_48 : vector<16xi1>
    %and3A_50 = arith.andi %ne3A_49, %ne3A_41 : vector<16xi1>
    %add3A_51 = vector.broadcast %select_n3A_36 : i32 to vector<16xi32>
    %add3A_52 = arith.addi %rem3A_38, %add3A_51 : vector<16xi32>
    %select_n3A_53 = arith.select %and3A_50, %add3A_52, %rem3A_38 : vector<16xi1>, vector<16xi32>
    %eq3A_54 = arith.constant 0 : i32
    %eq3A_55 = vector.broadcast %eq3A_54 : i32 to vector<16xi32>
    %eq3A_56 = arith.cmpi eq, %select_n3A_53, %eq3A_55 : vector<16xi32>
    %add3A_57 = arith.constant 32 : i32
    %add3A_58 = vector.broadcast %add3A_57 : i32 to vector<16xi32>
    %add3A_59 = arith.addi %iota3A, %add3A_58 : vector<16xi32>
    %jit3A_60 = arith.constant 3 : i32
    %eq3A_61 = arith.constant 0 : i32
    %eq3A_62 = arith.cmpi eq, %jit3A_60, %eq3A_61 : i32
    %jit3A_63 = arith.constant 1 : i32
    %select_n3A_64 = arith.select %eq3A_62, %jit3A_63, %jit3A_60 : i32
    %rem3A_65 = vector.broadcast %select_n3A_64 : i32 to vector<16xi32>
    %rem3A_66 = arith.remsi %add3A_59, %rem3A_65 : vector<16xi32>
    %ne3A_67 = arith.constant 0 : i32
    %ne3A_68 = vector.broadcast %ne3A_67 : i32 to vector<16xi32>
    %ne3A_69 = arith.cmpi ne, %rem3A_66, %ne3A_68 : vector<16xi32>
    %lt3A_70 = arith.constant 0 : i32
    %lt3A_71 = vector.broadcast %lt3A_70 : i32 to vector<16xi32>
    %lt3A_72 = arith.cmpi slt, %rem3A_66, %lt3A_71 : vector<16xi32>
    %lt3A_73 = arith.constant 0 : i32
    %lt3A_74 = arith.cmpi slt, %select_n3A_64, %lt3A_73 : i32
    %ne3A_75 = vector.broadcast %lt3A_74 : i1 to vector<16xi1>
    %ne3A_76 = vector.broadcast %ne3A_75 : vector<16xi1> to vector<16xi1>
    %ne3A_77 = arith.xori %lt3A_72, %ne3A_76 : vector<16xi1>
    %and3A_78 = arith.andi %ne3A_77, %ne3A_69 : vector<16xi1>
    %add3A_79 = vector.broadcast %select_n3A_64 : i32 to vector<16xi32>
    %add3A_80 = arith.addi %rem3A_66, %add3A_79 : vector<16xi32>
    %select_n3A_81 = arith.select %and3A_78, %add3A_80, %rem3A_66 : vector<16xi1>, vector<16xi32>
    %eq3A_82 = arith.constant 0 : i32
    %eq3A_83 = vector.broadcast %eq3A_82 : i32 to vector<16xi32>
    %eq3A_84 = arith.cmpi eq, %select_n3A_81, %eq3A_83 : vector<16xi32>
    %add3A_85 = arith.constant 0 : i32
    %add3A_86 = arith.addi %mul3A_2, %add3A_85 : i32
    %dma_start3A = arith.constant 0 : i32
    %dma_start3A_87 = tpu.memref_slice %arg2[%add3A_86, %dma_start3A] : memref<4096x3072xi32, #tpu.memory_space<hbm>> -> memref<1x3072xi32, #tpu.memory_space<hbm>>
    %dma_start3A_88 = tpu.memref_squeeze %dma_start3A_87 : memref<1x3072xi32, #tpu.memory_space<hbm>> -> memref<3072xi32, #tpu.memory_space<hbm>>
    %dma_start3A_89 = arith.constant 0 : i32
    %dma_start3A_90 = tpu.memref_slice %arg2[%add3A_86, %dma_start3A_89] : memref<4096x3072xi32, #tpu.memory_space<hbm>> -> memref<1x3072xi32, #tpu.memory_space<hbm>>
    %dma_start3A_91 = tpu.memref_squeeze %dma_start3A_90 : memref<1x3072xi32, #tpu.memory_space<hbm>> -> memref<3072xi32, #tpu.memory_space<hbm>>
    tpu.enqueue_dma source(%dma_start3A_91 : memref<3072xi32, #tpu.memory_space<hbm>>) target(%arg7 : memref<3072xi32, #tpu.memory_space<vmem>>) target_semaphore(%arg14 : memref<!tpu.dma_semaphore, #tpu.memory_space<semaphore_mem>>)
    %scan3A = arith.constant 0 : i32
    %scan3A_92 = arith.constant 0 : i32
    %scan3A_93 = arith.constant 64 : i32
    %scan3A_94 = arith.addi %scan3A_92, %scan3A_93 : i32
    %scan3A_95 = arith.constant 1 : i32
    scf.for %scan3A_114 = %scan3A_92 to %scan3A_94 step %scan3A_95  : i32 {
      %mul3A_115 = arith.constant 2 : i32
      %mul3A_116 = arith.muli %mul3A_115, %scan3A_114 : i32
      %add3A_117 = arith.constant 1 : i32
      %add3A_118 = arith.addi %mul3A_116, %add3A_117 : i32
      %add3A_119 = arith.addi %mul3A_2, %add3A_118 : i32
      %dma_start3A_120 = arith.constant 0 : i32
      %dma_start3A_121 = tpu.memref_slice %arg2[%add3A_119, %dma_start3A_120] : memref<4096x3072xi32, #tpu.memory_space<hbm>> -> memref<1x3072xi32, #tpu.memory_space<hbm>>
      %dma_start3A_122 = tpu.memref_squeeze %dma_start3A_121 : memref<1x3072xi32, #tpu.memory_space<hbm>> -> memref<3072xi32, #tpu.memory_space<hbm>>
      %dma_start3A_123 = arith.constant 0 : i32
      %dma_start3A_124 = tpu.memref_slice %arg2[%add3A_119, %dma_start3A_123] : memref<4096x3072xi32, #tpu.memory_space<hbm>> -> memref<1x3072xi32, #tpu.memory_space<hbm>>
      %dma_start3A_125 = tpu.memref_squeeze %dma_start3A_124 : memref<1x3072xi32, #tpu.memory_space<hbm>> -> memref<3072xi32, #tpu.memory_space<hbm>>
      tpu.enqueue_dma source(%dma_start3A_125 : memref<3072xi32, #tpu.memory_space<hbm>>) target(%arg8 : memref<3072xi32, #tpu.memory_space<vmem>>) target_semaphore(%arg15 : memref<!tpu.dma_semaphore, #tpu.memory_space<semaphore_mem>>)
      %dma_wait3A_126 = arith.constant 0 : i32
      %dma_wait3A_127 = tpu.memref_slice %arg2[%mul3A_2, %dma_wait3A_126] : memref<4096x3072xi32, #tpu.memory_space<hbm>> -> memref<1x3072xi32, #tpu.memory_space<hbm>>
      %dma_wait3A_128 = tpu.memref_squeeze %dma_wait3A_127 : memref<1x3072xi32, #tpu.memory_space<hbm>> -> memref<3072xi32, #tpu.memory_space<hbm>>
      %dma_wait3A_129 = arith.constant 0 : i32
      %dma_wait3A_130 = tpu.memref_slice %arg2[%mul3A_2, %dma_wait3A_129] : memref<4096x3072xi32, #tpu.memory_space<hbm>> -> memref<1x3072xi32, #tpu.memory_space<hbm>>
      %dma_wait3A_131 = tpu.memref_squeeze %dma_wait3A_130 : memref<1x3072xi32, #tpu.memory_space<hbm>> -> memref<3072xi32, #tpu.memory_space<hbm>>
      tpu.wait_dma2 semaphore(%arg14 : memref<!tpu.dma_semaphore, #tpu.memory_space<semaphore_mem>>) src(%dma_wait3A_131 : memref<3072xi32, #tpu.memory_space<hbm>>) dst(%arg7 : memref<3072xi32, #tpu.memory_space<vmem>>)
      %gt3A = arith.constant 0 : i32
      %gt3A_132 = arith.cmpi sgt, %scan3A_114, %gt3A : i32
      %convert_element_type3A = arith.extui %gt3A_132 : i1 to i32
      %cond3A = arith.constant 0 : i32
      %cond3A_133 = arith.cmpi ne, %convert_element_type3A, %cond3A : i32
      scf.if %cond3A_133 {
        %dma_wait3A_1129 = arith.constant 0 : i32
        %dma_wait3A_1130 = tpu.memref_slice %arg5[%mul3A_2, %dma_wait3A_1129] : memref<4096x3072xi32, #tpu.memory_space<hbm>> -> memref<1x3072xi32, #tpu.memory_space<hbm>>
        %dma_wait3A_1131 = tpu.memref_squeeze %dma_wait3A_1130 : memref<1x3072xi32, #tpu.memory_space<hbm>> -> memref<3072xi32, #tpu.memory_space<hbm>>
        %dma_wait3A_1132 = arith.constant 0 : i32
        %dma_wait3A_1133 = tpu.memref_slice %arg5[%mul3A_2, %dma_wait3A_1132] : memref<4096x3072xi32, #tpu.memory_space<hbm>> -> memref<1x3072xi32, #tpu.memory_space<hbm>>
        %dma_wait3A_1134 = tpu.memref_squeeze %dma_wait3A_1133 : memref<1x3072xi32, #tpu.memory_space<hbm>> -> memref<3072xi32, #tpu.memory_space<hbm>>
        tpu.wait_dma2 semaphore(%arg16 : memref<!tpu.dma_semaphore, #tpu.memory_space<semaphore_mem>>) src(%arg9 : memref<3072xi32, #tpu.memory_space<vmem>>) dst(%dma_wait3A_1134 : memref<3072xi32, #tpu.memory_space<hbm>>)
      } else {
      }
      %broadcast_in_dim3A = vector.broadcast %mul3A_116 : i32 to vector<16xi32>
      %mul3A_134 = arith.constant 2 : i32
      %mul3A_135 = vector.broadcast %mul3A_134 : i32 to vector<16xi32>
      %mul3A_136 = arith.muli %mul3A_135, %broadcast_in_dim3A : vector<16xi32>
      %gather3A = tpu.vector_load_idx %arg11[%mul3A_136] : memref<256xi32, #tpu.memory_space<vmem>>[vector<16xi32>], vector<16xi32>,
      %mul3A_137 = arith.constant 2 : i32
      %mul3A_138 = vector.broadcast %mul3A_137 : i32 to vector<16xi32>
      %mul3A_139 = arith.muli %mul3A_138, %broadcast_in_dim3A : vector<16xi32>
      %add3A_140 = arith.constant 1 : i32
      %add3A_141 = vector.broadcast %add3A_140 : i32 to vector<16xi32>
      %add3A_142 = arith.addi %mul3A_139, %add3A_141 : vector<16xi32>
      %gather3A_143 = tpu.vector_load_idx %arg11[%add3A_142] : memref<256xi32, #tpu.memory_space<vmem>>[vector<16xi32>], vector<16xi32>,
      %gather3A_144 = tpu.vector_load_idx %arg12[%broadcast_in_dim3A] : memref<144xi32, #tpu.memory_space<vmem>>[vector<16xi32>], vector<16xi32>,
      %jit3A_145 = arith.constant 0 : i32
      %broadcast_in_dim3A_146 = vector.broadcast %jit3A_145 : i32 to vector<16xi32>
      %select_n3A_147 = arith.select %eq3A_28, %broadcast_in_dim3A_146, %gather3A : vector<16xi1>, vector<16xi32>
      %jit3A_148 = arith.constant 0 : i32
      %broadcast_in_dim3A_149 = vector.broadcast %jit3A_148 : i32 to vector<16xi32>
      %select_n3A_150 = arith.select %eq3A_56, %broadcast_in_dim3A_149, %gather3A : vector<16xi1>, vector<16xi32>
      %jit3A_151 = arith.constant 0 : i32
      %broadcast_in_dim3A_152 = vector.broadcast %jit3A_151 : i32 to vector<16xi32>
      %select_n3A_153 = arith.select %eq3A_84, %broadcast_in_dim3A_152, %gather3A : vector<16xi1>, vector<16xi32>
      %swap3A = arith.constant 0 : index
      %swap3A_154 = tpu.vector_load %arg9[%swap3A] {strides = array<i32>} : memref<3072xi32, #tpu.memory_space<vmem>>, vector<16xi32>,
      tpu.vector_store %arg9[%swap3A], %select_n3A_147 {strides = array<i32>} : memref<3072xi32, #tpu.memory_space<vmem>>, vector<16xi32>,
      %swap3A_155 = arith.constant 16 : index
      %swap3A_156 = tpu.vector_load %arg9[%swap3A_155] {strides = array<i32>} : memref<3072xi32, #tpu.memory_space<vmem>>, vector<16xi32>,
      tpu.vector_store %arg9[%swap3A_155], %select_n3A_150 {strides = array<i32>} : memref<3072xi32, #tpu.memory_space<vmem>>, vector<16xi32>,
      %swap3A_157 = arith.constant 32 : index
      %swap3A_158 = tpu.vector_load %arg9[%swap3A_157] {strides = array<i32>} : memref<3072xi32, #tpu.memory_space<vmem>>, vector<16xi32>,
      tpu.vector_store %arg9[%swap3A_157], %select_n3A_153 {strides = array<i32>} : memref<3072xi32, #tpu.memory_space<vmem>>, vector<16xi32>,
      %swap3A_159 = arith.constant 48 : index
      %swap3A_160 = tpu.vector_load %arg9[%swap3A_159] {strides = array<i32>} : memref<3072xi32, #tpu.memory_space<vmem>>, vector<16xi32>,
      tpu.vector_store %arg9[%swap3A_159], %select_n3A_147 {strides = array<i32>} : memref<3072xi32, #tpu.memory_space<vmem>>, vector<16xi32>,
      %swap3A_161 = arith.constant 64 : index
      %swap3A_162 = tpu.vector_load %arg9[%swap3A_161] {strides = array<i32>} : memref<3072xi32, #tpu.memory_space<vmem>>, vector<16xi32>,
      tpu.vector_store %arg9[%swap3A_161], %select_n3A_150 {strides = array<i32>} : memref<3072xi32, #tpu.memory_space<vmem>>, vector<16xi32>,
      %swap3A_163 = arith.constant 80 : index
      %swap3A_164 = tpu.vector_load %arg9[%swap3A_163] {strides = array<i32>} : memref<3072xi32, #tpu.memory_space<vmem>>, vector<16xi32>,
      tpu.vector_store %arg9[%swap3A_163], %select_n3A_153 {strides = array<i32>} : memref<3072xi32, #tpu.memory_space<vmem>>, vector<16xi32>,
      %swap3A_165 = arith.constant 96 : index
      %swap3A_166 = tpu.vector_load %arg9[%swap3A_165] {strides = array<i32>} : memref<3072xi32, #tpu.memory_space<vmem>>, vector<16xi32>,
      tpu.vector_store %arg9[%swap3A_165], %select_n3A_147 {strides = array<i32>} : memref<3072xi32, #tpu.memory_space<vmem>>, vector<16xi32>,
      %swap3A_167 = arith.constant 112 : index
      %swap3A_168 = tpu.vector_load %arg9[%swap3A_167] {strides = array<i32>} : memref<3072xi32, #tpu.memory_space<vmem>>, vector<16xi32>,
      tpu.vector_store %arg9[%swap3A_167], %select_n3A_150 {strides = array<i32>} : memref<3072xi32, #tpu.memory_space<vmem>>, vector<16xi32>,
      %swap3A_169 = arith.constant 128 : index
      %swap3A_170 = tpu.vector_load %arg9[%swap3A_169] {strides = array<i32>} : memref<3072xi32, #tpu.memory_space<vmem>>, vector<16xi32>,
      tpu.vector_store %arg9[%swap3A_169], %select_n3A_153 {strides = array<i32>} : memref<3072xi32, #tpu.memory_space<vmem>>, vector<16xi32>,
      %swap3A_171 = arith.constant 144 : index
      %swap3A_172 = tpu.vector_load %arg9[%swap3A_171] {strides = array<i32>} : memref<3072xi32, #tpu.memory_space<vmem>>, vector<16xi32>,
      tpu.vector_store %arg9[%swap3A_171], %select_n3A_147 {strides = array<i32>} : memref<3072xi32, #tpu.memory_space<vmem>>, vector<16xi32>,
      %swap3A_173 = arith.constant 160 : index
      %swap3A_174 = tpu.vector_load %arg9[%swap3A_173] {strides = array<i32>} : memref<3072xi32, #tpu.memory_space<vmem>>, vector<16xi32>,
      tpu.vector_store %arg9[%swap3A_173], %select_n3A_150 {strides = array<i32>} : memref<3072xi32, #tpu.memory_space<vmem>>, vector<16xi32>,
      %swap3A_175 = arith.constant 176 : index
      %swap3A_176 = tpu.vector_load %arg9[%swap3A_175] {strides = array<i32>} : memref<3072xi32, #tpu.memory_space<vmem>>, vector<16xi32>,
      tpu.vector_store %arg9[%swap3A_175], %select_n3A_153 {strides = array<i32>} : memref<3072xi32, #tpu.memory_space<vmem>>, vector<16xi32>,
      %swap3A_177 = arith.constant 192 : index
      %swap3A_178 = tpu.vector_load %arg9[%swap3A_177] {strides = array<i32>} : memref<3072xi32, #tpu.memory_space<vmem>>, vector<16xi32>,
      tpu.vector_store %arg9[%swap3A_177], %select_n3A_147 {strides = array<i32>} : memref<3072xi32, #tpu.memory_space<vmem>>, vector<16xi32>,
      %swap3A_179 = arith.constant 208 : index
      %swap3A_180 = tpu.vector_load %arg9[%swap3A_179] {strides = array<i32>} : memref<3072xi32, #tpu.memory_space<vmem>>, vector<16xi32>,
      tpu.vector_store %arg9[%swap3A_179], %select_n3A_150 {strides = array<i32>} : memref<3072xi32, #tpu.memory_space<vmem>>, vector<16xi32>,
      %swap3A_181 = arith.constant 224 : index
      %swap3A_182 = tpu.vector_load %arg9[%swap3A_181] {strides = array<i32>} : memref<3072xi32, #tpu.memory_space<vmem>>, vector<16xi32>,
      tpu.vector_store %arg9[%swap3A_181], %select_n3A_153 {strides = array<i32>} : memref<3072xi32, #tpu.memory_space<vmem>>, vector<16xi32>,
      %swap3A_183 = arith.constant 240 : index
      %swap3A_184 = tpu.vector_load %arg9[%swap3A_183] {strides = array<i32>} : memref<3072xi32, #tpu.memory_space<vmem>>, vector<16xi32>,
      tpu.vector_store %arg9[%swap3A_183], %select_n3A_147 {strides = array<i32>} : memref<3072xi32, #tpu.memory_space<vmem>>, vector<16xi32>,
      %swap3A_185 = arith.constant 256 : index
      %swap3A_186 = tpu.vector_load %arg9[%swap3A_185] {strides = array<i32>} : memref<3072xi32, #tpu.memory_space<vmem>>, vector<16xi32>,
      tpu.vector_store %arg9[%swap3A_185], %select_n3A_150 {strides = array<i32>} : memref<3072xi32, #tpu.memory_space<vmem>>, vector<16xi32>,
      %swap3A_187 = arith.constant 272 : index
      %swap3A_188 = tpu.vector_load %arg9[%swap3A_187] {strides = array<i32>} : memref<3072xi32, #tpu.memory_space<vmem>>, vector<16xi32>,
      tpu.vector_store %arg9[%swap3A_187], %select_n3A_153 {strides = array<i32>} : memref<3072xi32, #tpu.memory_space<vmem>>, vector<16xi32>,
      %swap3A_189 = arith.constant 288 : index
      %swap3A_190 = tpu.vector_load %arg9[%swap3A_189] {strides = array<i32>} : memref<3072xi32, #tpu.memory_space<vmem>>, vector<16xi32>,
      tpu.vector_store %arg9[%swap3A_189], %select_n3A_147 {strides = array<i32>} : memref<3072xi32, #tpu.memory_space<vmem>>, vector<16xi32>,
      %swap3A_191 = arith.constant 304 : index
      %swap3A_192 = tpu.vector_load %arg9[%swap3A_191] {strides = array<i32>} : memref<3072xi32, #tpu.memory_space<vmem>>, vector<16xi32>,
      tpu.vector_store %arg9[%swap3A_191], %select_n3A_150 {strides = array<i32>} : memref<3072xi32, #tpu.memory_space<vmem>>, vector<16xi32>,
      %swap3A_193 = arith.constant 320 : index
      %swap3A_194 = tpu.vector_load %arg9[%swap3A_193] {strides = array<i32>} : memref<3072xi32, #tpu.memory_space<vmem>>, vector<16xi32>,
      tpu.vector_store %arg9[%swap3A_193], %select_n3A_153 {strides = array<i32>} : memref<3072xi32, #tpu.memory_space<vmem>>, vector<16xi32>,
      %swap3A_195 = arith.constant 336 : index
      %swap3A_196 = tpu.vector_load %arg9[%swap3A_195] {strides = array<i32>} : memref<3072xi32, #tpu.memory_space<vmem>>, vector<16xi32>,
      tpu.vector_store %arg9[%swap3A_195], %select_n3A_147 {strides = array<i32>} : memref<3072xi32, #tpu.memory_space<vmem>>, vector<16xi32>,
      %swap3A_197 = arith.constant 352 : index
      %swap3A_198 = tpu.vector_load %arg9[%swap3A_197] {strides = array<i32>} : memref<3072xi32, #tpu.memory_space<vmem>>, vector<16xi32>,
      tpu.vector_store %arg9[%swap3A_197], %select_n3A_150 {strides = array<i32>} : memref<3072xi32, #tpu.memory_space<vmem>>, vector<16xi32>,
      %swap3A_199 = arith.constant 368 : index
      %swap3A_200 = tpu.vector_load %arg9[%swap3A_199] {strides = array<i32>} : memref<3072xi32, #tpu.memory_space<vmem>>, vector<16xi32>,
      tpu.vector_store %arg9[%swap3A_199], %select_n3A_153 {strides = array<i32>} : memref<3072xi32, #tpu.memory_space<vmem>>, vector<16xi32>,
      %swap3A_201 = arith.constant 384 : index
      %swap3A_202 = tpu.vector_load %arg9[%swap3A_201] {strides = array<i32>} : memref<3072xi32, #tpu.memory_space<vmem>>, vector<16xi32>,
      tpu.vector_store %arg9[%swap3A_201], %select_n3A_147 {strides = array<i32>} : memref<3072xi32, #tpu.memory_space<vmem>>, vector<16xi32>,
      %swap3A_203 = arith.constant 400 : index
      %swap3A_204 = tpu.vector_load %arg9[%swap3A_203] {strides = array<i32>} : memref<3072xi32, #tpu.memory_space<vmem>>, vector<16xi32>,
      tpu.vector_store %arg9[%swap3A_203], %select_n3A_150 {strides = array<i32>} : memref<3072xi32, #tpu.memory_space<vmem>>, vector<16xi32>,
      %swap3A_205 = arith.constant 416 : index
      %swap3A_206 = tpu.vector_load %arg9[%swap3A_205] {strides = array<i32>} : memref<3072xi32, #tpu.memory_space<vmem>>, vector<16xi32>,
      tpu.vector_store %arg9[%swap3A_205], %select_n3A_153 {strides = array<i32>} : memref<3072xi32, #tpu.memory_space<vmem>>, vector<16xi32>,
      %swap3A_207 = arith.constant 432 : index
      %swap3A_208 = tpu.vector_load %arg9[%swap3A_207] {strides = array<i32>} : memref<3072xi32, #tpu.memory_space<vmem>>, vector<16xi32>,
      tpu.vector_store %arg9[%swap3A_207], %select_n3A_147 {strides = array<i32>} : memref<3072xi32, #tpu.memory_space<vmem>>, vector<16xi32>,
      %swap3A_209 = arith.constant 448 : index
      %swap3A_210 = tpu.vector_load %arg9[%swap3A_209] {strides = array<i32>} : memref<3072xi32, #tpu.memory_space<vmem>>, vector<16xi32>,
      tpu.vector_store %arg9[%swap3A_209], %select_n3A_150 {strides = array<i32>} : memref<3072xi32, #tpu.memory_space<vmem>>, vector<16xi32>,
      %swap3A_211 = arith.constant 464 : index
      %swap3A_212 = tpu.vector_load %arg9[%swap3A_211] {strides = array<i32>} : memref<3072xi32, #tpu.memory_space<vmem>>, vector<16xi32>,
      tpu.vector_store %arg9[%swap3A_211], %select_n3A_153 {strides = array<i32>} : memref<3072xi32, #tpu.memory_space<vmem>>, vector<16xi32>,
      %swap3A_213 = arith.constant 480 : index
      %swap3A_214 = tpu.vector_load %arg9[%swap3A_213] {strides = array<i32>} : memref<3072xi32, #tpu.memory_space<vmem>>, vector<16xi32>,
      tpu.vector_store %arg9[%swap3A_213], %select_n3A_147 {strides = array<i32>} : memref<3072xi32, #tpu.memory_space<vmem>>, vector<16xi32>,
      %swap3A_215 = arith.constant 496 : index
      %swap3A_216 = tpu.vector_load %arg9[%swap3A_215] {strides = array<i32>} : memref<3072xi32, #tpu.memory_space<vmem>>, vector<16xi32>,
      tpu.vector_store %arg9[%swap3A_215], %select_n3A_150 {strides = array<i32>} : memref<3072xi32, #tpu.memory_space<vmem>>, vector<16xi32>,
      %swap3A_217 = arith.constant 512 : index
      %swap3A_218 = tpu.vector_load %arg9[%swap3A_217] {strides = array<i32>} : memref<3072xi32, #tpu.memory_space<vmem>>, vector<16xi32>,
      tpu.vector_store %arg9[%swap3A_217], %select_n3A_153 {strides = array<i32>} : memref<3072xi32, #tpu.memory_space<vmem>>, vector<16xi32>,
      %swap3A_219 = arith.constant 528 : index
      %swap3A_220 = tpu.vector_load %arg9[%swap3A_219] {strides = array<i32>} : memref<3072xi32, #tpu.memory_space<vmem>>, vector<16xi32>,
      tpu.vector_store %arg9[%swap3A_219], %select_n3A_147 {strides = array<i32>} : memref<3072xi32, #tpu.memory_space<vmem>>, vector<16xi32>,
      %swap3A_221 = arith.constant 544 : index
      %swap3A_222 = tpu.vector_load %arg9[%swap3A_221] {strides = array<i32>} : memref<3072xi32, #tpu.memory_space<vmem>>, vector<16xi32>,
      tpu.vector_store %arg9[%swap3A_221], %select_n3A_150 {strides = array<i32>} : memref<3072xi32, #tpu.memory_space<vmem>>, vector<16xi32>,
      %swap3A_223 = arith.constant 560 : index
      %swap3A_224 = tpu.vector_load %arg9[%swap3A_223] {strides = array<i32>} : memref<3072xi32, #tpu.memory_space<vmem>>, vector<16xi32>,
      tpu.vector_store %arg9[%swap3A_223], %select_n3A_153 {strides = array<i32>} : memref<3072xi32, #tpu.memory_space<vmem>>, vector<16xi32>,
      %swap3A_225 = arith.constant 576 : index
      %swap3A_226 = tpu.vector_load %arg9[%swap3A_225] {strides = array<i32>} : memref<3072xi32, #tpu.memory_space<vmem>>, vector<16xi32>,
      tpu.vector_store %arg9[%swap3A_225], %select_n3A_147 {strides = array<i32>} : memref<3072xi32, #tpu.memory_space<vmem>>, vector<16xi32>,
      %swap3A_227 = arith.constant 592 : index
      %swap3A_228 = tpu.vector_load %arg9[%swap3A_227] {strides = array<i32>} : memref<3072xi32, #tpu.memory_space<vmem>>, vector<16xi32>,
      tpu.vector_store %arg9[%swap3A_227], %select_n3A_150 {strides = array<i32>} : memref<3072xi32, #tpu.memory_space<vmem>>, vector<16xi32>,
      %swap3A_229 = arith.constant 608 : index
      %swap3A_230 = tpu.vector_load %arg9[%swap3A_229] {strides = array<i32>} : memref<3072xi32, #tpu.memory_space<vmem>>, vector<16xi32>,
      tpu.vector_store %arg9[%swap3A_229], %select_n3A_153 {strides = array<i32>} : memref<3072xi32, #tpu.memory_space<vmem>>, vector<16xi32>,
      %swap3A_231 = arith.constant 624 : index
      %swap3A_232 = tpu.vector_load %arg9[%swap3A_231] {strides = array<i32>} : memref<3072xi32, #tpu.memory_space<vmem>>, vector<16xi32>,
      tpu.vector_store %arg9[%swap3A_231], %select_n3A_147 {strides = array<i32>} : memref<3072xi32, #tpu.memory_space<vmem>>, vector<16xi32>,
      %swap3A_233 = arith.constant 640 : index
      %swap3A_234 = tpu.vector_load %arg9[%swap3A_233] {strides = array<i32>} : memref<3072xi32, #tpu.memory_space<vmem>>, vector<16xi32>,
      tpu.vector_store %arg9[%swap3A_233], %select_n3A_150 {strides = array<i32>} : memref<3072xi32, #tpu.memory_space<vmem>>, vector<16xi32>,
      %swap3A_235 = arith.constant 656 : index
      %swap3A_236 = tpu.vector_load %arg9[%swap3A_235] {strides = array<i32>} : memref<3072xi32, #tpu.memory_space<vmem>>, vector<16xi32>,
      tpu.vector_store %arg9[%swap3A_235], %select_n3A_153 {strides = array<i32>} : memref<3072xi32, #tpu.memory_space<vmem>>, vector<16xi32>,
      %swap3A_237 = arith.constant 672 : index
      %swap3A_238 = tpu.vector_load %arg9[%swap3A_237] {strides = array<i32>} : memref<3072xi32, #tpu.memory_space<vmem>>, vector<16xi32>,
      tpu.vector_store %arg9[%swap3A_237], %select_n3A_147 {strides = array<i32>} : memref<3072xi32, #tpu.memory_space<vmem>>, vector<16xi32>,
      %swap3A_239 = arith.constant 688 : index
      %swap3A_240 = tpu.vector_load %arg9[%swap3A_239] {strides = array<i32>} : memref<3072xi32, #tpu.memory_space<vmem>>, vector<16xi32>,
      tpu.vector_store %arg9[%swap3A_239], %select_n3A_150 {strides = array<i32>} : memref<3072xi32, #tpu.memory_space<vmem>>, vector<16xi32>,
      %swap3A_241 = arith.constant 704 : index
      %swap3A_242 = tpu.vector_load %arg9[%swap3A_241] {strides = array<i32>} : memref<3072xi32, #tpu.memory_space<vmem>>, vector<16xi32>,
      tpu.vector_store %arg9[%swap3A_241], %select_n3A_153 {strides = array<i32>} : memref<3072xi32, #tpu.memory_space<vmem>>, vector<16xi32>,
      %swap3A_243 = arith.constant 720 : index
      %swap3A_244 = tpu.vector_load %arg9[%swap3A_243] {strides = array<i32>} : memref<3072xi32, #tpu.memory_space<vmem>>, vector<16xi32>,
      tpu.vector_store %arg9[%swap3A_243], %select_n3A_147 {strides = array<i32>} : memref<3072xi32, #tpu.memory_space<vmem>>, vector<16xi32>,
      %swap3A_245 = arith.constant 736 : index
      %swap3A_246 = tpu.vector_load %arg9[%swap3A_245] {strides = array<i32>} : memref<3072xi32, #tpu.memory_space<vmem>>, vector<16xi32>,
      tpu.vector_store %arg9[%swap3A_245], %select_n3A_150 {strides = array<i32>} : memref<3072xi32, #tpu.memory_space<vmem>>, vector<16xi32>,
      %swap3A_247 = arith.constant 752 : index
      %swap3A_248 = tpu.vector_load %arg9[%swap3A_247] {strides = array<i32>} : memref<3072xi32, #tpu.memory_space<vmem>>, vector<16xi32>,
      tpu.vector_store %arg9[%swap3A_247], %select_n3A_153 {strides = array<i32>} : memref<3072xi32, #tpu.memory_space<vmem>>, vector<16xi32>,
      %swap3A_249 = arith.constant 768 : index
      %swap3A_250 = tpu.vector_load %arg9[%swap3A_249] {strides = array<i32>} : memref<3072xi32, #tpu.memory_space<vmem>>, vector<16xi32>,
      tpu.vector_store %arg9[%swap3A_249], %select_n3A_147 {strides = array<i32>} : memref<3072xi32, #tpu.memory_space<vmem>>, vector<16xi32>,
      %swap3A_251 = arith.constant 784 : index
      %swap3A_252 = tpu.vector_load %arg9[%swap3A_251] {strides = array<i32>} : memref<3072xi32, #tpu.memory_space<vmem>>, vector<16xi32>,
      tpu.vector_store %arg9[%swap3A_251], %select_n3A_150 {strides = array<i32>} : memref<3072xi32, #tpu.memory_space<vmem>>, vector<16xi32>,
      %swap3A_253 = arith.constant 800 : index
      %swap3A_254 = tpu.vector_load %arg9[%swap3A_253] {strides = array<i32>} : memref<3072xi32, #tpu.memory_space<vmem>>, vector<16xi32>,
      tpu.vector_store %arg9[%swap3A_253], %select_n3A_153 {strides = array<i32>} : memref<3072xi32, #tpu.memory_space<vmem>>, vector<16xi32>,
      %swap3A_255 = arith.constant 816 : index
      %swap3A_256 = tpu.vector_load %arg9[%swap3A_255] {strides = array<i32>} : memref<3072xi32, #tpu.memory_space<vmem>>, vector<16xi32>,
      tpu.vector_store %arg9[%swap3A_255], %select_n3A_147 {strides = array<i32>} : memref<3072xi32, #tpu.memory_space<vmem>>, vector<16xi32>,
      %swap3A_257 = arith.constant 832 : index
      %swap3A_258 = tpu.vector_load %arg9[%swap3A_257] {strides = array<i32>} : memref<3072xi32, #tpu.memory_space<vmem>>, vector<16xi32>,
      tpu.vector_store %arg9[%swap3A_257], %select_n3A_150 {strides = array<i32>} : memref<3072xi32, #tpu.memory_space<vmem>>, vector<16xi32>,
      %swap3A_259 = arith.constant 848 : index
      %swap3A_260 = tpu.vector_load %arg9[%swap3A_259] {strides = array<i32>} : memref<3072xi32, #tpu.memory_space<vmem>>, vector<16xi32>,
      tpu.vector_store %arg9[%swap3A_259], %select_n3A_153 {strides = array<i32>} : memref<3072xi32, #tpu.memory_space<vmem>>, vector<16xi32>,
      %swap3A_261 = arith.constant 864 : index
      %swap3A_262 = tpu.vector_load %arg9[%swap3A_261] {strides = array<i32>} : memref<3072xi32, #tpu.memory_space<vmem>>, vector<16xi32>,
      tpu.vector_store %arg9[%swap3A_261], %select_n3A_147 {strides = array<i32>} : memref<3072xi32, #tpu.memory_space<vmem>>, vector<16xi32>,
      %swap3A_263 = arith.constant 880 : index
      %swap3A_264 = tpu.vector_load %arg9[%swap3A_263] {strides = array<i32>} : memref<3072xi32, #tpu.memory_space<vmem>>, vector<16xi32>,
      tpu.vector_store %arg9[%swap3A_263], %select_n3A_150 {strides = array<i32>} : memref<3072xi32, #tpu.memory_space<vmem>>, vector<16xi32>,
      %swap3A_265 = arith.constant 896 : index
      %swap3A_266 = tpu.vector_load %arg9[%swap3A_265] {strides = array<i32>} : memref<3072xi32, #tpu.memory_space<vmem>>, vector<16xi32>,
      tpu.vector_store %arg9[%swap3A_265], %select_n3A_153 {strides = array<i32>} : memref<3072xi32, #tpu.memory_space<vmem>>, vector<16xi32>,
      %swap3A_267 = arith.constant 912 : index
      %swap3A_268 = tpu.vector_load %arg9[%swap3A_267] {strides = array<i32>} : memref<3072xi32, #tpu.memory_space<vmem>>, vector<16xi32>,
      tpu.vector_store %arg9[%swap3A_267], %select_n3A_147 {strides = array<i32>} : memref<3072xi32, #tpu.memory_space<vmem>>, vector<16xi32>,
      %swap3A_269 = arith.constant 928 : index
      %swap3A_270 = tpu.vector_load %arg9[%swap3A_269] {strides = array<i32>} : memref<3072xi32, #tpu.memory_space<vmem>>, vector<16xi32>,
      tpu.vector_store %arg9[%swap3A_269], %select_n3A_150 {strides = array<i32>} : memref<3072xi32, #tpu.memory_space<vmem>>, vector<16xi32>,
      %swap3A_271 = arith.constant 944 : index
      %swap3A_272 = tpu.vector_load %arg9[%swap3A_271] {strides = array<i32>} : memref<3072xi32, #tpu.memory_space<vmem>>, vector<16xi32>,
      tpu.vector_store %arg9[%swap3A_271], %select_n3A_153 {strides = array<i32>} : memref<3072xi32, #tpu.memory_space<vmem>>, vector<16xi32>,
      %swap3A_273 = arith.constant 960 : index
      %swap3A_274 = tpu.vector_load %arg9[%swap3A_273] {strides = array<i32>} : memref<3072xi32, #tpu.memory_space<vmem>>, vector<16xi32>,
      tpu.vector_store %arg9[%swap3A_273], %select_n3A_147 {strides = array<i32>} : memref<3072xi32, #tpu.memory_space<vmem>>, vector<16xi32>,
      %swap3A_275 = arith.constant 976 : index
      %swap3A_276 = tpu.vector_load %arg9[%swap3A_275] {strides = array<i32>} : memref<3072xi32, #tpu.memory_space<vmem>>, vector<16xi32>,
      tpu.vector_store %arg9[%swap3A_275], %select_n3A_150 {strides = array<i32>} : memref<3072xi32, #tpu.memory_space<vmem>>, vector<16xi32>,
      %swap3A_277 = arith.constant 992 : index
      %swap3A_278 = tpu.vector_load %arg9[%swap3A_277] {strides = array<i32>} : memref<3072xi32, #tpu.memory_space<vmem>>, vector<16xi32>,
      tpu.vector_store %arg9[%swap3A_277], %select_n3A_153 {strides = array<i32>} : memref<3072xi32, #tpu.memory_space<vmem>>, vector<16xi32>,
      %swap3A_279 = arith.constant 1008 : index
      %swap3A_280 = tpu.vector_load %arg9[%swap3A_279] {strides = array<i32>} : memref<3072xi32, #tpu.memory_space<vmem>>, vector<16xi32>,
      tpu.vector_store %arg9[%swap3A_279], %select_n3A_147 {strides = array<i32>} : memref<3072xi32, #tpu.memory_space<vmem>>, vector<16xi32>,
      %swap3A_281 = arith.constant 1024 : index
      %swap3A_282 = tpu.vector_load %arg9[%swap3A_281] {strides = array<i32>} : memref<3072xi32, #tpu.memory_space<vmem>>, vector<16xi32>,
      tpu.vector_store %arg9[%swap3A_281], %select_n3A_150 {strides = array<i32>} : memref<3072xi32, #tpu.memory_space<vmem>>, vector<16xi32>,
      %swap3A_283 = arith.constant 1040 : index
      %swap3A_284 = tpu.vector_load %arg9[%swap3A_283] {strides = array<i32>} : memref<3072xi32, #tpu.memory_space<vmem>>, vector<16xi32>,
      tpu.vector_store %arg9[%swap3A_283], %select_n3A_153 {strides = array<i32>} : memref<3072xi32, #tpu.memory_space<vmem>>, vector<16xi32>,
      %swap3A_285 = arith.constant 1056 : index
      %swap3A_286 = tpu.vector_load %arg9[%swap3A_285] {strides = array<i32>} : memref<3072xi32, #tpu.memory_space<vmem>>, vector<16xi32>,
      tpu.vector_store %arg9[%swap3A_285], %select_n3A_147 {strides = array<i32>} : memref<3072xi32, #tpu.memory_space<vmem>>, vector<16xi32>,
      %swap3A_287 = arith.constant 1072 : index
      %swap3A_288 = tpu.vector_load %arg9[%swap3A_287] {strides = array<i32>} : memref<3072xi32, #tpu.memory_space<vmem>>, vector<16xi32>,
      tpu.vector_store %arg9[%swap3A_287], %select_n3A_150 {strides = array<i32>} : memref<3072xi32, #tpu.memory_space<vmem>>, vector<16xi32>,
      %swap3A_289 = arith.constant 1088 : index
      %swap3A_290 = tpu.vector_load %arg9[%swap3A_289] {strides = array<i32>} : memref<3072xi32, #tpu.memory_space<vmem>>, vector<16xi32>,
      tpu.vector_store %arg9[%swap3A_289], %select_n3A_153 {strides = array<i32>} : memref<3072xi32, #tpu.memory_space<vmem>>, vector<16xi32>,
      %swap3A_291 = arith.constant 1104 : index
      %swap3A_292 = tpu.vector_load %arg9[%swap3A_291] {strides = array<i32>} : memref<3072xi32, #tpu.memory_space<vmem>>, vector<16xi32>,
      tpu.vector_store %arg9[%swap3A_291], %select_n3A_147 {strides = array<i32>} : memref<3072xi32, #tpu.memory_space<vmem>>, vector<16xi32>,
      %swap3A_293 = arith.constant 1120 : index
      %swap3A_294 = tpu.vector_load %arg9[%swap3A_293] {strides = array<i32>} : memref<3072xi32, #tpu.memory_space<vmem>>, vector<16xi32>,
      tpu.vector_store %arg9[%swap3A_293], %select_n3A_150 {strides = array<i32>} : memref<3072xi32, #tpu.memory_space<vmem>>, vector<16xi32>,
      %swap3A_295 = arith.constant 1136 : index
      %swap3A_296 = tpu.vector_load %arg9[%swap3A_295] {strides = array<i32>} : memref<3072xi32, #tpu.memory_space<vmem>>, vector<16xi32>,
      tpu.vector_store %arg9[%swap3A_295], %select_n3A_153 {strides = array<i32>} : memref<3072xi32, #tpu.memory_space<vmem>>, vector<16xi32>,
      %swap3A_297 = arith.constant 1152 : index
      %swap3A_298 = tpu.vector_load %arg9[%swap3A_297] {strides = array<i32>} : memref<3072xi32, #tpu.memory_space<vmem>>, vector<16xi32>,
      tpu.vector_store %arg9[%swap3A_297], %select_n3A_147 {strides = array<i32>} : memref<3072xi32, #tpu.memory_space<vmem>>, vector<16xi32>,
      %swap3A_299 = arith.constant 1168 : index
      %swap3A_300 = tpu.vector_load %arg9[%swap3A_299] {strides = array<i32>} : memref<3072xi32, #tpu.memory_space<vmem>>, vector<16xi32>,
      tpu.vector_store %arg9[%swap3A_299], %select_n3A_150 {strides = array<i32>} : memref<3072xi32, #tpu.memory_space<vmem>>, vector<16xi32>,
      %swap3A_301 = arith.constant 1184 : index
      %swap3A_302 = tpu.vector_load %arg9[%swap3A_301] {strides = array<i32>} : memref<3072xi32, #tpu.memory_space<vmem>>, vector<16xi32>,
      tpu.vector_store %arg9[%swap3A_301], %select_n3A_153 {strides = array<i32>} : memref<3072xi32, #tpu.memory_space<vmem>>, vector<16xi32>,
      %swap3A_303 = arith.constant 1200 : index
      %swap3A_304 = tpu.vector_load %arg9[%swap3A_303] {strides = array<i32>} : memref<3072xi32, #tpu.memory_space<vmem>>, vector<16xi32>,
      tpu.vector_store %arg9[%swap3A_303], %select_n3A_147 {strides = array<i32>} : memref<3072xi32, #tpu.memory_space<vmem>>, vector<16xi32>,
      %swap3A_305 = arith.constant 1216 : index
      %swap3A_306 = tpu.vector_load %arg9[%swap3A_305] {strides = array<i32>} : memref<3072xi32, #tpu.memory_space<vmem>>, vector<16xi32>,
      tpu.vector_store %arg9[%swap3A_305], %select_n3A_150 {strides = array<i32>} : memref<3072xi32, #tpu.memory_space<vmem>>, vector<16xi32>,
      %swap3A_307 = arith.constant 1232 : index
      %swap3A_308 = tpu.vector_load %arg9[%swap3A_307] {strides = array<i32>} : memref<3072xi32, #tpu.memory_space<vmem>>, vector<16xi32>,
      tpu.vector_store %arg9[%swap3A_307], %select_n3A_153 {strides = array<i32>} : memref<3072xi32, #tpu.memory_space<vmem>>, vector<16xi32>,
      %swap3A_309 = arith.constant 1248 : index
      %swap3A_310 = tpu.vector_load %arg9[%swap3A_309] {strides = array<i32>} : memref<3072xi32, #tpu.memory_space<vmem>>, vector<16xi32>,
      tpu.vector_store %arg9[%swap3A_309], %select_n3A_147 {strides = array<i32>} : memref<3072xi32, #tpu.memory_space<vmem>>, vector<16xi32>,
      %swap3A_311 = arith.constant 1264 : index
      %swap3A_312 = tpu.vector_load %arg9[%swap3A_311] {strides = array<i32>} : memref<3072xi32, #tpu.memory_space<vmem>>, vector<16xi32>,
      tpu.vector_store %arg9[%swap3A_311], %select_n3A_150 {strides = array<i32>} : memref<3072xi32, #tpu.memory_space<vmem>>, vector<16xi32>,
      %swap3A_313 = arith.constant 1280 : index
      %swap3A_314 = tpu.vector_load %arg9[%swap3A_313] {strides = array<i32>} : memref<3072xi32, #tpu.memory_space<vmem>>, vector<16xi32>,
      tpu.vector_store %arg9[%swap3A_313], %select_n3A_153 {strides = array<i32>} : memref<3072xi32, #tpu.memory_space<vmem>>, vector<16xi32>,
      %swap3A_315 = arith.constant 1296 : index
      %swap3A_316 = tpu.vector_load %arg9[%swap3A_315] {strides = array<i32>} : memref<3072xi32, #tpu.memory_space<vmem>>, vector<16xi32>,
      tpu.vector_store %arg9[%swap3A_315], %select_n3A_147 {strides = array<i32>} : memref<3072xi32, #tpu.memory_space<vmem>>, vector<16xi32>,
      %swap3A_317 = arith.constant 1312 : index
      %swap3A_318 = tpu.vector_load %arg9[%swap3A_317] {strides = array<i32>} : memref<3072xi32, #tpu.memory_space<vmem>>, vector<16xi32>,
      tpu.vector_store %arg9[%swap3A_317], %select_n3A_150 {strides = array<i32>} : memref<3072xi32, #tpu.memory_space<vmem>>, vector<16xi32>,
      %swap3A_319 = arith.constant 1328 : index
      %swap3A_320 = tpu.vector_load %arg9[%swap3A_319] {strides = array<i32>} : memref<3072xi32, #tpu.memory_space<vmem>>, vector<16xi32>,
      tpu.vector_store %arg9[%swap3A_319], %select_n3A_153 {strides = array<i32>} : memref<3072xi32, #tpu.memory_space<vmem>>, vector<16xi32>,
      %swap3A_321 = arith.constant 1344 : index
      %swap3A_322 = tpu.vector_load %arg9[%swap3A_321] {strides = array<i32>} : memref<3072xi32, #tpu.memory_space<vmem>>, vector<16xi32>,
      tpu.vector_store %arg9[%swap3A_321], %select_n3A_147 {strides = array<i32>} : memref<3072xi32, #tpu.memory_space<vmem>>, vector<16xi32>,
      %swap3A_323 = arith.constant 1360 : index
      %swap3A_324 = tpu.vector_load %arg9[%swap3A_323] {strides = array<i32>} : memref<3072xi32, #tpu.memory_space<vmem>>, vector<16xi32>,
      tpu.vector_store %arg9[%swap3A_323], %select_n3A_150 {strides = array<i32>} : memref<3072xi32, #tpu.memory_space<vmem>>, vector<16xi32>,
      %swap3A_325 = arith.constant 1376 : index
      %swap3A_326 = tpu.vector_load %arg9[%swap3A_325] {strides = array<i32>} : memref<3072xi32, #tpu.memory_space<vmem>>, vector<16xi32>,
      tpu.vector_store %arg9[%swap3A_325], %select_n3A_153 {strides = array<i32>} : memref<3072xi32, #tpu.memory_space<vmem>>, vector<16xi32>,
      %swap3A_327 = arith.constant 1392 : index
      %swap3A_328 = tpu.vector_load %arg9[%swap3A_327] {strides = array<i32>} : memref<3072xi32, #tpu.memory_space<vmem>>, vector<16xi32>,
      tpu.vector_store %arg9[%swap3A_327], %select_n3A_147 {strides = array<i32>} : memref<3072xi32, #tpu.memory_space<vmem>>, vector<16xi32>,
      %swap3A_329 = arith.constant 1408 : index
      %swap3A_330 = tpu.vector_load %arg9[%swap3A_329] {strides = array<i32>} : memref<3072xi32, #tpu.memory_space<vmem>>, vector<16xi32>,
      tpu.vector_store %arg9[%swap3A_329], %select_n3A_150 {strides = array<i32>} : memref<3072xi32, #tpu.memory_space<vmem>>, vector<16xi32>,
      %swap3A_331 = arith.constant 1424 : index
      %swap3A_332 = tpu.vector_load %arg9[%swap3A_331] {strides = array<i32>} : memref<3072xi32, #tpu.memory_space<vmem>>, vector<16xi32>,
      tpu.vector_store %arg9[%swap3A_331], %select_n3A_153 {strides = array<i32>} : memref<3072xi32, #tpu.memory_space<vmem>>, vector<16xi32>,
      %swap3A_333 = arith.constant 1440 : index
      %swap3A_334 = tpu.vector_load %arg9[%swap3A_333] {strides = array<i32>} : memref<3072xi32, #tpu.memory_space<vmem>>, vector<16xi32>,
      tpu.vector_store %arg9[%swap3A_333], %select_n3A_147 {strides = array<i32>} : memref<3072xi32, #tpu.memory_space<vmem>>, vector<16xi32>,
      %swap3A_335 = arith.constant 1456 : index
      %swap3A_336 = tpu.vector_load %arg9[%swap3A_335] {strides = array<i32>} : memref<3072xi32, #tpu.memory_space<vmem>>, vector<16xi32>,
      tpu.vector_store %arg9[%swap3A_335], %select_n3A_150 {strides = array<i32>} : memref<3072xi32, #tpu.memory_space<vmem>>, vector<16xi32>,
      %swap3A_337 = arith.constant 1472 : index
      %swap3A_338 = tpu.vector_load %arg9[%swap3A_337] {strides = array<i32>} : memref<3072xi32, #tpu.memory_space<vmem>>, vector<16xi32>,
      tpu.vector_store %arg9[%swap3A_337], %select_n3A_153 {strides = array<i32>} : memref<3072xi32, #tpu.memory_space<vmem>>, vector<16xi32>,
      %swap3A_339 = arith.constant 1488 : index
      %swap3A_340 = tpu.vector_load %arg9[%swap3A_339] {strides = array<i32>} : memref<3072xi32, #tpu.memory_space<vmem>>, vector<16xi32>,
      tpu.vector_store %arg9[%swap3A_339], %select_n3A_147 {strides = array<i32>} : memref<3072xi32, #tpu.memory_space<vmem>>, vector<16xi32>,
      %swap3A_341 = arith.constant 1504 : index
      %swap3A_342 = tpu.vector_load %arg9[%swap3A_341] {strides = array<i32>} : memref<3072xi32, #tpu.memory_space<vmem>>, vector<16xi32>,
      tpu.vector_store %arg9[%swap3A_341], %select_n3A_150 {strides = array<i32>} : memref<3072xi32, #tpu.memory_space<vmem>>, vector<16xi32>,
      %swap3A_343 = arith.constant 1520 : index
      %swap3A_344 = tpu.vector_load %arg9[%swap3A_343] {strides = array<i32>} : memref<3072xi32, #tpu.memory_space<vmem>>, vector<16xi32>,
      tpu.vector_store %arg9[%swap3A_343], %select_n3A_153 {strides = array<i32>} : memref<3072xi32, #tpu.memory_space<vmem>>, vector<16xi32>,
      %swap3A_345 = arith.constant 1536 : index
      %swap3A_346 = tpu.vector_load %arg9[%swap3A_345] {strides = array<i32>} : memref<3072xi32, #tpu.memory_space<vmem>>, vector<16xi32>,
      tpu.vector_store %arg9[%swap3A_345], %select_n3A_147 {strides = array<i32>} : memref<3072xi32, #tpu.memory_space<vmem>>, vector<16xi32>,
      %swap3A_347 = arith.constant 1552 : index
      %swap3A_348 = tpu.vector_load %arg9[%swap3A_347] {strides = array<i32>} : memref<3072xi32, #tpu.memory_space<vmem>>, vector<16xi32>,
      tpu.vector_store %arg9[%swap3A_347], %select_n3A_150 {strides = array<i32>} : memref<3072xi32, #tpu.memory_space<vmem>>, vector<16xi32>,
      %swap3A_349 = arith.constant 1568 : index
      %swap3A_350 = tpu.vector_load %arg9[%swap3A_349] {strides = array<i32>} : memref<3072xi32, #tpu.memory_space<vmem>>, vector<16xi32>,
      tpu.vector_store %arg9[%swap3A_349], %select_n3A_153 {strides = array<i32>} : memref<3072xi32, #tpu.memory_space<vmem>>, vector<16xi32>,
      %swap3A_351 = arith.constant 1584 : index
      %swap3A_352 = tpu.vector_load %arg9[%swap3A_351] {strides = array<i32>} : memref<3072xi32, #tpu.memory_space<vmem>>, vector<16xi32>,
      tpu.vector_store %arg9[%swap3A_351], %select_n3A_147 {strides = array<i32>} : memref<3072xi32, #tpu.memory_space<vmem>>, vector<16xi32>,
      %swap3A_353 = arith.constant 1600 : index
      %swap3A_354 = tpu.vector_load %arg9[%swap3A_353] {strides = array<i32>} : memref<3072xi32, #tpu.memory_space<vmem>>, vector<16xi32>,
      tpu.vector_store %arg9[%swap3A_353], %select_n3A_150 {strides = array<i32>} : memref<3072xi32, #tpu.memory_space<vmem>>, vector<16xi32>,
      %swap3A_355 = arith.constant 1616 : index
      %swap3A_356 = tpu.vector_load %arg9[%swap3A_355] {strides = array<i32>} : memref<3072xi32, #tpu.memory_space<vmem>>, vector<16xi32>,
      tpu.vector_store %arg9[%swap3A_355], %select_n3A_153 {strides = array<i32>} : memref<3072xi32, #tpu.memory_space<vmem>>, vector<16xi32>,
      %swap3A_357 = arith.constant 1632 : index
      %swap3A_358 = tpu.vector_load %arg9[%swap3A_357] {strides = array<i32>} : memref<3072xi32, #tpu.memory_space<vmem>>, vector<16xi32>,
      tpu.vector_store %arg9[%swap3A_357], %select_n3A_147 {strides = array<i32>} : memref<3072xi32, #tpu.memory_space<vmem>>, vector<16xi32>,
      %swap3A_359 = arith.constant 1648 : index
      %swap3A_360 = tpu.vector_load %arg9[%swap3A_359] {strides = array<i32>} : memref<3072xi32, #tpu.memory_space<vmem>>, vector<16xi32>,
      tpu.vector_store %arg9[%swap3A_359], %select_n3A_150 {strides = array<i32>} : memref<3072xi32, #tpu.memory_space<vmem>>, vector<16xi32>,
      %swap3A_361 = arith.constant 1664 : index
      %swap3A_362 = tpu.vector_load %arg9[%swap3A_361] {strides = array<i32>} : memref<3072xi32, #tpu.memory_space<vmem>>, vector<16xi32>,
      tpu.vector_store %arg9[%swap3A_361], %select_n3A_153 {strides = array<i32>} : memref<3072xi32, #tpu.memory_space<vmem>>, vector<16xi32>,
      %swap3A_363 = arith.constant 1680 : index
      %swap3A_364 = tpu.vector_load %arg9[%swap3A_363] {strides = array<i32>} : memref<3072xi32, #tpu.memory_space<vmem>>, vector<16xi32>,
      tpu.vector_store %arg9[%swap3A_363], %select_n3A_147 {strides = array<i32>} : memref<3072xi32, #tpu.memory_space<vmem>>, vector<16xi32>,
      %swap3A_365 = arith.constant 1696 : index
      %swap3A_366 = tpu.vector_load %arg9[%swap3A_365] {strides = array<i32>} : memref<3072xi32, #tpu.memory_space<vmem>>, vector<16xi32>,
      tpu.vector_store %arg9[%swap3A_365], %select_n3A_150 {strides = array<i32>} : memref<3072xi32, #tpu.memory_space<vmem>>, vector<16xi32>,
      %swap3A_367 = arith.constant 1712 : index
      %swap3A_368 = tpu.vector_load %arg9[%swap3A_367] {strides = array<i32>} : memref<3072xi32, #tpu.memory_space<vmem>>, vector<16xi32>,
      tpu.vector_store %arg9[%swap3A_367], %select_n3A_153 {strides = array<i32>} : memref<3072xi32, #tpu.memory_space<vmem>>, vector<16xi32>,
      %swap3A_369 = arith.constant 1728 : index
      %swap3A_370 = tpu.vector_load %arg9[%swap3A_369] {strides = array<i32>} : memref<3072xi32, #tpu.memory_space<vmem>>, vector<16xi32>,
      tpu.vector_store %arg9[%swap3A_369], %select_n3A_147 {strides = array<i32>} : memref<3072xi32, #tpu.memory_space<vmem>>, vector<16xi32>,
      %swap3A_371 = arith.constant 1744 : index
      %swap3A_372 = tpu.vector_load %arg9[%swap3A_371] {strides = array<i32>} : memref<3072xi32, #tpu.memory_space<vmem>>, vector<16xi32>,
      tpu.vector_store %arg9[%swap3A_371], %select_n3A_150 {strides = array<i32>} : memref<3072xi32, #tpu.memory_space<vmem>>, vector<16xi32>,
      %swap3A_373 = arith.constant 1760 : index
      %swap3A_374 = tpu.vector_load %arg9[%swap3A_373] {strides = array<i32>} : memref<3072xi32, #tpu.memory_space<vmem>>, vector<16xi32>,
      tpu.vector_store %arg9[%swap3A_373], %select_n3A_153 {strides = array<i32>} : memref<3072xi32, #tpu.memory_space<vmem>>, vector<16xi32>,
      %swap3A_375 = arith.constant 1776 : index
      %swap3A_376 = tpu.vector_load %arg9[%swap3A_375] {strides = array<i32>} : memref<3072xi32, #tpu.memory_space<vmem>>, vector<16xi32>,
      tpu.vector_store %arg9[%swap3A_375], %select_n3A_147 {strides = array<i32>} : memref<3072xi32, #tpu.memory_space<vmem>>, vector<16xi32>,
      %swap3A_377 = arith.constant 1792 : index
      %swap3A_378 = tpu.vector_load %arg9[%swap3A_377] {strides = array<i32>} : memref<3072xi32, #tpu.memory_space<vmem>>, vector<16xi32>,
      tpu.vector_store %arg9[%swap3A_377], %select_n3A_150 {strides = array<i32>} : memref<3072xi32, #tpu.memory_space<vmem>>, vector<16xi32>,
      %swap3A_379 = arith.constant 1808 : index
      %swap3A_380 = tpu.vector_load %arg9[%swap3A_379] {strides = array<i32>} : memref<3072xi32, #tpu.memory_space<vmem>>, vector<16xi32>,
      tpu.vector_store %arg9[%swap3A_379], %select_n3A_153 {strides = array<i32>} : memref<3072xi32, #tpu.memory_space<vmem>>, vector<16xi32>,
      %swap3A_381 = arith.constant 1824 : index
      %swap3A_382 = tpu.vector_load %arg9[%swap3A_381] {strides = array<i32>} : memref<3072xi32, #tpu.memory_space<vmem>>, vector<16xi32>,
      tpu.vector_store %arg9[%swap3A_381], %select_n3A_147 {strides = array<i32>} : memref<3072xi32, #tpu.memory_space<vmem>>, vector<16xi32>,
      %swap3A_383 = arith.constant 1840 : index
      %swap3A_384 = tpu.vector_load %arg9[%swap3A_383] {strides = array<i32>} : memref<3072xi32, #tpu.memory_space<vmem>>, vector<16xi32>,
      tpu.vector_store %arg9[%swap3A_383], %select_n3A_150 {strides = array<i32>} : memref<3072xi32, #tpu.memory_space<vmem>>, vector<16xi32>,
      %swap3A_385 = arith.constant 1856 : index
      %swap3A_386 = tpu.vector_load %arg9[%swap3A_385] {strides = array<i32>} : memref<3072xi32, #tpu.memory_space<vmem>>, vector<16xi32>,
      tpu.vector_store %arg9[%swap3A_385], %select_n3A_153 {strides = array<i32>} : memref<3072xi32, #tpu.memory_space<vmem>>, vector<16xi32>,
      %swap3A_387 = arith.constant 1872 : index
      %swap3A_388 = tpu.vector_load %arg9[%swap3A_387] {strides = array<i32>} : memref<3072xi32, #tpu.memory_space<vmem>>, vector<16xi32>,
      tpu.vector_store %arg9[%swap3A_387], %select_n3A_147 {strides = array<i32>} : memref<3072xi32, #tpu.memory_space<vmem>>, vector<16xi32>,
      %swap3A_389 = arith.constant 1888 : index
      %swap3A_390 = tpu.vector_load %arg9[%swap3A_389] {strides = array<i32>} : memref<3072xi32, #tpu.memory_space<vmem>>, vector<16xi32>,
      tpu.vector_store %arg9[%swap3A_389], %select_n3A_150 {strides = array<i32>} : memref<3072xi32, #tpu.memory_space<vmem>>, vector<16xi32>,
      %swap3A_391 = arith.constant 1904 : index
      %swap3A_392 = tpu.vector_load %arg9[%swap3A_391] {strides = array<i32>} : memref<3072xi32, #tpu.memory_space<vmem>>, vector<16xi32>,
      tpu.vector_store %arg9[%swap3A_391], %select_n3A_153 {strides = array<i32>} : memref<3072xi32, #tpu.memory_space<vmem>>, vector<16xi32>,
      %swap3A_393 = arith.constant 1920 : index
      %swap3A_394 = tpu.vector_load %arg9[%swap3A_393] {strides = array<i32>} : memref<3072xi32, #tpu.memory_space<vmem>>, vector<16xi32>,
      tpu.vector_store %arg9[%swap3A_393], %select_n3A_147 {strides = array<i32>} : memref<3072xi32, #tpu.memory_space<vmem>>, vector<16xi32>,
      %swap3A_395 = arith.constant 1936 : index
      %swap3A_396 = tpu.vector_load %arg9[%swap3A_395] {strides = array<i32>} : memref<3072xi32, #tpu.memory_space<vmem>>, vector<16xi32>,
      tpu.vector_store %arg9[%swap3A_395], %select_n3A_150 {strides = array<i32>} : memref<3072xi32, #tpu.memory_space<vmem>>, vector<16xi32>,
      %swap3A_397 = arith.constant 1952 : index
      %swap3A_398 = tpu.vector_load %arg9[%swap3A_397] {strides = array<i32>} : memref<3072xi32, #tpu.memory_space<vmem>>, vector<16xi32>,
      tpu.vector_store %arg9[%swap3A_397], %select_n3A_153 {strides = array<i32>} : memref<3072xi32, #tpu.memory_space<vmem>>, vector<16xi32>,
      %swap3A_399 = arith.constant 1968 : index
      %swap3A_400 = tpu.vector_load %arg9[%swap3A_399] {strides = array<i32>} : memref<3072xi32, #tpu.memory_space<vmem>>, vector<16xi32>,
      tpu.vector_store %arg9[%swap3A_399], %select_n3A_147 {strides = array<i32>} : memref<3072xi32, #tpu.memory_space<vmem>>, vector<16xi32>,
      %swap3A_401 = arith.constant 1984 : index
      %swap3A_402 = tpu.vector_load %arg9[%swap3A_401] {strides = array<i32>} : memref<3072xi32, #tpu.memory_space<vmem>>, vector<16xi32>,
      tpu.vector_store %arg9[%swap3A_401], %select_n3A_150 {strides = array<i32>} : memref<3072xi32, #tpu.memory_space<vmem>>, vector<16xi32>,
      %swap3A_403 = arith.constant 2000 : index
      %swap3A_404 = tpu.vector_load %arg9[%swap3A_403] {strides = array<i32>} : memref<3072xi32, #tpu.memory_space<vmem>>, vector<16xi32>,
      tpu.vector_store %arg9[%swap3A_403], %select_n3A_153 {strides = array<i32>} : memref<3072xi32, #tpu.memory_space<vmem>>, vector<16xi32>,
      %swap3A_405 = arith.constant 2016 : index
      %swap3A_406 = tpu.vector_load %arg9[%swap3A_405] {strides = array<i32>} : memref<3072xi32, #tpu.memory_space<vmem>>, vector<16xi32>,
      tpu.vector_store %arg9[%swap3A_405], %select_n3A_147 {strides = array<i32>} : memref<3072xi32, #tpu.memory_space<vmem>>, vector<16xi32>,
      %swap3A_407 = arith.constant 2032 : index
      %swap3A_408 = tpu.vector_load %arg9[%swap3A_407] {strides = array<i32>} : memref<3072xi32, #tpu.memory_space<vmem>>, vector<16xi32>,
      tpu.vector_store %arg9[%swap3A_407], %select_n3A_150 {strides = array<i32>} : memref<3072xi32, #tpu.memory_space<vmem>>, vector<16xi32>,
      %swap3A_409 = arith.constant 2048 : index
      %swap3A_410 = tpu.vector_load %arg9[%swap3A_409] {strides = array<i32>} : memref<3072xi32, #tpu.memory_space<vmem>>, vector<16xi32>,
      tpu.vector_store %arg9[%swap3A_409], %select_n3A_153 {strides = array<i32>} : memref<3072xi32, #tpu.memory_space<vmem>>, vector<16xi32>,
      %swap3A_411 = arith.constant 2064 : index
      %swap3A_412 = tpu.vector_load %arg9[%swap3A_411] {strides = array<i32>} : memref<3072xi32, #tpu.memory_space<vmem>>, vector<16xi32>,
      tpu.vector_store %arg9[%swap3A_411], %select_n3A_147 {strides = array<i32>} : memref<3072xi32, #tpu.memory_space<vmem>>, vector<16xi32>,
      %swap3A_413 = arith.constant 2080 : index
      %swap3A_414 = tpu.vector_load %arg9[%swap3A_413] {strides = array<i32>} : memref<3072xi32, #tpu.memory_space<vmem>>, vector<16xi32>,
      tpu.vector_store %arg9[%swap3A_413], %select_n3A_150 {strides = array<i32>} : memref<3072xi32, #tpu.memory_space<vmem>>, vector<16xi32>,
      %swap3A_415 = arith.constant 2096 : index
      %swap3A_416 = tpu.vector_load %arg9[%swap3A_415] {strides = array<i32>} : memref<3072xi32, #tpu.memory_space<vmem>>, vector<16xi32>,
      tpu.vector_store %arg9[%swap3A_415], %select_n3A_153 {strides = array<i32>} : memref<3072xi32, #tpu.memory_space<vmem>>, vector<16xi32>,
      %swap3A_417 = arith.constant 2112 : index
      %swap3A_418 = tpu.vector_load %arg9[%swap3A_417] {strides = array<i32>} : memref<3072xi32, #tpu.memory_space<vmem>>, vector<16xi32>,
      tpu.vector_store %arg9[%swap3A_417], %select_n3A_147 {strides = array<i32>} : memref<3072xi32, #tpu.memory_space<vmem>>, vector<16xi32>,
      %swap3A_419 = arith.constant 2128 : index
      %swap3A_420 = tpu.vector_load %arg9[%swap3A_419] {strides = array<i32>} : memref<3072xi32, #tpu.memory_space<vmem>>, vector<16xi32>,
      tpu.vector_store %arg9[%swap3A_419], %select_n3A_150 {strides = array<i32>} : memref<3072xi32, #tpu.memory_space<vmem>>, vector<16xi32>,
      %swap3A_421 = arith.constant 2144 : index
      %swap3A_422 = tpu.vector_load %arg9[%swap3A_421] {strides = array<i32>} : memref<3072xi32, #tpu.memory_space<vmem>>, vector<16xi32>,
      tpu.vector_store %arg9[%swap3A_421], %select_n3A_153 {strides = array<i32>} : memref<3072xi32, #tpu.memory_space<vmem>>, vector<16xi32>,
      %swap3A_423 = arith.constant 2160 : index
      %swap3A_424 = tpu.vector_load %arg9[%swap3A_423] {strides = array<i32>} : memref<3072xi32, #tpu.memory_space<vmem>>, vector<16xi32>,
      tpu.vector_store %arg9[%swap3A_423], %select_n3A_147 {strides = array<i32>} : memref<3072xi32, #tpu.memory_space<vmem>>, vector<16xi32>,
      %swap3A_425 = arith.constant 2176 : index
      %swap3A_426 = tpu.vector_load %arg9[%swap3A_425] {strides = array<i32>} : memref<3072xi32, #tpu.memory_space<vmem>>, vector<16xi32>,
      tpu.vector_store %arg9[%swap3A_425], %select_n3A_150 {strides = array<i32>} : memref<3072xi32, #tpu.memory_space<vmem>>, vector<16xi32>,
      %swap3A_427 = arith.constant 2192 : index
      %swap3A_428 = tpu.vector_load %arg9[%swap3A_427] {strides = array<i32>} : memref<3072xi32, #tpu.memory_space<vmem>>, vector<16xi32>,
      tpu.vector_store %arg9[%swap3A_427], %select_n3A_153 {strides = array<i32>} : memref<3072xi32, #tpu.memory_space<vmem>>, vector<16xi32>,
      %swap3A_429 = arith.constant 2208 : index
      %swap3A_430 = tpu.vector_load %arg9[%swap3A_429] {strides = array<i32>} : memref<3072xi32, #tpu.memory_space<vmem>>, vector<16xi32>,
      tpu.vector_store %arg9[%swap3A_429], %select_n3A_147 {strides = array<i32>} : memref<3072xi32, #tpu.memory_space<vmem>>, vector<16xi32>,
      %swap3A_431 = arith.constant 2224 : index
      %swap3A_432 = tpu.vector_load %arg9[%swap3A_431] {strides = array<i32>} : memref<3072xi32, #tpu.memory_space<vmem>>, vector<16xi32>,
      tpu.vector_store %arg9[%swap3A_431], %select_n3A_150 {strides = array<i32>} : memref<3072xi32, #tpu.memory_space<vmem>>, vector<16xi32>,
      %swap3A_433 = arith.constant 2240 : index
      %swap3A_434 = tpu.vector_load %arg9[%swap3A_433] {strides = array<i32>} : memref<3072xi32, #tpu.memory_space<vmem>>, vector<16xi32>,
      tpu.vector_store %arg9[%swap3A_433], %select_n3A_153 {strides = array<i32>} : memref<3072xi32, #tpu.memory_space<vmem>>, vector<16xi32>,
      %swap3A_435 = arith.constant 2256 : index
      %swap3A_436 = tpu.vector_load %arg9[%swap3A_435] {strides = array<i32>} : memref<3072xi32, #tpu.memory_space<vmem>>, vector<16xi32>,
      tpu.vector_store %arg9[%swap3A_435], %select_n3A_147 {strides = array<i32>} : memref<3072xi32, #tpu.memory_space<vmem>>, vector<16xi32>,
      %swap3A_437 = arith.constant 2272 : index
      %swap3A_438 = tpu.vector_load %arg9[%swap3A_437] {strides = array<i32>} : memref<3072xi32, #tpu.memory_space<vmem>>, vector<16xi32>,
      tpu.vector_store %arg9[%swap3A_437], %select_n3A_150 {strides = array<i32>} : memref<3072xi32, #tpu.memory_space<vmem>>, vector<16xi32>,
      %swap3A_439 = arith.constant 2288 : index
      %swap3A_440 = tpu.vector_load %arg9[%swap3A_439] {strides = array<i32>} : memref<3072xi32, #tpu.memory_space<vmem>>, vector<16xi32>,
      tpu.vector_store %arg9[%swap3A_439], %select_n3A_153 {strides = array<i32>} : memref<3072xi32, #tpu.memory_space<vmem>>, vector<16xi32>,
      %swap3A_441 = arith.constant 2304 : index
      %swap3A_442 = tpu.vector_load %arg9[%swap3A_441] {strides = array<i32>} : memref<3072xi32, #tpu.memory_space<vmem>>, vector<16xi32>,
      tpu.vector_store %arg9[%swap3A_441], %select_n3A_147 {strides = array<i32>} : memref<3072xi32, #tpu.memory_space<vmem>>, vector<16xi32>,
      %swap3A_443 = arith.constant 2320 : index
      %swap3A_444 = tpu.vector_load %arg9[%swap3A_443] {strides = array<i32>} : memref<3072xi32, #tpu.memory_space<vmem>>, vector<16xi32>,
      tpu.vector_store %arg9[%swap3A_443], %select_n3A_150 {strides = array<i32>} : memref<3072xi32, #tpu.memory_space<vmem>>, vector<16xi32>,
      %swap3A_445 = arith.constant 2336 : index
      %swap3A_446 = tpu.vector_load %arg9[%swap3A_445] {strides = array<i32>} : memref<3072xi32, #tpu.memory_space<vmem>>, vector<16xi32>,
      tpu.vector_store %arg9[%swap3A_445], %select_n3A_153 {strides = array<i32>} : memref<3072xi32, #tpu.memory_space<vmem>>, vector<16xi32>,
      %swap3A_447 = arith.constant 2352 : index
      %swap3A_448 = tpu.vector_load %arg9[%swap3A_447] {strides = array<i32>} : memref<3072xi32, #tpu.memory_space<vmem>>, vector<16xi32>,
      tpu.vector_store %arg9[%swap3A_447], %select_n3A_147 {strides = array<i32>} : memref<3072xi32, #tpu.memory_space<vmem>>, vector<16xi32>,
      %swap3A_449 = arith.constant 2368 : index
      %swap3A_450 = tpu.vector_load %arg9[%swap3A_449] {strides = array<i32>} : memref<3072xi32, #tpu.memory_space<vmem>>, vector<16xi32>,
      tpu.vector_store %arg9[%swap3A_449], %select_n3A_150 {strides = array<i32>} : memref<3072xi32, #tpu.memory_space<vmem>>, vector<16xi32>,
      %swap3A_451 = arith.constant 2384 : index
      %swap3A_452 = tpu.vector_load %arg9[%swap3A_451] {strides = array<i32>} : memref<3072xi32, #tpu.memory_space<vmem>>, vector<16xi32>,
      tpu.vector_store %arg9[%swap3A_451], %select_n3A_153 {strides = array<i32>} : memref<3072xi32, #tpu.memory_space<vmem>>, vector<16xi32>,
      %swap3A_453 = arith.constant 2400 : index
      %swap3A_454 = tpu.vector_load %arg9[%swap3A_453] {strides = array<i32>} : memref<3072xi32, #tpu.memory_space<vmem>>, vector<16xi32>,
      tpu.vector_store %arg9[%swap3A_453], %select_n3A_147 {strides = array<i32>} : memref<3072xi32, #tpu.memory_space<vmem>>, vector<16xi32>,
      %swap3A_455 = arith.constant 2416 : index
      %swap3A_456 = tpu.vector_load %arg9[%swap3A_455] {strides = array<i32>} : memref<3072xi32, #tpu.memory_space<vmem>>, vector<16xi32>,
      tpu.vector_store %arg9[%swap3A_455], %select_n3A_150 {strides = array<i32>} : memref<3072xi32, #tpu.memory_space<vmem>>, vector<16xi32>,
      %swap3A_457 = arith.constant 2432 : index
      %swap3A_458 = tpu.vector_load %arg9[%swap3A_457] {strides = array<i32>} : memref<3072xi32, #tpu.memory_space<vmem>>, vector<16xi32>,
      tpu.vector_store %arg9[%swap3A_457], %select_n3A_153 {strides = array<i32>} : memref<3072xi32, #tpu.memory_space<vmem>>, vector<16xi32>,
      %swap3A_459 = arith.constant 2448 : index
      %swap3A_460 = tpu.vector_load %arg9[%swap3A_459] {strides = array<i32>} : memref<3072xi32, #tpu.memory_space<vmem>>, vector<16xi32>,
      tpu.vector_store %arg9[%swap3A_459], %select_n3A_147 {strides = array<i32>} : memref<3072xi32, #tpu.memory_space<vmem>>, vector<16xi32>,
      %swap3A_461 = arith.constant 2464 : index
      %swap3A_462 = tpu.vector_load %arg9[%swap3A_461] {strides = array<i32>} : memref<3072xi32, #tpu.memory_space<vmem>>, vector<16xi32>,
      tpu.vector_store %arg9[%swap3A_461], %select_n3A_150 {strides = array<i32>} : memref<3072xi32, #tpu.memory_space<vmem>>, vector<16xi32>,
      %swap3A_463 = arith.constant 2480 : index
      %swap3A_464 = tpu.vector_load %arg9[%swap3A_463] {strides = array<i32>} : memref<3072xi32, #tpu.memory_space<vmem>>, vector<16xi32>,
      tpu.vector_store %arg9[%swap3A_463], %select_n3A_153 {strides = array<i32>} : memref<3072xi32, #tpu.memory_space<vmem>>, vector<16xi32>,
      %swap3A_465 = arith.constant 2496 : index
      %swap3A_466 = tpu.vector_load %arg9[%swap3A_465] {strides = array<i32>} : memref<3072xi32, #tpu.memory_space<vmem>>, vector<16xi32>,
      tpu.vector_store %arg9[%swap3A_465], %select_n3A_147 {strides = array<i32>} : memref<3072xi32, #tpu.memory_space<vmem>>, vector<16xi32>,
      %swap3A_467 = arith.constant 2512 : index
      %swap3A_468 = tpu.vector_load %arg9[%swap3A_467] {strides = array<i32>} : memref<3072xi32, #tpu.memory_space<vmem>>, vector<16xi32>,
      tpu.vector_store %arg9[%swap3A_467], %select_n3A_150 {strides = array<i32>} : memref<3072xi32, #tpu.memory_space<vmem>>, vector<16xi32>,
      %swap3A_469 = arith.constant 2528 : index
      %swap3A_470 = tpu.vector_load %arg9[%swap3A_469] {strides = array<i32>} : memref<3072xi32, #tpu.memory_space<vmem>>, vector<16xi32>,
      tpu.vector_store %arg9[%swap3A_469], %select_n3A_153 {strides = array<i32>} : memref<3072xi32, #tpu.memory_space<vmem>>, vector<16xi32>,
      %swap3A_471 = arith.constant 2544 : index
      %swap3A_472 = tpu.vector_load %arg9[%swap3A_471] {strides = array<i32>} : memref<3072xi32, #tpu.memory_space<vmem>>, vector<16xi32>,
      tpu.vector_store %arg9[%swap3A_471], %select_n3A_147 {strides = array<i32>} : memref<3072xi32, #tpu.memory_space<vmem>>, vector<16xi32>,
      %swap3A_473 = arith.constant 2560 : index
      %swap3A_474 = tpu.vector_load %arg9[%swap3A_473] {strides = array<i32>} : memref<3072xi32, #tpu.memory_space<vmem>>, vector<16xi32>,
      tpu.vector_store %arg9[%swap3A_473], %select_n3A_150 {strides = array<i32>} : memref<3072xi32, #tpu.memory_space<vmem>>, vector<16xi32>,
      %swap3A_475 = arith.constant 2576 : index
      %swap3A_476 = tpu.vector_load %arg9[%swap3A_475] {strides = array<i32>} : memref<3072xi32, #tpu.memory_space<vmem>>, vector<16xi32>,
      tpu.vector_store %arg9[%swap3A_475], %select_n3A_153 {strides = array<i32>} : memref<3072xi32, #tpu.memory_space<vmem>>, vector<16xi32>,
      %swap3A_477 = arith.constant 2592 : index
      %swap3A_478 = tpu.vector_load %arg9[%swap3A_477] {strides = array<i32>} : memref<3072xi32, #tpu.memory_space<vmem>>, vector<16xi32>,
      tpu.vector_store %arg9[%swap3A_477], %select_n3A_147 {strides = array<i32>} : memref<3072xi32, #tpu.memory_space<vmem>>, vector<16xi32>,
      %swap3A_479 = arith.constant 2608 : index
      %swap3A_480 = tpu.vector_load %arg9[%swap3A_479] {strides = array<i32>} : memref<3072xi32, #tpu.memory_space<vmem>>, vector<16xi32>,
      tpu.vector_store %arg9[%swap3A_479], %select_n3A_150 {strides = array<i32>} : memref<3072xi32, #tpu.memory_space<vmem>>, vector<16xi32>,
      %swap3A_481 = arith.constant 2624 : index
      %swap3A_482 = tpu.vector_load %arg9[%swap3A_481] {strides = array<i32>} : memref<3072xi32, #tpu.memory_space<vmem>>, vector<16xi32>,
      tpu.vector_store %arg9[%swap3A_481], %select_n3A_153 {strides = array<i32>} : memref<3072xi32, #tpu.memory_space<vmem>>, vector<16xi32>,
      %swap3A_483 = arith.constant 2640 : index
      %swap3A_484 = tpu.vector_load %arg9[%swap3A_483] {strides = array<i32>} : memref<3072xi32, #tpu.memory_space<vmem>>, vector<16xi32>,
      tpu.vector_store %arg9[%swap3A_483], %select_n3A_147 {strides = array<i32>} : memref<3072xi32, #tpu.memory_space<vmem>>, vector<16xi32>,
      %swap3A_485 = arith.constant 2656 : index
      %swap3A_486 = tpu.vector_load %arg9[%swap3A_485] {strides = array<i32>} : memref<3072xi32, #tpu.memory_space<vmem>>, vector<16xi32>,
      tpu.vector_store %arg9[%swap3A_485], %select_n3A_150 {strides = array<i32>} : memref<3072xi32, #tpu.memory_space<vmem>>, vector<16xi32>,
      %swap3A_487 = arith.constant 2672 : index
      %swap3A_488 = tpu.vector_load %arg9[%swap3A_487] {strides = array<i32>} : memref<3072xi32, #tpu.memory_space<vmem>>, vector<16xi32>,
      tpu.vector_store %arg9[%swap3A_487], %select_n3A_153 {strides = array<i32>} : memref<3072xi32, #tpu.memory_space<vmem>>, vector<16xi32>,
      %swap3A_489 = arith.constant 2688 : index
      %swap3A_490 = tpu.vector_load %arg9[%swap3A_489] {strides = array<i32>} : memref<3072xi32, #tpu.memory_space<vmem>>, vector<16xi32>,
      tpu.vector_store %arg9[%swap3A_489], %select_n3A_147 {strides = array<i32>} : memref<3072xi32, #tpu.memory_space<vmem>>, vector<16xi32>,
      %swap3A_491 = arith.constant 2704 : index
      %swap3A_492 = tpu.vector_load %arg9[%swap3A_491] {strides = array<i32>} : memref<3072xi32, #tpu.memory_space<vmem>>, vector<16xi32>,
      tpu.vector_store %arg9[%swap3A_491], %select_n3A_150 {strides = array<i32>} : memref<3072xi32, #tpu.memory_space<vmem>>, vector<16xi32>,
      %swap3A_493 = arith.constant 2720 : index
      %swap3A_494 = tpu.vector_load %arg9[%swap3A_493] {strides = array<i32>} : memref<3072xi32, #tpu.memory_space<vmem>>, vector<16xi32>,
      tpu.vector_store %arg9[%swap3A_493], %select_n3A_153 {strides = array<i32>} : memref<3072xi32, #tpu.memory_space<vmem>>, vector<16xi32>,
      %swap3A_495 = arith.constant 2736 : index
      %swap3A_496 = tpu.vector_load %arg9[%swap3A_495] {strides = array<i32>} : memref<3072xi32, #tpu.memory_space<vmem>>, vector<16xi32>,
      tpu.vector_store %arg9[%swap3A_495], %select_n3A_147 {strides = array<i32>} : memref<3072xi32, #tpu.memory_space<vmem>>, vector<16xi32>,
      %swap3A_497 = arith.constant 2752 : index
      %swap3A_498 = tpu.vector_load %arg9[%swap3A_497] {strides = array<i32>} : memref<3072xi32, #tpu.memory_space<vmem>>, vector<16xi32>,
      tpu.vector_store %arg9[%swap3A_497], %select_n3A_150 {strides = array<i32>} : memref<3072xi32, #tpu.memory_space<vmem>>, vector<16xi32>,
      %swap3A_499 = arith.constant 2768 : index
      %swap3A_500 = tpu.vector_load %arg9[%swap3A_499] {strides = array<i32>} : memref<3072xi32, #tpu.memory_space<vmem>>, vector<16xi32>,
      tpu.vector_store %arg9[%swap3A_499], %select_n3A_153 {strides = array<i32>} : memref<3072xi32, #tpu.memory_space<vmem>>, vector<16xi32>,
      %swap3A_501 = arith.constant 2784 : index
      %swap3A_502 = tpu.vector_load %arg9[%swap3A_501] {strides = array<i32>} : memref<3072xi32, #tpu.memory_space<vmem>>, vector<16xi32>,
      tpu.vector_store %arg9[%swap3A_501], %select_n3A_147 {strides = array<i32>} : memref<3072xi32, #tpu.memory_space<vmem>>, vector<16xi32>,
      %swap3A_503 = arith.constant 2800 : index
      %swap3A_504 = tpu.vector_load %arg9[%swap3A_503] {strides = array<i32>} : memref<3072xi32, #tpu.memory_space<vmem>>, vector<16xi32>,
      tpu.vector_store %arg9[%swap3A_503], %select_n3A_150 {strides = array<i32>} : memref<3072xi32, #tpu.memory_space<vmem>>, vector<16xi32>,
      %swap3A_505 = arith.constant 2816 : index
      %swap3A_506 = tpu.vector_load %arg9[%swap3A_505] {strides = array<i32>} : memref<3072xi32, #tpu.memory_space<vmem>>, vector<16xi32>,
      tpu.vector_store %arg9[%swap3A_505], %select_n3A_153 {strides = array<i32>} : memref<3072xi32, #tpu.memory_space<vmem>>, vector<16xi32>,
      %swap3A_507 = arith.constant 2832 : index
      %swap3A_508 = tpu.vector_load %arg9[%swap3A_507] {strides = array<i32>} : memref<3072xi32, #tpu.memory_space<vmem>>, vector<16xi32>,
      tpu.vector_store %arg9[%swap3A_507], %select_n3A_147 {strides = array<i32>} : memref<3072xi32, #tpu.memory_space<vmem>>, vector<16xi32>,
      %swap3A_509 = arith.constant 2848 : index
      %swap3A_510 = tpu.vector_load %arg9[%swap3A_509] {strides = array<i32>} : memref<3072xi32, #tpu.memory_space<vmem>>, vector<16xi32>,
      tpu.vector_store %arg9[%swap3A_509], %select_n3A_150 {strides = array<i32>} : memref<3072xi32, #tpu.memory_space<vmem>>, vector<16xi32>,
      %swap3A_511 = arith.constant 2864 : index
      %swap3A_512 = tpu.vector_load %arg9[%swap3A_511] {strides = array<i32>} : memref<3072xi32, #tpu.memory_space<vmem>>, vector<16xi32>,
      tpu.vector_store %arg9[%swap3A_511], %select_n3A_153 {strides = array<i32>} : memref<3072xi32, #tpu.memory_space<vmem>>, vector<16xi32>,
      %swap3A_513 = arith.constant 2880 : index
      %swap3A_514 = tpu.vector_load %arg9[%swap3A_513] {strides = array<i32>} : memref<3072xi32, #tpu.memory_space<vmem>>, vector<16xi32>,
      tpu.vector_store %arg9[%swap3A_513], %select_n3A_147 {strides = array<i32>} : memref<3072xi32, #tpu.memory_space<vmem>>, vector<16xi32>,
      %swap3A_515 = arith.constant 2896 : index
      %swap3A_516 = tpu.vector_load %arg9[%swap3A_515] {strides = array<i32>} : memref<3072xi32, #tpu.memory_space<vmem>>, vector<16xi32>,
      tpu.vector_store %arg9[%swap3A_515], %select_n3A_150 {strides = array<i32>} : memref<3072xi32, #tpu.memory_space<vmem>>, vector<16xi32>,
      %swap3A_517 = arith.constant 2912 : index
      %swap3A_518 = tpu.vector_load %arg9[%swap3A_517] {strides = array<i32>} : memref<3072xi32, #tpu.memory_space<vmem>>, vector<16xi32>,
      tpu.vector_store %arg9[%swap3A_517], %select_n3A_153 {strides = array<i32>} : memref<3072xi32, #tpu.memory_space<vmem>>, vector<16xi32>,
      %swap3A_519 = arith.constant 2928 : index
      %swap3A_520 = tpu.vector_load %arg9[%swap3A_519] {strides = array<i32>} : memref<3072xi32, #tpu.memory_space<vmem>>, vector<16xi32>,
      tpu.vector_store %arg9[%swap3A_519], %select_n3A_147 {strides = array<i32>} : memref<3072xi32, #tpu.memory_space<vmem>>, vector<16xi32>,
      %swap3A_521 = arith.constant 2944 : index
      %swap3A_522 = tpu.vector_load %arg9[%swap3A_521] {strides = array<i32>} : memref<3072xi32, #tpu.memory_space<vmem>>, vector<16xi32>,
      tpu.vector_store %arg9[%swap3A_521], %select_n3A_150 {strides = array<i32>} : memref<3072xi32, #tpu.memory_space<vmem>>, vector<16xi32>,
      %swap3A_523 = arith.constant 2960 : index
      %swap3A_524 = tpu.vector_load %arg9[%swap3A_523] {strides = array<i32>} : memref<3072xi32, #tpu.memory_space<vmem>>, vector<16xi32>,
      tpu.vector_store %arg9[%swap3A_523], %select_n3A_153 {strides = array<i32>} : memref<3072xi32, #tpu.memory_space<vmem>>, vector<16xi32>,
      %swap3A_525 = arith.constant 2976 : index
      %swap3A_526 = tpu.vector_load %arg9[%swap3A_525] {strides = array<i32>} : memref<3072xi32, #tpu.memory_space<vmem>>, vector<16xi32>,
      tpu.vector_store %arg9[%swap3A_525], %select_n3A_147 {strides = array<i32>} : memref<3072xi32, #tpu.memory_space<vmem>>, vector<16xi32>,
      %swap3A_527 = arith.constant 2992 : index
      %swap3A_528 = tpu.vector_load %arg9[%swap3A_527] {strides = array<i32>} : memref<3072xi32, #tpu.memory_space<vmem>>, vector<16xi32>,
      tpu.vector_store %arg9[%swap3A_527], %select_n3A_150 {strides = array<i32>} : memref<3072xi32, #tpu.memory_space<vmem>>, vector<16xi32>,
      %swap3A_529 = arith.constant 3008 : index
      %swap3A_530 = tpu.vector_load %arg9[%swap3A_529] {strides = array<i32>} : memref<3072xi32, #tpu.memory_space<vmem>>, vector<16xi32>,
      tpu.vector_store %arg9[%swap3A_529], %select_n3A_153 {strides = array<i32>} : memref<3072xi32, #tpu.memory_space<vmem>>, vector<16xi32>,
      %swap3A_531 = arith.constant 3024 : index
      %swap3A_532 = tpu.vector_load %arg9[%swap3A_531] {strides = array<i32>} : memref<3072xi32, #tpu.memory_space<vmem>>, vector<16xi32>,
      tpu.vector_store %arg9[%swap3A_531], %select_n3A_147 {strides = array<i32>} : memref<3072xi32, #tpu.memory_space<vmem>>, vector<16xi32>,
      %swap3A_533 = arith.constant 3040 : index
      %swap3A_534 = tpu.vector_load %arg9[%swap3A_533] {strides = array<i32>} : memref<3072xi32, #tpu.memory_space<vmem>>, vector<16xi32>,
      tpu.vector_store %arg9[%swap3A_533], %select_n3A_150 {strides = array<i32>} : memref<3072xi32, #tpu.memory_space<vmem>>, vector<16xi32>,
      %swap3A_535 = arith.constant 3056 : index
      %swap3A_536 = tpu.vector_load %arg9[%swap3A_535] {strides = array<i32>} : memref<3072xi32, #tpu.memory_space<vmem>>, vector<16xi32>,
      tpu.vector_store %arg9[%swap3A_535], %select_n3A_153 {strides = array<i32>} : memref<3072xi32, #tpu.memory_space<vmem>>, vector<16xi32>,
      %get3A = arith.index_cast %mul3A_116 : i32 to index
      %get3A_537 = tpu.vector_load %arg12[%get3A] {strides = array<i32>} : memref<144xi32, #tpu.memory_space<vmem>>, vector<16xi32>,
      %slice3A = vector.extract_strided_slice %get3A_537 {offsets = [0], sizes = [1], strides = [1]} : vector<16xi32> to vector<1xi32>
      %squeeze3A = vector.extract %slice3A[0] : i32 from vector<1xi32>
      %add3A_538 = arith.constant 127 : i32
      %add3A_539 = arith.addi %squeeze3A, %add3A_538 : i32
      %jit3A_540 = arith.constant 128 : i32
      %div3A = arith.divsi %add3A_539, %jit3A_540 : i32
      %sign3A = arith.constant 0 : i32
      %sign3A_541 = arith.cmpi sgt, %add3A_539, %sign3A : i32
      %sign3A_542 = arith.extui %sign3A_541 : i1 to i32
      %sign3A_543 = arith.constant 0 : i32
      %sign3A_544 = arith.cmpi slt, %add3A_539, %sign3A_543 : i32
      %sign3A_545 = arith.extui %sign3A_544 : i1 to i32
      %sign3A_546 = arith.subi %sign3A_542, %sign3A_545 : i32
      %sign3A_547 = arith.constant 0 : i32
      %sign3A_548 = arith.cmpi sgt, %jit3A_540, %sign3A_547 : i32
      %sign3A_549 = arith.extui %sign3A_548 : i1 to i32
      %sign3A_550 = arith.constant 0 : i32
      %sign3A_551 = arith.cmpi slt, %jit3A_540, %sign3A_550 : i32
      %sign3A_552 = arith.extui %sign3A_551 : i1 to i32
      %sign3A_553 = arith.subi %sign3A_549, %sign3A_552 : i32
      %ne3A_554 = arith.cmpi ne, %sign3A_546, %sign3A_553 : i32
      %rem3A_555 = arith.remsi %add3A_539, %jit3A_540 : i32
      %ne3A_556 = arith.constant 0 : i32
      %ne3A_557 = arith.cmpi ne, %rem3A_555, %ne3A_556 : i32
      %and3A_558 = arith.andi %ne3A_554, %ne3A_557 : i1
      %sub3A = arith.constant 1 : i32
      %sub3A_559 = arith.subi %div3A, %sub3A : i32
      %select_n3A_560 = arith.select %and3A_558, %sub3A_559, %div3A : i32
      %broadcast_in_dim3A_561 = arith.constant -3 : i32
      %broadcast_in_dim3A_562 = vector.broadcast %broadcast_in_dim3A_561 : i32 to vector<16xi32>
      %while3A = arith.constant 0 : i32
      %while3A_563 = arith.subi %select_n3A_560, %while3A : i32
      %while3A_564 = arith.addi %while3A, %while3A_563 : i32
      %while3A_565 = arith.constant 1 : i32
      %while3A_566 = arith.divsi %while3A_563, %while3A_565 : i32
      %while3A_567 = arith.muli %while3A_566, %while3A_565 : i32
      %while3A_568 = arith.addi %while3A, %while3A_567 : i32
      %while3A_569 = arith.constant 1 : i32
      %while3A_570 = scf.for %while3A_1129 = %while3A to %while3A_568 step %while3A_569 iter_args(%while3A_1130 = %broadcast_in_dim3A_562) -> (vector<16xi32>)  : i32 {
        %mul3A_1131 = arith.constant 128 : i32
        %mul3A_1132 = arith.muli %while3A_1129, %mul3A_1131 : i32
        %add3A_1133 = vector.broadcast %mul3A_1132 : i32 to vector<16xi32>
        %add3A_1134 = arith.addi %add3A_1133, %iota3A : vector<16xi32>
        %mul3A_1135 = arith.constant 3 : i32
        %mul3A_1136 = arith.muli %mul3A_1135, %mul3A_1132 : i32
        %add3A_1137 = vector.broadcast %mul3A_1136 : i32 to vector<16xi32>
        %add3A_1138 = arith.addi %add3A_1137, %mul3A_7 : vector<16xi32>
        %add3A_1139 = arith.constant 0 : i32
        %add3A_1140 = vector.broadcast %add3A_1139 : i32 to vector<16xi32>
        %add3A_1141 = arith.addi %add3A_1138, %add3A_1140 : vector<16xi32>
        %add3A_1142 = arith.constant 0 : i32
        %add3A_1143 = vector.broadcast %add3A_1142 : i32 to vector<16xi32>
        %add3A_1144 = arith.addi %add3A_1134, %add3A_1143 : vector<16xi32>
        %gather3A_1145 = tpu.vector_load_idx %arg7[%add3A_1141] : memref<3072xi32, #tpu.memory_space<vmem>>[vector<16xi32>], vector<16xi32>,
        %add3A_1146 = arith.constant 1 : i32
        %add3A_1147 = vector.broadcast %add3A_1146 : i32 to vector<16xi32>
        %add3A_1148 = arith.addi %add3A_1141, %add3A_1147 : vector<16xi32>
        %gather3A_1149 = tpu.vector_load_idx %arg7[%add3A_1148] : memref<3072xi32, #tpu.memory_space<vmem>>[vector<16xi32>], vector<16xi32>,
        %add3A_1150 = arith.constant 2 : i32
        %add3A_1151 = vector.broadcast %add3A_1150 : i32 to vector<16xi32>
        %add3A_1152 = arith.addi %add3A_1141, %add3A_1151 : vector<16xi32>
        %gather3A_1153 = tpu.vector_load_idx %arg7[%add3A_1152] : memref<3072xi32, #tpu.memory_space<vmem>>[vector<16xi32>], vector<16xi32>,
        %lt3A_1154 = arith.cmpi slt, %add3A_1144, %gather3A_144 : vector<16xi32>
        %ge3A = arith.cmpi sge, %gather3A_1153, %gather3A_1149 : vector<16xi32>
        %and3A_1155 = arith.andi %lt3A_1154, %ge3A : vector<16xi1>
        %le3A = arith.cmpi sle, %gather3A, %gather3A_1149 : vector<16xi32>
        %and3A_1156 = arith.andi %and3A_1155, %le3A : vector<16xi1>
        %ge3A_1157 = arith.cmpi sge, %gather3A_143, %gather3A_1153 : vector<16xi32>
        %and3A_1158 = arith.andi %and3A_1156, %ge3A_1157 : vector<16xi1>
        %convert_element_type3A_1159 = arith.extui %and3A_1158 : vector<16xi1> to vector<16xi32>
        %broadcast_in_dim3A_1160 = arith.constant true
        %broadcast_in_dim3A_1161 = vector.broadcast %broadcast_in_dim3A_1160 : i1 to vector<16xi1>
        %masked_cumsum3A = tpu.scan <sum>, %convert_element_type3A_1159 masked %broadcast_in_dim3A_1161 : vector<16xi32>, vector<16xi1> -> vector<16xi32>
        %mul3A_1162 = arith.constant 3 : i32
        %mul3A_1163 = vector.broadcast %mul3A_1162 : i32 to vector<16xi32>
        %mul3A_1164 = arith.muli %mul3A_1163, %masked_cumsum3A : vector<16xi32>
        %add3A_1165 = arith.addi %while3A_1130, %mul3A_1164 : vector<16xi32>
        tpu.vector_store_idx %arg9[%add3A_1165], %gather3A_1145 masked %and3A_1158 : memref<3072xi32, #tpu.memory_space<vmem>>[vector<16xi32>], vector<16xi32>, vector<16xi1>
        %add3A_1166 = arith.constant 1 : i32
        %add3A_1167 = vector.broadcast %add3A_1166 : i32 to vector<16xi32>
        %add3A_1168 = arith.addi %add3A_1165, %add3A_1167 : vector<16xi32>
        %add3A_1169 = arith.addi %gather3A_1149, %gather3A : vector<16xi32>
        tpu.vector_store_idx %arg9[%add3A_1168], %add3A_1169 masked %and3A_1158 : memref<3072xi32, #tpu.memory_space<vmem>>[vector<16xi32>], vector<16xi32>, vector<16xi1>
        %add3A_1170 = arith.constant 2 : i32
        %add3A_1171 = vector.broadcast %add3A_1170 : i32 to vector<16xi32>
        %add3A_1172 = arith.addi %add3A_1165, %add3A_1171 : vector<16xi32>
        %add3A_1173 = arith.addi %gather3A_1153, %gather3A : vector<16xi32>
        tpu.vector_store_idx %arg9[%add3A_1172], %add3A_1173 masked %and3A_1158 : memref<3072xi32, #tpu.memory_space<vmem>>[vector<16xi32>], vector<16xi32>, vector<16xi1>
        %all_reduce_population_count3A = tpu.all_reduce %and3A_1158 {dim = 0 : i64, kind = #tpu.reduction_kind<sum>} : vector<16xi1> -> vector<16xi32>
        %mul3A_1174 = arith.constant 3 : i32
        %mul3A_1175 = vector.broadcast %mul3A_1174 : i32 to vector<16xi32>
        %mul3A_1176 = arith.muli %mul3A_1175, %all_reduce_population_count3A : vector<16xi32>
        %add3A_1177 = arith.addi %while3A_1130, %mul3A_1176 : vector<16xi32>
        %add3A_1178 = arith.constant 48 : i32
        %add3A_1179 = vector.broadcast %add3A_1178 : i32 to vector<16xi32>
        %add3A_1180 = arith.addi %add3A_1138, %add3A_1179 : vector<16xi32>
        %add3A_1181 = arith.constant 16 : i32
        %add3A_1182 = vector.broadcast %add3A_1181 : i32 to vector<16xi32>
        %add3A_1183 = arith.addi %add3A_1134, %add3A_1182 : vector<16xi32>
        %gather3A_1184 = tpu.vector_load_idx %arg7[%add3A_1180] : memref<3072xi32, #tpu.memory_space<vmem>>[vector<16xi32>], vector<16xi32>,
        %add3A_1185 = arith.constant 1 : i32
        %add3A_1186 = vector.broadcast %add3A_1185 : i32 to vector<16xi32>
        %add3A_1187 = arith.addi %add3A_1180, %add3A_1186 : vector<16xi32>
        %gather3A_1188 = tpu.vector_load_idx %arg7[%add3A_1187] : memref<3072xi32, #tpu.memory_space<vmem>>[vector<16xi32>], vector<16xi32>,
        %add3A_1189 = arith.constant 2 : i32
        %add3A_1190 = vector.broadcast %add3A_1189 : i32 to vector<16xi32>
        %add3A_1191 = arith.addi %add3A_1180, %add3A_1190 : vector<16xi32>
        %gather3A_1192 = tpu.vector_load_idx %arg7[%add3A_1191] : memref<3072xi32, #tpu.memory_space<vmem>>[vector<16xi32>], vector<16xi32>,
        %lt3A_1193 = arith.cmpi slt, %add3A_1183, %gather3A_144 : vector<16xi32>
        %ge3A_1194 = arith.cmpi sge, %gather3A_1192, %gather3A_1188 : vector<16xi32>
        %and3A_1195 = arith.andi %lt3A_1193, %ge3A_1194 : vector<16xi1>
        %le3A_1196 = arith.cmpi sle, %gather3A, %gather3A_1188 : vector<16xi32>
        %and3A_1197 = arith.andi %and3A_1195, %le3A_1196 : vector<16xi1>
        %ge3A_1198 = arith.cmpi sge, %gather3A_143, %gather3A_1192 : vector<16xi32>
        %and3A_1199 = arith.andi %and3A_1197, %ge3A_1198 : vector<16xi1>
        %convert_element_type3A_1200 = arith.extui %and3A_1199 : vector<16xi1> to vector<16xi32>
        %broadcast_in_dim3A_1201 = arith.constant true
        %broadcast_in_dim3A_1202 = vector.broadcast %broadcast_in_dim3A_1201 : i1 to vector<16xi1>
        %masked_cumsum3A_1203 = tpu.scan <sum>, %convert_element_type3A_1200 masked %broadcast_in_dim3A_1202 : vector<16xi32>, vector<16xi1> -> vector<16xi32>
        %mul3A_1204 = arith.constant 3 : i32
        %mul3A_1205 = vector.broadcast %mul3A_1204 : i32 to vector<16xi32>
        %mul3A_1206 = arith.muli %mul3A_1205, %masked_cumsum3A_1203 : vector<16xi32>
        %add3A_1207 = arith.addi %add3A_1177, %mul3A_1206 : vector<16xi32>
        tpu.vector_store_idx %arg9[%add3A_1207], %gather3A_1184 masked %and3A_1199 : memref<3072xi32, #tpu.memory_space<vmem>>[vector<16xi32>], vector<16xi32>, vector<16xi1>
        %add3A_1208 = arith.constant 1 : i32
        %add3A_1209 = vector.broadcast %add3A_1208 : i32 to vector<16xi32>
        %add3A_1210 = arith.addi %add3A_1207, %add3A_1209 : vector<16xi32>
        %add3A_1211 = arith.addi %gather3A_1188, %gather3A : vector<16xi32>
        tpu.vector_store_idx %arg9[%add3A_1210], %add3A_1211 masked %and3A_1199 : memref<3072xi32, #tpu.memory_space<vmem>>[vector<16xi32>], vector<16xi32>, vector<16xi1>
        %add3A_1212 = arith.constant 2 : i32
        %add3A_1213 = vector.broadcast %add3A_1212 : i32 to vector<16xi32>
        %add3A_1214 = arith.addi %add3A_1207, %add3A_1213 : vector<16xi32>
        %add3A_1215 = arith.addi %gather3A_1192, %gather3A : vector<16xi32>
        tpu.vector_store_idx %arg9[%add3A_1214], %add3A_1215 masked %and3A_1199 : memref<3072xi32, #tpu.memory_space<vmem>>[vector<16xi32>], vector<16xi32>, vector<16xi1>
        %all_reduce_population_count3A_1216 = tpu.all_reduce %and3A_1199 {dim = 0 : i64, kind = #tpu.reduction_kind<sum>} : vector<16xi1> -> vector<16xi32>
        %mul3A_1217 = arith.constant 3 : i32
        %mul3A_1218 = vector.broadcast %mul3A_1217 : i32 to vector<16xi32>
        %mul3A_1219 = arith.muli %mul3A_1218, %all_reduce_population_count3A_1216 : vector<16xi32>
        %add3A_1220 = arith.addi %add3A_1177, %mul3A_1219 : vector<16xi32>
        %add3A_1221 = arith.constant 96 : i32
        %add3A_1222 = vector.broadcast %add3A_1221 : i32 to vector<16xi32>
        %add3A_1223 = arith.addi %add3A_1138, %add3A_1222 : vector<16xi32>
        %add3A_1224 = arith.constant 32 : i32
        %add3A_1225 = vector.broadcast %add3A_1224 : i32 to vector<16xi32>
        %add3A_1226 = arith.addi %add3A_1134, %add3A_1225 : vector<16xi32>
        %gather3A_1227 = tpu.vector_load_idx %arg7[%add3A_1223] : memref<3072xi32, #tpu.memory_space<vmem>>[vector<16xi32>], vector<16xi32>,
        %add3A_1228 = arith.constant 1 : i32
        %add3A_1229 = vector.broadcast %add3A_1228 : i32 to vector<16xi32>
        %add3A_1230 = arith.addi %add3A_1223, %add3A_1229 : vector<16xi32>
        %gather3A_1231 = tpu.vector_load_idx %arg7[%add3A_1230] : memref<3072xi32, #tpu.memory_space<vmem>>[vector<16xi32>], vector<16xi32>,
        %add3A_1232 = arith.constant 2 : i32
        %add3A_1233 = vector.broadcast %add3A_1232 : i32 to vector<16xi32>
        %add3A_1234 = arith.addi %add3A_1223, %add3A_1233 : vector<16xi32>
        %gather3A_1235 = tpu.vector_load_idx %arg7[%add3A_1234] : memref<3072xi32, #tpu.memory_space<vmem>>[vector<16xi32>], vector<16xi32>,
        %lt3A_1236 = arith.cmpi slt, %add3A_1226, %gather3A_144 : vector<16xi32>
        %ge3A_1237 = arith.cmpi sge, %gather3A_1235, %gather3A_1231 : vector<16xi32>
        %and3A_1238 = arith.andi %lt3A_1236, %ge3A_1237 : vector<16xi1>
        %le3A_1239 = arith.cmpi sle, %gather3A, %gather3A_1231 : vector<16xi32>
        %and3A_1240 = arith.andi %and3A_1238, %le3A_1239 : vector<16xi1>
        %ge3A_1241 = arith.cmpi sge, %gather3A_143, %gather3A_1235 : vector<16xi32>
        %and3A_1242 = arith.andi %and3A_1240, %ge3A_1241 : vector<16xi1>
        %convert_element_type3A_1243 = arith.extui %and3A_1242 : vector<16xi1> to vector<16xi32>
        %broadcast_in_dim3A_1244 = arith.constant true
        %broadcast_in_dim3A_1245 = vector.broadcast %broadcast_in_dim3A_1244 : i1 to vector<16xi1>
        %masked_cumsum3A_1246 = tpu.scan <sum>, %convert_element_type3A_1243 masked %broadcast_in_dim3A_1245 : vector<16xi32>, vector<16xi1> -> vector<16xi32>
        %mul3A_1247 = arith.constant 3 : i32
        %mul3A_1248 = vector.broadcast %mul3A_1247 : i32 to vector<16xi32>
        %mul3A_1249 = arith.muli %mul3A_1248, %masked_cumsum3A_1246 : vector<16xi32>
        %add3A_1250 = arith.addi %add3A_1220, %mul3A_1249 : vector<16xi32>
        tpu.vector_store_idx %arg9[%add3A_1250], %gather3A_1227 masked %and3A_1242 : memref<3072xi32, #tpu.memory_space<vmem>>[vector<16xi32>], vector<16xi32>, vector<16xi1>
        %add3A_1251 = arith.constant 1 : i32
        %add3A_1252 = vector.broadcast %add3A_1251 : i32 to vector<16xi32>
        %add3A_1253 = arith.addi %add3A_1250, %add3A_1252 : vector<16xi32>
        %add3A_1254 = arith.addi %gather3A_1231, %gather3A : vector<16xi32>
        tpu.vector_store_idx %arg9[%add3A_1253], %add3A_1254 masked %and3A_1242 : memref<3072xi32, #tpu.memory_space<vmem>>[vector<16xi32>], vector<16xi32>, vector<16xi1>
        %add3A_1255 = arith.constant 2 : i32
        %add3A_1256 = vector.broadcast %add3A_1255 : i32 to vector<16xi32>
        %add3A_1257 = arith.addi %add3A_1250, %add3A_1256 : vector<16xi32>
        %add3A_1258 = arith.addi %gather3A_1235, %gather3A : vector<16xi32>
        tpu.vector_store_idx %arg9[%add3A_1257], %add3A_1258 masked %and3A_1242 : memref<3072xi32, #tpu.memory_space<vmem>>[vector<16xi32>], vector<16xi32>, vector<16xi1>
        %all_reduce_population_count3A_1259 = tpu.all_reduce %and3A_1242 {dim = 0 : i64, kind = #tpu.reduction_kind<sum>} : vector<16xi1> -> vector<16xi32>
        %mul3A_1260 = arith.constant 3 : i32
        %mul3A_1261 = vector.broadcast %mul3A_1260 : i32 to vector<16xi32>
        %mul3A_1262 = arith.muli %mul3A_1261, %all_reduce_population_count3A_1259 : vector<16xi32>
        %add3A_1263 = arith.addi %add3A_1220, %mul3A_1262 : vector<16xi32>
        %add3A_1264 = arith.constant 144 : i32
        %add3A_1265 = vector.broadcast %add3A_1264 : i32 to vector<16xi32>
        %add3A_1266 = arith.addi %add3A_1138, %add3A_1265 : vector<16xi32>
        %add3A_1267 = arith.constant 48 : i32
        %add3A_1268 = vector.broadcast %add3A_1267 : i32 to vector<16xi32>
        %add3A_1269 = arith.addi %add3A_1134, %add3A_1268 : vector<16xi32>
        %gather3A_1270 = tpu.vector_load_idx %arg7[%add3A_1266] : memref<3072xi32, #tpu.memory_space<vmem>>[vector<16xi32>], vector<16xi32>,
        %add3A_1271 = arith.constant 1 : i32
        %add3A_1272 = vector.broadcast %add3A_1271 : i32 to vector<16xi32>
        %add3A_1273 = arith.addi %add3A_1266, %add3A_1272 : vector<16xi32>
        %gather3A_1274 = tpu.vector_load_idx %arg7[%add3A_1273] : memref<3072xi32, #tpu.memory_space<vmem>>[vector<16xi32>], vector<16xi32>,
        %add3A_1275 = arith.constant 2 : i32
        %add3A_1276 = vector.broadcast %add3A_1275 : i32 to vector<16xi32>
        %add3A_1277 = arith.addi %add3A_1266, %add3A_1276 : vector<16xi32>
        %gather3A_1278 = tpu.vector_load_idx %arg7[%add3A_1277] : memref<3072xi32, #tpu.memory_space<vmem>>[vector<16xi32>], vector<16xi32>,
        %lt3A_1279 = arith.cmpi slt, %add3A_1269, %gather3A_144 : vector<16xi32>
        %ge3A_1280 = arith.cmpi sge, %gather3A_1278, %gather3A_1274 : vector<16xi32>
        %and3A_1281 = arith.andi %lt3A_1279, %ge3A_1280 : vector<16xi1>
        %le3A_1282 = arith.cmpi sle, %gather3A, %gather3A_1274 : vector<16xi32>
        %and3A_1283 = arith.andi %and3A_1281, %le3A_1282 : vector<16xi1>
        %ge3A_1284 = arith.cmpi sge, %gather3A_143, %gather3A_1278 : vector<16xi32>
        %and3A_1285 = arith.andi %and3A_1283, %ge3A_1284 : vector<16xi1>
        %convert_element_type3A_1286 = arith.extui %and3A_1285 : vector<16xi1> to vector<16xi32>
        %broadcast_in_dim3A_1287 = arith.constant true
        %broadcast_in_dim3A_1288 = vector.broadcast %broadcast_in_dim3A_1287 : i1 to vector<16xi1>
        %masked_cumsum3A_1289 = tpu.scan <sum>, %convert_element_type3A_1286 masked %broadcast_in_dim3A_1288 : vector<16xi32>, vector<16xi1> -> vector<16xi32>
        %mul3A_1290 = arith.constant 3 : i32
        %mul3A_1291 = vector.broadcast %mul3A_1290 : i32 to vector<16xi32>
        %mul3A_1292 = arith.muli %mul3A_1291, %masked_cumsum3A_1289 : vector<16xi32>
        %add3A_1293 = arith.addi %add3A_1263, %mul3A_1292 : vector<16xi32>
        tpu.vector_store_idx %arg9[%add3A_1293], %gather3A_1270 masked %and3A_1285 : memref<3072xi32, #tpu.memory_space<vmem>>[vector<16xi32>], vector<16xi32>, vector<16xi1>
        %add3A_1294 = arith.constant 1 : i32
        %add3A_1295 = vector.broadcast %add3A_1294 : i32 to vector<16xi32>
        %add3A_1296 = arith.addi %add3A_1293, %add3A_1295 : vector<16xi32>
        %add3A_1297 = arith.addi %gather3A_1274, %gather3A : vector<16xi32>
        tpu.vector_store_idx %arg9[%add3A_1296], %add3A_1297 masked %and3A_1285 : memref<3072xi32, #tpu.memory_space<vmem>>[vector<16xi32>], vector<16xi32>, vector<16xi1>
        %add3A_1298 = arith.constant 2 : i32
        %add3A_1299 = vector.broadcast %add3A_1298 : i32 to vector<16xi32>
        %add3A_1300 = arith.addi %add3A_1293, %add3A_1299 : vector<16xi32>
        %add3A_1301 = arith.addi %gather3A_1278, %gather3A : vector<16xi32>
        tpu.vector_store_idx %arg9[%add3A_1300], %add3A_1301 masked %and3A_1285 : memref<3072xi32, #tpu.memory_space<vmem>>[vector<16xi32>], vector<16xi32>, vector<16xi1>
        %all_reduce_population_count3A_1302 = tpu.all_reduce %and3A_1285 {dim = 0 : i64, kind = #tpu.reduction_kind<sum>} : vector<16xi1> -> vector<16xi32>
        %mul3A_1303 = arith.constant 3 : i32
        %mul3A_1304 = vector.broadcast %mul3A_1303 : i32 to vector<16xi32>
        %mul3A_1305 = arith.muli %mul3A_1304, %all_reduce_population_count3A_1302 : vector<16xi32>
        %add3A_1306 = arith.addi %add3A_1263, %mul3A_1305 : vector<16xi32>
        %add3A_1307 = arith.constant 192 : i32
        %add3A_1308 = vector.broadcast %add3A_1307 : i32 to vector<16xi32>
        %add3A_1309 = arith.addi %add3A_1138, %add3A_1308 : vector<16xi32>
        %add3A_1310 = arith.constant 64 : i32
        %add3A_1311 = vector.broadcast %add3A_1310 : i32 to vector<16xi32>
        %add3A_1312 = arith.addi %add3A_1134, %add3A_1311 : vector<16xi32>
        %gather3A_1313 = tpu.vector_load_idx %arg7[%add3A_1309] : memref<3072xi32, #tpu.memory_space<vmem>>[vector<16xi32>], vector<16xi32>,
        %add3A_1314 = arith.constant 1 : i32
        %add3A_1315 = vector.broadcast %add3A_1314 : i32 to vector<16xi32>
        %add3A_1316 = arith.addi %add3A_1309, %add3A_1315 : vector<16xi32>
        %gather3A_1317 = tpu.vector_load_idx %arg7[%add3A_1316] : memref<3072xi32, #tpu.memory_space<vmem>>[vector<16xi32>], vector<16xi32>,
        %add3A_1318 = arith.constant 2 : i32
        %add3A_1319 = vector.broadcast %add3A_1318 : i32 to vector<16xi32>
        %add3A_1320 = arith.addi %add3A_1309, %add3A_1319 : vector<16xi32>
        %gather3A_1321 = tpu.vector_load_idx %arg7[%add3A_1320] : memref<3072xi32, #tpu.memory_space<vmem>>[vector<16xi32>], vector<16xi32>,
        %lt3A_1322 = arith.cmpi slt, %add3A_1312, %gather3A_144 : vector<16xi32>
        %ge3A_1323 = arith.cmpi sge, %gather3A_1321, %gather3A_1317 : vector<16xi32>
        %and3A_1324 = arith.andi %lt3A_1322, %ge3A_1323 : vector<16xi1>
        %le3A_1325 = arith.cmpi sle, %gather3A, %gather3A_1317 : vector<16xi32>
        %and3A_1326 = arith.andi %and3A_1324, %le3A_1325 : vector<16xi1>
        %ge3A_1327 = arith.cmpi sge, %gather3A_143, %gather3A_1321 : vector<16xi32>
        %and3A_1328 = arith.andi %and3A_1326, %ge3A_1327 : vector<16xi1>
        %convert_element_type3A_1329 = arith.extui %and3A_1328 : vector<16xi1> to vector<16xi32>
        %broadcast_in_dim3A_1330 = arith.constant true
        %broadcast_in_dim3A_1331 = vector.broadcast %broadcast_in_dim3A_1330 : i1 to vector<16xi1>
        %masked_cumsum3A_1332 = tpu.scan <sum>, %convert_element_type3A_1329 masked %broadcast_in_dim3A_1331 : vector<16xi32>, vector<16xi1> -> vector<16xi32>
        %mul3A_1333 = arith.constant 3 : i32
        %mul3A_1334 = vector.broadcast %mul3A_1333 : i32 to vector<16xi32>
        %mul3A_1335 = arith.muli %mul3A_1334, %masked_cumsum3A_1332 : vector<16xi32>
        %add3A_1336 = arith.addi %add3A_1306, %mul3A_1335 : vector<16xi32>
        tpu.vector_store_idx %arg9[%add3A_1336], %gather3A_1313 masked %and3A_1328 : memref<3072xi32, #tpu.memory_space<vmem>>[vector<16xi32>], vector<16xi32>, vector<16xi1>
        %add3A_1337 = arith.constant 1 : i32
        %add3A_1338 = vector.broadcast %add3A_1337 : i32 to vector<16xi32>
        %add3A_1339 = arith.addi %add3A_1336, %add3A_1338 : vector<16xi32>
        %add3A_1340 = arith.addi %gather3A_1317, %gather3A : vector<16xi32>
        tpu.vector_store_idx %arg9[%add3A_1339], %add3A_1340 masked %and3A_1328 : memref<3072xi32, #tpu.memory_space<vmem>>[vector<16xi32>], vector<16xi32>, vector<16xi1>
        %add3A_1341 = arith.constant 2 : i32
        %add3A_1342 = vector.broadcast %add3A_1341 : i32 to vector<16xi32>
        %add3A_1343 = arith.addi %add3A_1336, %add3A_1342 : vector<16xi32>
        %add3A_1344 = arith.addi %gather3A_1321, %gather3A : vector<16xi32>
        tpu.vector_store_idx %arg9[%add3A_1343], %add3A_1344 masked %and3A_1328 : memref<3072xi32, #tpu.memory_space<vmem>>[vector<16xi32>], vector<16xi32>, vector<16xi1>
        %all_reduce_population_count3A_1345 = tpu.all_reduce %and3A_1328 {dim = 0 : i64, kind = #tpu.reduction_kind<sum>} : vector<16xi1> -> vector<16xi32>
        %mul3A_1346 = arith.constant 3 : i32
        %mul3A_1347 = vector.broadcast %mul3A_1346 : i32 to vector<16xi32>
        %mul3A_1348 = arith.muli %mul3A_1347, %all_reduce_population_count3A_1345 : vector<16xi32>
        %add3A_1349 = arith.addi %add3A_1306, %mul3A_1348 : vector<16xi32>
        %add3A_1350 = arith.constant 240 : i32
        %add3A_1351 = vector.broadcast %add3A_1350 : i32 to vector<16xi32>
        %add3A_1352 = arith.addi %add3A_1138, %add3A_1351 : vector<16xi32>
        %add3A_1353 = arith.constant 80 : i32
        %add3A_1354 = vector.broadcast %add3A_1353 : i32 to vector<16xi32>
        %add3A_1355 = arith.addi %add3A_1134, %add3A_1354 : vector<16xi32>
        %gather3A_1356 = tpu.vector_load_idx %arg7[%add3A_1352] : memref<3072xi32, #tpu.memory_space<vmem>>[vector<16xi32>], vector<16xi32>,
        %add3A_1357 = arith.constant 1 : i32
        %add3A_1358 = vector.broadcast %add3A_1357 : i32 to vector<16xi32>
        %add3A_1359 = arith.addi %add3A_1352, %add3A_1358 : vector<16xi32>
        %gather3A_1360 = tpu.vector_load_idx %arg7[%add3A_1359] : memref<3072xi32, #tpu.memory_space<vmem>>[vector<16xi32>], vector<16xi32>,
        %add3A_1361 = arith.constant 2 : i32
        %add3A_1362 = vector.broadcast %add3A_1361 : i32 to vector<16xi32>
        %add3A_1363 = arith.addi %add3A_1352, %add3A_1362 : vector<16xi32>
        %gather3A_1364 = tpu.vector_load_idx %arg7[%add3A_1363] : memref<3072xi32, #tpu.memory_space<vmem>>[vector<16xi32>], vector<16xi32>,
        %lt3A_1365 = arith.cmpi slt, %add3A_1355, %gather3A_144 : vector<16xi32>
        %ge3A_1366 = arith.cmpi sge, %gather3A_1364, %gather3A_1360 : vector<16xi32>
        %and3A_1367 = arith.andi %lt3A_1365, %ge3A_1366 : vector<16xi1>
        %le3A_1368 = arith.cmpi sle, %gather3A, %gather3A_1360 : vector<16xi32>
        %and3A_1369 = arith.andi %and3A_1367, %le3A_1368 : vector<16xi1>
        %ge3A_1370 = arith.cmpi sge, %gather3A_143, %gather3A_1364 : vector<16xi32>
        %and3A_1371 = arith.andi %and3A_1369, %ge3A_1370 : vector<16xi1>
        %convert_element_type3A_1372 = arith.extui %and3A_1371 : vector<16xi1> to vector<16xi32>
        %broadcast_in_dim3A_1373 = arith.constant true
        %broadcast_in_dim3A_1374 = vector.broadcast %broadcast_in_dim3A_1373 : i1 to vector<16xi1>
        %masked_cumsum3A_1375 = tpu.scan <sum>, %convert_element_type3A_1372 masked %broadcast_in_dim3A_1374 : vector<16xi32>, vector<16xi1> -> vector<16xi32>
        %mul3A_1376 = arith.constant 3 : i32
        %mul3A_1377 = vector.broadcast %mul3A_1376 : i32 to vector<16xi32>
        %mul3A_1378 = arith.muli %mul3A_1377, %masked_cumsum3A_1375 : vector<16xi32>
        %add3A_1379 = arith.addi %add3A_1349, %mul3A_1378 : vector<16xi32>
        tpu.vector_store_idx %arg9[%add3A_1379], %gather3A_1356 masked %and3A_1371 : memref<3072xi32, #tpu.memory_space<vmem>>[vector<16xi32>], vector<16xi32>, vector<16xi1>
        %add3A_1380 = arith.constant 1 : i32
        %add3A_1381 = vector.broadcast %add3A_1380 : i32 to vector<16xi32>
        %add3A_1382 = arith.addi %add3A_1379, %add3A_1381 : vector<16xi32>
        %add3A_1383 = arith.addi %gather3A_1360, %gather3A : vector<16xi32>
        tpu.vector_store_idx %arg9[%add3A_1382], %add3A_1383 masked %and3A_1371 : memref<3072xi32, #tpu.memory_space<vmem>>[vector<16xi32>], vector<16xi32>, vector<16xi1>
        %add3A_1384 = arith.constant 2 : i32
        %add3A_1385 = vector.broadcast %add3A_1384 : i32 to vector<16xi32>
        %add3A_1386 = arith.addi %add3A_1379, %add3A_1385 : vector<16xi32>
        %add3A_1387 = arith.addi %gather3A_1364, %gather3A : vector<16xi32>
        tpu.vector_store_idx %arg9[%add3A_1386], %add3A_1387 masked %and3A_1371 : memref<3072xi32, #tpu.memory_space<vmem>>[vector<16xi32>], vector<16xi32>, vector<16xi1>
        %all_reduce_population_count3A_1388 = tpu.all_reduce %and3A_1371 {dim = 0 : i64, kind = #tpu.reduction_kind<sum>} : vector<16xi1> -> vector<16xi32>
        %mul3A_1389 = arith.constant 3 : i32
        %mul3A_1390 = vector.broadcast %mul3A_1389 : i32 to vector<16xi32>
        %mul3A_1391 = arith.muli %mul3A_1390, %all_reduce_population_count3A_1388 : vector<16xi32>
        %add3A_1392 = arith.addi %add3A_1349, %mul3A_1391 : vector<16xi32>
        %add3A_1393 = arith.constant 288 : i32
        %add3A_1394 = vector.broadcast %add3A_1393 : i32 to vector<16xi32>
        %add3A_1395 = arith.addi %add3A_1138, %add3A_1394 : vector<16xi32>
        %add3A_1396 = arith.constant 96 : i32
        %add3A_1397 = vector.broadcast %add3A_1396 : i32 to vector<16xi32>
        %add3A_1398 = arith.addi %add3A_1134, %add3A_1397 : vector<16xi32>
        %gather3A_1399 = tpu.vector_load_idx %arg7[%add3A_1395] : memref<3072xi32, #tpu.memory_space<vmem>>[vector<16xi32>], vector<16xi32>,
        %add3A_1400 = arith.constant 1 : i32
        %add3A_1401 = vector.broadcast %add3A_1400 : i32 to vector<16xi32>
        %add3A_1402 = arith.addi %add3A_1395, %add3A_1401 : vector<16xi32>
        %gather3A_1403 = tpu.vector_load_idx %arg7[%add3A_1402] : memref<3072xi32, #tpu.memory_space<vmem>>[vector<16xi32>], vector<16xi32>,
        %add3A_1404 = arith.constant 2 : i32
        %add3A_1405 = vector.broadcast %add3A_1404 : i32 to vector<16xi32>
        %add3A_1406 = arith.addi %add3A_1395, %add3A_1405 : vector<16xi32>
        %gather3A_1407 = tpu.vector_load_idx %arg7[%add3A_1406] : memref<3072xi32, #tpu.memory_space<vmem>>[vector<16xi32>], vector<16xi32>,
        %lt3A_1408 = arith.cmpi slt, %add3A_1398, %gather3A_144 : vector<16xi32>
        %ge3A_1409 = arith.cmpi sge, %gather3A_1407, %gather3A_1403 : vector<16xi32>
        %and3A_1410 = arith.andi %lt3A_1408, %ge3A_1409 : vector<16xi1>
        %le3A_1411 = arith.cmpi sle, %gather3A, %gather3A_1403 : vector<16xi32>
        %and3A_1412 = arith.andi %and3A_1410, %le3A_1411 : vector<16xi1>
        %ge3A_1413 = arith.cmpi sge, %gather3A_143, %gather3A_1407 : vector<16xi32>
        %and3A_1414 = arith.andi %and3A_1412, %ge3A_1413 : vector<16xi1>
        %convert_element_type3A_1415 = arith.extui %and3A_1414 : vector<16xi1> to vector<16xi32>
        %broadcast_in_dim3A_1416 = arith.constant true
        %broadcast_in_dim3A_1417 = vector.broadcast %broadcast_in_dim3A_1416 : i1 to vector<16xi1>
        %masked_cumsum3A_1418 = tpu.scan <sum>, %convert_element_type3A_1415 masked %broadcast_in_dim3A_1417 : vector<16xi32>, vector<16xi1> -> vector<16xi32>
        %mul3A_1419 = arith.constant 3 : i32
        %mul3A_1420 = vector.broadcast %mul3A_1419 : i32 to vector<16xi32>
        %mul3A_1421 = arith.muli %mul3A_1420, %masked_cumsum3A_1418 : vector<16xi32>
        %add3A_1422 = arith.addi %add3A_1392, %mul3A_1421 : vector<16xi32>
        tpu.vector_store_idx %arg9[%add3A_1422], %gather3A_1399 masked %and3A_1414 : memref<3072xi32, #tpu.memory_space<vmem>>[vector<16xi32>], vector<16xi32>, vector<16xi1>
        %add3A_1423 = arith.constant 1 : i32
        %add3A_1424 = vector.broadcast %add3A_1423 : i32 to vector<16xi32>
        %add3A_1425 = arith.addi %add3A_1422, %add3A_1424 : vector<16xi32>
        %add3A_1426 = arith.addi %gather3A_1403, %gather3A : vector<16xi32>
        tpu.vector_store_idx %arg9[%add3A_1425], %add3A_1426 masked %and3A_1414 : memref<3072xi32, #tpu.memory_space<vmem>>[vector<16xi32>], vector<16xi32>, vector<16xi1>
        %add3A_1427 = arith.constant 2 : i32
        %add3A_1428 = vector.broadcast %add3A_1427 : i32 to vector<16xi32>
        %add3A_1429 = arith.addi %add3A_1422, %add3A_1428 : vector<16xi32>
        %add3A_1430 = arith.addi %gather3A_1407, %gather3A : vector<16xi32>
        tpu.vector_store_idx %arg9[%add3A_1429], %add3A_1430 masked %and3A_1414 : memref<3072xi32, #tpu.memory_space<vmem>>[vector<16xi32>], vector<16xi32>, vector<16xi1>
        %all_reduce_population_count3A_1431 = tpu.all_reduce %and3A_1414 {dim = 0 : i64, kind = #tpu.reduction_kind<sum>} : vector<16xi1> -> vector<16xi32>
        %mul3A_1432 = arith.constant 3 : i32
        %mul3A_1433 = vector.broadcast %mul3A_1432 : i32 to vector<16xi32>
        %mul3A_1434 = arith.muli %mul3A_1433, %all_reduce_population_count3A_1431 : vector<16xi32>
        %add3A_1435 = arith.addi %add3A_1392, %mul3A_1434 : vector<16xi32>
        %add3A_1436 = arith.constant 336 : i32
        %add3A_1437 = vector.broadcast %add3A_1436 : i32 to vector<16xi32>
        %add3A_1438 = arith.addi %add3A_1138, %add3A_1437 : vector<16xi32>
        %add3A_1439 = arith.constant 112 : i32
        %add3A_1440 = vector.broadcast %add3A_1439 : i32 to vector<16xi32>
        %add3A_1441 = arith.addi %add3A_1134, %add3A_1440 : vector<16xi32>
        %gather3A_1442 = tpu.vector_load_idx %arg7[%add3A_1438] : memref<3072xi32, #tpu.memory_space<vmem>>[vector<16xi32>], vector<16xi32>,
        %add3A_1443 = arith.constant 1 : i32
        %add3A_1444 = vector.broadcast %add3A_1443 : i32 to vector<16xi32>
        %add3A_1445 = arith.addi %add3A_1438, %add3A_1444 : vector<16xi32>
        %gather3A_1446 = tpu.vector_load_idx %arg7[%add3A_1445] : memref<3072xi32, #tpu.memory_space<vmem>>[vector<16xi32>], vector<16xi32>,
        %add3A_1447 = arith.constant 2 : i32
        %add3A_1448 = vector.broadcast %add3A_1447 : i32 to vector<16xi32>
        %add3A_1449 = arith.addi %add3A_1438, %add3A_1448 : vector<16xi32>
        %gather3A_1450 = tpu.vector_load_idx %arg7[%add3A_1449] : memref<3072xi32, #tpu.memory_space<vmem>>[vector<16xi32>], vector<16xi32>,
        %lt3A_1451 = arith.cmpi slt, %add3A_1441, %gather3A_144 : vector<16xi32>
        %ge3A_1452 = arith.cmpi sge, %gather3A_1450, %gather3A_1446 : vector<16xi32>
        %and3A_1453 = arith.andi %lt3A_1451, %ge3A_1452 : vector<16xi1>
        %le3A_1454 = arith.cmpi sle, %gather3A, %gather3A_1446 : vector<16xi32>
        %and3A_1455 = arith.andi %and3A_1453, %le3A_1454 : vector<16xi1>
        %ge3A_1456 = arith.cmpi sge, %gather3A_143, %gather3A_1450 : vector<16xi32>
        %and3A_1457 = arith.andi %and3A_1455, %ge3A_1456 : vector<16xi1>
        %convert_element_type3A_1458 = arith.extui %and3A_1457 : vector<16xi1> to vector<16xi32>
        %broadcast_in_dim3A_1459 = arith.constant true
        %broadcast_in_dim3A_1460 = vector.broadcast %broadcast_in_dim3A_1459 : i1 to vector<16xi1>
        %masked_cumsum3A_1461 = tpu.scan <sum>, %convert_element_type3A_1458 masked %broadcast_in_dim3A_1460 : vector<16xi32>, vector<16xi1> -> vector<16xi32>
        %mul3A_1462 = arith.constant 3 : i32
        %mul3A_1463 = vector.broadcast %mul3A_1462 : i32 to vector<16xi32>
        %mul3A_1464 = arith.muli %mul3A_1463, %masked_cumsum3A_1461 : vector<16xi32>
        %add3A_1465 = arith.addi %add3A_1435, %mul3A_1464 : vector<16xi32>
        tpu.vector_store_idx %arg9[%add3A_1465], %gather3A_1442 masked %and3A_1457 : memref<3072xi32, #tpu.memory_space<vmem>>[vector<16xi32>], vector<16xi32>, vector<16xi1>
        %add3A_1466 = arith.constant 1 : i32
        %add3A_1467 = vector.broadcast %add3A_1466 : i32 to vector<16xi32>
        %add3A_1468 = arith.addi %add3A_1465, %add3A_1467 : vector<16xi32>
        %add3A_1469 = arith.addi %gather3A_1446, %gather3A : vector<16xi32>
        tpu.vector_store_idx %arg9[%add3A_1468], %add3A_1469 masked %and3A_1457 : memref<3072xi32, #tpu.memory_space<vmem>>[vector<16xi32>], vector<16xi32>, vector<16xi1>
        %add3A_1470 = arith.constant 2 : i32
        %add3A_1471 = vector.broadcast %add3A_1470 : i32 to vector<16xi32>
        %add3A_1472 = arith.addi %add3A_1465, %add3A_1471 : vector<16xi32>
        %add3A_1473 = arith.addi %gather3A_1450, %gather3A : vector<16xi32>
        tpu.vector_store_idx %arg9[%add3A_1472], %add3A_1473 masked %and3A_1457 : memref<3072xi32, #tpu.memory_space<vmem>>[vector<16xi32>], vector<16xi32>, vector<16xi1>
        %all_reduce_population_count3A_1474 = tpu.all_reduce %and3A_1457 {dim = 0 : i64, kind = #tpu.reduction_kind<sum>} : vector<16xi1> -> vector<16xi32>
        %mul3A_1475 = arith.constant 3 : i32
        %mul3A_1476 = vector.broadcast %mul3A_1475 : i32 to vector<16xi32>
        %mul3A_1477 = arith.muli %mul3A_1476, %all_reduce_population_count3A_1474 : vector<16xi32>
        %add3A_1478 = arith.addi %add3A_1435, %mul3A_1477 : vector<16xi32>
        scf.yield %add3A_1478 : vector<16xi32>
      }
      %while3A_571 = arith.constant 1 : i32
      %while3A_572 = scf.for %while3A_1129 = %while3A_568 to %while3A_564 step %while3A_571 iter_args(%while3A_1130 = %while3A_570) -> (vector<16xi32>)  : i32 {
        %mul3A_1131 = arith.constant 128 : i32
        %mul3A_1132 = arith.muli %while3A_1129, %mul3A_1131 : i32
        %add3A_1133 = vector.broadcast %mul3A_1132 : i32 to vector<16xi32>
        %add3A_1134 = arith.addi %add3A_1133, %iota3A : vector<16xi32>
        %mul3A_1135 = arith.constant 3 : i32
        %mul3A_1136 = arith.muli %mul3A_1135, %mul3A_1132 : i32
        %add3A_1137 = vector.broadcast %mul3A_1136 : i32 to vector<16xi32>
        %add3A_1138 = arith.addi %add3A_1137, %mul3A_7 : vector<16xi32>
        %add3A_1139 = arith.constant 0 : i32
        %add3A_1140 = vector.broadcast %add3A_1139 : i32 to vector<16xi32>
        %add3A_1141 = arith.addi %add3A_1138, %add3A_1140 : vector<16xi32>
        %add3A_1142 = arith.constant 0 : i32
        %add3A_1143 = vector.broadcast %add3A_1142 : i32 to vector<16xi32>
        %add3A_1144 = arith.addi %add3A_1134, %add3A_1143 : vector<16xi32>
        %gather3A_1145 = tpu.vector_load_idx %arg7[%add3A_1141] : memref<3072xi32, #tpu.memory_space<vmem>>[vector<16xi32>], vector<16xi32>,
        %add3A_1146 = arith.constant 1 : i32
        %add3A_1147 = vector.broadcast %add3A_1146 : i32 to vector<16xi32>
        %add3A_1148 = arith.addi %add3A_1141, %add3A_1147 : vector<16xi32>
        %gather3A_1149 = tpu.vector_load_idx %arg7[%add3A_1148] : memref<3072xi32, #tpu.memory_space<vmem>>[vector<16xi32>], vector<16xi32>,
        %add3A_1150 = arith.constant 2 : i32
        %add3A_1151 = vector.broadcast %add3A_1150 : i32 to vector<16xi32>
        %add3A_1152 = arith.addi %add3A_1141, %add3A_1151 : vector<16xi32>
        %gather3A_1153 = tpu.vector_load_idx %arg7[%add3A_1152] : memref<3072xi32, #tpu.memory_space<vmem>>[vector<16xi32>], vector<16xi32>,
        %lt3A_1154 = arith.cmpi slt, %add3A_1144, %gather3A_144 : vector<16xi32>
        %ge3A = arith.cmpi sge, %gather3A_1153, %gather3A_1149 : vector<16xi32>
        %and3A_1155 = arith.andi %lt3A_1154, %ge3A : vector<16xi1>
        %le3A = arith.cmpi sle, %gather3A, %gather3A_1149 : vector<16xi32>
        %and3A_1156 = arith.andi %and3A_1155, %le3A : vector<16xi1>
        %ge3A_1157 = arith.cmpi sge, %gather3A_143, %gather3A_1153 : vector<16xi32>
        %and3A_1158 = arith.andi %and3A_1156, %ge3A_1157 : vector<16xi1>
        %convert_element_type3A_1159 = arith.extui %and3A_1158 : vector<16xi1> to vector<16xi32>
        %broadcast_in_dim3A_1160 = arith.constant true
        %broadcast_in_dim3A_1161 = vector.broadcast %broadcast_in_dim3A_1160 : i1 to vector<16xi1>
        %masked_cumsum3A = tpu.scan <sum>, %convert_element_type3A_1159 masked %broadcast_in_dim3A_1161 : vector<16xi32>, vector<16xi1> -> vector<16xi32>
        %mul3A_1162 = arith.constant 3 : i32
        %mul3A_1163 = vector.broadcast %mul3A_1162 : i32 to vector<16xi32>
        %mul3A_1164 = arith.muli %mul3A_1163, %masked_cumsum3A : vector<16xi32>
        %add3A_1165 = arith.addi %while3A_1130, %mul3A_1164 : vector<16xi32>
        tpu.vector_store_idx %arg9[%add3A_1165], %gather3A_1145 masked %and3A_1158 : memref<3072xi32, #tpu.memory_space<vmem>>[vector<16xi32>], vector<16xi32>, vector<16xi1>
        %add3A_1166 = arith.constant 1 : i32
        %add3A_1167 = vector.broadcast %add3A_1166 : i32 to vector<16xi32>
        %add3A_1168 = arith.addi %add3A_1165, %add3A_1167 : vector<16xi32>
        %add3A_1169 = arith.addi %gather3A_1149, %gather3A : vector<16xi32>
        tpu.vector_store_idx %arg9[%add3A_1168], %add3A_1169 masked %and3A_1158 : memref<3072xi32, #tpu.memory_space<vmem>>[vector<16xi32>], vector<16xi32>, vector<16xi1>
        %add3A_1170 = arith.constant 2 : i32
        %add3A_1171 = vector.broadcast %add3A_1170 : i32 to vector<16xi32>
        %add3A_1172 = arith.addi %add3A_1165, %add3A_1171 : vector<16xi32>
        %add3A_1173 = arith.addi %gather3A_1153, %gather3A : vector<16xi32>
        tpu.vector_store_idx %arg9[%add3A_1172], %add3A_1173 masked %and3A_1158 : memref<3072xi32, #tpu.memory_space<vmem>>[vector<16xi32>], vector<16xi32>, vector<16xi1>
        %all_reduce_population_count3A = tpu.all_reduce %and3A_1158 {dim = 0 : i64, kind = #tpu.reduction_kind<sum>} : vector<16xi1> -> vector<16xi32>
        %mul3A_1174 = arith.constant 3 : i32
        %mul3A_1175 = vector.broadcast %mul3A_1174 : i32 to vector<16xi32>
        %mul3A_1176 = arith.muli %mul3A_1175, %all_reduce_population_count3A : vector<16xi32>
        %add3A_1177 = arith.addi %while3A_1130, %mul3A_1176 : vector<16xi32>
        %add3A_1178 = arith.constant 48 : i32
        %add3A_1179 = vector.broadcast %add3A_1178 : i32 to vector<16xi32>
        %add3A_1180 = arith.addi %add3A_1138, %add3A_1179 : vector<16xi32>
        %add3A_1181 = arith.constant 16 : i32
        %add3A_1182 = vector.broadcast %add3A_1181 : i32 to vector<16xi32>
        %add3A_1183 = arith.addi %add3A_1134, %add3A_1182 : vector<16xi32>
        %gather3A_1184 = tpu.vector_load_idx %arg7[%add3A_1180] : memref<3072xi32, #tpu.memory_space<vmem>>[vector<16xi32>], vector<16xi32>,
        %add3A_1185 = arith.constant 1 : i32
        %add3A_1186 = vector.broadcast %add3A_1185 : i32 to vector<16xi32>
        %add3A_1187 = arith.addi %add3A_1180, %add3A_1186 : vector<16xi32>
        %gather3A_1188 = tpu.vector_load_idx %arg7[%add3A_1187] : memref<3072xi32, #tpu.memory_space<vmem>>[vector<16xi32>], vector<16xi32>,
        %add3A_1189 = arith.constant 2 : i32
        %add3A_1190 = vector.broadcast %add3A_1189 : i32 to vector<16xi32>
        %add3A_1191 = arith.addi %add3A_1180, %add3A_1190 : vector<16xi32>
        %gather3A_1192 = tpu.vector_load_idx %arg7[%add3A_1191] : memref<3072xi32, #tpu.memory_space<vmem>>[vector<16xi32>], vector<16xi32>,
        %lt3A_1193 = arith.cmpi slt, %add3A_1183, %gather3A_144 : vector<16xi32>
        %ge3A_1194 = arith.cmpi sge, %gather3A_1192, %gather3A_1188 : vector<16xi32>
        %and3A_1195 = arith.andi %lt3A_1193, %ge3A_1194 : vector<16xi1>
        %le3A_1196 = arith.cmpi sle, %gather3A, %gather3A_1188 : vector<16xi32>
        %and3A_1197 = arith.andi %and3A_1195, %le3A_1196 : vector<16xi1>
        %ge3A_1198 = arith.cmpi sge, %gather3A_143, %gather3A_1192 : vector<16xi32>
        %and3A_1199 = arith.andi %and3A_1197, %ge3A_1198 : vector<16xi1>
        %convert_element_type3A_1200 = arith.extui %and3A_1199 : vector<16xi1> to vector<16xi32>
        %broadcast_in_dim3A_1201 = arith.constant true
        %broadcast_in_dim3A_1202 = vector.broadcast %broadcast_in_dim3A_1201 : i1 to vector<16xi1>
        %masked_cumsum3A_1203 = tpu.scan <sum>, %convert_element_type3A_1200 masked %broadcast_in_dim3A_1202 : vector<16xi32>, vector<16xi1> -> vector<16xi32>
        %mul3A_1204 = arith.constant 3 : i32
        %mul3A_1205 = vector.broadcast %mul3A_1204 : i32 to vector<16xi32>
        %mul3A_1206 = arith.muli %mul3A_1205, %masked_cumsum3A_1203 : vector<16xi32>
        %add3A_1207 = arith.addi %add3A_1177, %mul3A_1206 : vector<16xi32>
        tpu.vector_store_idx %arg9[%add3A_1207], %gather3A_1184 masked %and3A_1199 : memref<3072xi32, #tpu.memory_space<vmem>>[vector<16xi32>], vector<16xi32>, vector<16xi1>
        %add3A_1208 = arith.constant 1 : i32
        %add3A_1209 = vector.broadcast %add3A_1208 : i32 to vector<16xi32>
        %add3A_1210 = arith.addi %add3A_1207, %add3A_1209 : vector<16xi32>
        %add3A_1211 = arith.addi %gather3A_1188, %gather3A : vector<16xi32>
        tpu.vector_store_idx %arg9[%add3A_1210], %add3A_1211 masked %and3A_1199 : memref<3072xi32, #tpu.memory_space<vmem>>[vector<16xi32>], vector<16xi32>, vector<16xi1>
        %add3A_1212 = arith.constant 2 : i32
        %add3A_1213 = vector.broadcast %add3A_1212 : i32 to vector<16xi32>
        %add3A_1214 = arith.addi %add3A_1207, %add3A_1213 : vector<16xi32>
        %add3A_1215 = arith.addi %gather3A_1192, %gather3A : vector<16xi32>
        tpu.vector_store_idx %arg9[%add3A_1214], %add3A_1215 masked %and3A_1199 : memref<3072xi32, #tpu.memory_space<vmem>>[vector<16xi32>], vector<16xi32>, vector<16xi1>
        %all_reduce_population_count3A_1216 = tpu.all_reduce %and3A_1199 {dim = 0 : i64, kind = #tpu.reduction_kind<sum>} : vector<16xi1> -> vector<16xi32>
        %mul3A_1217 = arith.constant 3 : i32
        %mul3A_1218 = vector.broadcast %mul3A_1217 : i32 to vector<16xi32>
        %mul3A_1219 = arith.muli %mul3A_1218, %all_reduce_population_count3A_1216 : vector<16xi32>
        %add3A_1220 = arith.addi %add3A_1177, %mul3A_1219 : vector<16xi32>
        %add3A_1221 = arith.constant 96 : i32
        %add3A_1222 = vector.broadcast %add3A_1221 : i32 to vector<16xi32>
        %add3A_1223 = arith.addi %add3A_1138, %add3A_1222 : vector<16xi32>
        %add3A_1224 = arith.constant 32 : i32
        %add3A_1225 = vector.broadcast %add3A_1224 : i32 to vector<16xi32>
        %add3A_1226 = arith.addi %add3A_1134, %add3A_1225 : vector<16xi32>
        %gather3A_1227 = tpu.vector_load_idx %arg7[%add3A_1223] : memref<3072xi32, #tpu.memory_space<vmem>>[vector<16xi32>], vector<16xi32>,
        %add3A_1228 = arith.constant 1 : i32
        %add3A_1229 = vector.broadcast %add3A_1228 : i32 to vector<16xi32>
        %add3A_1230 = arith.addi %add3A_1223, %add3A_1229 : vector<16xi32>
        %gather3A_1231 = tpu.vector_load_idx %arg7[%add3A_1230] : memref<3072xi32, #tpu.memory_space<vmem>>[vector<16xi32>], vector<16xi32>,
        %add3A_1232 = arith.constant 2 : i32
        %add3A_1233 = vector.broadcast %add3A_1232 : i32 to vector<16xi32>
        %add3A_1234 = arith.addi %add3A_1223, %add3A_1233 : vector<16xi32>
        %gather3A_1235 = tpu.vector_load_idx %arg7[%add3A_1234] : memref<3072xi32, #tpu.memory_space<vmem>>[vector<16xi32>], vector<16xi32>,
        %lt3A_1236 = arith.cmpi slt, %add3A_1226, %gather3A_144 : vector<16xi32>
        %ge3A_1237 = arith.cmpi sge, %gather3A_1235, %gather3A_1231 : vector<16xi32>
        %and3A_1238 = arith.andi %lt3A_1236, %ge3A_1237 : vector<16xi1>
        %le3A_1239 = arith.cmpi sle, %gather3A, %gather3A_1231 : vector<16xi32>
        %and3A_1240 = arith.andi %and3A_1238, %le3A_1239 : vector<16xi1>
        %ge3A_1241 = arith.cmpi sge, %gather3A_143, %gather3A_1235 : vector<16xi32>
        %and3A_1242 = arith.andi %and3A_1240, %ge3A_1241 : vector<16xi1>
        %convert_element_type3A_1243 = arith.extui %and3A_1242 : vector<16xi1> to vector<16xi32>
        %broadcast_in_dim3A_1244 = arith.constant true
        %broadcast_in_dim3A_1245 = vector.broadcast %broadcast_in_dim3A_1244 : i1 to vector<16xi1>
        %masked_cumsum3A_1246 = tpu.scan <sum>, %convert_element_type3A_1243 masked %broadcast_in_dim3A_1245 : vector<16xi32>, vector<16xi1> -> vector<16xi32>
        %mul3A_1247 = arith.constant 3 : i32
        %mul3A_1248 = vector.broadcast %mul3A_1247 : i32 to vector<16xi32>
        %mul3A_1249 = arith.muli %mul3A_1248, %masked_cumsum3A_1246 : vector<16xi32>
        %add3A_1250 = arith.addi %add3A_1220, %mul3A_1249 : vector<16xi32>
        tpu.vector_store_idx %arg9[%add3A_1250], %gather3A_1227 masked %and3A_1242 : memref<3072xi32, #tpu.memory_space<vmem>>[vector<16xi32>], vector<16xi32>, vector<16xi1>
        %add3A_1251 = arith.constant 1 : i32
        %add3A_1252 = vector.broadcast %add3A_1251 : i32 to vector<16xi32>
        %add3A_1253 = arith.addi %add3A_1250, %add3A_1252 : vector<16xi32>
        %add3A_1254 = arith.addi %gather3A_1231, %gather3A : vector<16xi32>
        tpu.vector_store_idx %arg9[%add3A_1253], %add3A_1254 masked %and3A_1242 : memref<3072xi32, #tpu.memory_space<vmem>>[vector<16xi32>], vector<16xi32>, vector<16xi1>
        %add3A_1255 = arith.constant 2 : i32
        %add3A_1256 = vector.broadcast %add3A_1255 : i32 to vector<16xi32>
        %add3A_1257 = arith.addi %add3A_1250, %add3A_1256 : vector<16xi32>
        %add3A_1258 = arith.addi %gather3A_1235, %gather3A : vector<16xi32>
        tpu.vector_store_idx %arg9[%add3A_1257], %add3A_1258 masked %and3A_1242 : memref<3072xi32, #tpu.memory_space<vmem>>[vector<16xi32>], vector<16xi32>, vector<16xi1>
        %all_reduce_population_count3A_1259 = tpu.all_reduce %and3A_1242 {dim = 0 : i64, kind = #tpu.reduction_kind<sum>} : vector<16xi1> -> vector<16xi32>
        %mul3A_1260 = arith.constant 3 : i32
        %mul3A_1261 = vector.broadcast %mul3A_1260 : i32 to vector<16xi32>
        %mul3A_1262 = arith.muli %mul3A_1261, %all_reduce_population_count3A_1259 : vector<16xi32>
        %add3A_1263 = arith.addi %add3A_1220, %mul3A_1262 : vector<16xi32>
        %add3A_1264 = arith.constant 144 : i32
        %add3A_1265 = vector.broadcast %add3A_1264 : i32 to vector<16xi32>
        %add3A_1266 = arith.addi %add3A_1138, %add3A_1265 : vector<16xi32>
        %add3A_1267 = arith.constant 48 : i32
        %add3A_1268 = vector.broadcast %add3A_1267 : i32 to vector<16xi32>
        %add3A_1269 = arith.addi %add3A_1134, %add3A_1268 : vector<16xi32>
        %gather3A_1270 = tpu.vector_load_idx %arg7[%add3A_1266] : memref<3072xi32, #tpu.memory_space<vmem>>[vector<16xi32>], vector<16xi32>,
        %add3A_1271 = arith.constant 1 : i32
        %add3A_1272 = vector.broadcast %add3A_1271 : i32 to vector<16xi32>
        %add3A_1273 = arith.addi %add3A_1266, %add3A_1272 : vector<16xi32>
        %gather3A_1274 = tpu.vector_load_idx %arg7[%add3A_1273] : memref<3072xi32, #tpu.memory_space<vmem>>[vector<16xi32>], vector<16xi32>,
        %add3A_1275 = arith.constant 2 : i32
        %add3A_1276 = vector.broadcast %add3A_1275 : i32 to vector<16xi32>
        %add3A_1277 = arith.addi %add3A_1266, %add3A_1276 : vector<16xi32>
        %gather3A_1278 = tpu.vector_load_idx %arg7[%add3A_1277] : memref<3072xi32, #tpu.memory_space<vmem>>[vector<16xi32>], vector<16xi32>,
        %lt3A_1279 = arith.cmpi slt, %add3A_1269, %gather3A_144 : vector<16xi32>
        %ge3A_1280 = arith.cmpi sge, %gather3A_1278, %gather3A_1274 : vector<16xi32>
        %and3A_1281 = arith.andi %lt3A_1279, %ge3A_1280 : vector<16xi1>
        %le3A_1282 = arith.cmpi sle, %gather3A, %gather3A_1274 : vector<16xi32>
        %and3A_1283 = arith.andi %and3A_1281, %le3A_1282 : vector<16xi1>
        %ge3A_1284 = arith.cmpi sge, %gather3A_143, %gather3A_1278 : vector<16xi32>
        %and3A_1285 = arith.andi %and3A_1283, %ge3A_1284 : vector<16xi1>
        %convert_element_type3A_1286 = arith.extui %and3A_1285 : vector<16xi1> to vector<16xi32>
        %broadcast_in_dim3A_1287 = arith.constant true
        %broadcast_in_dim3A_1288 = vector.broadcast %broadcast_in_dim3A_1287 : i1 to vector<16xi1>
        %masked_cumsum3A_1289 = tpu.scan <sum>, %convert_element_type3A_1286 masked %broadcast_in_dim3A_1288 : vector<16xi32>, vector<16xi1> -> vector<16xi32>
        %mul3A_1290 = arith.constant 3 : i32
        %mul3A_1291 = vector.broadcast %mul3A_1290 : i32 to vector<16xi32>
        %mul3A_1292 = arith.muli %mul3A_1291, %masked_cumsum3A_1289 : vector<16xi32>
        %add3A_1293 = arith.addi %add3A_1263, %mul3A_1292 : vector<16xi32>
        tpu.vector_store_idx %arg9[%add3A_1293], %gather3A_1270 masked %and3A_1285 : memref<3072xi32, #tpu.memory_space<vmem>>[vector<16xi32>], vector<16xi32>, vector<16xi1>
        %add3A_1294 = arith.constant 1 : i32
        %add3A_1295 = vector.broadcast %add3A_1294 : i32 to vector<16xi32>
        %add3A_1296 = arith.addi %add3A_1293, %add3A_1295 : vector<16xi32>
        %add3A_1297 = arith.addi %gather3A_1274, %gather3A : vector<16xi32>
        tpu.vector_store_idx %arg9[%add3A_1296], %add3A_1297 masked %and3A_1285 : memref<3072xi32, #tpu.memory_space<vmem>>[vector<16xi32>], vector<16xi32>, vector<16xi1>
        %add3A_1298 = arith.constant 2 : i32
        %add3A_1299 = vector.broadcast %add3A_1298 : i32 to vector<16xi32>
        %add3A_1300 = arith.addi %add3A_1293, %add3A_1299 : vector<16xi32>
        %add3A_1301 = arith.addi %gather3A_1278, %gather3A : vector<16xi32>
        tpu.vector_store_idx %arg9[%add3A_1300], %add3A_1301 masked %and3A_1285 : memref<3072xi32, #tpu.memory_space<vmem>>[vector<16xi32>], vector<16xi32>, vector<16xi1>
        %all_reduce_population_count3A_1302 = tpu.all_reduce %and3A_1285 {dim = 0 : i64, kind = #tpu.reduction_kind<sum>} : vector<16xi1> -> vector<16xi32>
        %mul3A_1303 = arith.constant 3 : i32
        %mul3A_1304 = vector.broadcast %mul3A_1303 : i32 to vector<16xi32>
        %mul3A_1305 = arith.muli %mul3A_1304, %all_reduce_population_count3A_1302 : vector<16xi32>
        %add3A_1306 = arith.addi %add3A_1263, %mul3A_1305 : vector<16xi32>
        %add3A_1307 = arith.constant 192 : i32
        %add3A_1308 = vector.broadcast %add3A_1307 : i32 to vector<16xi32>
        %add3A_1309 = arith.addi %add3A_1138, %add3A_1308 : vector<16xi32>
        %add3A_1310 = arith.constant 64 : i32
        %add3A_1311 = vector.broadcast %add3A_1310 : i32 to vector<16xi32>
        %add3A_1312 = arith.addi %add3A_1134, %add3A_1311 : vector<16xi32>
        %gather3A_1313 = tpu.vector_load_idx %arg7[%add3A_1309] : memref<3072xi32, #tpu.memory_space<vmem>>[vector<16xi32>], vector<16xi32>,
        %add3A_1314 = arith.constant 1 : i32
        %add3A_1315 = vector.broadcast %add3A_1314 : i32 to vector<16xi32>
        %add3A_1316 = arith.addi %add3A_1309, %add3A_1315 : vector<16xi32>
        %gather3A_1317 = tpu.vector_load_idx %arg7[%add3A_1316] : memref<3072xi32, #tpu.memory_space<vmem>>[vector<16xi32>], vector<16xi32>,
        %add3A_1318 = arith.constant 2 : i32
        %add3A_1319 = vector.broadcast %add3A_1318 : i32 to vector<16xi32>
        %add3A_1320 = arith.addi %add3A_1309, %add3A_1319 : vector<16xi32>
        %gather3A_1321 = tpu.vector_load_idx %arg7[%add3A_1320] : memref<3072xi32, #tpu.memory_space<vmem>>[vector<16xi32>], vector<16xi32>,
        %lt3A_1322 = arith.cmpi slt, %add3A_1312, %gather3A_144 : vector<16xi32>
        %ge3A_1323 = arith.cmpi sge, %gather3A_1321, %gather3A_1317 : vector<16xi32>
        %and3A_1324 = arith.andi %lt3A_1322, %ge3A_1323 : vector<16xi1>
        %le3A_1325 = arith.cmpi sle, %gather3A, %gather3A_1317 : vector<16xi32>
        %and3A_1326 = arith.andi %and3A_1324, %le3A_1325 : vector<16xi1>
        %ge3A_1327 = arith.cmpi sge, %gather3A_143, %gather3A_1321 : vector<16xi32>
        %and3A_1328 = arith.andi %and3A_1326, %ge3A_1327 : vector<16xi1>
        %convert_element_type3A_1329 = arith.extui %and3A_1328 : vector<16xi1> to vector<16xi32>
        %broadcast_in_dim3A_1330 = arith.constant true
        %broadcast_in_dim3A_1331 = vector.broadcast %broadcast_in_dim3A_1330 : i1 to vector<16xi1>
        %masked_cumsum3A_1332 = tpu.scan <sum>, %convert_element_type3A_1329 masked %broadcast_in_dim3A_1331 : vector<16xi32>, vector<16xi1> -> vector<16xi32>
        %mul3A_1333 = arith.constant 3 : i32
        %mul3A_1334 = vector.broadcast %mul3A_1333 : i32 to vector<16xi32>
        %mul3A_1335 = arith.muli %mul3A_1334, %masked_cumsum3A_1332 : vector<16xi32>
        %add3A_1336 = arith.addi %add3A_1306, %mul3A_1335 : vector<16xi32>
        tpu.vector_store_idx %arg9[%add3A_1336], %gather3A_1313 masked %and3A_1328 : memref<3072xi32, #tpu.memory_space<vmem>>[vector<16xi32>], vector<16xi32>, vector<16xi1>
        %add3A_1337 = arith.constant 1 : i32
        %add3A_1338 = vector.broadcast %add3A_1337 : i32 to vector<16xi32>
        %add3A_1339 = arith.addi %add3A_1336, %add3A_1338 : vector<16xi32>
        %add3A_1340 = arith.addi %gather3A_1317, %gather3A : vector<16xi32>
        tpu.vector_store_idx %arg9[%add3A_1339], %add3A_1340 masked %and3A_1328 : memref<3072xi32, #tpu.memory_space<vmem>>[vector<16xi32>], vector<16xi32>, vector<16xi1>
        %add3A_1341 = arith.constant 2 : i32
        %add3A_1342 = vector.broadcast %add3A_1341 : i32 to vector<16xi32>
        %add3A_1343 = arith.addi %add3A_1336, %add3A_1342 : vector<16xi32>
        %add3A_1344 = arith.addi %gather3A_1321, %gather3A : vector<16xi32>
        tpu.vector_store_idx %arg9[%add3A_1343], %add3A_1344 masked %and3A_1328 : memref<3072xi32, #tpu.memory_space<vmem>>[vector<16xi32>], vector<16xi32>, vector<16xi1>
        %all_reduce_population_count3A_1345 = tpu.all_reduce %and3A_1328 {dim = 0 : i64, kind = #tpu.reduction_kind<sum>} : vector<16xi1> -> vector<16xi32>
        %mul3A_1346 = arith.constant 3 : i32
        %mul3A_1347 = vector.broadcast %mul3A_1346 : i32 to vector<16xi32>
        %mul3A_1348 = arith.muli %mul3A_1347, %all_reduce_population_count3A_1345 : vector<16xi32>
        %add3A_1349 = arith.addi %add3A_1306, %mul3A_1348 : vector<16xi32>
        %add3A_1350 = arith.constant 240 : i32
        %add3A_1351 = vector.broadcast %add3A_1350 : i32 to vector<16xi32>
        %add3A_1352 = arith.addi %add3A_1138, %add3A_1351 : vector<16xi32>
        %add3A_1353 = arith.constant 80 : i32
        %add3A_1354 = vector.broadcast %add3A_1353 : i32 to vector<16xi32>
        %add3A_1355 = arith.addi %add3A_1134, %add3A_1354 : vector<16xi32>
        %gather3A_1356 = tpu.vector_load_idx %arg7[%add3A_1352] : memref<3072xi32, #tpu.memory_space<vmem>>[vector<16xi32>], vector<16xi32>,
        %add3A_1357 = arith.constant 1 : i32
        %add3A_1358 = vector.broadcast %add3A_1357 : i32 to vector<16xi32>
        %add3A_1359 = arith.addi %add3A_1352, %add3A_1358 : vector<16xi32>
        %gather3A_1360 = tpu.vector_load_idx %arg7[%add3A_1359] : memref<3072xi32, #tpu.memory_space<vmem>>[vector<16xi32>], vector<16xi32>,
        %add3A_1361 = arith.constant 2 : i32
        %add3A_1362 = vector.broadcast %add3A_1361 : i32 to vector<16xi32>
        %add3A_1363 = arith.addi %add3A_1352, %add3A_1362 : vector<16xi32>
        %gather3A_1364 = tpu.vector_load_idx %arg7[%add3A_1363] : memref<3072xi32, #tpu.memory_space<vmem>>[vector<16xi32>], vector<16xi32>,
        %lt3A_1365 = arith.cmpi slt, %add3A_1355, %gather3A_144 : vector<16xi32>
        %ge3A_1366 = arith.cmpi sge, %gather3A_1364, %gather3A_1360 : vector<16xi32>
        %and3A_1367 = arith.andi %lt3A_1365, %ge3A_1366 : vector<16xi1>
        %le3A_1368 = arith.cmpi sle, %gather3A, %gather3A_1360 : vector<16xi32>
        %and3A_1369 = arith.andi %and3A_1367, %le3A_1368 : vector<16xi1>
        %ge3A_1370 = arith.cmpi sge, %gather3A_143, %gather3A_1364 : vector<16xi32>
        %and3A_1371 = arith.andi %and3A_1369, %ge3A_1370 : vector<16xi1>
        %convert_element_type3A_1372 = arith.extui %and3A_1371 : vector<16xi1> to vector<16xi32>
        %broadcast_in_dim3A_1373 = arith.constant true
        %broadcast_in_dim3A_1374 = vector.broadcast %broadcast_in_dim3A_1373 : i1 to vector<16xi1>
        %masked_cumsum3A_1375 = tpu.scan <sum>, %convert_element_type3A_1372 masked %broadcast_in_dim3A_1374 : vector<16xi32>, vector<16xi1> -> vector<16xi32>
        %mul3A_1376 = arith.constant 3 : i32
        %mul3A_1377 = vector.broadcast %mul3A_1376 : i32 to vector<16xi32>
        %mul3A_1378 = arith.muli %mul3A_1377, %masked_cumsum3A_1375 : vector<16xi32>
        %add3A_1379 = arith.addi %add3A_1349, %mul3A_1378 : vector<16xi32>
        tpu.vector_store_idx %arg9[%add3A_1379], %gather3A_1356 masked %and3A_1371 : memref<3072xi32, #tpu.memory_space<vmem>>[vector<16xi32>], vector<16xi32>, vector<16xi1>
        %add3A_1380 = arith.constant 1 : i32
        %add3A_1381 = vector.broadcast %add3A_1380 : i32 to vector<16xi32>
        %add3A_1382 = arith.addi %add3A_1379, %add3A_1381 : vector<16xi32>
        %add3A_1383 = arith.addi %gather3A_1360, %gather3A : vector<16xi32>
        tpu.vector_store_idx %arg9[%add3A_1382], %add3A_1383 masked %and3A_1371 : memref<3072xi32, #tpu.memory_space<vmem>>[vector<16xi32>], vector<16xi32>, vector<16xi1>
        %add3A_1384 = arith.constant 2 : i32
        %add3A_1385 = vector.broadcast %add3A_1384 : i32 to vector<16xi32>
        %add3A_1386 = arith.addi %add3A_1379, %add3A_1385 : vector<16xi32>
        %add3A_1387 = arith.addi %gather3A_1364, %gather3A : vector<16xi32>
        tpu.vector_store_idx %arg9[%add3A_1386], %add3A_1387 masked %and3A_1371 : memref<3072xi32, #tpu.memory_space<vmem>>[vector<16xi32>], vector<16xi32>, vector<16xi1>
        %all_reduce_population_count3A_1388 = tpu.all_reduce %and3A_1371 {dim = 0 : i64, kind = #tpu.reduction_kind<sum>} : vector<16xi1> -> vector<16xi32>
        %mul3A_1389 = arith.constant 3 : i32
        %mul3A_1390 = vector.broadcast %mul3A_1389 : i32 to vector<16xi32>
        %mul3A_1391 = arith.muli %mul3A_1390, %all_reduce_population_count3A_1388 : vector<16xi32>
        %add3A_1392 = arith.addi %add3A_1349, %mul3A_1391 : vector<16xi32>
        %add3A_1393 = arith.constant 288 : i32
        %add3A_1394 = vector.broadcast %add3A_1393 : i32 to vector<16xi32>
        %add3A_1395 = arith.addi %add3A_1138, %add3A_1394 : vector<16xi32>
        %add3A_1396 = arith.constant 96 : i32
        %add3A_1397 = vector.broadcast %add3A_1396 : i32 to vector<16xi32>
        %add3A_1398 = arith.addi %add3A_1134, %add3A_1397 : vector<16xi32>
        %gather3A_1399 = tpu.vector_load_idx %arg7[%add3A_1395] : memref<3072xi32, #tpu.memory_space<vmem>>[vector<16xi32>], vector<16xi32>,
        %add3A_1400 = arith.constant 1 : i32
        %add3A_1401 = vector.broadcast %add3A_1400 : i32 to vector<16xi32>
        %add3A_1402 = arith.addi %add3A_1395, %add3A_1401 : vector<16xi32>
        %gather3A_1403 = tpu.vector_load_idx %arg7[%add3A_1402] : memref<3072xi32, #tpu.memory_space<vmem>>[vector<16xi32>], vector<16xi32>,
        %add3A_1404 = arith.constant 2 : i32
        %add3A_1405 = vector.broadcast %add3A_1404 : i32 to vector<16xi32>
        %add3A_1406 = arith.addi %add3A_1395, %add3A_1405 : vector<16xi32>
        %gather3A_1407 = tpu.vector_load_idx %arg7[%add3A_1406] : memref<3072xi32, #tpu.memory_space<vmem>>[vector<16xi32>], vector<16xi32>,
        %lt3A_1408 = arith.cmpi slt, %add3A_1398, %gather3A_144 : vector<16xi32>
        %ge3A_1409 = arith.cmpi sge, %gather3A_1407, %gather3A_1403 : vector<16xi32>
        %and3A_1410 = arith.andi %lt3A_1408, %ge3A_1409 : vector<16xi1>
        %le3A_1411 = arith.cmpi sle, %gather3A, %gather3A_1403 : vector<16xi32>
        %and3A_1412 = arith.andi %and3A_1410, %le3A_1411 : vector<16xi1>
        %ge3A_1413 = arith.cmpi sge, %gather3A_143, %gather3A_1407 : vector<16xi32>
        %and3A_1414 = arith.andi %and3A_1412, %ge3A_1413 : vector<16xi1>
        %convert_element_type3A_1415 = arith.extui %and3A_1414 : vector<16xi1> to vector<16xi32>
        %broadcast_in_dim3A_1416 = arith.constant true
        %broadcast_in_dim3A_1417 = vector.broadcast %broadcast_in_dim3A_1416 : i1 to vector<16xi1>
        %masked_cumsum3A_1418 = tpu.scan <sum>, %convert_element_type3A_1415 masked %broadcast_in_dim3A_1417 : vector<16xi32>, vector<16xi1> -> vector<16xi32>
        %mul3A_1419 = arith.constant 3 : i32
        %mul3A_1420 = vector.broadcast %mul3A_1419 : i32 to vector<16xi32>
        %mul3A_1421 = arith.muli %mul3A_1420, %masked_cumsum3A_1418 : vector<16xi32>
        %add3A_1422 = arith.addi %add3A_1392, %mul3A_1421 : vector<16xi32>
        tpu.vector_store_idx %arg9[%add3A_1422], %gather3A_1399 masked %and3A_1414 : memref<3072xi32, #tpu.memory_space<vmem>>[vector<16xi32>], vector<16xi32>, vector<16xi1>
        %add3A_1423 = arith.constant 1 : i32
        %add3A_1424 = vector.broadcast %add3A_1423 : i32 to vector<16xi32>
        %add3A_1425 = arith.addi %add3A_1422, %add3A_1424 : vector<16xi32>
        %add3A_1426 = arith.addi %gather3A_1403, %gather3A : vector<16xi32>
        tpu.vector_store_idx %arg9[%add3A_1425], %add3A_1426 masked %and3A_1414 : memref<3072xi32, #tpu.memory_space<vmem>>[vector<16xi32>], vector<16xi32>, vector<16xi1>
        %add3A_1427 = arith.constant 2 : i32
        %add3A_1428 = vector.broadcast %add3A_1427 : i32 to vector<16xi32>
        %add3A_1429 = arith.addi %add3A_1422, %add3A_1428 : vector<16xi32>
        %add3A_1430 = arith.addi %gather3A_1407, %gather3A : vector<16xi32>
        tpu.vector_store_idx %arg9[%add3A_1429], %add3A_1430 masked %and3A_1414 : memref<3072xi32, #tpu.memory_space<vmem>>[vector<16xi32>], vector<16xi32>, vector<16xi1>
        %all_reduce_population_count3A_1431 = tpu.all_reduce %and3A_1414 {dim = 0 : i64, kind = #tpu.reduction_kind<sum>} : vector<16xi1> -> vector<16xi32>
        %mul3A_1432 = arith.constant 3 : i32
        %mul3A_1433 = vector.broadcast %mul3A_1432 : i32 to vector<16xi32>
        %mul3A_1434 = arith.muli %mul3A_1433, %all_reduce_population_count3A_1431 : vector<16xi32>
        %add3A_1435 = arith.addi %add3A_1392, %mul3A_1434 : vector<16xi32>
        %add3A_1436 = arith.constant 336 : i32
        %add3A_1437 = vector.broadcast %add3A_1436 : i32 to vector<16xi32>
        %add3A_1438 = arith.addi %add3A_1138, %add3A_1437 : vector<16xi32>
        %add3A_1439 = arith.constant 112 : i32
        %add3A_1440 = vector.broadcast %add3A_1439 : i32 to vector<16xi32>
        %add3A_1441 = arith.addi %add3A_1134, %add3A_1440 : vector<16xi32>
        %gather3A_1442 = tpu.vector_load_idx %arg7[%add3A_1438] : memref<3072xi32, #tpu.memory_space<vmem>>[vector<16xi32>], vector<16xi32>,
        %add3A_1443 = arith.constant 1 : i32
        %add3A_1444 = vector.broadcast %add3A_1443 : i32 to vector<16xi32>
        %add3A_1445 = arith.addi %add3A_1438, %add3A_1444 : vector<16xi32>
        %gather3A_1446 = tpu.vector_load_idx %arg7[%add3A_1445] : memref<3072xi32, #tpu.memory_space<vmem>>[vector<16xi32>], vector<16xi32>,
        %add3A_1447 = arith.constant 2 : i32
        %add3A_1448 = vector.broadcast %add3A_1447 : i32 to vector<16xi32>
        %add3A_1449 = arith.addi %add3A_1438, %add3A_1448 : vector<16xi32>
        %gather3A_1450 = tpu.vector_load_idx %arg7[%add3A_1449] : memref<3072xi32, #tpu.memory_space<vmem>>[vector<16xi32>], vector<16xi32>,
        %lt3A_1451 = arith.cmpi slt, %add3A_1441, %gather3A_144 : vector<16xi32>
        %ge3A_1452 = arith.cmpi sge, %gather3A_1450, %gather3A_1446 : vector<16xi32>
        %and3A_1453 = arith.andi %lt3A_1451, %ge3A_1452 : vector<16xi1>
        %le3A_1454 = arith.cmpi sle, %gather3A, %gather3A_1446 : vector<16xi32>
        %and3A_1455 = arith.andi %and3A_1453, %le3A_1454 : vector<16xi1>
        %ge3A_1456 = arith.cmpi sge, %gather3A_143, %gather3A_1450 : vector<16xi32>
        %and3A_1457 = arith.andi %and3A_1455, %ge3A_1456 : vector<16xi1>
        %convert_element_type3A_1458 = arith.extui %and3A_1457 : vector<16xi1> to vector<16xi32>
        %broadcast_in_dim3A_1459 = arith.constant true
        %broadcast_in_dim3A_1460 = vector.broadcast %broadcast_in_dim3A_1459 : i1 to vector<16xi1>
        %masked_cumsum3A_1461 = tpu.scan <sum>, %convert_element_type3A_1458 masked %broadcast_in_dim3A_1460 : vector<16xi32>, vector<16xi1> -> vector<16xi32>
        %mul3A_1462 = arith.constant 3 : i32
        %mul3A_1463 = vector.broadcast %mul3A_1462 : i32 to vector<16xi32>
        %mul3A_1464 = arith.muli %mul3A_1463, %masked_cumsum3A_1461 : vector<16xi32>
        %add3A_1465 = arith.addi %add3A_1435, %mul3A_1464 : vector<16xi32>
        tpu.vector_store_idx %arg9[%add3A_1465], %gather3A_1442 masked %and3A_1457 : memref<3072xi32, #tpu.memory_space<vmem>>[vector<16xi32>], vector<16xi32>, vector<16xi1>
        %add3A_1466 = arith.constant 1 : i32
        %add3A_1467 = vector.broadcast %add3A_1466 : i32 to vector<16xi32>
        %add3A_1468 = arith.addi %add3A_1465, %add3A_1467 : vector<16xi32>
        %add3A_1469 = arith.addi %gather3A_1446, %gather3A : vector<16xi32>
        tpu.vector_store_idx %arg9[%add3A_1468], %add3A_1469 masked %and3A_1457 : memref<3072xi32, #tpu.memory_space<vmem>>[vector<16xi32>], vector<16xi32>, vector<16xi1>
        %add3A_1470 = arith.constant 2 : i32
        %add3A_1471 = vector.broadcast %add3A_1470 : i32 to vector<16xi32>
        %add3A_1472 = arith.addi %add3A_1465, %add3A_1471 : vector<16xi32>
        %add3A_1473 = arith.addi %gather3A_1450, %gather3A : vector<16xi32>
        tpu.vector_store_idx %arg9[%add3A_1472], %add3A_1473 masked %and3A_1457 : memref<3072xi32, #tpu.memory_space<vmem>>[vector<16xi32>], vector<16xi32>, vector<16xi1>
        %all_reduce_population_count3A_1474 = tpu.all_reduce %and3A_1457 {dim = 0 : i64, kind = #tpu.reduction_kind<sum>} : vector<16xi1> -> vector<16xi32>
        %mul3A_1475 = arith.constant 3 : i32
        %mul3A_1476 = vector.broadcast %mul3A_1475 : i32 to vector<16xi32>
        %mul3A_1477 = arith.muli %mul3A_1476, %all_reduce_population_count3A_1474 : vector<16xi32>
        %add3A_1478 = arith.addi %add3A_1435, %mul3A_1477 : vector<16xi32>
        scf.yield %add3A_1478 : vector<16xi32>
      }
      %add3A_573 = arith.constant 3 : i32
      %add3A_574 = vector.broadcast %add3A_573 : i32 to vector<16xi32>
      %add3A_575 = arith.addi %while3A_572, %add3A_574 : vector<16xi32>
      %jit3A_576 = arith.constant 3 : i32
      %div3A_577 = vector.broadcast %jit3A_576 : i32 to vector<16xi32>
      %div3A_578 = arith.divsi %add3A_575, %div3A_577 : vector<16xi32>
      %sign3A_579 = arith.constant 0 : i32
      %sign3A_580 = vector.broadcast %sign3A_579 : i32 to vector<16xi32>
      %sign3A_581 = arith.cmpi sgt, %add3A_575, %sign3A_580 : vector<16xi32>
      %sign3A_582 = arith.extui %sign3A_581 : vector<16xi1> to vector<16xi32>
      %sign3A_583 = arith.constant 0 : i32
      %sign3A_584 = vector.broadcast %sign3A_583 : i32 to vector<16xi32>
      %sign3A_585 = arith.cmpi slt, %add3A_575, %sign3A_584 : vector<16xi32>
      %sign3A_586 = arith.extui %sign3A_585 : vector<16xi1> to vector<16xi32>
      %sign3A_587 = arith.subi %sign3A_582, %sign3A_586 : vector<16xi32>
      %sign3A_588 = arith.constant 0 : i32
      %sign3A_589 = arith.cmpi sgt, %jit3A_576, %sign3A_588 : i32
      %sign3A_590 = arith.extui %sign3A_589 : i1 to i32
      %sign3A_591 = arith.constant 0 : i32
      %sign3A_592 = arith.cmpi slt, %jit3A_576, %sign3A_591 : i32
      %sign3A_593 = arith.extui %sign3A_592 : i1 to i32
      %sign3A_594 = arith.subi %sign3A_590, %sign3A_593 : i32
      %ne3A_595 = vector.broadcast %sign3A_594 : i32 to vector<16xi32>
      %ne3A_596 = arith.cmpi ne, %sign3A_587, %ne3A_595 : vector<16xi32>
      %rem3A_597 = vector.broadcast %jit3A_576 : i32 to vector<16xi32>
      %rem3A_598 = arith.remsi %add3A_575, %rem3A_597 : vector<16xi32>
      %ne3A_599 = arith.constant 0 : i32
      %ne3A_600 = vector.broadcast %ne3A_599 : i32 to vector<16xi32>
      %ne3A_601 = arith.cmpi ne, %rem3A_598, %ne3A_600 : vector<16xi32>
      %and3A_602 = arith.andi %ne3A_596, %ne3A_601 : vector<16xi1>
      %sub3A_603 = arith.constant 1 : i32
      %sub3A_604 = vector.broadcast %sub3A_603 : i32 to vector<16xi32>
      %sub3A_605 = arith.subi %div3A_578, %sub3A_604 : vector<16xi32>
      %select_n3A_606 = arith.select %and3A_602, %sub3A_605, %div3A_578 : vector<16xi1>, vector<16xi32>
      tpu.vector_store_idx %arg13[%broadcast_in_dim3A], %select_n3A_606 masked %eq3A_9 : memref<128xi32, #tpu.memory_space<vmem>>[vector<16xi32>], vector<16xi32>, vector<16xi1>
      %add3A_607 = arith.addi %mul3A_2, %mul3A_116 : i32
      %dma_start3A_608 = arith.constant 0 : i32
      %dma_start3A_609 = tpu.memref_slice %arg5[%add3A_607, %dma_start3A_608] : memref<4096x3072xi32, #tpu.memory_space<hbm>> -> memref<1x3072xi32, #tpu.memory_space<hbm>>
      %dma_start3A_610 = tpu.memref_squeeze %dma_start3A_609 : memref<1x3072xi32, #tpu.memory_space<hbm>> -> memref<3072xi32, #tpu.memory_space<hbm>>
      %dma_start3A_611 = arith.constant 0 : i32
      %dma_start3A_612 = tpu.memref_slice %arg5[%add3A_607, %dma_start3A_611] : memref<4096x3072xi32, #tpu.memory_space<hbm>> -> memref<1x3072xi32, #tpu.memory_space<hbm>>
      %dma_start3A_613 = tpu.memref_squeeze %dma_start3A_612 : memref<1x3072xi32, #tpu.memory_space<hbm>> -> memref<3072xi32, #tpu.memory_space<hbm>>
      tpu.enqueue_dma source(%arg9 : memref<3072xi32, #tpu.memory_space<vmem>>) target(%dma_start3A_613 : memref<3072xi32, #tpu.memory_space<hbm>>) target_semaphore(%arg16 : memref<!tpu.dma_semaphore, #tpu.memory_space<semaphore_mem>>)
      %add3A_614 = arith.constant 2 : i32
      %add3A_615 = arith.addi %mul3A_116, %add3A_614 : i32
      %min3A = arith.constant 127 : i32
      %min3A_616 = arith.minsi %add3A_615, %min3A : i32
      %add3A_617 = arith.addi %mul3A_2, %min3A_616 : i32
      %dma_start3A_618 = arith.constant 0 : i32
      %dma_start3A_619 = tpu.memref_slice %arg2[%add3A_617, %dma_start3A_618] : memref<4096x3072xi32, #tpu.memory_space<hbm>> -> memref<1x3072xi32, #tpu.memory_space<hbm>>
      %dma_start3A_620 = tpu.memref_squeeze %dma_start3A_619 : memref<1x3072xi32, #tpu.memory_space<hbm>> -> memref<3072xi32, #tpu.memory_space<hbm>>
      %dma_start3A_621 = arith.constant 0 : i32
      %dma_start3A_622 = tpu.memref_slice %arg2[%add3A_617, %dma_start3A_621] : memref<4096x3072xi32, #tpu.memory_space<hbm>> -> memref<1x3072xi32, #tpu.memory_space<hbm>>
      %dma_start3A_623 = tpu.memref_squeeze %dma_start3A_622 : memref<1x3072xi32, #tpu.memory_space<hbm>> -> memref<3072xi32, #tpu.memory_space<hbm>>
      tpu.enqueue_dma source(%dma_start3A_623 : memref<3072xi32, #tpu.memory_space<hbm>>) target(%arg7 : memref<3072xi32, #tpu.memory_space<vmem>>) target_semaphore(%arg14 : memref<!tpu.dma_semaphore, #tpu.memory_space<semaphore_mem>>)
      %dma_wait3A_624 = arith.constant 0 : i32
      %dma_wait3A_625 = tpu.memref_slice %arg2[%mul3A_2, %dma_wait3A_624] : memref<4096x3072xi32, #tpu.memory_space<hbm>> -> memref<1x3072xi32, #tpu.memory_space<hbm>>
      %dma_wait3A_626 = tpu.memref_squeeze %dma_wait3A_625 : memref<1x3072xi32, #tpu.memory_space<hbm>> -> memref<3072xi32, #tpu.memory_space<hbm>>
      %dma_wait3A_627 = arith.constant 0 : i32
      %dma_wait3A_628 = tpu.memref_slice %arg2[%mul3A_2, %dma_wait3A_627] : memref<4096x3072xi32, #tpu.memory_space<hbm>> -> memref<1x3072xi32, #tpu.memory_space<hbm>>
      %dma_wait3A_629 = tpu.memref_squeeze %dma_wait3A_628 : memref<1x3072xi32, #tpu.memory_space<hbm>> -> memref<3072xi32, #tpu.memory_space<hbm>>
      tpu.wait_dma2 semaphore(%arg15 : memref<!tpu.dma_semaphore, #tpu.memory_space<semaphore_mem>>) src(%dma_wait3A_629 : memref<3072xi32, #tpu.memory_space<hbm>>) dst(%arg8 : memref<3072xi32, #tpu.memory_space<vmem>>)
      %gt3A_630 = arith.constant 0 : i32
      %gt3A_631 = arith.cmpi sgt, %scan3A_114, %gt3A_630 : i32
      %convert_element_type3A_632 = arith.extui %gt3A_631 : i1 to i32
      %cond3A_633 = arith.constant 0 : i32
      %cond3A_634 = arith.cmpi ne, %convert_element_type3A_632, %cond3A_633 : i32
      scf.if %cond3A_634 {
        %dma_wait3A_1129 = arith.constant 0 : i32
        %dma_wait3A_1130 = tpu.memref_slice %arg5[%mul3A_2, %dma_wait3A_1129] : memref<4096x3072xi32, #tpu.memory_space<hbm>> -> memref<1x3072xi32, #tpu.memory_space<hbm>>
        %dma_wait3A_1131 = tpu.memref_squeeze %dma_wait3A_1130 : memref<1x3072xi32, #tpu.memory_space<hbm>> -> memref<3072xi32, #tpu.memory_space<hbm>>
        %dma_wait3A_1132 = arith.constant 0 : i32
        %dma_wait3A_1133 = tpu.memref_slice %arg5[%mul3A_2, %dma_wait3A_1132] : memref<4096x3072xi32, #tpu.memory_space<hbm>> -> memref<1x3072xi32, #tpu.memory_space<hbm>>
        %dma_wait3A_1134 = tpu.memref_squeeze %dma_wait3A_1133 : memref<1x3072xi32, #tpu.memory_space<hbm>> -> memref<3072xi32, #tpu.memory_space<hbm>>
        tpu.wait_dma2 semaphore(%arg17 : memref<!tpu.dma_semaphore, #tpu.memory_space<semaphore_mem>>) src(%arg10 : memref<3072xi32, #tpu.memory_space<vmem>>) dst(%dma_wait3A_1134 : memref<3072xi32, #tpu.memory_space<hbm>>)
      } else {
      }
      %add3A_635 = arith.constant 1 : i32
      %add3A_636 = arith.addi %mul3A_116, %add3A_635 : i32
      %broadcast_in_dim3A_637 = vector.broadcast %add3A_636 : i32 to vector<16xi32>
      %mul3A_638 = arith.constant 2 : i32
      %mul3A_639 = vector.broadcast %mul3A_638 : i32 to vector<16xi32>
      %mul3A_640 = arith.muli %mul3A_639, %broadcast_in_dim3A_637 : vector<16xi32>
      %gather3A_641 = tpu.vector_load_idx %arg11[%mul3A_640] : memref<256xi32, #tpu.memory_space<vmem>>[vector<16xi32>], vector<16xi32>,
      %mul3A_642 = arith.constant 2 : i32
      %mul3A_643 = vector.broadcast %mul3A_642 : i32 to vector<16xi32>
      %mul3A_644 = arith.muli %mul3A_643, %broadcast_in_dim3A_637 : vector<16xi32>
      %add3A_645 = arith.constant 1 : i32
      %add3A_646 = vector.broadcast %add3A_645 : i32 to vector<16xi32>
      %add3A_647 = arith.addi %mul3A_644, %add3A_646 : vector<16xi32>
      %gather3A_648 = tpu.vector_load_idx %arg11[%add3A_647] : memref<256xi32, #tpu.memory_space<vmem>>[vector<16xi32>], vector<16xi32>,
      %gather3A_649 = tpu.vector_load_idx %arg12[%broadcast_in_dim3A_637] : memref<144xi32, #tpu.memory_space<vmem>>[vector<16xi32>], vector<16xi32>,
      %jit3A_650 = arith.constant 0 : i32
      %broadcast_in_dim3A_651 = vector.broadcast %jit3A_650 : i32 to vector<16xi32>
      %select_n3A_652 = arith.select %eq3A_28, %broadcast_in_dim3A_651, %gather3A_641 : vector<16xi1>, vector<16xi32>
      %jit3A_653 = arith.constant 0 : i32
      %broadcast_in_dim3A_654 = vector.broadcast %jit3A_653 : i32 to vector<16xi32>
      %select_n3A_655 = arith.select %eq3A_56, %broadcast_in_dim3A_654, %gather3A_641 : vector<16xi1>, vector<16xi32>
      %jit3A_656 = arith.constant 0 : i32
      %broadcast_in_dim3A_657 = vector.broadcast %jit3A_656 : i32 to vector<16xi32>
      %select_n3A_658 = arith.select %eq3A_84, %broadcast_in_dim3A_657, %gather3A_641 : vector<16xi1>, vector<16xi32>
      %swap3A_659 = arith.constant 0 : index
      %swap3A_660 = tpu.vector_load %arg10[%swap3A_659] {strides = array<i32>} : memref<3072xi32, #tpu.memory_space<vmem>>, vector<16xi32>,
      tpu.vector_store %arg10[%swap3A_659], %select_n3A_652 {strides = array<i32>} : memref<3072xi32, #tpu.memory_space<vmem>>, vector<16xi32>,
      %swap3A_661 = arith.constant 16 : index
      %swap3A_662 = tpu.vector_load %arg10[%swap3A_661] {strides = array<i32>} : memref<3072xi32, #tpu.memory_space<vmem>>, vector<16xi32>,
      tpu.vector_store %arg10[%swap3A_661], %select_n3A_655 {strides = array<i32>} : memref<3072xi32, #tpu.memory_space<vmem>>, vector<16xi32>,
      %swap3A_663 = arith.constant 32 : index
      %swap3A_664 = tpu.vector_load %arg10[%swap3A_663] {strides = array<i32>} : memref<3072xi32, #tpu.memory_space<vmem>>, vector<16xi32>,
      tpu.vector_store %arg10[%swap3A_663], %select_n3A_658 {strides = array<i32>} : memref<3072xi32, #tpu.memory_space<vmem>>, vector<16xi32>,
      %swap3A_665 = arith.constant 48 : index
      %swap3A_666 = tpu.vector_load %arg10[%swap3A_665] {strides = array<i32>} : memref<3072xi32, #tpu.memory_space<vmem>>, vector<16xi32>,
      tpu.vector_store %arg10[%swap3A_665], %select_n3A_652 {strides = array<i32>} : memref<3072xi32, #tpu.memory_space<vmem>>, vector<16xi32>,
      %swap3A_667 = arith.constant 64 : index
      %swap3A_668 = tpu.vector_load %arg10[%swap3A_667] {strides = array<i32>} : memref<3072xi32, #tpu.memory_space<vmem>>, vector<16xi32>,
      tpu.vector_store %arg10[%swap3A_667], %select_n3A_655 {strides = array<i32>} : memref<3072xi32, #tpu.memory_space<vmem>>, vector<16xi32>,
      %swap3A_669 = arith.constant 80 : index
      %swap3A_670 = tpu.vector_load %arg10[%swap3A_669] {strides = array<i32>} : memref<3072xi32, #tpu.memory_space<vmem>>, vector<16xi32>,
      tpu.vector_store %arg10[%swap3A_669], %select_n3A_658 {strides = array<i32>} : memref<3072xi32, #tpu.memory_space<vmem>>, vector<16xi32>,
      %swap3A_671 = arith.constant 96 : index
      %swap3A_672 = tpu.vector_load %arg10[%swap3A_671] {strides = array<i32>} : memref<3072xi32, #tpu.memory_space<vmem>>, vector<16xi32>,
      tpu.vector_store %arg10[%swap3A_671], %select_n3A_652 {strides = array<i32>} : memref<3072xi32, #tpu.memory_space<vmem>>, vector<16xi32>,
      %swap3A_673 = arith.constant 112 : index
      %swap3A_674 = tpu.vector_load %arg10[%swap3A_673] {strides = array<i32>} : memref<3072xi32, #tpu.memory_space<vmem>>, vector<16xi32>,
      tpu.vector_store %arg10[%swap3A_673], %select_n3A_655 {strides = array<i32>} : memref<3072xi32, #tpu.memory_space<vmem>>, vector<16xi32>,
      %swap3A_675 = arith.constant 128 : index
      %swap3A_676 = tpu.vector_load %arg10[%swap3A_675] {strides = array<i32>} : memref<3072xi32, #tpu.memory_space<vmem>>, vector<16xi32>,
      tpu.vector_store %arg10[%swap3A_675], %select_n3A_658 {strides = array<i32>} : memref<3072xi32, #tpu.memory_space<vmem>>, vector<16xi32>,
      %swap3A_677 = arith.constant 144 : index
      %swap3A_678 = tpu.vector_load %arg10[%swap3A_677] {strides = array<i32>} : memref<3072xi32, #tpu.memory_space<vmem>>, vector<16xi32>,
      tpu.vector_store %arg10[%swap3A_677], %select_n3A_652 {strides = array<i32>} : memref<3072xi32, #tpu.memory_space<vmem>>, vector<16xi32>,
      %swap3A_679 = arith.constant 160 : index
      %swap3A_680 = tpu.vector_load %arg10[%swap3A_679] {strides = array<i32>} : memref<3072xi32, #tpu.memory_space<vmem>>, vector<16xi32>,
      tpu.vector_store %arg10[%swap3A_679], %select_n3A_655 {strides = array<i32>} : memref<3072xi32, #tpu.memory_space<vmem>>, vector<16xi32>,
      %swap3A_681 = arith.constant 176 : index
      %swap3A_682 = tpu.vector_load %arg10[%swap3A_681] {strides = array<i32>} : memref<3072xi32, #tpu.memory_space<vmem>>, vector<16xi32>,
      tpu.vector_store %arg10[%swap3A_681], %select_n3A_658 {strides = array<i32>} : memref<3072xi32, #tpu.memory_space<vmem>>, vector<16xi32>,
      %swap3A_683 = arith.constant 192 : index
      %swap3A_684 = tpu.vector_load %arg10[%swap3A_683] {strides = array<i32>} : memref<3072xi32, #tpu.memory_space<vmem>>, vector<16xi32>,
      tpu.vector_store %arg10[%swap3A_683], %select_n3A_652 {strides = array<i32>} : memref<3072xi32, #tpu.memory_space<vmem>>, vector<16xi32>,
      %swap3A_685 = arith.constant 208 : index
      %swap3A_686 = tpu.vector_load %arg10[%swap3A_685] {strides = array<i32>} : memref<3072xi32, #tpu.memory_space<vmem>>, vector<16xi32>,
      tpu.vector_store %arg10[%swap3A_685], %select_n3A_655 {strides = array<i32>} : memref<3072xi32, #tpu.memory_space<vmem>>, vector<16xi32>,
      %swap3A_687 = arith.constant 224 : index
      %swap3A_688 = tpu.vector_load %arg10[%swap3A_687] {strides = array<i32>} : memref<3072xi32, #tpu.memory_space<vmem>>, vector<16xi32>,
      tpu.vector_store %arg10[%swap3A_687], %select_n3A_658 {strides = array<i32>} : memref<3072xi32, #tpu.memory_space<vmem>>, vector<16xi32>,
      %swap3A_689 = arith.constant 240 : index
      %swap3A_690 = tpu.vector_load %arg10[%swap3A_689] {strides = array<i32>} : memref<3072xi32, #tpu.memory_space<vmem>>, vector<16xi32>,
      tpu.vector_store %arg10[%swap3A_689], %select_n3A_652 {strides = array<i32>} : memref<3072xi32, #tpu.memory_space<vmem>>, vector<16xi32>,
      %swap3A_691 = arith.constant 256 : index
      %swap3A_692 = tpu.vector_load %arg10[%swap3A_691] {strides = array<i32>} : memref<3072xi32, #tpu.memory_space<vmem>>, vector<16xi32>,
      tpu.vector_store %arg10[%swap3A_691], %select_n3A_655 {strides = array<i32>} : memref<3072xi32, #tpu.memory_space<vmem>>, vector<16xi32>,
      %swap3A_693 = arith.constant 272 : index
      %swap3A_694 = tpu.vector_load %arg10[%swap3A_693] {strides = array<i32>} : memref<3072xi32, #tpu.memory_space<vmem>>, vector<16xi32>,
      tpu.vector_store %arg10[%swap3A_693], %select_n3A_658 {strides = array<i32>} : memref<3072xi32, #tpu.memory_space<vmem>>, vector<16xi32>,
      %swap3A_695 = arith.constant 288 : index
      %swap3A_696 = tpu.vector_load %arg10[%swap3A_695] {strides = array<i32>} : memref<3072xi32, #tpu.memory_space<vmem>>, vector<16xi32>,
      tpu.vector_store %arg10[%swap3A_695], %select_n3A_652 {strides = array<i32>} : memref<3072xi32, #tpu.memory_space<vmem>>, vector<16xi32>,
      %swap3A_697 = arith.constant 304 : index
      %swap3A_698 = tpu.vector_load %arg10[%swap3A_697] {strides = array<i32>} : memref<3072xi32, #tpu.memory_space<vmem>>, vector<16xi32>,
      tpu.vector_store %arg10[%swap3A_697], %select_n3A_655 {strides = array<i32>} : memref<3072xi32, #tpu.memory_space<vmem>>, vector<16xi32>,
      %swap3A_699 = arith.constant 320 : index
      %swap3A_700 = tpu.vector_load %arg10[%swap3A_699] {strides = array<i32>} : memref<3072xi32, #tpu.memory_space<vmem>>, vector<16xi32>,
      tpu.vector_store %arg10[%swap3A_699], %select_n3A_658 {strides = array<i32>} : memref<3072xi32, #tpu.memory_space<vmem>>, vector<16xi32>,
      %swap3A_701 = arith.constant 336 : index
      %swap3A_702 = tpu.vector_load %arg10[%swap3A_701] {strides = array<i32>} : memref<3072xi32, #tpu.memory_space<vmem>>, vector<16xi32>,
      tpu.vector_store %arg10[%swap3A_701], %select_n3A_652 {strides = array<i32>} : memref<3072xi32, #tpu.memory_space<vmem>>, vector<16xi32>,
      %swap3A_703 = arith.constant 352 : index
      %swap3A_704 = tpu.vector_load %arg10[%swap3A_703] {strides = array<i32>} : memref<3072xi32, #tpu.memory_space<vmem>>, vector<16xi32>,
      tpu.vector_store %arg10[%swap3A_703], %select_n3A_655 {strides = array<i32>} : memref<3072xi32, #tpu.memory_space<vmem>>, vector<16xi32>,
      %swap3A_705 = arith.constant 368 : index
      %swap3A_706 = tpu.vector_load %arg10[%swap3A_705] {strides = array<i32>} : memref<3072xi32, #tpu.memory_space<vmem>>, vector<16xi32>,
      tpu.vector_store %arg10[%swap3A_705], %select_n3A_658 {strides = array<i32>} : memref<3072xi32, #tpu.memory_space<vmem>>, vector<16xi32>,
      %swap3A_707 = arith.constant 384 : index
      %swap3A_708 = tpu.vector_load %arg10[%swap3A_707] {strides = array<i32>} : memref<3072xi32, #tpu.memory_space<vmem>>, vector<16xi32>,
      tpu.vector_store %arg10[%swap3A_707], %select_n3A_652 {strides = array<i32>} : memref<3072xi32, #tpu.memory_space<vmem>>, vector<16xi32>,
      %swap3A_709 = arith.constant 400 : index
      %swap3A_710 = tpu.vector_load %arg10[%swap3A_709] {strides = array<i32>} : memref<3072xi32, #tpu.memory_space<vmem>>, vector<16xi32>,
      tpu.vector_store %arg10[%swap3A_709], %select_n3A_655 {strides = array<i32>} : memref<3072xi32, #tpu.memory_space<vmem>>, vector<16xi32>,
      %swap3A_711 = arith.constant 416 : index
      %swap3A_712 = tpu.vector_load %arg10[%swap3A_711] {strides = array<i32>} : memref<3072xi32, #tpu.memory_space<vmem>>, vector<16xi32>,
      tpu.vector_store %arg10[%swap3A_711], %select_n3A_658 {strides = array<i32>} : memref<3072xi32, #tpu.memory_space<vmem>>, vector<16xi32>,
      %swap3A_713 = arith.constant 432 : index
      %swap3A_714 = tpu.vector_load %arg10[%swap3A_713] {strides = array<i32>} : memref<3072xi32, #tpu.memory_space<vmem>>, vector<16xi32>,
      tpu.vector_store %arg10[%swap3A_713], %select_n3A_652 {strides = array<i32>} : memref<3072xi32, #tpu.memory_space<vmem>>, vector<16xi32>,
      %swap3A_715 = arith.constant 448 : index
      %swap3A_716 = tpu.vector_load %arg10[%swap3A_715] {strides = array<i32>} : memref<3072xi32, #tpu.memory_space<vmem>>, vector<16xi32>,
      tpu.vector_store %arg10[%swap3A_715], %select_n3A_655 {strides = array<i32>} : memref<3072xi32, #tpu.memory_space<vmem>>, vector<16xi32>,
      %swap3A_717 = arith.constant 464 : index
      %swap3A_718 = tpu.vector_load %arg10[%swap3A_717] {strides = array<i32>} : memref<3072xi32, #tpu.memory_space<vmem>>, vector<16xi32>,
      tpu.vector_store %arg10[%swap3A_717], %select_n3A_658 {strides = array<i32>} : memref<3072xi32, #tpu.memory_space<vmem>>, vector<16xi32>,
      %swap3A_719 = arith.constant 480 : index
      %swap3A_720 = tpu.vector_load %arg10[%swap3A_719] {strides = array<i32>} : memref<3072xi32, #tpu.memory_space<vmem>>, vector<16xi32>,
      tpu.vector_store %arg10[%swap3A_719], %select_n3A_652 {strides = array<i32>} : memref<3072xi32, #tpu.memory_space<vmem>>, vector<16xi32>,
      %swap3A_721 = arith.constant 496 : index
      %swap3A_722 = tpu.vector_load %arg10[%swap3A_721] {strides = array<i32>} : memref<3072xi32, #tpu.memory_space<vmem>>, vector<16xi32>,
      tpu.vector_store %arg10[%swap3A_721], %select_n3A_655 {strides = array<i32>} : memref<3072xi32, #tpu.memory_space<vmem>>, vector<16xi32>,
      %swap3A_723 = arith.constant 512 : index
      %swap3A_724 = tpu.vector_load %arg10[%swap3A_723] {strides = array<i32>} : memref<3072xi32, #tpu.memory_space<vmem>>, vector<16xi32>,
      tpu.vector_store %arg10[%swap3A_723], %select_n3A_658 {strides = array<i32>} : memref<3072xi32, #tpu.memory_space<vmem>>, vector<16xi32>,
      %swap3A_725 = arith.constant 528 : index
      %swap3A_726 = tpu.vector_load %arg10[%swap3A_725] {strides = array<i32>} : memref<3072xi32, #tpu.memory_space<vmem>>, vector<16xi32>,
      tpu.vector_store %arg10[%swap3A_725], %select_n3A_652 {strides = array<i32>} : memref<3072xi32, #tpu.memory_space<vmem>>, vector<16xi32>,
      %swap3A_727 = arith.constant 544 : index
      %swap3A_728 = tpu.vector_load %arg10[%swap3A_727] {strides = array<i32>} : memref<3072xi32, #tpu.memory_space<vmem>>, vector<16xi32>,
      tpu.vector_store %arg10[%swap3A_727], %select_n3A_655 {strides = array<i32>} : memref<3072xi32, #tpu.memory_space<vmem>>, vector<16xi32>,
      %swap3A_729 = arith.constant 560 : index
      %swap3A_730 = tpu.vector_load %arg10[%swap3A_729] {strides = array<i32>} : memref<3072xi32, #tpu.memory_space<vmem>>, vector<16xi32>,
      tpu.vector_store %arg10[%swap3A_729], %select_n3A_658 {strides = array<i32>} : memref<3072xi32, #tpu.memory_space<vmem>>, vector<16xi32>,
      %swap3A_731 = arith.constant 576 : index
      %swap3A_732 = tpu.vector_load %arg10[%swap3A_731] {strides = array<i32>} : memref<3072xi32, #tpu.memory_space<vmem>>, vector<16xi32>,
      tpu.vector_store %arg10[%swap3A_731], %select_n3A_652 {strides = array<i32>} : memref<3072xi32, #tpu.memory_space<vmem>>, vector<16xi32>,
      %swap3A_733 = arith.constant 592 : index
      %swap3A_734 = tpu.vector_load %arg10[%swap3A_733] {strides = array<i32>} : memref<3072xi32, #tpu.memory_space<vmem>>, vector<16xi32>,
      tpu.vector_store %arg10[%swap3A_733], %select_n3A_655 {strides = array<i32>} : memref<3072xi32, #tpu.memory_space<vmem>>, vector<16xi32>,
      %swap3A_735 = arith.constant 608 : index
      %swap3A_736 = tpu.vector_load %arg10[%swap3A_735] {strides = array<i32>} : memref<3072xi32, #tpu.memory_space<vmem>>, vector<16xi32>,
      tpu.vector_store %arg10[%swap3A_735], %select_n3A_658 {strides = array<i32>} : memref<3072xi32, #tpu.memory_space<vmem>>, vector<16xi32>,
      %swap3A_737 = arith.constant 624 : index
      %swap3A_738 = tpu.vector_load %arg10[%swap3A_737] {strides = array<i32>} : memref<3072xi32, #tpu.memory_space<vmem>>, vector<16xi32>,
      tpu.vector_store %arg10[%swap3A_737], %select_n3A_652 {strides = array<i32>} : memref<3072xi32, #tpu.memory_space<vmem>>, vector<16xi32>,
      %swap3A_739 = arith.constant 640 : index
      %swap3A_740 = tpu.vector_load %arg10[%swap3A_739] {strides = array<i32>} : memref<3072xi32, #tpu.memory_space<vmem>>, vector<16xi32>,
      tpu.vector_store %arg10[%swap3A_739], %select_n3A_655 {strides = array<i32>} : memref<3072xi32, #tpu.memory_space<vmem>>, vector<16xi32>,
      %swap3A_741 = arith.constant 656 : index
      %swap3A_742 = tpu.vector_load %arg10[%swap3A_741] {strides = array<i32>} : memref<3072xi32, #tpu.memory_space<vmem>>, vector<16xi32>,
      tpu.vector_store %arg10[%swap3A_741], %select_n3A_658 {strides = array<i32>} : memref<3072xi32, #tpu.memory_space<vmem>>, vector<16xi32>,
      %swap3A_743 = arith.constant 672 : index
      %swap3A_744 = tpu.vector_load %arg10[%swap3A_743] {strides = array<i32>} : memref<3072xi32, #tpu.memory_space<vmem>>, vector<16xi32>,
      tpu.vector_store %arg10[%swap3A_743], %select_n3A_652 {strides = array<i32>} : memref<3072xi32, #tpu.memory_space<vmem>>, vector<16xi32>,
      %swap3A_745 = arith.constant 688 : index
      %swap3A_746 = tpu.vector_load %arg10[%swap3A_745] {strides = array<i32>} : memref<3072xi32, #tpu.memory_space<vmem>>, vector<16xi32>,
      tpu.vector_store %arg10[%swap3A_745], %select_n3A_655 {strides = array<i32>} : memref<3072xi32, #tpu.memory_space<vmem>>, vector<16xi32>,
      %swap3A_747 = arith.constant 704 : index
      %swap3A_748 = tpu.vector_load %arg10[%swap3A_747] {strides = array<i32>} : memref<3072xi32, #tpu.memory_space<vmem>>, vector<16xi32>,
      tpu.vector_store %arg10[%swap3A_747], %select_n3A_658 {strides = array<i32>} : memref<3072xi32, #tpu.memory_space<vmem>>, vector<16xi32>,
      %swap3A_749 = arith.constant 720 : index
      %swap3A_750 = tpu.vector_load %arg10[%swap3A_749] {strides = array<i32>} : memref<3072xi32, #tpu.memory_space<vmem>>, vector<16xi32>,
      tpu.vector_store %arg10[%swap3A_749], %select_n3A_652 {strides = array<i32>} : memref<3072xi32, #tpu.memory_space<vmem>>, vector<16xi32>,
      %swap3A_751 = arith.constant 736 : index
      %swap3A_752 = tpu.vector_load %arg10[%swap3A_751] {strides = array<i32>} : memref<3072xi32, #tpu.memory_space<vmem>>, vector<16xi32>,
      tpu.vector_store %arg10[%swap3A_751], %select_n3A_655 {strides = array<i32>} : memref<3072xi32, #tpu.memory_space<vmem>>, vector<16xi32>,
      %swap3A_753 = arith.constant 752 : index
      %swap3A_754 = tpu.vector_load %arg10[%swap3A_753] {strides = array<i32>} : memref<3072xi32, #tpu.memory_space<vmem>>, vector<16xi32>,
      tpu.vector_store %arg10[%swap3A_753], %select_n3A_658 {strides = array<i32>} : memref<3072xi32, #tpu.memory_space<vmem>>, vector<16xi32>,
      %swap3A_755 = arith.constant 768 : index
      %swap3A_756 = tpu.vector_load %arg10[%swap3A_755] {strides = array<i32>} : memref<3072xi32, #tpu.memory_space<vmem>>, vector<16xi32>,
      tpu.vector_store %arg10[%swap3A_755], %select_n3A_652 {strides = array<i32>} : memref<3072xi32, #tpu.memory_space<vmem>>, vector<16xi32>,
      %swap3A_757 = arith.constant 784 : index
      %swap3A_758 = tpu.vector_load %arg10[%swap3A_757] {strides = array<i32>} : memref<3072xi32, #tpu.memory_space<vmem>>, vector<16xi32>,
      tpu.vector_store %arg10[%swap3A_757], %select_n3A_655 {strides = array<i32>} : memref<3072xi32, #tpu.memory_space<vmem>>, vector<16xi32>,
      %swap3A_759 = arith.constant 800 : index
      %swap3A_760 = tpu.vector_load %arg10[%swap3A_759] {strides = array<i32>} : memref<3072xi32, #tpu.memory_space<vmem>>, vector<16xi32>,
      tpu.vector_store %arg10[%swap3A_759], %select_n3A_658 {strides = array<i32>} : memref<3072xi32, #tpu.memory_space<vmem>>, vector<16xi32>,
      %swap3A_761 = arith.constant 816 : index
      %swap3A_762 = tpu.vector_load %arg10[%swap3A_761] {strides = array<i32>} : memref<3072xi32, #tpu.memory_space<vmem>>, vector<16xi32>,
      tpu.vector_store %arg10[%swap3A_761], %select_n3A_652 {strides = array<i32>} : memref<3072xi32, #tpu.memory_space<vmem>>, vector<16xi32>,
      %swap3A_763 = arith.constant 832 : index
      %swap3A_764 = tpu.vector_load %arg10[%swap3A_763] {strides = array<i32>} : memref<3072xi32, #tpu.memory_space<vmem>>, vector<16xi32>,
      tpu.vector_store %arg10[%swap3A_763], %select_n3A_655 {strides = array<i32>} : memref<3072xi32, #tpu.memory_space<vmem>>, vector<16xi32>,
      %swap3A_765 = arith.constant 848 : index
      %swap3A_766 = tpu.vector_load %arg10[%swap3A_765] {strides = array<i32>} : memref<3072xi32, #tpu.memory_space<vmem>>, vector<16xi32>,
      tpu.vector_store %arg10[%swap3A_765], %select_n3A_658 {strides = array<i32>} : memref<3072xi32, #tpu.memory_space<vmem>>, vector<16xi32>,
      %swap3A_767 = arith.constant 864 : index
      %swap3A_768 = tpu.vector_load %arg10[%swap3A_767] {strides = array<i32>} : memref<3072xi32, #tpu.memory_space<vmem>>, vector<16xi32>,
      tpu.vector_store %arg10[%swap3A_767], %select_n3A_652 {strides = array<i32>} : memref<3072xi32, #tpu.memory_space<vmem>>, vector<16xi32>,
      %swap3A_769 = arith.constant 880 : index
      %swap3A_770 = tpu.vector_load %arg10[%swap3A_769] {strides = array<i32>} : memref<3072xi32, #tpu.memory_space<vmem>>, vector<16xi32>,
      tpu.vector_store %arg10[%swap3A_769], %select_n3A_655 {strides = array<i32>} : memref<3072xi32, #tpu.memory_space<vmem>>, vector<16xi32>,
      %swap3A_771 = arith.constant 896 : index
      %swap3A_772 = tpu.vector_load %arg10[%swap3A_771] {strides = array<i32>} : memref<3072xi32, #tpu.memory_space<vmem>>, vector<16xi32>,
      tpu.vector_store %arg10[%swap3A_771], %select_n3A_658 {strides = array<i32>} : memref<3072xi32, #tpu.memory_space<vmem>>, vector<16xi32>,
      %swap3A_773 = arith.constant 912 : index
      %swap3A_774 = tpu.vector_load %arg10[%swap3A_773] {strides = array<i32>} : memref<3072xi32, #tpu.memory_space<vmem>>, vector<16xi32>,
      tpu.vector_store %arg10[%swap3A_773], %select_n3A_652 {strides = array<i32>} : memref<3072xi32, #tpu.memory_space<vmem>>, vector<16xi32>,
      %swap3A_775 = arith.constant 928 : index
      %swap3A_776 = tpu.vector_load %arg10[%swap3A_775] {strides = array<i32>} : memref<3072xi32, #tpu.memory_space<vmem>>, vector<16xi32>,
      tpu.vector_store %arg10[%swap3A_775], %select_n3A_655 {strides = array<i32>} : memref<3072xi32, #tpu.memory_space<vmem>>, vector<16xi32>,
      %swap3A_777 = arith.constant 944 : index
      %swap3A_778 = tpu.vector_load %arg10[%swap3A_777] {strides = array<i32>} : memref<3072xi32, #tpu.memory_space<vmem>>, vector<16xi32>,
      tpu.vector_store %arg10[%swap3A_777], %select_n3A_658 {strides = array<i32>} : memref<3072xi32, #tpu.memory_space<vmem>>, vector<16xi32>,
      %swap3A_779 = arith.constant 960 : index
      %swap3A_780 = tpu.vector_load %arg10[%swap3A_779] {strides = array<i32>} : memref<3072xi32, #tpu.memory_space<vmem>>, vector<16xi32>,
      tpu.vector_store %arg10[%swap3A_779], %select_n3A_652 {strides = array<i32>} : memref<3072xi32, #tpu.memory_space<vmem>>, vector<16xi32>,
      %swap3A_781 = arith.constant 976 : index
      %swap3A_782 = tpu.vector_load %arg10[%swap3A_781] {strides = array<i32>} : memref<3072xi32, #tpu.memory_space<vmem>>, vector<16xi32>,
      tpu.vector_store %arg10[%swap3A_781], %select_n3A_655 {strides = array<i32>} : memref<3072xi32, #tpu.memory_space<vmem>>, vector<16xi32>,
      %swap3A_783 = arith.constant 992 : index
      %swap3A_784 = tpu.vector_load %arg10[%swap3A_783] {strides = array<i32>} : memref<3072xi32, #tpu.memory_space<vmem>>, vector<16xi32>,
      tpu.vector_store %arg10[%swap3A_783], %select_n3A_658 {strides = array<i32>} : memref<3072xi32, #tpu.memory_space<vmem>>, vector<16xi32>,
      %swap3A_785 = arith.constant 1008 : index
      %swap3A_786 = tpu.vector_load %arg10[%swap3A_785] {strides = array<i32>} : memref<3072xi32, #tpu.memory_space<vmem>>, vector<16xi32>,
      tpu.vector_store %arg10[%swap3A_785], %select_n3A_652 {strides = array<i32>} : memref<3072xi32, #tpu.memory_space<vmem>>, vector<16xi32>,
      %swap3A_787 = arith.constant 1024 : index
      %swap3A_788 = tpu.vector_load %arg10[%swap3A_787] {strides = array<i32>} : memref<3072xi32, #tpu.memory_space<vmem>>, vector<16xi32>,
      tpu.vector_store %arg10[%swap3A_787], %select_n3A_655 {strides = array<i32>} : memref<3072xi32, #tpu.memory_space<vmem>>, vector<16xi32>,
      %swap3A_789 = arith.constant 1040 : index
      %swap3A_790 = tpu.vector_load %arg10[%swap3A_789] {strides = array<i32>} : memref<3072xi32, #tpu.memory_space<vmem>>, vector<16xi32>,
      tpu.vector_store %arg10[%swap3A_789], %select_n3A_658 {strides = array<i32>} : memref<3072xi32, #tpu.memory_space<vmem>>, vector<16xi32>,
      %swap3A_791 = arith.constant 1056 : index
      %swap3A_792 = tpu.vector_load %arg10[%swap3A_791] {strides = array<i32>} : memref<3072xi32, #tpu.memory_space<vmem>>, vector<16xi32>,
      tpu.vector_store %arg10[%swap3A_791], %select_n3A_652 {strides = array<i32>} : memref<3072xi32, #tpu.memory_space<vmem>>, vector<16xi32>,
      %swap3A_793 = arith.constant 1072 : index
      %swap3A_794 = tpu.vector_load %arg10[%swap3A_793] {strides = array<i32>} : memref<3072xi32, #tpu.memory_space<vmem>>, vector<16xi32>,
      tpu.vector_store %arg10[%swap3A_793], %select_n3A_655 {strides = array<i32>} : memref<3072xi32, #tpu.memory_space<vmem>>, vector<16xi32>,
      %swap3A_795 = arith.constant 1088 : index
      %swap3A_796 = tpu.vector_load %arg10[%swap3A_795] {strides = array<i32>} : memref<3072xi32, #tpu.memory_space<vmem>>, vector<16xi32>,
      tpu.vector_store %arg10[%swap3A_795], %select_n3A_658 {strides = array<i32>} : memref<3072xi32, #tpu.memory_space<vmem>>, vector<16xi32>,
      %swap3A_797 = arith.constant 1104 : index
      %swap3A_798 = tpu.vector_load %arg10[%swap3A_797] {strides = array<i32>} : memref<3072xi32, #tpu.memory_space<vmem>>, vector<16xi32>,
      tpu.vector_store %arg10[%swap3A_797], %select_n3A_652 {strides = array<i32>} : memref<3072xi32, #tpu.memory_space<vmem>>, vector<16xi32>,
      %swap3A_799 = arith.constant 1120 : index
      %swap3A_800 = tpu.vector_load %arg10[%swap3A_799] {strides = array<i32>} : memref<3072xi32, #tpu.memory_space<vmem>>, vector<16xi32>,
      tpu.vector_store %arg10[%swap3A_799], %select_n3A_655 {strides = array<i32>} : memref<3072xi32, #tpu.memory_space<vmem>>, vector<16xi32>,
      %swap3A_801 = arith.constant 1136 : index
      %swap3A_802 = tpu.vector_load %arg10[%swap3A_801] {strides = array<i32>} : memref<3072xi32, #tpu.memory_space<vmem>>, vector<16xi32>,
      tpu.vector_store %arg10[%swap3A_801], %select_n3A_658 {strides = array<i32>} : memref<3072xi32, #tpu.memory_space<vmem>>, vector<16xi32>,
      %swap3A_803 = arith.constant 1152 : index
      %swap3A_804 = tpu.vector_load %arg10[%swap3A_803] {strides = array<i32>} : memref<3072xi32, #tpu.memory_space<vmem>>, vector<16xi32>,
      tpu.vector_store %arg10[%swap3A_803], %select_n3A_652 {strides = array<i32>} : memref<3072xi32, #tpu.memory_space<vmem>>, vector<16xi32>,
      %swap3A_805 = arith.constant 1168 : index
      %swap3A_806 = tpu.vector_load %arg10[%swap3A_805] {strides = array<i32>} : memref<3072xi32, #tpu.memory_space<vmem>>, vector<16xi32>,
      tpu.vector_store %arg10[%swap3A_805], %select_n3A_655 {strides = array<i32>} : memref<3072xi32, #tpu.memory_space<vmem>>, vector<16xi32>,
      %swap3A_807 = arith.constant 1184 : index
      %swap3A_808 = tpu.vector_load %arg10[%swap3A_807] {strides = array<i32>} : memref<3072xi32, #tpu.memory_space<vmem>>, vector<16xi32>,
      tpu.vector_store %arg10[%swap3A_807], %select_n3A_658 {strides = array<i32>} : memref<3072xi32, #tpu.memory_space<vmem>>, vector<16xi32>,
      %swap3A_809 = arith.constant 1200 : index
      %swap3A_810 = tpu.vector_load %arg10[%swap3A_809] {strides = array<i32>} : memref<3072xi32, #tpu.memory_space<vmem>>, vector<16xi32>,
      tpu.vector_store %arg10[%swap3A_809], %select_n3A_652 {strides = array<i32>} : memref<3072xi32, #tpu.memory_space<vmem>>, vector<16xi32>,
      %swap3A_811 = arith.constant 1216 : index
      %swap3A_812 = tpu.vector_load %arg10[%swap3A_811] {strides = array<i32>} : memref<3072xi32, #tpu.memory_space<vmem>>, vector<16xi32>,
      tpu.vector_store %arg10[%swap3A_811], %select_n3A_655 {strides = array<i32>} : memref<3072xi32, #tpu.memory_space<vmem>>, vector<16xi32>,
      %swap3A_813 = arith.constant 1232 : index
      %swap3A_814 = tpu.vector_load %arg10[%swap3A_813] {strides = array<i32>} : memref<3072xi32, #tpu.memory_space<vmem>>, vector<16xi32>,
      tpu.vector_store %arg10[%swap3A_813], %select_n3A_658 {strides = array<i32>} : memref<3072xi32, #tpu.memory_space<vmem>>, vector<16xi32>,
      %swap3A_815 = arith.constant 1248 : index
      %swap3A_816 = tpu.vector_load %arg10[%swap3A_815] {strides = array<i32>} : memref<3072xi32, #tpu.memory_space<vmem>>, vector<16xi32>,
      tpu.vector_store %arg10[%swap3A_815], %select_n3A_652 {strides = array<i32>} : memref<3072xi32, #tpu.memory_space<vmem>>, vector<16xi32>,
      %swap3A_817 = arith.constant 1264 : index
      %swap3A_818 = tpu.vector_load %arg10[%swap3A_817] {strides = array<i32>} : memref<3072xi32, #tpu.memory_space<vmem>>, vector<16xi32>,
      tpu.vector_store %arg10[%swap3A_817], %select_n3A_655 {strides = array<i32>} : memref<3072xi32, #tpu.memory_space<vmem>>, vector<16xi32>,
      %swap3A_819 = arith.constant 1280 : index
      %swap3A_820 = tpu.vector_load %arg10[%swap3A_819] {strides = array<i32>} : memref<3072xi32, #tpu.memory_space<vmem>>, vector<16xi32>,
      tpu.vector_store %arg10[%swap3A_819], %select_n3A_658 {strides = array<i32>} : memref<3072xi32, #tpu.memory_space<vmem>>, vector<16xi32>,
      %swap3A_821 = arith.constant 1296 : index
      %swap3A_822 = tpu.vector_load %arg10[%swap3A_821] {strides = array<i32>} : memref<3072xi32, #tpu.memory_space<vmem>>, vector<16xi32>,
      tpu.vector_store %arg10[%swap3A_821], %select_n3A_652 {strides = array<i32>} : memref<3072xi32, #tpu.memory_space<vmem>>, vector<16xi32>,
      %swap3A_823 = arith.constant 1312 : index
      %swap3A_824 = tpu.vector_load %arg10[%swap3A_823] {strides = array<i32>} : memref<3072xi32, #tpu.memory_space<vmem>>, vector<16xi32>,
      tpu.vector_store %arg10[%swap3A_823], %select_n3A_655 {strides = array<i32>} : memref<3072xi32, #tpu.memory_space<vmem>>, vector<16xi32>,
      %swap3A_825 = arith.constant 1328 : index
      %swap3A_826 = tpu.vector_load %arg10[%swap3A_825] {strides = array<i32>} : memref<3072xi32, #tpu.memory_space<vmem>>, vector<16xi32>,
      tpu.vector_store %arg10[%swap3A_825], %select_n3A_658 {strides = array<i32>} : memref<3072xi32, #tpu.memory_space<vmem>>, vector<16xi32>,
      %swap3A_827 = arith.constant 1344 : index
      %swap3A_828 = tpu.vector_load %arg10[%swap3A_827] {strides = array<i32>} : memref<3072xi32, #tpu.memory_space<vmem>>, vector<16xi32>,
      tpu.vector_store %arg10[%swap3A_827], %select_n3A_652 {strides = array<i32>} : memref<3072xi32, #tpu.memory_space<vmem>>, vector<16xi32>,
      %swap3A_829 = arith.constant 1360 : index
      %swap3A_830 = tpu.vector_load %arg10[%swap3A_829] {strides = array<i32>} : memref<3072xi32, #tpu.memory_space<vmem>>, vector<16xi32>,
      tpu.vector_store %arg10[%swap3A_829], %select_n3A_655 {strides = array<i32>} : memref<3072xi32, #tpu.memory_space<vmem>>, vector<16xi32>,
      %swap3A_831 = arith.constant 1376 : index
      %swap3A_832 = tpu.vector_load %arg10[%swap3A_831] {strides = array<i32>} : memref<3072xi32, #tpu.memory_space<vmem>>, vector<16xi32>,
      tpu.vector_store %arg10[%swap3A_831], %select_n3A_658 {strides = array<i32>} : memref<3072xi32, #tpu.memory_space<vmem>>, vector<16xi32>,
      %swap3A_833 = arith.constant 1392 : index
      %swap3A_834 = tpu.vector_load %arg10[%swap3A_833] {strides = array<i32>} : memref<3072xi32, #tpu.memory_space<vmem>>, vector<16xi32>,
      tpu.vector_store %arg10[%swap3A_833], %select_n3A_652 {strides = array<i32>} : memref<3072xi32, #tpu.memory_space<vmem>>, vector<16xi32>,
      %swap3A_835 = arith.constant 1408 : index
      %swap3A_836 = tpu.vector_load %arg10[%swap3A_835] {strides = array<i32>} : memref<3072xi32, #tpu.memory_space<vmem>>, vector<16xi32>,
      tpu.vector_store %arg10[%swap3A_835], %select_n3A_655 {strides = array<i32>} : memref<3072xi32, #tpu.memory_space<vmem>>, vector<16xi32>,
      %swap3A_837 = arith.constant 1424 : index
      %swap3A_838 = tpu.vector_load %arg10[%swap3A_837] {strides = array<i32>} : memref<3072xi32, #tpu.memory_space<vmem>>, vector<16xi32>,
      tpu.vector_store %arg10[%swap3A_837], %select_n3A_658 {strides = array<i32>} : memref<3072xi32, #tpu.memory_space<vmem>>, vector<16xi32>,
      %swap3A_839 = arith.constant 1440 : index
      %swap3A_840 = tpu.vector_load %arg10[%swap3A_839] {strides = array<i32>} : memref<3072xi32, #tpu.memory_space<vmem>>, vector<16xi32>,
      tpu.vector_store %arg10[%swap3A_839], %select_n3A_652 {strides = array<i32>} : memref<3072xi32, #tpu.memory_space<vmem>>, vector<16xi32>,
      %swap3A_841 = arith.constant 1456 : index
      %swap3A_842 = tpu.vector_load %arg10[%swap3A_841] {strides = array<i32>} : memref<3072xi32, #tpu.memory_space<vmem>>, vector<16xi32>,
      tpu.vector_store %arg10[%swap3A_841], %select_n3A_655 {strides = array<i32>} : memref<3072xi32, #tpu.memory_space<vmem>>, vector<16xi32>,
      %swap3A_843 = arith.constant 1472 : index
      %swap3A_844 = tpu.vector_load %arg10[%swap3A_843] {strides = array<i32>} : memref<3072xi32, #tpu.memory_space<vmem>>, vector<16xi32>,
      tpu.vector_store %arg10[%swap3A_843], %select_n3A_658 {strides = array<i32>} : memref<3072xi32, #tpu.memory_space<vmem>>, vector<16xi32>,
      %swap3A_845 = arith.constant 1488 : index
      %swap3A_846 = tpu.vector_load %arg10[%swap3A_845] {strides = array<i32>} : memref<3072xi32, #tpu.memory_space<vmem>>, vector<16xi32>,
      tpu.vector_store %arg10[%swap3A_845], %select_n3A_652 {strides = array<i32>} : memref<3072xi32, #tpu.memory_space<vmem>>, vector<16xi32>,
      %swap3A_847 = arith.constant 1504 : index
      %swap3A_848 = tpu.vector_load %arg10[%swap3A_847] {strides = array<i32>} : memref<3072xi32, #tpu.memory_space<vmem>>, vector<16xi32>,
      tpu.vector_store %arg10[%swap3A_847], %select_n3A_655 {strides = array<i32>} : memref<3072xi32, #tpu.memory_space<vmem>>, vector<16xi32>,
      %swap3A_849 = arith.constant 1520 : index
      %swap3A_850 = tpu.vector_load %arg10[%swap3A_849] {strides = array<i32>} : memref<3072xi32, #tpu.memory_space<vmem>>, vector<16xi32>,
      tpu.vector_store %arg10[%swap3A_849], %select_n3A_658 {strides = array<i32>} : memref<3072xi32, #tpu.memory_space<vmem>>, vector<16xi32>,
      %swap3A_851 = arith.constant 1536 : index
      %swap3A_852 = tpu.vector_load %arg10[%swap3A_851] {strides = array<i32>} : memref<3072xi32, #tpu.memory_space<vmem>>, vector<16xi32>,
      tpu.vector_store %arg10[%swap3A_851], %select_n3A_652 {strides = array<i32>} : memref<3072xi32, #tpu.memory_space<vmem>>, vector<16xi32>,
      %swap3A_853 = arith.constant 1552 : index
      %swap3A_854 = tpu.vector_load %arg10[%swap3A_853] {strides = array<i32>} : memref<3072xi32, #tpu.memory_space<vmem>>, vector<16xi32>,
      tpu.vector_store %arg10[%swap3A_853], %select_n3A_655 {strides = array<i32>} : memref<3072xi32, #tpu.memory_space<vmem>>, vector<16xi32>,
      %swap3A_855 = arith.constant 1568 : index
      %swap3A_856 = tpu.vector_load %arg10[%swap3A_855] {strides = array<i32>} : memref<3072xi32, #tpu.memory_space<vmem>>, vector<16xi32>,
      tpu.vector_store %arg10[%swap3A_855], %select_n3A_658 {strides = array<i32>} : memref<3072xi32, #tpu.memory_space<vmem>>, vector<16xi32>,
      %swap3A_857 = arith.constant 1584 : index
      %swap3A_858 = tpu.vector_load %arg10[%swap3A_857] {strides = array<i32>} : memref<3072xi32, #tpu.memory_space<vmem>>, vector<16xi32>,
      tpu.vector_store %arg10[%swap3A_857], %select_n3A_652 {strides = array<i32>} : memref<3072xi32, #tpu.memory_space<vmem>>, vector<16xi32>,
      %swap3A_859 = arith.constant 1600 : index
      %swap3A_860 = tpu.vector_load %arg10[%swap3A_859] {strides = array<i32>} : memref<3072xi32, #tpu.memory_space<vmem>>, vector<16xi32>,
      tpu.vector_store %arg10[%swap3A_859], %select_n3A_655 {strides = array<i32>} : memref<3072xi32, #tpu.memory_space<vmem>>, vector<16xi32>,
      %swap3A_861 = arith.constant 1616 : index
      %swap3A_862 = tpu.vector_load %arg10[%swap3A_861] {strides = array<i32>} : memref<3072xi32, #tpu.memory_space<vmem>>, vector<16xi32>,
      tpu.vector_store %arg10[%swap3A_861], %select_n3A_658 {strides = array<i32>} : memref<3072xi32, #tpu.memory_space<vmem>>, vector<16xi32>,
      %swap3A_863 = arith.constant 1632 : index
      %swap3A_864 = tpu.vector_load %arg10[%swap3A_863] {strides = array<i32>} : memref<3072xi32, #tpu.memory_space<vmem>>, vector<16xi32>,
      tpu.vector_store %arg10[%swap3A_863], %select_n3A_652 {strides = array<i32>} : memref<3072xi32, #tpu.memory_space<vmem>>, vector<16xi32>,
      %swap3A_865 = arith.constant 1648 : index
      %swap3A_866 = tpu.vector_load %arg10[%swap3A_865] {strides = array<i32>} : memref<3072xi32, #tpu.memory_space<vmem>>, vector<16xi32>,
      tpu.vector_store %arg10[%swap3A_865], %select_n3A_655 {strides = array<i32>} : memref<3072xi32, #tpu.memory_space<vmem>>, vector<16xi32>,
      %swap3A_867 = arith.constant 1664 : index
      %swap3A_868 = tpu.vector_load %arg10[%swap3A_867] {strides = array<i32>} : memref<3072xi32, #tpu.memory_space<vmem>>, vector<16xi32>,
      tpu.vector_store %arg10[%swap3A_867], %select_n3A_658 {strides = array<i32>} : memref<3072xi32, #tpu.memory_space<vmem>>, vector<16xi32>,
      %swap3A_869 = arith.constant 1680 : index
      %swap3A_870 = tpu.vector_load %arg10[%swap3A_869] {strides = array<i32>} : memref<3072xi32, #tpu.memory_space<vmem>>, vector<16xi32>,
      tpu.vector_store %arg10[%swap3A_869], %select_n3A_652 {strides = array<i32>} : memref<3072xi32, #tpu.memory_space<vmem>>, vector<16xi32>,
      %swap3A_871 = arith.constant 1696 : index
      %swap3A_872 = tpu.vector_load %arg10[%swap3A_871] {strides = array<i32>} : memref<3072xi32, #tpu.memory_space<vmem>>, vector<16xi32>,
      tpu.vector_store %arg10[%swap3A_871], %select_n3A_655 {strides = array<i32>} : memref<3072xi32, #tpu.memory_space<vmem>>, vector<16xi32>,
      %swap3A_873 = arith.constant 1712 : index
      %swap3A_874 = tpu.vector_load %arg10[%swap3A_873] {strides = array<i32>} : memref<3072xi32, #tpu.memory_space<vmem>>, vector<16xi32>,
      tpu.vector_store %arg10[%swap3A_873], %select_n3A_658 {strides = array<i32>} : memref<3072xi32, #tpu.memory_space<vmem>>, vector<16xi32>,
      %swap3A_875 = arith.constant 1728 : index
      %swap3A_876 = tpu.vector_load %arg10[%swap3A_875] {strides = array<i32>} : memref<3072xi32, #tpu.memory_space<vmem>>, vector<16xi32>,
      tpu.vector_store %arg10[%swap3A_875], %select_n3A_652 {strides = array<i32>} : memref<3072xi32, #tpu.memory_space<vmem>>, vector<16xi32>,
      %swap3A_877 = arith.constant 1744 : index
      %swap3A_878 = tpu.vector_load %arg10[%swap3A_877] {strides = array<i32>} : memref<3072xi32, #tpu.memory_space<vmem>>, vector<16xi32>,
      tpu.vector_store %arg10[%swap3A_877], %select_n3A_655 {strides = array<i32>} : memref<3072xi32, #tpu.memory_space<vmem>>, vector<16xi32>,
      %swap3A_879 = arith.constant 1760 : index
      %swap3A_880 = tpu.vector_load %arg10[%swap3A_879] {strides = array<i32>} : memref<3072xi32, #tpu.memory_space<vmem>>, vector<16xi32>,
      tpu.vector_store %arg10[%swap3A_879], %select_n3A_658 {strides = array<i32>} : memref<3072xi32, #tpu.memory_space<vmem>>, vector<16xi32>,
      %swap3A_881 = arith.constant 1776 : index
      %swap3A_882 = tpu.vector_load %arg10[%swap3A_881] {strides = array<i32>} : memref<3072xi32, #tpu.memory_space<vmem>>, vector<16xi32>,
      tpu.vector_store %arg10[%swap3A_881], %select_n3A_652 {strides = array<i32>} : memref<3072xi32, #tpu.memory_space<vmem>>, vector<16xi32>,
      %swap3A_883 = arith.constant 1792 : index
      %swap3A_884 = tpu.vector_load %arg10[%swap3A_883] {strides = array<i32>} : memref<3072xi32, #tpu.memory_space<vmem>>, vector<16xi32>,
      tpu.vector_store %arg10[%swap3A_883], %select_n3A_655 {strides = array<i32>} : memref<3072xi32, #tpu.memory_space<vmem>>, vector<16xi32>,
      %swap3A_885 = arith.constant 1808 : index
      %swap3A_886 = tpu.vector_load %arg10[%swap3A_885] {strides = array<i32>} : memref<3072xi32, #tpu.memory_space<vmem>>, vector<16xi32>,
      tpu.vector_store %arg10[%swap3A_885], %select_n3A_658 {strides = array<i32>} : memref<3072xi32, #tpu.memory_space<vmem>>, vector<16xi32>,
      %swap3A_887 = arith.constant 1824 : index
      %swap3A_888 = tpu.vector_load %arg10[%swap3A_887] {strides = array<i32>} : memref<3072xi32, #tpu.memory_space<vmem>>, vector<16xi32>,
      tpu.vector_store %arg10[%swap3A_887], %select_n3A_652 {strides = array<i32>} : memref<3072xi32, #tpu.memory_space<vmem>>, vector<16xi32>,
      %swap3A_889 = arith.constant 1840 : index
      %swap3A_890 = tpu.vector_load %arg10[%swap3A_889] {strides = array<i32>} : memref<3072xi32, #tpu.memory_space<vmem>>, vector<16xi32>,
      tpu.vector_store %arg10[%swap3A_889], %select_n3A_655 {strides = array<i32>} : memref<3072xi32, #tpu.memory_space<vmem>>, vector<16xi32>,
      %swap3A_891 = arith.constant 1856 : index
      %swap3A_892 = tpu.vector_load %arg10[%swap3A_891] {strides = array<i32>} : memref<3072xi32, #tpu.memory_space<vmem>>, vector<16xi32>,
      tpu.vector_store %arg10[%swap3A_891], %select_n3A_658 {strides = array<i32>} : memref<3072xi32, #tpu.memory_space<vmem>>, vector<16xi32>,
      %swap3A_893 = arith.constant 1872 : index
      %swap3A_894 = tpu.vector_load %arg10[%swap3A_893] {strides = array<i32>} : memref<3072xi32, #tpu.memory_space<vmem>>, vector<16xi32>,
      tpu.vector_store %arg10[%swap3A_893], %select_n3A_652 {strides = array<i32>} : memref<3072xi32, #tpu.memory_space<vmem>>, vector<16xi32>,
      %swap3A_895 = arith.constant 1888 : index
      %swap3A_896 = tpu.vector_load %arg10[%swap3A_895] {strides = array<i32>} : memref<3072xi32, #tpu.memory_space<vmem>>, vector<16xi32>,
      tpu.vector_store %arg10[%swap3A_895], %select_n3A_655 {strides = array<i32>} : memref<3072xi32, #tpu.memory_space<vmem>>, vector<16xi32>,
      %swap3A_897 = arith.constant 1904 : index
      %swap3A_898 = tpu.vector_load %arg10[%swap3A_897] {strides = array<i32>} : memref<3072xi32, #tpu.memory_space<vmem>>, vector<16xi32>,
      tpu.vector_store %arg10[%swap3A_897], %select_n3A_658 {strides = array<i32>} : memref<3072xi32, #tpu.memory_space<vmem>>, vector<16xi32>,
      %swap3A_899 = arith.constant 1920 : index
      %swap3A_900 = tpu.vector_load %arg10[%swap3A_899] {strides = array<i32>} : memref<3072xi32, #tpu.memory_space<vmem>>, vector<16xi32>,
      tpu.vector_store %arg10[%swap3A_899], %select_n3A_652 {strides = array<i32>} : memref<3072xi32, #tpu.memory_space<vmem>>, vector<16xi32>,
      %swap3A_901 = arith.constant 1936 : index
      %swap3A_902 = tpu.vector_load %arg10[%swap3A_901] {strides = array<i32>} : memref<3072xi32, #tpu.memory_space<vmem>>, vector<16xi32>,
      tpu.vector_store %arg10[%swap3A_901], %select_n3A_655 {strides = array<i32>} : memref<3072xi32, #tpu.memory_space<vmem>>, vector<16xi32>,
      %swap3A_903 = arith.constant 1952 : index
      %swap3A_904 = tpu.vector_load %arg10[%swap3A_903] {strides = array<i32>} : memref<3072xi32, #tpu.memory_space<vmem>>, vector<16xi32>,
      tpu.vector_store %arg10[%swap3A_903], %select_n3A_658 {strides = array<i32>} : memref<3072xi32, #tpu.memory_space<vmem>>, vector<16xi32>,
      %swap3A_905 = arith.constant 1968 : index
      %swap3A_906 = tpu.vector_load %arg10[%swap3A_905] {strides = array<i32>} : memref<3072xi32, #tpu.memory_space<vmem>>, vector<16xi32>,
      tpu.vector_store %arg10[%swap3A_905], %select_n3A_652 {strides = array<i32>} : memref<3072xi32, #tpu.memory_space<vmem>>, vector<16xi32>,
      %swap3A_907 = arith.constant 1984 : index
      %swap3A_908 = tpu.vector_load %arg10[%swap3A_907] {strides = array<i32>} : memref<3072xi32, #tpu.memory_space<vmem>>, vector<16xi32>,
      tpu.vector_store %arg10[%swap3A_907], %select_n3A_655 {strides = array<i32>} : memref<3072xi32, #tpu.memory_space<vmem>>, vector<16xi32>,
      %swap3A_909 = arith.constant 2000 : index
      %swap3A_910 = tpu.vector_load %arg10[%swap3A_909] {strides = array<i32>} : memref<3072xi32, #tpu.memory_space<vmem>>, vector<16xi32>,
      tpu.vector_store %arg10[%swap3A_909], %select_n3A_658 {strides = array<i32>} : memref<3072xi32, #tpu.memory_space<vmem>>, vector<16xi32>,
      %swap3A_911 = arith.constant 2016 : index
      %swap3A_912 = tpu.vector_load %arg10[%swap3A_911] {strides = array<i32>} : memref<3072xi32, #tpu.memory_space<vmem>>, vector<16xi32>,
      tpu.vector_store %arg10[%swap3A_911], %select_n3A_652 {strides = array<i32>} : memref<3072xi32, #tpu.memory_space<vmem>>, vector<16xi32>,
      %swap3A_913 = arith.constant 2032 : index
      %swap3A_914 = tpu.vector_load %arg10[%swap3A_913] {strides = array<i32>} : memref<3072xi32, #tpu.memory_space<vmem>>, vector<16xi32>,
      tpu.vector_store %arg10[%swap3A_913], %select_n3A_655 {strides = array<i32>} : memref<3072xi32, #tpu.memory_space<vmem>>, vector<16xi32>,
      %swap3A_915 = arith.constant 2048 : index
      %swap3A_916 = tpu.vector_load %arg10[%swap3A_915] {strides = array<i32>} : memref<3072xi32, #tpu.memory_space<vmem>>, vector<16xi32>,
      tpu.vector_store %arg10[%swap3A_915], %select_n3A_658 {strides = array<i32>} : memref<3072xi32, #tpu.memory_space<vmem>>, vector<16xi32>,
      %swap3A_917 = arith.constant 2064 : index
      %swap3A_918 = tpu.vector_load %arg10[%swap3A_917] {strides = array<i32>} : memref<3072xi32, #tpu.memory_space<vmem>>, vector<16xi32>,
      tpu.vector_store %arg10[%swap3A_917], %select_n3A_652 {strides = array<i32>} : memref<3072xi32, #tpu.memory_space<vmem>>, vector<16xi32>,
      %swap3A_919 = arith.constant 2080 : index
      %swap3A_920 = tpu.vector_load %arg10[%swap3A_919] {strides = array<i32>} : memref<3072xi32, #tpu.memory_space<vmem>>, vector<16xi32>,
      tpu.vector_store %arg10[%swap3A_919], %select_n3A_655 {strides = array<i32>} : memref<3072xi32, #tpu.memory_space<vmem>>, vector<16xi32>,
      %swap3A_921 = arith.constant 2096 : index
      %swap3A_922 = tpu.vector_load %arg10[%swap3A_921] {strides = array<i32>} : memref<3072xi32, #tpu.memory_space<vmem>>, vector<16xi32>,
      tpu.vector_store %arg10[%swap3A_921], %select_n3A_658 {strides = array<i32>} : memref<3072xi32, #tpu.memory_space<vmem>>, vector<16xi32>,
      %swap3A_923 = arith.constant 2112 : index
      %swap3A_924 = tpu.vector_load %arg10[%swap3A_923] {strides = array<i32>} : memref<3072xi32, #tpu.memory_space<vmem>>, vector<16xi32>,
      tpu.vector_store %arg10[%swap3A_923], %select_n3A_652 {strides = array<i32>} : memref<3072xi32, #tpu.memory_space<vmem>>, vector<16xi32>,
      %swap3A_925 = arith.constant 2128 : index
      %swap3A_926 = tpu.vector_load %arg10[%swap3A_925] {strides = array<i32>} : memref<3072xi32, #tpu.memory_space<vmem>>, vector<16xi32>,
      tpu.vector_store %arg10[%swap3A_925], %select_n3A_655 {strides = array<i32>} : memref<3072xi32, #tpu.memory_space<vmem>>, vector<16xi32>,
      %swap3A_927 = arith.constant 2144 : index
      %swap3A_928 = tpu.vector_load %arg10[%swap3A_927] {strides = array<i32>} : memref<3072xi32, #tpu.memory_space<vmem>>, vector<16xi32>,
      tpu.vector_store %arg10[%swap3A_927], %select_n3A_658 {strides = array<i32>} : memref<3072xi32, #tpu.memory_space<vmem>>, vector<16xi32>,
      %swap3A_929 = arith.constant 2160 : index
      %swap3A_930 = tpu.vector_load %arg10[%swap3A_929] {strides = array<i32>} : memref<3072xi32, #tpu.memory_space<vmem>>, vector<16xi32>,
      tpu.vector_store %arg10[%swap3A_929], %select_n3A_652 {strides = array<i32>} : memref<3072xi32, #tpu.memory_space<vmem>>, vector<16xi32>,
      %swap3A_931 = arith.constant 2176 : index
      %swap3A_932 = tpu.vector_load %arg10[%swap3A_931] {strides = array<i32>} : memref<3072xi32, #tpu.memory_space<vmem>>, vector<16xi32>,
      tpu.vector_store %arg10[%swap3A_931], %select_n3A_655 {strides = array<i32>} : memref<3072xi32, #tpu.memory_space<vmem>>, vector<16xi32>,
      %swap3A_933 = arith.constant 2192 : index
      %swap3A_934 = tpu.vector_load %arg10[%swap3A_933] {strides = array<i32>} : memref<3072xi32, #tpu.memory_space<vmem>>, vector<16xi32>,
      tpu.vector_store %arg10[%swap3A_933], %select_n3A_658 {strides = array<i32>} : memref<3072xi32, #tpu.memory_space<vmem>>, vector<16xi32>,
      %swap3A_935 = arith.constant 2208 : index
      %swap3A_936 = tpu.vector_load %arg10[%swap3A_935] {strides = array<i32>} : memref<3072xi32, #tpu.memory_space<vmem>>, vector<16xi32>,
      tpu.vector_store %arg10[%swap3A_935], %select_n3A_652 {strides = array<i32>} : memref<3072xi32, #tpu.memory_space<vmem>>, vector<16xi32>,
      %swap3A_937 = arith.constant 2224 : index
      %swap3A_938 = tpu.vector_load %arg10[%swap3A_937] {strides = array<i32>} : memref<3072xi32, #tpu.memory_space<vmem>>, vector<16xi32>,
      tpu.vector_store %arg10[%swap3A_937], %select_n3A_655 {strides = array<i32>} : memref<3072xi32, #tpu.memory_space<vmem>>, vector<16xi32>,
      %swap3A_939 = arith.constant 2240 : index
      %swap3A_940 = tpu.vector_load %arg10[%swap3A_939] {strides = array<i32>} : memref<3072xi32, #tpu.memory_space<vmem>>, vector<16xi32>,
      tpu.vector_store %arg10[%swap3A_939], %select_n3A_658 {strides = array<i32>} : memref<3072xi32, #tpu.memory_space<vmem>>, vector<16xi32>,
      %swap3A_941 = arith.constant 2256 : index
      %swap3A_942 = tpu.vector_load %arg10[%swap3A_941] {strides = array<i32>} : memref<3072xi32, #tpu.memory_space<vmem>>, vector<16xi32>,
      tpu.vector_store %arg10[%swap3A_941], %select_n3A_652 {strides = array<i32>} : memref<3072xi32, #tpu.memory_space<vmem>>, vector<16xi32>,
      %swap3A_943 = arith.constant 2272 : index
      %swap3A_944 = tpu.vector_load %arg10[%swap3A_943] {strides = array<i32>} : memref<3072xi32, #tpu.memory_space<vmem>>, vector<16xi32>,
      tpu.vector_store %arg10[%swap3A_943], %select_n3A_655 {strides = array<i32>} : memref<3072xi32, #tpu.memory_space<vmem>>, vector<16xi32>,
      %swap3A_945 = arith.constant 2288 : index
      %swap3A_946 = tpu.vector_load %arg10[%swap3A_945] {strides = array<i32>} : memref<3072xi32, #tpu.memory_space<vmem>>, vector<16xi32>,
      tpu.vector_store %arg10[%swap3A_945], %select_n3A_658 {strides = array<i32>} : memref<3072xi32, #tpu.memory_space<vmem>>, vector<16xi32>,
      %swap3A_947 = arith.constant 2304 : index
      %swap3A_948 = tpu.vector_load %arg10[%swap3A_947] {strides = array<i32>} : memref<3072xi32, #tpu.memory_space<vmem>>, vector<16xi32>,
      tpu.vector_store %arg10[%swap3A_947], %select_n3A_652 {strides = array<i32>} : memref<3072xi32, #tpu.memory_space<vmem>>, vector<16xi32>,
      %swap3A_949 = arith.constant 2320 : index
      %swap3A_950 = tpu.vector_load %arg10[%swap3A_949] {strides = array<i32>} : memref<3072xi32, #tpu.memory_space<vmem>>, vector<16xi32>,
      tpu.vector_store %arg10[%swap3A_949], %select_n3A_655 {strides = array<i32>} : memref<3072xi32, #tpu.memory_space<vmem>>, vector<16xi32>,
      %swap3A_951 = arith.constant 2336 : index
      %swap3A_952 = tpu.vector_load %arg10[%swap3A_951] {strides = array<i32>} : memref<3072xi32, #tpu.memory_space<vmem>>, vector<16xi32>,
      tpu.vector_store %arg10[%swap3A_951], %select_n3A_658 {strides = array<i32>} : memref<3072xi32, #tpu.memory_space<vmem>>, vector<16xi32>,
      %swap3A_953 = arith.constant 2352 : index
      %swap3A_954 = tpu.vector_load %arg10[%swap3A_953] {strides = array<i32>} : memref<3072xi32, #tpu.memory_space<vmem>>, vector<16xi32>,
      tpu.vector_store %arg10[%swap3A_953], %select_n3A_652 {strides = array<i32>} : memref<3072xi32, #tpu.memory_space<vmem>>, vector<16xi32>,
      %swap3A_955 = arith.constant 2368 : index
      %swap3A_956 = tpu.vector_load %arg10[%swap3A_955] {strides = array<i32>} : memref<3072xi32, #tpu.memory_space<vmem>>, vector<16xi32>,
      tpu.vector_store %arg10[%swap3A_955], %select_n3A_655 {strides = array<i32>} : memref<3072xi32, #tpu.memory_space<vmem>>, vector<16xi32>,
      %swap3A_957 = arith.constant 2384 : index
      %swap3A_958 = tpu.vector_load %arg10[%swap3A_957] {strides = array<i32>} : memref<3072xi32, #tpu.memory_space<vmem>>, vector<16xi32>,
      tpu.vector_store %arg10[%swap3A_957], %select_n3A_658 {strides = array<i32>} : memref<3072xi32, #tpu.memory_space<vmem>>, vector<16xi32>,
      %swap3A_959 = arith.constant 2400 : index
      %swap3A_960 = tpu.vector_load %arg10[%swap3A_959] {strides = array<i32>} : memref<3072xi32, #tpu.memory_space<vmem>>, vector<16xi32>,
      tpu.vector_store %arg10[%swap3A_959], %select_n3A_652 {strides = array<i32>} : memref<3072xi32, #tpu.memory_space<vmem>>, vector<16xi32>,
      %swap3A_961 = arith.constant 2416 : index
      %swap3A_962 = tpu.vector_load %arg10[%swap3A_961] {strides = array<i32>} : memref<3072xi32, #tpu.memory_space<vmem>>, vector<16xi32>,
      tpu.vector_store %arg10[%swap3A_961], %select_n3A_655 {strides = array<i32>} : memref<3072xi32, #tpu.memory_space<vmem>>, vector<16xi32>,
      %swap3A_963 = arith.constant 2432 : index
      %swap3A_964 = tpu.vector_load %arg10[%swap3A_963] {strides = array<i32>} : memref<3072xi32, #tpu.memory_space<vmem>>, vector<16xi32>,
      tpu.vector_store %arg10[%swap3A_963], %select_n3A_658 {strides = array<i32>} : memref<3072xi32, #tpu.memory_space<vmem>>, vector<16xi32>,
      %swap3A_965 = arith.constant 2448 : index
      %swap3A_966 = tpu.vector_load %arg10[%swap3A_965] {strides = array<i32>} : memref<3072xi32, #tpu.memory_space<vmem>>, vector<16xi32>,
      tpu.vector_store %arg10[%swap3A_965], %select_n3A_652 {strides = array<i32>} : memref<3072xi32, #tpu.memory_space<vmem>>, vector<16xi32>,
      %swap3A_967 = arith.constant 2464 : index
      %swap3A_968 = tpu.vector_load %arg10[%swap3A_967] {strides = array<i32>} : memref<3072xi32, #tpu.memory_space<vmem>>, vector<16xi32>,
      tpu.vector_store %arg10[%swap3A_967], %select_n3A_655 {strides = array<i32>} : memref<3072xi32, #tpu.memory_space<vmem>>, vector<16xi32>,
      %swap3A_969 = arith.constant 2480 : index
      %swap3A_970 = tpu.vector_load %arg10[%swap3A_969] {strides = array<i32>} : memref<3072xi32, #tpu.memory_space<vmem>>, vector<16xi32>,
      tpu.vector_store %arg10[%swap3A_969], %select_n3A_658 {strides = array<i32>} : memref<3072xi32, #tpu.memory_space<vmem>>, vector<16xi32>,
      %swap3A_971 = arith.constant 2496 : index
      %swap3A_972 = tpu.vector_load %arg10[%swap3A_971] {strides = array<i32>} : memref<3072xi32, #tpu.memory_space<vmem>>, vector<16xi32>,
      tpu.vector_store %arg10[%swap3A_971], %select_n3A_652 {strides = array<i32>} : memref<3072xi32, #tpu.memory_space<vmem>>, vector<16xi32>,
      %swap3A_973 = arith.constant 2512 : index
      %swap3A_974 = tpu.vector_load %arg10[%swap3A_973] {strides = array<i32>} : memref<3072xi32, #tpu.memory_space<vmem>>, vector<16xi32>,
      tpu.vector_store %arg10[%swap3A_973], %select_n3A_655 {strides = array<i32>} : memref<3072xi32, #tpu.memory_space<vmem>>, vector<16xi32>,
      %swap3A_975 = arith.constant 2528 : index
      %swap3A_976 = tpu.vector_load %arg10[%swap3A_975] {strides = array<i32>} : memref<3072xi32, #tpu.memory_space<vmem>>, vector<16xi32>,
      tpu.vector_store %arg10[%swap3A_975], %select_n3A_658 {strides = array<i32>} : memref<3072xi32, #tpu.memory_space<vmem>>, vector<16xi32>,
      %swap3A_977 = arith.constant 2544 : index
      %swap3A_978 = tpu.vector_load %arg10[%swap3A_977] {strides = array<i32>} : memref<3072xi32, #tpu.memory_space<vmem>>, vector<16xi32>,
      tpu.vector_store %arg10[%swap3A_977], %select_n3A_652 {strides = array<i32>} : memref<3072xi32, #tpu.memory_space<vmem>>, vector<16xi32>,
      %swap3A_979 = arith.constant 2560 : index
      %swap3A_980 = tpu.vector_load %arg10[%swap3A_979] {strides = array<i32>} : memref<3072xi32, #tpu.memory_space<vmem>>, vector<16xi32>,
      tpu.vector_store %arg10[%swap3A_979], %select_n3A_655 {strides = array<i32>} : memref<3072xi32, #tpu.memory_space<vmem>>, vector<16xi32>,
      %swap3A_981 = arith.constant 2576 : index
      %swap3A_982 = tpu.vector_load %arg10[%swap3A_981] {strides = array<i32>} : memref<3072xi32, #tpu.memory_space<vmem>>, vector<16xi32>,
      tpu.vector_store %arg10[%swap3A_981], %select_n3A_658 {strides = array<i32>} : memref<3072xi32, #tpu.memory_space<vmem>>, vector<16xi32>,
      %swap3A_983 = arith.constant 2592 : index
      %swap3A_984 = tpu.vector_load %arg10[%swap3A_983] {strides = array<i32>} : memref<3072xi32, #tpu.memory_space<vmem>>, vector<16xi32>,
      tpu.vector_store %arg10[%swap3A_983], %select_n3A_652 {strides = array<i32>} : memref<3072xi32, #tpu.memory_space<vmem>>, vector<16xi32>,
      %swap3A_985 = arith.constant 2608 : index
      %swap3A_986 = tpu.vector_load %arg10[%swap3A_985] {strides = array<i32>} : memref<3072xi32, #tpu.memory_space<vmem>>, vector<16xi32>,
      tpu.vector_store %arg10[%swap3A_985], %select_n3A_655 {strides = array<i32>} : memref<3072xi32, #tpu.memory_space<vmem>>, vector<16xi32>,
      %swap3A_987 = arith.constant 2624 : index
      %swap3A_988 = tpu.vector_load %arg10[%swap3A_987] {strides = array<i32>} : memref<3072xi32, #tpu.memory_space<vmem>>, vector<16xi32>,
      tpu.vector_store %arg10[%swap3A_987], %select_n3A_658 {strides = array<i32>} : memref<3072xi32, #tpu.memory_space<vmem>>, vector<16xi32>,
      %swap3A_989 = arith.constant 2640 : index
      %swap3A_990 = tpu.vector_load %arg10[%swap3A_989] {strides = array<i32>} : memref<3072xi32, #tpu.memory_space<vmem>>, vector<16xi32>,
      tpu.vector_store %arg10[%swap3A_989], %select_n3A_652 {strides = array<i32>} : memref<3072xi32, #tpu.memory_space<vmem>>, vector<16xi32>,
      %swap3A_991 = arith.constant 2656 : index
      %swap3A_992 = tpu.vector_load %arg10[%swap3A_991] {strides = array<i32>} : memref<3072xi32, #tpu.memory_space<vmem>>, vector<16xi32>,
      tpu.vector_store %arg10[%swap3A_991], %select_n3A_655 {strides = array<i32>} : memref<3072xi32, #tpu.memory_space<vmem>>, vector<16xi32>,
      %swap3A_993 = arith.constant 2672 : index
      %swap3A_994 = tpu.vector_load %arg10[%swap3A_993] {strides = array<i32>} : memref<3072xi32, #tpu.memory_space<vmem>>, vector<16xi32>,
      tpu.vector_store %arg10[%swap3A_993], %select_n3A_658 {strides = array<i32>} : memref<3072xi32, #tpu.memory_space<vmem>>, vector<16xi32>,
      %swap3A_995 = arith.constant 2688 : index
      %swap3A_996 = tpu.vector_load %arg10[%swap3A_995] {strides = array<i32>} : memref<3072xi32, #tpu.memory_space<vmem>>, vector<16xi32>,
      tpu.vector_store %arg10[%swap3A_995], %select_n3A_652 {strides = array<i32>} : memref<3072xi32, #tpu.memory_space<vmem>>, vector<16xi32>,
      %swap3A_997 = arith.constant 2704 : index
      %swap3A_998 = tpu.vector_load %arg10[%swap3A_997] {strides = array<i32>} : memref<3072xi32, #tpu.memory_space<vmem>>, vector<16xi32>,
      tpu.vector_store %arg10[%swap3A_997], %select_n3A_655 {strides = array<i32>} : memref<3072xi32, #tpu.memory_space<vmem>>, vector<16xi32>,
      %swap3A_999 = arith.constant 2720 : index
      %swap3A_1000 = tpu.vector_load %arg10[%swap3A_999] {strides = array<i32>} : memref<3072xi32, #tpu.memory_space<vmem>>, vector<16xi32>,
      tpu.vector_store %arg10[%swap3A_999], %select_n3A_658 {strides = array<i32>} : memref<3072xi32, #tpu.memory_space<vmem>>, vector<16xi32>,
      %swap3A_1001 = arith.constant 2736 : index
      %swap3A_1002 = tpu.vector_load %arg10[%swap3A_1001] {strides = array<i32>} : memref<3072xi32, #tpu.memory_space<vmem>>, vector<16xi32>,
      tpu.vector_store %arg10[%swap3A_1001], %select_n3A_652 {strides = array<i32>} : memref<3072xi32, #tpu.memory_space<vmem>>, vector<16xi32>,
      %swap3A_1003 = arith.constant 2752 : index
      %swap3A_1004 = tpu.vector_load %arg10[%swap3A_1003] {strides = array<i32>} : memref<3072xi32, #tpu.memory_space<vmem>>, vector<16xi32>,
      tpu.vector_store %arg10[%swap3A_1003], %select_n3A_655 {strides = array<i32>} : memref<3072xi32, #tpu.memory_space<vmem>>, vector<16xi32>,
      %swap3A_1005 = arith.constant 2768 : index
      %swap3A_1006 = tpu.vector_load %arg10[%swap3A_1005] {strides = array<i32>} : memref<3072xi32, #tpu.memory_space<vmem>>, vector<16xi32>,
      tpu.vector_store %arg10[%swap3A_1005], %select_n3A_658 {strides = array<i32>} : memref<3072xi32, #tpu.memory_space<vmem>>, vector<16xi32>,
      %swap3A_1007 = arith.constant 2784 : index
      %swap3A_1008 = tpu.vector_load %arg10[%swap3A_1007] {strides = array<i32>} : memref<3072xi32, #tpu.memory_space<vmem>>, vector<16xi32>,
      tpu.vector_store %arg10[%swap3A_1007], %select_n3A_652 {strides = array<i32>} : memref<3072xi32, #tpu.memory_space<vmem>>, vector<16xi32>,
      %swap3A_1009 = arith.constant 2800 : index
      %swap3A_1010 = tpu.vector_load %arg10[%swap3A_1009] {strides = array<i32>} : memref<3072xi32, #tpu.memory_space<vmem>>, vector<16xi32>,
      tpu.vector_store %arg10[%swap3A_1009], %select_n3A_655 {strides = array<i32>} : memref<3072xi32, #tpu.memory_space<vmem>>, vector<16xi32>,
      %swap3A_1011 = arith.constant 2816 : index
      %swap3A_1012 = tpu.vector_load %arg10[%swap3A_1011] {strides = array<i32>} : memref<3072xi32, #tpu.memory_space<vmem>>, vector<16xi32>,
      tpu.vector_store %arg10[%swap3A_1011], %select_n3A_658 {strides = array<i32>} : memref<3072xi32, #tpu.memory_space<vmem>>, vector<16xi32>,
      %swap3A_1013 = arith.constant 2832 : index
      %swap3A_1014 = tpu.vector_load %arg10[%swap3A_1013] {strides = array<i32>} : memref<3072xi32, #tpu.memory_space<vmem>>, vector<16xi32>,
      tpu.vector_store %arg10[%swap3A_1013], %select_n3A_652 {strides = array<i32>} : memref<3072xi32, #tpu.memory_space<vmem>>, vector<16xi32>,
      %swap3A_1015 = arith.constant 2848 : index
      %swap3A_1016 = tpu.vector_load %arg10[%swap3A_1015] {strides = array<i32>} : memref<3072xi32, #tpu.memory_space<vmem>>, vector<16xi32>,
      tpu.vector_store %arg10[%swap3A_1015], %select_n3A_655 {strides = array<i32>} : memref<3072xi32, #tpu.memory_space<vmem>>, vector<16xi32>,
      %swap3A_1017 = arith.constant 2864 : index
      %swap3A_1018 = tpu.vector_load %arg10[%swap3A_1017] {strides = array<i32>} : memref<3072xi32, #tpu.memory_space<vmem>>, vector<16xi32>,
      tpu.vector_store %arg10[%swap3A_1017], %select_n3A_658 {strides = array<i32>} : memref<3072xi32, #tpu.memory_space<vmem>>, vector<16xi32>,
      %swap3A_1019 = arith.constant 2880 : index
      %swap3A_1020 = tpu.vector_load %arg10[%swap3A_1019] {strides = array<i32>} : memref<3072xi32, #tpu.memory_space<vmem>>, vector<16xi32>,
      tpu.vector_store %arg10[%swap3A_1019], %select_n3A_652 {strides = array<i32>} : memref<3072xi32, #tpu.memory_space<vmem>>, vector<16xi32>,
      %swap3A_1021 = arith.constant 2896 : index
      %swap3A_1022 = tpu.vector_load %arg10[%swap3A_1021] {strides = array<i32>} : memref<3072xi32, #tpu.memory_space<vmem>>, vector<16xi32>,
      tpu.vector_store %arg10[%swap3A_1021], %select_n3A_655 {strides = array<i32>} : memref<3072xi32, #tpu.memory_space<vmem>>, vector<16xi32>,
      %swap3A_1023 = arith.constant 2912 : index
      %swap3A_1024 = tpu.vector_load %arg10[%swap3A_1023] {strides = array<i32>} : memref<3072xi32, #tpu.memory_space<vmem>>, vector<16xi32>,
      tpu.vector_store %arg10[%swap3A_1023], %select_n3A_658 {strides = array<i32>} : memref<3072xi32, #tpu.memory_space<vmem>>, vector<16xi32>,
      %swap3A_1025 = arith.constant 2928 : index
      %swap3A_1026 = tpu.vector_load %arg10[%swap3A_1025] {strides = array<i32>} : memref<3072xi32, #tpu.memory_space<vmem>>, vector<16xi32>,
      tpu.vector_store %arg10[%swap3A_1025], %select_n3A_652 {strides = array<i32>} : memref<3072xi32, #tpu.memory_space<vmem>>, vector<16xi32>,
      %swap3A_1027 = arith.constant 2944 : index
      %swap3A_1028 = tpu.vector_load %arg10[%swap3A_1027] {strides = array<i32>} : memref<3072xi32, #tpu.memory_space<vmem>>, vector<16xi32>,
      tpu.vector_store %arg10[%swap3A_1027], %select_n3A_655 {strides = array<i32>} : memref<3072xi32, #tpu.memory_space<vmem>>, vector<16xi32>,
      %swap3A_1029 = arith.constant 2960 : index
      %swap3A_1030 = tpu.vector_load %arg10[%swap3A_1029] {strides = array<i32>} : memref<3072xi32, #tpu.memory_space<vmem>>, vector<16xi32>,
      tpu.vector_store %arg10[%swap3A_1029], %select_n3A_658 {strides = array<i32>} : memref<3072xi32, #tpu.memory_space<vmem>>, vector<16xi32>,
      %swap3A_1031 = arith.constant 2976 : index
      %swap3A_1032 = tpu.vector_load %arg10[%swap3A_1031] {strides = array<i32>} : memref<3072xi32, #tpu.memory_space<vmem>>, vector<16xi32>,
      tpu.vector_store %arg10[%swap3A_1031], %select_n3A_652 {strides = array<i32>} : memref<3072xi32, #tpu.memory_space<vmem>>, vector<16xi32>,
      %swap3A_1033 = arith.constant 2992 : index
      %swap3A_1034 = tpu.vector_load %arg10[%swap3A_1033] {strides = array<i32>} : memref<3072xi32, #tpu.memory_space<vmem>>, vector<16xi32>,
      tpu.vector_store %arg10[%swap3A_1033], %select_n3A_655 {strides = array<i32>} : memref<3072xi32, #tpu.memory_space<vmem>>, vector<16xi32>,
      %swap3A_1035 = arith.constant 3008 : index
      %swap3A_1036 = tpu.vector_load %arg10[%swap3A_1035] {strides = array<i32>} : memref<3072xi32, #tpu.memory_space<vmem>>, vector<16xi32>,
      tpu.vector_store %arg10[%swap3A_1035], %select_n3A_658 {strides = array<i32>} : memref<3072xi32, #tpu.memory_space<vmem>>, vector<16xi32>,
      %swap3A_1037 = arith.constant 3024 : index
      %swap3A_1038 = tpu.vector_load %arg10[%swap3A_1037] {strides = array<i32>} : memref<3072xi32, #tpu.memory_space<vmem>>, vector<16xi32>,
      tpu.vector_store %arg10[%swap3A_1037], %select_n3A_652 {strides = array<i32>} : memref<3072xi32, #tpu.memory_space<vmem>>, vector<16xi32>,
      %swap3A_1039 = arith.constant 3040 : index
      %swap3A_1040 = tpu.vector_load %arg10[%swap3A_1039] {strides = array<i32>} : memref<3072xi32, #tpu.memory_space<vmem>>, vector<16xi32>,
      tpu.vector_store %arg10[%swap3A_1039], %select_n3A_655 {strides = array<i32>} : memref<3072xi32, #tpu.memory_space<vmem>>, vector<16xi32>,
      %swap3A_1041 = arith.constant 3056 : index
      %swap3A_1042 = tpu.vector_load %arg10[%swap3A_1041] {strides = array<i32>} : memref<3072xi32, #tpu.memory_space<vmem>>, vector<16xi32>,
      tpu.vector_store %arg10[%swap3A_1041], %select_n3A_658 {strides = array<i32>} : memref<3072xi32, #tpu.memory_space<vmem>>, vector<16xi32>,
      %get3A_1043 = arith.index_cast %add3A_636 : i32 to index
      %get3A_1044 = tpu.vector_load %arg12[%get3A_1043] {strides = array<i32>} : memref<144xi32, #tpu.memory_space<vmem>>, vector<16xi32>,
      %slice3A_1045 = vector.extract_strided_slice %get3A_1044 {offsets = [0], sizes = [1], strides = [1]} : vector<16xi32> to vector<1xi32>
      %squeeze3A_1046 = vector.extract %slice3A_1045[0] : i32 from vector<1xi32>
      %add3A_1047 = arith.constant 127 : i32
      %add3A_1048 = arith.addi %squeeze3A_1046, %add3A_1047 : i32
      %jit3A_1049 = arith.constant 128 : i32
      %div3A_1050 = arith.divsi %add3A_1048, %jit3A_1049 : i32
      %sign3A_1051 = arith.constant 0 : i32
      %sign3A_1052 = arith.cmpi sgt, %add3A_1048, %sign3A_1051 : i32
      %sign3A_1053 = arith.extui %sign3A_1052 : i1 to i32
      %sign3A_1054 = arith.constant 0 : i32
      %sign3A_1055 = arith.cmpi slt, %add3A_1048, %sign3A_1054 : i32
      %sign3A_1056 = arith.extui %sign3A_1055 : i1 to i32
      %sign3A_1057 = arith.subi %sign3A_1053, %sign3A_1056 : i32
      %sign3A_1058 = arith.constant 0 : i32
      %sign3A_1059 = arith.cmpi sgt, %jit3A_1049, %sign3A_1058 : i32
      %sign3A_1060 = arith.extui %sign3A_1059 : i1 to i32
      %sign3A_1061 = arith.constant 0 : i32
      %sign3A_1062 = arith.cmpi slt, %jit3A_1049, %sign3A_1061 : i32
      %sign3A_1063 = arith.extui %sign3A_1062 : i1 to i32
      %sign3A_1064 = arith.subi %sign3A_1060, %sign3A_1063 : i32
      %ne3A_1065 = arith.cmpi ne, %sign3A_1057, %sign3A_1064 : i32
      %rem3A_1066 = arith.remsi %add3A_1048, %jit3A_1049 : i32
      %ne3A_1067 = arith.constant 0 : i32
      %ne3A_1068 = arith.cmpi ne, %rem3A_1066, %ne3A_1067 : i32
      %and3A_1069 = arith.andi %ne3A_1065, %ne3A_1068 : i1
      %sub3A_1070 = arith.constant 1 : i32
      %sub3A_1071 = arith.subi %div3A_1050, %sub3A_1070 : i32
      %select_n3A_1072 = arith.select %and3A_1069, %sub3A_1071, %div3A_1050 : i32
      %broadcast_in_dim3A_1073 = arith.constant -3 : i32
      %broadcast_in_dim3A_1074 = vector.broadcast %broadcast_in_dim3A_1073 : i32 to vector<16xi32>
      %while3A_1075 = arith.constant 0 : i32
      %while3A_1076 = arith.subi %select_n3A_1072, %while3A_1075 : i32
      %while3A_1077 = arith.addi %while3A_1075, %while3A_1076 : i32
      %while3A_1078 = arith.constant 1 : i32
      %while3A_1079 = arith.divsi %while3A_1076, %while3A_1078 : i32
      %while3A_1080 = arith.muli %while3A_1079, %while3A_1078 : i32
      %while3A_1081 = arith.addi %while3A_1075, %while3A_1080 : i32
      %while3A_1082 = arith.constant 1 : i32
      %while3A_1083 = scf.for %while3A_1129 = %while3A_1075 to %while3A_1081 step %while3A_1082 iter_args(%while3A_1130 = %broadcast_in_dim3A_1074) -> (vector<16xi32>)  : i32 {
        %mul3A_1131 = arith.constant 128 : i32
        %mul3A_1132 = arith.muli %while3A_1129, %mul3A_1131 : i32
        %add3A_1133 = vector.broadcast %mul3A_1132 : i32 to vector<16xi32>
        %add3A_1134 = arith.addi %add3A_1133, %iota3A : vector<16xi32>
        %mul3A_1135 = arith.constant 3 : i32
        %mul3A_1136 = arith.muli %mul3A_1135, %mul3A_1132 : i32
        %add3A_1137 = vector.broadcast %mul3A_1136 : i32 to vector<16xi32>
        %add3A_1138 = arith.addi %add3A_1137, %mul3A_7 : vector<16xi32>
        %add3A_1139 = arith.constant 0 : i32
        %add3A_1140 = vector.broadcast %add3A_1139 : i32 to vector<16xi32>
        %add3A_1141 = arith.addi %add3A_1138, %add3A_1140 : vector<16xi32>
        %add3A_1142 = arith.constant 0 : i32
        %add3A_1143 = vector.broadcast %add3A_1142 : i32 to vector<16xi32>
        %add3A_1144 = arith.addi %add3A_1134, %add3A_1143 : vector<16xi32>
        %gather3A_1145 = tpu.vector_load_idx %arg8[%add3A_1141] : memref<3072xi32, #tpu.memory_space<vmem>>[vector<16xi32>], vector<16xi32>,
        %add3A_1146 = arith.constant 1 : i32
        %add3A_1147 = vector.broadcast %add3A_1146 : i32 to vector<16xi32>
        %add3A_1148 = arith.addi %add3A_1141, %add3A_1147 : vector<16xi32>
        %gather3A_1149 = tpu.vector_load_idx %arg8[%add3A_1148] : memref<3072xi32, #tpu.memory_space<vmem>>[vector<16xi32>], vector<16xi32>,
        %add3A_1150 = arith.constant 2 : i32
        %add3A_1151 = vector.broadcast %add3A_1150 : i32 to vector<16xi32>
        %add3A_1152 = arith.addi %add3A_1141, %add3A_1151 : vector<16xi32>
        %gather3A_1153 = tpu.vector_load_idx %arg8[%add3A_1152] : memref<3072xi32, #tpu.memory_space<vmem>>[vector<16xi32>], vector<16xi32>,
        %lt3A_1154 = arith.cmpi slt, %add3A_1144, %gather3A_649 : vector<16xi32>
        %ge3A = arith.cmpi sge, %gather3A_1153, %gather3A_1149 : vector<16xi32>
        %and3A_1155 = arith.andi %lt3A_1154, %ge3A : vector<16xi1>
        %le3A = arith.cmpi sle, %gather3A_641, %gather3A_1149 : vector<16xi32>
        %and3A_1156 = arith.andi %and3A_1155, %le3A : vector<16xi1>
        %ge3A_1157 = arith.cmpi sge, %gather3A_648, %gather3A_1153 : vector<16xi32>
        %and3A_1158 = arith.andi %and3A_1156, %ge3A_1157 : vector<16xi1>
        %convert_element_type3A_1159 = arith.extui %and3A_1158 : vector<16xi1> to vector<16xi32>
        %broadcast_in_dim3A_1160 = arith.constant true
        %broadcast_in_dim3A_1161 = vector.broadcast %broadcast_in_dim3A_1160 : i1 to vector<16xi1>
        %masked_cumsum3A = tpu.scan <sum>, %convert_element_type3A_1159 masked %broadcast_in_dim3A_1161 : vector<16xi32>, vector<16xi1> -> vector<16xi32>
        %mul3A_1162 = arith.constant 3 : i32
        %mul3A_1163 = vector.broadcast %mul3A_1162 : i32 to vector<16xi32>
        %mul3A_1164 = arith.muli %mul3A_1163, %masked_cumsum3A : vector<16xi32>
        %add3A_1165 = arith.addi %while3A_1130, %mul3A_1164 : vector<16xi32>
        tpu.vector_store_idx %arg10[%add3A_1165], %gather3A_1145 masked %and3A_1158 : memref<3072xi32, #tpu.memory_space<vmem>>[vector<16xi32>], vector<16xi32>, vector<16xi1>
        %add3A_1166 = arith.constant 1 : i32
        %add3A_1167 = vector.broadcast %add3A_1166 : i32 to vector<16xi32>
        %add3A_1168 = arith.addi %add3A_1165, %add3A_1167 : vector<16xi32>
        %add3A_1169 = arith.addi %gather3A_1149, %gather3A_641 : vector<16xi32>
        tpu.vector_store_idx %arg10[%add3A_1168], %add3A_1169 masked %and3A_1158 : memref<3072xi32, #tpu.memory_space<vmem>>[vector<16xi32>], vector<16xi32>, vector<16xi1>
        %add3A_1170 = arith.constant 2 : i32
        %add3A_1171 = vector.broadcast %add3A_1170 : i32 to vector<16xi32>
        %add3A_1172 = arith.addi %add3A_1165, %add3A_1171 : vector<16xi32>
        %add3A_1173 = arith.addi %gather3A_1153, %gather3A_641 : vector<16xi32>
        tpu.vector_store_idx %arg10[%add3A_1172], %add3A_1173 masked %and3A_1158 : memref<3072xi32, #tpu.memory_space<vmem>>[vector<16xi32>], vector<16xi32>, vector<16xi1>
        %all_reduce_population_count3A = tpu.all_reduce %and3A_1158 {dim = 0 : i64, kind = #tpu.reduction_kind<sum>} : vector<16xi1> -> vector<16xi32>
        %mul3A_1174 = arith.constant 3 : i32
        %mul3A_1175 = vector.broadcast %mul3A_1174 : i32 to vector<16xi32>
        %mul3A_1176 = arith.muli %mul3A_1175, %all_reduce_population_count3A : vector<16xi32>
        %add3A_1177 = arith.addi %while3A_1130, %mul3A_1176 : vector<16xi32>
        %add3A_1178 = arith.constant 48 : i32
        %add3A_1179 = vector.broadcast %add3A_1178 : i32 to vector<16xi32>
        %add3A_1180 = arith.addi %add3A_1138, %add3A_1179 : vector<16xi32>
        %add3A_1181 = arith.constant 16 : i32
        %add3A_1182 = vector.broadcast %add3A_1181 : i32 to vector<16xi32>
        %add3A_1183 = arith.addi %add3A_1134, %add3A_1182 : vector<16xi32>
        %gather3A_1184 = tpu.vector_load_idx %arg8[%add3A_1180] : memref<3072xi32, #tpu.memory_space<vmem>>[vector<16xi32>], vector<16xi32>,
        %add3A_1185 = arith.constant 1 : i32
        %add3A_1186 = vector.broadcast %add3A_1185 : i32 to vector<16xi32>
        %add3A_1187 = arith.addi %add3A_1180, %add3A_1186 : vector<16xi32>
        %gather3A_1188 = tpu.vector_load_idx %arg8[%add3A_1187] : memref<3072xi32, #tpu.memory_space<vmem>>[vector<16xi32>], vector<16xi32>,
        %add3A_1189 = arith.constant 2 : i32
        %add3A_1190 = vector.broadcast %add3A_1189 : i32 to vector<16xi32>
        %add3A_1191 = arith.addi %add3A_1180, %add3A_1190 : vector<16xi32>
        %gather3A_1192 = tpu.vector_load_idx %arg8[%add3A_1191] : memref<3072xi32, #tpu.memory_space<vmem>>[vector<16xi32>], vector<16xi32>,
        %lt3A_1193 = arith.cmpi slt, %add3A_1183, %gather3A_649 : vector<16xi32>
        %ge3A_1194 = arith.cmpi sge, %gather3A_1192, %gather3A_1188 : vector<16xi32>
        %and3A_1195 = arith.andi %lt3A_1193, %ge3A_1194 : vector<16xi1>
        %le3A_1196 = arith.cmpi sle, %gather3A_641, %gather3A_1188 : vector<16xi32>
        %and3A_1197 = arith.andi %and3A_1195, %le3A_1196 : vector<16xi1>
        %ge3A_1198 = arith.cmpi sge, %gather3A_648, %gather3A_1192 : vector<16xi32>
        %and3A_1199 = arith.andi %and3A_1197, %ge3A_1198 : vector<16xi1>
        %convert_element_type3A_1200 = arith.extui %and3A_1199 : vector<16xi1> to vector<16xi32>
        %broadcast_in_dim3A_1201 = arith.constant true
        %broadcast_in_dim3A_1202 = vector.broadcast %broadcast_in_dim3A_1201 : i1 to vector<16xi1>
        %masked_cumsum3A_1203 = tpu.scan <sum>, %convert_element_type3A_1200 masked %broadcast_in_dim3A_1202 : vector<16xi32>, vector<16xi1> -> vector<16xi32>
        %mul3A_1204 = arith.constant 3 : i32
        %mul3A_1205 = vector.broadcast %mul3A_1204 : i32 to vector<16xi32>
        %mul3A_1206 = arith.muli %mul3A_1205, %masked_cumsum3A_1203 : vector<16xi32>
        %add3A_1207 = arith.addi %add3A_1177, %mul3A_1206 : vector<16xi32>
        tpu.vector_store_idx %arg10[%add3A_1207], %gather3A_1184 masked %and3A_1199 : memref<3072xi32, #tpu.memory_space<vmem>>[vector<16xi32>], vector<16xi32>, vector<16xi1>
        %add3A_1208 = arith.constant 1 : i32
        %add3A_1209 = vector.broadcast %add3A_1208 : i32 to vector<16xi32>
        %add3A_1210 = arith.addi %add3A_1207, %add3A_1209 : vector<16xi32>
        %add3A_1211 = arith.addi %gather3A_1188, %gather3A_641 : vector<16xi32>
        tpu.vector_store_idx %arg10[%add3A_1210], %add3A_1211 masked %and3A_1199 : memref<3072xi32, #tpu.memory_space<vmem>>[vector<16xi32>], vector<16xi32>, vector<16xi1>
        %add3A_1212 = arith.constant 2 : i32
        %add3A_1213 = vector.broadcast %add3A_1212 : i32 to vector<16xi32>
        %add3A_1214 = arith.addi %add3A_1207, %add3A_1213 : vector<16xi32>
        %add3A_1215 = arith.addi %gather3A_1192, %gather3A_641 : vector<16xi32>
        tpu.vector_store_idx %arg10[%add3A_1214], %add3A_1215 masked %and3A_1199 : memref<3072xi32, #tpu.memory_space<vmem>>[vector<16xi32>], vector<16xi32>, vector<16xi1>
        %all_reduce_population_count3A_1216 = tpu.all_reduce %and3A_1199 {dim = 0 : i64, kind = #tpu.reduction_kind<sum>} : vector<16xi1> -> vector<16xi32>
        %mul3A_1217 = arith.constant 3 : i32
        %mul3A_1218 = vector.broadcast %mul3A_1217 : i32 to vector<16xi32>
        %mul3A_1219 = arith.muli %mul3A_1218, %all_reduce_population_count3A_1216 : vector<16xi32>
        %add3A_1220 = arith.addi %add3A_1177, %mul3A_1219 : vector<16xi32>
        %add3A_1221 = arith.constant 96 : i32
        %add3A_1222 = vector.broadcast %add3A_1221 : i32 to vector<16xi32>
        %add3A_1223 = arith.addi %add3A_1138, %add3A_1222 : vector<16xi32>
        %add3A_1224 = arith.constant 32 : i32
        %add3A_1225 = vector.broadcast %add3A_1224 : i32 to vector<16xi32>
        %add3A_1226 = arith.addi %add3A_1134, %add3A_1225 : vector<16xi32>
        %gather3A_1227 = tpu.vector_load_idx %arg8[%add3A_1223] : memref<3072xi32, #tpu.memory_space<vmem>>[vector<16xi32>], vector<16xi32>,
        %add3A_1228 = arith.constant 1 : i32
        %add3A_1229 = vector.broadcast %add3A_1228 : i32 to vector<16xi32>
        %add3A_1230 = arith.addi %add3A_1223, %add3A_1229 : vector<16xi32>
        %gather3A_1231 = tpu.vector_load_idx %arg8[%add3A_1230] : memref<3072xi32, #tpu.memory_space<vmem>>[vector<16xi32>], vector<16xi32>,
        %add3A_1232 = arith.constant 2 : i32
        %add3A_1233 = vector.broadcast %add3A_1232 : i32 to vector<16xi32>
        %add3A_1234 = arith.addi %add3A_1223, %add3A_1233 : vector<16xi32>
        %gather3A_1235 = tpu.vector_load_idx %arg8[%add3A_1234] : memref<3072xi32, #tpu.memory_space<vmem>>[vector<16xi32>], vector<16xi32>,
        %lt3A_1236 = arith.cmpi slt, %add3A_1226, %gather3A_649 : vector<16xi32>
        %ge3A_1237 = arith.cmpi sge, %gather3A_1235, %gather3A_1231 : vector<16xi32>
        %and3A_1238 = arith.andi %lt3A_1236, %ge3A_1237 : vector<16xi1>
        %le3A_1239 = arith.cmpi sle, %gather3A_641, %gather3A_1231 : vector<16xi32>
        %and3A_1240 = arith.andi %and3A_1238, %le3A_1239 : vector<16xi1>
        %ge3A_1241 = arith.cmpi sge, %gather3A_648, %gather3A_1235 : vector<16xi32>
        %and3A_1242 = arith.andi %and3A_1240, %ge3A_1241 : vector<16xi1>
        %convert_element_type3A_1243 = arith.extui %and3A_1242 : vector<16xi1> to vector<16xi32>
        %broadcast_in_dim3A_1244 = arith.constant true
        %broadcast_in_dim3A_1245 = vector.broadcast %broadcast_in_dim3A_1244 : i1 to vector<16xi1>
        %masked_cumsum3A_1246 = tpu.scan <sum>, %convert_element_type3A_1243 masked %broadcast_in_dim3A_1245 : vector<16xi32>, vector<16xi1> -> vector<16xi32>
        %mul3A_1247 = arith.constant 3 : i32
        %mul3A_1248 = vector.broadcast %mul3A_1247 : i32 to vector<16xi32>
        %mul3A_1249 = arith.muli %mul3A_1248, %masked_cumsum3A_1246 : vector<16xi32>
        %add3A_1250 = arith.addi %add3A_1220, %mul3A_1249 : vector<16xi32>
        tpu.vector_store_idx %arg10[%add3A_1250], %gather3A_1227 masked %and3A_1242 : memref<3072xi32, #tpu.memory_space<vmem>>[vector<16xi32>], vector<16xi32>, vector<16xi1>
        %add3A_1251 = arith.constant 1 : i32
        %add3A_1252 = vector.broadcast %add3A_1251 : i32 to vector<16xi32>
        %add3A_1253 = arith.addi %add3A_1250, %add3A_1252 : vector<16xi32>
        %add3A_1254 = arith.addi %gather3A_1231, %gather3A_641 : vector<16xi32>
        tpu.vector_store_idx %arg10[%add3A_1253], %add3A_1254 masked %and3A_1242 : memref<3072xi32, #tpu.memory_space<vmem>>[vector<16xi32>], vector<16xi32>, vector<16xi1>
        %add3A_1255 = arith.constant 2 : i32
        %add3A_1256 = vector.broadcast %add3A_1255 : i32 to vector<16xi32>
        %add3A_1257 = arith.addi %add3A_1250, %add3A_1256 : vector<16xi32>
        %add3A_1258 = arith.addi %gather3A_1235, %gather3A_641 : vector<16xi32>
        tpu.vector_store_idx %arg10[%add3A_1257], %add3A_1258 masked %and3A_1242 : memref<3072xi32, #tpu.memory_space<vmem>>[vector<16xi32>], vector<16xi32>, vector<16xi1>
        %all_reduce_population_count3A_1259 = tpu.all_reduce %and3A_1242 {dim = 0 : i64, kind = #tpu.reduction_kind<sum>} : vector<16xi1> -> vector<16xi32>
        %mul3A_1260 = arith.constant 3 : i32
        %mul3A_1261 = vector.broadcast %mul3A_1260 : i32 to vector<16xi32>
        %mul3A_1262 = arith.muli %mul3A_1261, %all_reduce_population_count3A_1259 : vector<16xi32>
        %add3A_1263 = arith.addi %add3A_1220, %mul3A_1262 : vector<16xi32>
        %add3A_1264 = arith.constant 144 : i32
        %add3A_1265 = vector.broadcast %add3A_1264 : i32 to vector<16xi32>
        %add3A_1266 = arith.addi %add3A_1138, %add3A_1265 : vector<16xi32>
        %add3A_1267 = arith.constant 48 : i32
        %add3A_1268 = vector.broadcast %add3A_1267 : i32 to vector<16xi32>
        %add3A_1269 = arith.addi %add3A_1134, %add3A_1268 : vector<16xi32>
        %gather3A_1270 = tpu.vector_load_idx %arg8[%add3A_1266] : memref<3072xi32, #tpu.memory_space<vmem>>[vector<16xi32>], vector<16xi32>,
        %add3A_1271 = arith.constant 1 : i32
        %add3A_1272 = vector.broadcast %add3A_1271 : i32 to vector<16xi32>
        %add3A_1273 = arith.addi %add3A_1266, %add3A_1272 : vector<16xi32>
        %gather3A_1274 = tpu.vector_load_idx %arg8[%add3A_1273] : memref<3072xi32, #tpu.memory_space<vmem>>[vector<16xi32>], vector<16xi32>,
        %add3A_1275 = arith.constant 2 : i32
        %add3A_1276 = vector.broadcast %add3A_1275 : i32 to vector<16xi32>
        %add3A_1277 = arith.addi %add3A_1266, %add3A_1276 : vector<16xi32>
        %gather3A_1278 = tpu.vector_load_idx %arg8[%add3A_1277] : memref<3072xi32, #tpu.memory_space<vmem>>[vector<16xi32>], vector<16xi32>,
        %lt3A_1279 = arith.cmpi slt, %add3A_1269, %gather3A_649 : vector<16xi32>
        %ge3A_1280 = arith.cmpi sge, %gather3A_1278, %gather3A_1274 : vector<16xi32>
        %and3A_1281 = arith.andi %lt3A_1279, %ge3A_1280 : vector<16xi1>
        %le3A_1282 = arith.cmpi sle, %gather3A_641, %gather3A_1274 : vector<16xi32>
        %and3A_1283 = arith.andi %and3A_1281, %le3A_1282 : vector<16xi1>
        %ge3A_1284 = arith.cmpi sge, %gather3A_648, %gather3A_1278 : vector<16xi32>
        %and3A_1285 = arith.andi %and3A_1283, %ge3A_1284 : vector<16xi1>
        %convert_element_type3A_1286 = arith.extui %and3A_1285 : vector<16xi1> to vector<16xi32>
        %broadcast_in_dim3A_1287 = arith.constant true
        %broadcast_in_dim3A_1288 = vector.broadcast %broadcast_in_dim3A_1287 : i1 to vector<16xi1>
        %masked_cumsum3A_1289 = tpu.scan <sum>, %convert_element_type3A_1286 masked %broadcast_in_dim3A_1288 : vector<16xi32>, vector<16xi1> -> vector<16xi32>
        %mul3A_1290 = arith.constant 3 : i32
        %mul3A_1291 = vector.broadcast %mul3A_1290 : i32 to vector<16xi32>
        %mul3A_1292 = arith.muli %mul3A_1291, %masked_cumsum3A_1289 : vector<16xi32>
        %add3A_1293 = arith.addi %add3A_1263, %mul3A_1292 : vector<16xi32>
        tpu.vector_store_idx %arg10[%add3A_1293], %gather3A_1270 masked %and3A_1285 : memref<3072xi32, #tpu.memory_space<vmem>>[vector<16xi32>], vector<16xi32>, vector<16xi1>
        %add3A_1294 = arith.constant 1 : i32
        %add3A_1295 = vector.broadcast %add3A_1294 : i32 to vector<16xi32>
        %add3A_1296 = arith.addi %add3A_1293, %add3A_1295 : vector<16xi32>
        %add3A_1297 = arith.addi %gather3A_1274, %gather3A_641 : vector<16xi32>
        tpu.vector_store_idx %arg10[%add3A_1296], %add3A_1297 masked %and3A_1285 : memref<3072xi32, #tpu.memory_space<vmem>>[vector<16xi32>], vector<16xi32>, vector<16xi1>
        %add3A_1298 = arith.constant 2 : i32
        %add3A_1299 = vector.broadcast %add3A_1298 : i32 to vector<16xi32>
        %add3A_1300 = arith.addi %add3A_1293, %add3A_1299 : vector<16xi32>
        %add3A_1301 = arith.addi %gather3A_1278, %gather3A_641 : vector<16xi32>
        tpu.vector_store_idx %arg10[%add3A_1300], %add3A_1301 masked %and3A_1285 : memref<3072xi32, #tpu.memory_space<vmem>>[vector<16xi32>], vector<16xi32>, vector<16xi1>
        %all_reduce_population_count3A_1302 = tpu.all_reduce %and3A_1285 {dim = 0 : i64, kind = #tpu.reduction_kind<sum>} : vector<16xi1> -> vector<16xi32>
        %mul3A_1303 = arith.constant 3 : i32
        %mul3A_1304 = vector.broadcast %mul3A_1303 : i32 to vector<16xi32>
        %mul3A_1305 = arith.muli %mul3A_1304, %all_reduce_population_count3A_1302 : vector<16xi32>
        %add3A_1306 = arith.addi %add3A_1263, %mul3A_1305 : vector<16xi32>
        %add3A_1307 = arith.constant 192 : i32
        %add3A_1308 = vector.broadcast %add3A_1307 : i32 to vector<16xi32>
        %add3A_1309 = arith.addi %add3A_1138, %add3A_1308 : vector<16xi32>
        %add3A_1310 = arith.constant 64 : i32
        %add3A_1311 = vector.broadcast %add3A_1310 : i32 to vector<16xi32>
        %add3A_1312 = arith.addi %add3A_1134, %add3A_1311 : vector<16xi32>
        %gather3A_1313 = tpu.vector_load_idx %arg8[%add3A_1309] : memref<3072xi32, #tpu.memory_space<vmem>>[vector<16xi32>], vector<16xi32>,
        %add3A_1314 = arith.constant 1 : i32
        %add3A_1315 = vector.broadcast %add3A_1314 : i32 to vector<16xi32>
        %add3A_1316 = arith.addi %add3A_1309, %add3A_1315 : vector<16xi32>
        %gather3A_1317 = tpu.vector_load_idx %arg8[%add3A_1316] : memref<3072xi32, #tpu.memory_space<vmem>>[vector<16xi32>], vector<16xi32>,
        %add3A_1318 = arith.constant 2 : i32
        %add3A_1319 = vector.broadcast %add3A_1318 : i32 to vector<16xi32>
        %add3A_1320 = arith.addi %add3A_1309, %add3A_1319 : vector<16xi32>
        %gather3A_1321 = tpu.vector_load_idx %arg8[%add3A_1320] : memref<3072xi32, #tpu.memory_space<vmem>>[vector<16xi32>], vector<16xi32>,
        %lt3A_1322 = arith.cmpi slt, %add3A_1312, %gather3A_649 : vector<16xi32>
        %ge3A_1323 = arith.cmpi sge, %gather3A_1321, %gather3A_1317 : vector<16xi32>
        %and3A_1324 = arith.andi %lt3A_1322, %ge3A_1323 : vector<16xi1>
        %le3A_1325 = arith.cmpi sle, %gather3A_641, %gather3A_1317 : vector<16xi32>
        %and3A_1326 = arith.andi %and3A_1324, %le3A_1325 : vector<16xi1>
        %ge3A_1327 = arith.cmpi sge, %gather3A_648, %gather3A_1321 : vector<16xi32>
        %and3A_1328 = arith.andi %and3A_1326, %ge3A_1327 : vector<16xi1>
        %convert_element_type3A_1329 = arith.extui %and3A_1328 : vector<16xi1> to vector<16xi32>
        %broadcast_in_dim3A_1330 = arith.constant true
        %broadcast_in_dim3A_1331 = vector.broadcast %broadcast_in_dim3A_1330 : i1 to vector<16xi1>
        %masked_cumsum3A_1332 = tpu.scan <sum>, %convert_element_type3A_1329 masked %broadcast_in_dim3A_1331 : vector<16xi32>, vector<16xi1> -> vector<16xi32>
        %mul3A_1333 = arith.constant 3 : i32
        %mul3A_1334 = vector.broadcast %mul3A_1333 : i32 to vector<16xi32>
        %mul3A_1335 = arith.muli %mul3A_1334, %masked_cumsum3A_1332 : vector<16xi32>
        %add3A_1336 = arith.addi %add3A_1306, %mul3A_1335 : vector<16xi32>
        tpu.vector_store_idx %arg10[%add3A_1336], %gather3A_1313 masked %and3A_1328 : memref<3072xi32, #tpu.memory_space<vmem>>[vector<16xi32>], vector<16xi32>, vector<16xi1>
        %add3A_1337 = arith.constant 1 : i32
        %add3A_1338 = vector.broadcast %add3A_1337 : i32 to vector<16xi32>
        %add3A_1339 = arith.addi %add3A_1336, %add3A_1338 : vector<16xi32>
        %add3A_1340 = arith.addi %gather3A_1317, %gather3A_641 : vector<16xi32>
        tpu.vector_store_idx %arg10[%add3A_1339], %add3A_1340 masked %and3A_1328 : memref<3072xi32, #tpu.memory_space<vmem>>[vector<16xi32>], vector<16xi32>, vector<16xi1>
        %add3A_1341 = arith.constant 2 : i32
        %add3A_1342 = vector.broadcast %add3A_1341 : i32 to vector<16xi32>
        %add3A_1343 = arith.addi %add3A_1336, %add3A_1342 : vector<16xi32>
        %add3A_1344 = arith.addi %gather3A_1321, %gather3A_641 : vector<16xi32>
        tpu.vector_store_idx %arg10[%add3A_1343], %add3A_1344 masked %and3A_1328 : memref<3072xi32, #tpu.memory_space<vmem>>[vector<16xi32>], vector<16xi32>, vector<16xi1>
        %all_reduce_population_count3A_1345 = tpu.all_reduce %and3A_1328 {dim = 0 : i64, kind = #tpu.reduction_kind<sum>} : vector<16xi1> -> vector<16xi32>
        %mul3A_1346 = arith.constant 3 : i32
        %mul3A_1347 = vector.broadcast %mul3A_1346 : i32 to vector<16xi32>
        %mul3A_1348 = arith.muli %mul3A_1347, %all_reduce_population_count3A_1345 : vector<16xi32>
        %add3A_1349 = arith.addi %add3A_1306, %mul3A_1348 : vector<16xi32>
        %add3A_1350 = arith.constant 240 : i32
        %add3A_1351 = vector.broadcast %add3A_1350 : i32 to vector<16xi32>
        %add3A_1352 = arith.addi %add3A_1138, %add3A_1351 : vector<16xi32>
        %add3A_1353 = arith.constant 80 : i32
        %add3A_1354 = vector.broadcast %add3A_1353 : i32 to vector<16xi32>
        %add3A_1355 = arith.addi %add3A_1134, %add3A_1354 : vector<16xi32>
        %gather3A_1356 = tpu.vector_load_idx %arg8[%add3A_1352] : memref<3072xi32, #tpu.memory_space<vmem>>[vector<16xi32>], vector<16xi32>,
        %add3A_1357 = arith.constant 1 : i32
        %add3A_1358 = vector.broadcast %add3A_1357 : i32 to vector<16xi32>
        %add3A_1359 = arith.addi %add3A_1352, %add3A_1358 : vector<16xi32>
        %gather3A_1360 = tpu.vector_load_idx %arg8[%add3A_1359] : memref<3072xi32, #tpu.memory_space<vmem>>[vector<16xi32>], vector<16xi32>,
        %add3A_1361 = arith.constant 2 : i32
        %add3A_1362 = vector.broadcast %add3A_1361 : i32 to vector<16xi32>
        %add3A_1363 = arith.addi %add3A_1352, %add3A_1362 : vector<16xi32>
        %gather3A_1364 = tpu.vector_load_idx %arg8[%add3A_1363] : memref<3072xi32, #tpu.memory_space<vmem>>[vector<16xi32>], vector<16xi32>,
        %lt3A_1365 = arith.cmpi slt, %add3A_1355, %gather3A_649 : vector<16xi32>
        %ge3A_1366 = arith.cmpi sge, %gather3A_1364, %gather3A_1360 : vector<16xi32>
        %and3A_1367 = arith.andi %lt3A_1365, %ge3A_1366 : vector<16xi1>
        %le3A_1368 = arith.cmpi sle, %gather3A_641, %gather3A_1360 : vector<16xi32>
        %and3A_1369 = arith.andi %and3A_1367, %le3A_1368 : vector<16xi1>
        %ge3A_1370 = arith.cmpi sge, %gather3A_648, %gather3A_1364 : vector<16xi32>
        %and3A_1371 = arith.andi %and3A_1369, %ge3A_1370 : vector<16xi1>
        %convert_element_type3A_1372 = arith.extui %and3A_1371 : vector<16xi1> to vector<16xi32>
        %broadcast_in_dim3A_1373 = arith.constant true
        %broadcast_in_dim3A_1374 = vector.broadcast %broadcast_in_dim3A_1373 : i1 to vector<16xi1>
        %masked_cumsum3A_1375 = tpu.scan <sum>, %convert_element_type3A_1372 masked %broadcast_in_dim3A_1374 : vector<16xi32>, vector<16xi1> -> vector<16xi32>
        %mul3A_1376 = arith.constant 3 : i32
        %mul3A_1377 = vector.broadcast %mul3A_1376 : i32 to vector<16xi32>
        %mul3A_1378 = arith.muli %mul3A_1377, %masked_cumsum3A_1375 : vector<16xi32>
        %add3A_1379 = arith.addi %add3A_1349, %mul3A_1378 : vector<16xi32>
        tpu.vector_store_idx %arg10[%add3A_1379], %gather3A_1356 masked %and3A_1371 : memref<3072xi32, #tpu.memory_space<vmem>>[vector<16xi32>], vector<16xi32>, vector<16xi1>
        %add3A_1380 = arith.constant 1 : i32
        %add3A_1381 = vector.broadcast %add3A_1380 : i32 to vector<16xi32>
        %add3A_1382 = arith.addi %add3A_1379, %add3A_1381 : vector<16xi32>
        %add3A_1383 = arith.addi %gather3A_1360, %gather3A_641 : vector<16xi32>
        tpu.vector_store_idx %arg10[%add3A_1382], %add3A_1383 masked %and3A_1371 : memref<3072xi32, #tpu.memory_space<vmem>>[vector<16xi32>], vector<16xi32>, vector<16xi1>
        %add3A_1384 = arith.constant 2 : i32
        %add3A_1385 = vector.broadcast %add3A_1384 : i32 to vector<16xi32>
        %add3A_1386 = arith.addi %add3A_1379, %add3A_1385 : vector<16xi32>
        %add3A_1387 = arith.addi %gather3A_1364, %gather3A_641 : vector<16xi32>
        tpu.vector_store_idx %arg10[%add3A_1386], %add3A_1387 masked %and3A_1371 : memref<3072xi32, #tpu.memory_space<vmem>>[vector<16xi32>], vector<16xi32>, vector<16xi1>
        %all_reduce_population_count3A_1388 = tpu.all_reduce %and3A_1371 {dim = 0 : i64, kind = #tpu.reduction_kind<sum>} : vector<16xi1> -> vector<16xi32>
        %mul3A_1389 = arith.constant 3 : i32
        %mul3A_1390 = vector.broadcast %mul3A_1389 : i32 to vector<16xi32>
        %mul3A_1391 = arith.muli %mul3A_1390, %all_reduce_population_count3A_1388 : vector<16xi32>
        %add3A_1392 = arith.addi %add3A_1349, %mul3A_1391 : vector<16xi32>
        %add3A_1393 = arith.constant 288 : i32
        %add3A_1394 = vector.broadcast %add3A_1393 : i32 to vector<16xi32>
        %add3A_1395 = arith.addi %add3A_1138, %add3A_1394 : vector<16xi32>
        %add3A_1396 = arith.constant 96 : i32
        %add3A_1397 = vector.broadcast %add3A_1396 : i32 to vector<16xi32>
        %add3A_1398 = arith.addi %add3A_1134, %add3A_1397 : vector<16xi32>
        %gather3A_1399 = tpu.vector_load_idx %arg8[%add3A_1395] : memref<3072xi32, #tpu.memory_space<vmem>>[vector<16xi32>], vector<16xi32>,
        %add3A_1400 = arith.constant 1 : i32
        %add3A_1401 = vector.broadcast %add3A_1400 : i32 to vector<16xi32>
        %add3A_1402 = arith.addi %add3A_1395, %add3A_1401 : vector<16xi32>
        %gather3A_1403 = tpu.vector_load_idx %arg8[%add3A_1402] : memref<3072xi32, #tpu.memory_space<vmem>>[vector<16xi32>], vector<16xi32>,
        %add3A_1404 = arith.constant 2 : i32
        %add3A_1405 = vector.broadcast %add3A_1404 : i32 to vector<16xi32>
        %add3A_1406 = arith.addi %add3A_1395, %add3A_1405 : vector<16xi32>
        %gather3A_1407 = tpu.vector_load_idx %arg8[%add3A_1406] : memref<3072xi32, #tpu.memory_space<vmem>>[vector<16xi32>], vector<16xi32>,
        %lt3A_1408 = arith.cmpi slt, %add3A_1398, %gather3A_649 : vector<16xi32>
        %ge3A_1409 = arith.cmpi sge, %gather3A_1407, %gather3A_1403 : vector<16xi32>
        %and3A_1410 = arith.andi %lt3A_1408, %ge3A_1409 : vector<16xi1>
        %le3A_1411 = arith.cmpi sle, %gather3A_641, %gather3A_1403 : vector<16xi32>
        %and3A_1412 = arith.andi %and3A_1410, %le3A_1411 : vector<16xi1>
        %ge3A_1413 = arith.cmpi sge, %gather3A_648, %gather3A_1407 : vector<16xi32>
        %and3A_1414 = arith.andi %and3A_1412, %ge3A_1413 : vector<16xi1>
        %convert_element_type3A_1415 = arith.extui %and3A_1414 : vector<16xi1> to vector<16xi32>
        %broadcast_in_dim3A_1416 = arith.constant true
        %broadcast_in_dim3A_1417 = vector.broadcast %broadcast_in_dim3A_1416 : i1 to vector<16xi1>
        %masked_cumsum3A_1418 = tpu.scan <sum>, %convert_element_type3A_1415 masked %broadcast_in_dim3A_1417 : vector<16xi32>, vector<16xi1> -> vector<16xi32>
        %mul3A_1419 = arith.constant 3 : i32
        %mul3A_1420 = vector.broadcast %mul3A_1419 : i32 to vector<16xi32>
        %mul3A_1421 = arith.muli %mul3A_1420, %masked_cumsum3A_1418 : vector<16xi32>
        %add3A_1422 = arith.addi %add3A_1392, %mul3A_1421 : vector<16xi32>
        tpu.vector_store_idx %arg10[%add3A_1422], %gather3A_1399 masked %and3A_1414 : memref<3072xi32, #tpu.memory_space<vmem>>[vector<16xi32>], vector<16xi32>, vector<16xi1>
        %add3A_1423 = arith.constant 1 : i32
        %add3A_1424 = vector.broadcast %add3A_1423 : i32 to vector<16xi32>
        %add3A_1425 = arith.addi %add3A_1422, %add3A_1424 : vector<16xi32>
        %add3A_1426 = arith.addi %gather3A_1403, %gather3A_641 : vector<16xi32>
        tpu.vector_store_idx %arg10[%add3A_1425], %add3A_1426 masked %and3A_1414 : memref<3072xi32, #tpu.memory_space<vmem>>[vector<16xi32>], vector<16xi32>, vector<16xi1>
        %add3A_1427 = arith.constant 2 : i32
        %add3A_1428 = vector.broadcast %add3A_1427 : i32 to vector<16xi32>
        %add3A_1429 = arith.addi %add3A_1422, %add3A_1428 : vector<16xi32>
        %add3A_1430 = arith.addi %gather3A_1407, %gather3A_641 : vector<16xi32>
        tpu.vector_store_idx %arg10[%add3A_1429], %add3A_1430 masked %and3A_1414 : memref<3072xi32, #tpu.memory_space<vmem>>[vector<16xi32>], vector<16xi32>, vector<16xi1>
        %all_reduce_population_count3A_1431 = tpu.all_reduce %and3A_1414 {dim = 0 : i64, kind = #tpu.reduction_kind<sum>} : vector<16xi1> -> vector<16xi32>
        %mul3A_1432 = arith.constant 3 : i32
        %mul3A_1433 = vector.broadcast %mul3A_1432 : i32 to vector<16xi32>
        %mul3A_1434 = arith.muli %mul3A_1433, %all_reduce_population_count3A_1431 : vector<16xi32>
        %add3A_1435 = arith.addi %add3A_1392, %mul3A_1434 : vector<16xi32>
        %add3A_1436 = arith.constant 336 : i32
        %add3A_1437 = vector.broadcast %add3A_1436 : i32 to vector<16xi32>
        %add3A_1438 = arith.addi %add3A_1138, %add3A_1437 : vector<16xi32>
        %add3A_1439 = arith.constant 112 : i32
        %add3A_1440 = vector.broadcast %add3A_1439 : i32 to vector<16xi32>
        %add3A_1441 = arith.addi %add3A_1134, %add3A_1440 : vector<16xi32>
        %gather3A_1442 = tpu.vector_load_idx %arg8[%add3A_1438] : memref<3072xi32, #tpu.memory_space<vmem>>[vector<16xi32>], vector<16xi32>,
        %add3A_1443 = arith.constant 1 : i32
        %add3A_1444 = vector.broadcast %add3A_1443 : i32 to vector<16xi32>
        %add3A_1445 = arith.addi %add3A_1438, %add3A_1444 : vector<16xi32>
        %gather3A_1446 = tpu.vector_load_idx %arg8[%add3A_1445] : memref<3072xi32, #tpu.memory_space<vmem>>[vector<16xi32>], vector<16xi32>,
        %add3A_1447 = arith.constant 2 : i32
        %add3A_1448 = vector.broadcast %add3A_1447 : i32 to vector<16xi32>
        %add3A_1449 = arith.addi %add3A_1438, %add3A_1448 : vector<16xi32>
        %gather3A_1450 = tpu.vector_load_idx %arg8[%add3A_1449] : memref<3072xi32, #tpu.memory_space<vmem>>[vector<16xi32>], vector<16xi32>,
        %lt3A_1451 = arith.cmpi slt, %add3A_1441, %gather3A_649 : vector<16xi32>
        %ge3A_1452 = arith.cmpi sge, %gather3A_1450, %gather3A_1446 : vector<16xi32>
        %and3A_1453 = arith.andi %lt3A_1451, %ge3A_1452 : vector<16xi1>
        %le3A_1454 = arith.cmpi sle, %gather3A_641, %gather3A_1446 : vector<16xi32>
        %and3A_1455 = arith.andi %and3A_1453, %le3A_1454 : vector<16xi1>
        %ge3A_1456 = arith.cmpi sge, %gather3A_648, %gather3A_1450 : vector<16xi32>
        %and3A_1457 = arith.andi %and3A_1455, %ge3A_1456 : vector<16xi1>
        %convert_element_type3A_1458 = arith.extui %and3A_1457 : vector<16xi1> to vector<16xi32>
        %broadcast_in_dim3A_1459 = arith.constant true
        %broadcast_in_dim3A_1460 = vector.broadcast %broadcast_in_dim3A_1459 : i1 to vector<16xi1>
        %masked_cumsum3A_1461 = tpu.scan <sum>, %convert_element_type3A_1458 masked %broadcast_in_dim3A_1460 : vector<16xi32>, vector<16xi1> -> vector<16xi32>
        %mul3A_1462 = arith.constant 3 : i32
        %mul3A_1463 = vector.broadcast %mul3A_1462 : i32 to vector<16xi32>
        %mul3A_1464 = arith.muli %mul3A_1463, %masked_cumsum3A_1461 : vector<16xi32>
        %add3A_1465 = arith.addi %add3A_1435, %mul3A_1464 : vector<16xi32>
        tpu.vector_store_idx %arg10[%add3A_1465], %gather3A_1442 masked %and3A_1457 : memref<3072xi32, #tpu.memory_space<vmem>>[vector<16xi32>], vector<16xi32>, vector<16xi1>
        %add3A_1466 = arith.constant 1 : i32
        %add3A_1467 = vector.broadcast %add3A_1466 : i32 to vector<16xi32>
        %add3A_1468 = arith.addi %add3A_1465, %add3A_1467 : vector<16xi32>
        %add3A_1469 = arith.addi %gather3A_1446, %gather3A_641 : vector<16xi32>
        tpu.vector_store_idx %arg10[%add3A_1468], %add3A_1469 masked %and3A_1457 : memref<3072xi32, #tpu.memory_space<vmem>>[vector<16xi32>], vector<16xi32>, vector<16xi1>
        %add3A_1470 = arith.constant 2 : i32
        %add3A_1471 = vector.broadcast %add3A_1470 : i32 to vector<16xi32>
        %add3A_1472 = arith.addi %add3A_1465, %add3A_1471 : vector<16xi32>
        %add3A_1473 = arith.addi %gather3A_1450, %gather3A_641 : vector<16xi32>
        tpu.vector_store_idx %arg10[%add3A_1472], %add3A_1473 masked %and3A_1457 : memref<3072xi32, #tpu.memory_space<vmem>>[vector<16xi32>], vector<16xi32>, vector<16xi1>
        %all_reduce_population_count3A_1474 = tpu.all_reduce %and3A_1457 {dim = 0 : i64, kind = #tpu.reduction_kind<sum>} : vector<16xi1> -> vector<16xi32>
        %mul3A_1475 = arith.constant 3 : i32
        %mul3A_1476 = vector.broadcast %mul3A_1475 : i32 to vector<16xi32>
        %mul3A_1477 = arith.muli %mul3A_1476, %all_reduce_population_count3A_1474 : vector<16xi32>
        %add3A_1478 = arith.addi %add3A_1435, %mul3A_1477 : vector<16xi32>
        scf.yield %add3A_1478 : vector<16xi32>
      }
      %while3A_1084 = arith.constant 1 : i32
      %while3A_1085 = scf.for %while3A_1129 = %while3A_1081 to %while3A_1077 step %while3A_1084 iter_args(%while3A_1130 = %while3A_1083) -> (vector<16xi32>)  : i32 {
        %mul3A_1131 = arith.constant 128 : i32
        %mul3A_1132 = arith.muli %while3A_1129, %mul3A_1131 : i32
        %add3A_1133 = vector.broadcast %mul3A_1132 : i32 to vector<16xi32>
        %add3A_1134 = arith.addi %add3A_1133, %iota3A : vector<16xi32>
        %mul3A_1135 = arith.constant 3 : i32
        %mul3A_1136 = arith.muli %mul3A_1135, %mul3A_1132 : i32
        %add3A_1137 = vector.broadcast %mul3A_1136 : i32 to vector<16xi32>
        %add3A_1138 = arith.addi %add3A_1137, %mul3A_7 : vector<16xi32>
        %add3A_1139 = arith.constant 0 : i32
        %add3A_1140 = vector.broadcast %add3A_1139 : i32 to vector<16xi32>
        %add3A_1141 = arith.addi %add3A_1138, %add3A_1140 : vector<16xi32>
        %add3A_1142 = arith.constant 0 : i32
        %add3A_1143 = vector.broadcast %add3A_1142 : i32 to vector<16xi32>
        %add3A_1144 = arith.addi %add3A_1134, %add3A_1143 : vector<16xi32>
        %gather3A_1145 = tpu.vector_load_idx %arg8[%add3A_1141] : memref<3072xi32, #tpu.memory_space<vmem>>[vector<16xi32>], vector<16xi32>,
        %add3A_1146 = arith.constant 1 : i32
        %add3A_1147 = vector.broadcast %add3A_1146 : i32 to vector<16xi32>
        %add3A_1148 = arith.addi %add3A_1141, %add3A_1147 : vector<16xi32>
        %gather3A_1149 = tpu.vector_load_idx %arg8[%add3A_1148] : memref<3072xi32, #tpu.memory_space<vmem>>[vector<16xi32>], vector<16xi32>,
        %add3A_1150 = arith.constant 2 : i32
        %add3A_1151 = vector.broadcast %add3A_1150 : i32 to vector<16xi32>
        %add3A_1152 = arith.addi %add3A_1141, %add3A_1151 : vector<16xi32>
        %gather3A_1153 = tpu.vector_load_idx %arg8[%add3A_1152] : memref<3072xi32, #tpu.memory_space<vmem>>[vector<16xi32>], vector<16xi32>,
        %lt3A_1154 = arith.cmpi slt, %add3A_1144, %gather3A_649 : vector<16xi32>
        %ge3A = arith.cmpi sge, %gather3A_1153, %gather3A_1149 : vector<16xi32>
        %and3A_1155 = arith.andi %lt3A_1154, %ge3A : vector<16xi1>
        %le3A = arith.cmpi sle, %gather3A_641, %gather3A_1149 : vector<16xi32>
        %and3A_1156 = arith.andi %and3A_1155, %le3A : vector<16xi1>
        %ge3A_1157 = arith.cmpi sge, %gather3A_648, %gather3A_1153 : vector<16xi32>
        %and3A_1158 = arith.andi %and3A_1156, %ge3A_1157 : vector<16xi1>
        %convert_element_type3A_1159 = arith.extui %and3A_1158 : vector<16xi1> to vector<16xi32>
        %broadcast_in_dim3A_1160 = arith.constant true
        %broadcast_in_dim3A_1161 = vector.broadcast %broadcast_in_dim3A_1160 : i1 to vector<16xi1>
        %masked_cumsum3A = tpu.scan <sum>, %convert_element_type3A_1159 masked %broadcast_in_dim3A_1161 : vector<16xi32>, vector<16xi1> -> vector<16xi32>
        %mul3A_1162 = arith.constant 3 : i32
        %mul3A_1163 = vector.broadcast %mul3A_1162 : i32 to vector<16xi32>
        %mul3A_1164 = arith.muli %mul3A_1163, %masked_cumsum3A : vector<16xi32>
        %add3A_1165 = arith.addi %while3A_1130, %mul3A_1164 : vector<16xi32>
        tpu.vector_store_idx %arg10[%add3A_1165], %gather3A_1145 masked %and3A_1158 : memref<3072xi32, #tpu.memory_space<vmem>>[vector<16xi32>], vector<16xi32>, vector<16xi1>
        %add3A_1166 = arith.constant 1 : i32
        %add3A_1167 = vector.broadcast %add3A_1166 : i32 to vector<16xi32>
        %add3A_1168 = arith.addi %add3A_1165, %add3A_1167 : vector<16xi32>
        %add3A_1169 = arith.addi %gather3A_1149, %gather3A_641 : vector<16xi32>
        tpu.vector_store_idx %arg10[%add3A_1168], %add3A_1169 masked %and3A_1158 : memref<3072xi32, #tpu.memory_space<vmem>>[vector<16xi32>], vector<16xi32>, vector<16xi1>
        %add3A_1170 = arith.constant 2 : i32
        %add3A_1171 = vector.broadcast %add3A_1170 : i32 to vector<16xi32>
        %add3A_1172 = arith.addi %add3A_1165, %add3A_1171 : vector<16xi32>
        %add3A_1173 = arith.addi %gather3A_1153, %gather3A_641 : vector<16xi32>
        tpu.vector_store_idx %arg10[%add3A_1172], %add3A_1173 masked %and3A_1158 : memref<3072xi32, #tpu.memory_space<vmem>>[vector<16xi32>], vector<16xi32>, vector<16xi1>
        %all_reduce_population_count3A = tpu.all_reduce %and3A_1158 {dim = 0 : i64, kind = #tpu.reduction_kind<sum>} : vector<16xi1> -> vector<16xi32>
        %mul3A_1174 = arith.constant 3 : i32
        %mul3A_1175 = vector.broadcast %mul3A_1174 : i32 to vector<16xi32>
        %mul3A_1176 = arith.muli %mul3A_1175, %all_reduce_population_count3A : vector<16xi32>
        %add3A_1177 = arith.addi %while3A_1130, %mul3A_1176 : vector<16xi32>
        %add3A_1178 = arith.constant 48 : i32
        %add3A_1179 = vector.broadcast %add3A_1178 : i32 to vector<16xi32>
        %add3A_1180 = arith.addi %add3A_1138, %add3A_1179 : vector<16xi32>
        %add3A_1181 = arith.constant 16 : i32
        %add3A_1182 = vector.broadcast %add3A_1181 : i32 to vector<16xi32>
        %add3A_1183 = arith.addi %add3A_1134, %add3A_1182 : vector<16xi32>
        %gather3A_1184 = tpu.vector_load_idx %arg8[%add3A_1180] : memref<3072xi32, #tpu.memory_space<vmem>>[vector<16xi32>], vector<16xi32>,
        %add3A_1185 = arith.constant 1 : i32
        %add3A_1186 = vector.broadcast %add3A_1185 : i32 to vector<16xi32>
        %add3A_1187 = arith.addi %add3A_1180, %add3A_1186 : vector<16xi32>
        %gather3A_1188 = tpu.vector_load_idx %arg8[%add3A_1187] : memref<3072xi32, #tpu.memory_space<vmem>>[vector<16xi32>], vector<16xi32>,
        %add3A_1189 = arith.constant 2 : i32
        %add3A_1190 = vector.broadcast %add3A_1189 : i32 to vector<16xi32>
        %add3A_1191 = arith.addi %add3A_1180, %add3A_1190 : vector<16xi32>
        %gather3A_1192 = tpu.vector_load_idx %arg8[%add3A_1191] : memref<3072xi32, #tpu.memory_space<vmem>>[vector<16xi32>], vector<16xi32>,
        %lt3A_1193 = arith.cmpi slt, %add3A_1183, %gather3A_649 : vector<16xi32>
        %ge3A_1194 = arith.cmpi sge, %gather3A_1192, %gather3A_1188 : vector<16xi32>
        %and3A_1195 = arith.andi %lt3A_1193, %ge3A_1194 : vector<16xi1>
        %le3A_1196 = arith.cmpi sle, %gather3A_641, %gather3A_1188 : vector<16xi32>
        %and3A_1197 = arith.andi %and3A_1195, %le3A_1196 : vector<16xi1>
        %ge3A_1198 = arith.cmpi sge, %gather3A_648, %gather3A_1192 : vector<16xi32>
        %and3A_1199 = arith.andi %and3A_1197, %ge3A_1198 : vector<16xi1>
        %convert_element_type3A_1200 = arith.extui %and3A_1199 : vector<16xi1> to vector<16xi32>
        %broadcast_in_dim3A_1201 = arith.constant true
        %broadcast_in_dim3A_1202 = vector.broadcast %broadcast_in_dim3A_1201 : i1 to vector<16xi1>
        %masked_cumsum3A_1203 = tpu.scan <sum>, %convert_element_type3A_1200 masked %broadcast_in_dim3A_1202 : vector<16xi32>, vector<16xi1> -> vector<16xi32>
        %mul3A_1204 = arith.constant 3 : i32
        %mul3A_1205 = vector.broadcast %mul3A_1204 : i32 to vector<16xi32>
        %mul3A_1206 = arith.muli %mul3A_1205, %masked_cumsum3A_1203 : vector<16xi32>
        %add3A_1207 = arith.addi %add3A_1177, %mul3A_1206 : vector<16xi32>
        tpu.vector_store_idx %arg10[%add3A_1207], %gather3A_1184 masked %and3A_1199 : memref<3072xi32, #tpu.memory_space<vmem>>[vector<16xi32>], vector<16xi32>, vector<16xi1>
        %add3A_1208 = arith.constant 1 : i32
        %add3A_1209 = vector.broadcast %add3A_1208 : i32 to vector<16xi32>
        %add3A_1210 = arith.addi %add3A_1207, %add3A_1209 : vector<16xi32>
        %add3A_1211 = arith.addi %gather3A_1188, %gather3A_641 : vector<16xi32>
        tpu.vector_store_idx %arg10[%add3A_1210], %add3A_1211 masked %and3A_1199 : memref<3072xi32, #tpu.memory_space<vmem>>[vector<16xi32>], vector<16xi32>, vector<16xi1>
        %add3A_1212 = arith.constant 2 : i32
        %add3A_1213 = vector.broadcast %add3A_1212 : i32 to vector<16xi32>
        %add3A_1214 = arith.addi %add3A_1207, %add3A_1213 : vector<16xi32>
        %add3A_1215 = arith.addi %gather3A_1192, %gather3A_641 : vector<16xi32>
        tpu.vector_store_idx %arg10[%add3A_1214], %add3A_1215 masked %and3A_1199 : memref<3072xi32, #tpu.memory_space<vmem>>[vector<16xi32>], vector<16xi32>, vector<16xi1>
        %all_reduce_population_count3A_1216 = tpu.all_reduce %and3A_1199 {dim = 0 : i64, kind = #tpu.reduction_kind<sum>} : vector<16xi1> -> vector<16xi32>
        %mul3A_1217 = arith.constant 3 : i32
        %mul3A_1218 = vector.broadcast %mul3A_1217 : i32 to vector<16xi32>
        %mul3A_1219 = arith.muli %mul3A_1218, %all_reduce_population_count3A_1216 : vector<16xi32>
        %add3A_1220 = arith.addi %add3A_1177, %mul3A_1219 : vector<16xi32>
        %add3A_1221 = arith.constant 96 : i32
        %add3A_1222 = vector.broadcast %add3A_1221 : i32 to vector<16xi32>
        %add3A_1223 = arith.addi %add3A_1138, %add3A_1222 : vector<16xi32>
        %add3A_1224 = arith.constant 32 : i32
        %add3A_1225 = vector.broadcast %add3A_1224 : i32 to vector<16xi32>
        %add3A_1226 = arith.addi %add3A_1134, %add3A_1225 : vector<16xi32>
        %gather3A_1227 = tpu.vector_load_idx %arg8[%add3A_1223] : memref<3072xi32, #tpu.memory_space<vmem>>[vector<16xi32>], vector<16xi32>,
        %add3A_1228 = arith.constant 1 : i32
        %add3A_1229 = vector.broadcast %add3A_1228 : i32 to vector<16xi32>
        %add3A_1230 = arith.addi %add3A_1223, %add3A_1229 : vector<16xi32>
        %gather3A_1231 = tpu.vector_load_idx %arg8[%add3A_1230] : memref<3072xi32, #tpu.memory_space<vmem>>[vector<16xi32>], vector<16xi32>,
        %add3A_1232 = arith.constant 2 : i32
        %add3A_1233 = vector.broadcast %add3A_1232 : i32 to vector<16xi32>
        %add3A_1234 = arith.addi %add3A_1223, %add3A_1233 : vector<16xi32>
        %gather3A_1235 = tpu.vector_load_idx %arg8[%add3A_1234] : memref<3072xi32, #tpu.memory_space<vmem>>[vector<16xi32>], vector<16xi32>,
        %lt3A_1236 = arith.cmpi slt, %add3A_1226, %gather3A_649 : vector<16xi32>
        %ge3A_1237 = arith.cmpi sge, %gather3A_1235, %gather3A_1231 : vector<16xi32>
        %and3A_1238 = arith.andi %lt3A_1236, %ge3A_1237 : vector<16xi1>
        %le3A_1239 = arith.cmpi sle, %gather3A_641, %gather3A_1231 : vector<16xi32>
        %and3A_1240 = arith.andi %and3A_1238, %le3A_1239 : vector<16xi1>
        %ge3A_1241 = arith.cmpi sge, %gather3A_648, %gather3A_1235 : vector<16xi32>
        %and3A_1242 = arith.andi %and3A_1240, %ge3A_1241 : vector<16xi1>
        %convert_element_type3A_1243 = arith.extui %and3A_1242 : vector<16xi1> to vector<16xi32>
        %broadcast_in_dim3A_1244 = arith.constant true
        %broadcast_in_dim3A_1245 = vector.broadcast %broadcast_in_dim3A_1244 : i1 to vector<16xi1>
        %masked_cumsum3A_1246 = tpu.scan <sum>, %convert_element_type3A_1243 masked %broadcast_in_dim3A_1245 : vector<16xi32>, vector<16xi1> -> vector<16xi32>
        %mul3A_1247 = arith.constant 3 : i32
        %mul3A_1248 = vector.broadcast %mul3A_1247 : i32 to vector<16xi32>
        %mul3A_1249 = arith.muli %mul3A_1248, %masked_cumsum3A_1246 : vector<16xi32>
        %add3A_1250 = arith.addi %add3A_1220, %mul3A_1249 : vector<16xi32>
        tpu.vector_store_idx %arg10[%add3A_1250], %gather3A_1227 masked %and3A_1242 : memref<3072xi32, #tpu.memory_space<vmem>>[vector<16xi32>], vector<16xi32>, vector<16xi1>
        %add3A_1251 = arith.constant 1 : i32
        %add3A_1252 = vector.broadcast %add3A_1251 : i32 to vector<16xi32>
        %add3A_1253 = arith.addi %add3A_1250, %add3A_1252 : vector<16xi32>
        %add3A_1254 = arith.addi %gather3A_1231, %gather3A_641 : vector<16xi32>
        tpu.vector_store_idx %arg10[%add3A_1253], %add3A_1254 masked %and3A_1242 : memref<3072xi32, #tpu.memory_space<vmem>>[vector<16xi32>], vector<16xi32>, vector<16xi1>
        %add3A_1255 = arith.constant 2 : i32
        %add3A_1256 = vector.broadcast %add3A_1255 : i32 to vector<16xi32>
        %add3A_1257 = arith.addi %add3A_1250, %add3A_1256 : vector<16xi32>
        %add3A_1258 = arith.addi %gather3A_1235, %gather3A_641 : vector<16xi32>
        tpu.vector_store_idx %arg10[%add3A_1257], %add3A_1258 masked %and3A_1242 : memref<3072xi32, #tpu.memory_space<vmem>>[vector<16xi32>], vector<16xi32>, vector<16xi1>
        %all_reduce_population_count3A_1259 = tpu.all_reduce %and3A_1242 {dim = 0 : i64, kind = #tpu.reduction_kind<sum>} : vector<16xi1> -> vector<16xi32>
        %mul3A_1260 = arith.constant 3 : i32
        %mul3A_1261 = vector.broadcast %mul3A_1260 : i32 to vector<16xi32>
        %mul3A_1262 = arith.muli %mul3A_1261, %all_reduce_population_count3A_1259 : vector<16xi32>
        %add3A_1263 = arith.addi %add3A_1220, %mul3A_1262 : vector<16xi32>
        %add3A_1264 = arith.constant 144 : i32
        %add3A_1265 = vector.broadcast %add3A_1264 : i32 to vector<16xi32>
        %add3A_1266 = arith.addi %add3A_1138, %add3A_1265 : vector<16xi32>
        %add3A_1267 = arith.constant 48 : i32
        %add3A_1268 = vector.broadcast %add3A_1267 : i32 to vector<16xi32>
        %add3A_1269 = arith.addi %add3A_1134, %add3A_1268 : vector<16xi32>
        %gather3A_1270 = tpu.vector_load_idx %arg8[%add3A_1266] : memref<3072xi32, #tpu.memory_space<vmem>>[vector<16xi32>], vector<16xi32>,
        %add3A_1271 = arith.constant 1 : i32
        %add3A_1272 = vector.broadcast %add3A_1271 : i32 to vector<16xi32>
        %add3A_1273 = arith.addi %add3A_1266, %add3A_1272 : vector<16xi32>
        %gather3A_1274 = tpu.vector_load_idx %arg8[%add3A_1273] : memref<3072xi32, #tpu.memory_space<vmem>>[vector<16xi32>], vector<16xi32>,
        %add3A_1275 = arith.constant 2 : i32
        %add3A_1276 = vector.broadcast %add3A_1275 : i32 to vector<16xi32>
        %add3A_1277 = arith.addi %add3A_1266, %add3A_1276 : vector<16xi32>
        %gather3A_1278 = tpu.vector_load_idx %arg8[%add3A_1277] : memref<3072xi32, #tpu.memory_space<vmem>>[vector<16xi32>], vector<16xi32>,
        %lt3A_1279 = arith.cmpi slt, %add3A_1269, %gather3A_649 : vector<16xi32>
        %ge3A_1280 = arith.cmpi sge, %gather3A_1278, %gather3A_1274 : vector<16xi32>
        %and3A_1281 = arith.andi %lt3A_1279, %ge3A_1280 : vector<16xi1>
        %le3A_1282 = arith.cmpi sle, %gather3A_641, %gather3A_1274 : vector<16xi32>
        %and3A_1283 = arith.andi %and3A_1281, %le3A_1282 : vector<16xi1>
        %ge3A_1284 = arith.cmpi sge, %gather3A_648, %gather3A_1278 : vector<16xi32>
        %and3A_1285 = arith.andi %and3A_1283, %ge3A_1284 : vector<16xi1>
        %convert_element_type3A_1286 = arith.extui %and3A_1285 : vector<16xi1> to vector<16xi32>
        %broadcast_in_dim3A_1287 = arith.constant true
        %broadcast_in_dim3A_1288 = vector.broadcast %broadcast_in_dim3A_1287 : i1 to vector<16xi1>
        %masked_cumsum3A_1289 = tpu.scan <sum>, %convert_element_type3A_1286 masked %broadcast_in_dim3A_1288 : vector<16xi32>, vector<16xi1> -> vector<16xi32>
        %mul3A_1290 = arith.constant 3 : i32
        %mul3A_1291 = vector.broadcast %mul3A_1290 : i32 to vector<16xi32>
        %mul3A_1292 = arith.muli %mul3A_1291, %masked_cumsum3A_1289 : vector<16xi32>
        %add3A_1293 = arith.addi %add3A_1263, %mul3A_1292 : vector<16xi32>
        tpu.vector_store_idx %arg10[%add3A_1293], %gather3A_1270 masked %and3A_1285 : memref<3072xi32, #tpu.memory_space<vmem>>[vector<16xi32>], vector<16xi32>, vector<16xi1>
        %add3A_1294 = arith.constant 1 : i32
        %add3A_1295 = vector.broadcast %add3A_1294 : i32 to vector<16xi32>
        %add3A_1296 = arith.addi %add3A_1293, %add3A_1295 : vector<16xi32>
        %add3A_1297 = arith.addi %gather3A_1274, %gather3A_641 : vector<16xi32>
        tpu.vector_store_idx %arg10[%add3A_1296], %add3A_1297 masked %and3A_1285 : memref<3072xi32, #tpu.memory_space<vmem>>[vector<16xi32>], vector<16xi32>, vector<16xi1>
        %add3A_1298 = arith.constant 2 : i32
        %add3A_1299 = vector.broadcast %add3A_1298 : i32 to vector<16xi32>
        %add3A_1300 = arith.addi %add3A_1293, %add3A_1299 : vector<16xi32>
        %add3A_1301 = arith.addi %gather3A_1278, %gather3A_641 : vector<16xi32>
        tpu.vector_store_idx %arg10[%add3A_1300], %add3A_1301 masked %and3A_1285 : memref<3072xi32, #tpu.memory_space<vmem>>[vector<16xi32>], vector<16xi32>, vector<16xi1>
        %all_reduce_population_count3A_1302 = tpu.all_reduce %and3A_1285 {dim = 0 : i64, kind = #tpu.reduction_kind<sum>} : vector<16xi1> -> vector<16xi32>
        %mul3A_1303 = arith.constant 3 : i32
        %mul3A_1304 = vector.broadcast %mul3A_1303 : i32 to vector<16xi32>
        %mul3A_1305 = arith.muli %mul3A_1304, %all_reduce_population_count3A_1302 : vector<16xi32>
        %add3A_1306 = arith.addi %add3A_1263, %mul3A_1305 : vector<16xi32>
        %add3A_1307 = arith.constant 192 : i32
        %add3A_1308 = vector.broadcast %add3A_1307 : i32 to vector<16xi32>
        %add3A_1309 = arith.addi %add3A_1138, %add3A_1308 : vector<16xi32>
        %add3A_1310 = arith.constant 64 : i32
        %add3A_1311 = vector.broadcast %add3A_1310 : i32 to vector<16xi32>
        %add3A_1312 = arith.addi %add3A_1134, %add3A_1311 : vector<16xi32>
        %gather3A_1313 = tpu.vector_load_idx %arg8[%add3A_1309] : memref<3072xi32, #tpu.memory_space<vmem>>[vector<16xi32>], vector<16xi32>,
        %add3A_1314 = arith.constant 1 : i32
        %add3A_1315 = vector.broadcast %add3A_1314 : i32 to vector<16xi32>
        %add3A_1316 = arith.addi %add3A_1309, %add3A_1315 : vector<16xi32>
        %gather3A_1317 = tpu.vector_load_idx %arg8[%add3A_1316] : memref<3072xi32, #tpu.memory_space<vmem>>[vector<16xi32>], vector<16xi32>,
        %add3A_1318 = arith.constant 2 : i32
        %add3A_1319 = vector.broadcast %add3A_1318 : i32 to vector<16xi32>
        %add3A_1320 = arith.addi %add3A_1309, %add3A_1319 : vector<16xi32>
        %gather3A_1321 = tpu.vector_load_idx %arg8[%add3A_1320] : memref<3072xi32, #tpu.memory_space<vmem>>[vector<16xi32>], vector<16xi32>,
        %lt3A_1322 = arith.cmpi slt, %add3A_1312, %gather3A_649 : vector<16xi32>
        %ge3A_1323 = arith.cmpi sge, %gather3A_1321, %gather3A_1317 : vector<16xi32>
        %and3A_1324 = arith.andi %lt3A_1322, %ge3A_1323 : vector<16xi1>
        %le3A_1325 = arith.cmpi sle, %gather3A_641, %gather3A_1317 : vector<16xi32>
        %and3A_1326 = arith.andi %and3A_1324, %le3A_1325 : vector<16xi1>
        %ge3A_1327 = arith.cmpi sge, %gather3A_648, %gather3A_1321 : vector<16xi32>
        %and3A_1328 = arith.andi %and3A_1326, %ge3A_1327 : vector<16xi1>
        %convert_element_type3A_1329 = arith.extui %and3A_1328 : vector<16xi1> to vector<16xi32>
        %broadcast_in_dim3A_1330 = arith.constant true
        %broadcast_in_dim3A_1331 = vector.broadcast %broadcast_in_dim3A_1330 : i1 to vector<16xi1>
        %masked_cumsum3A_1332 = tpu.scan <sum>, %convert_element_type3A_1329 masked %broadcast_in_dim3A_1331 : vector<16xi32>, vector<16xi1> -> vector<16xi32>
        %mul3A_1333 = arith.constant 3 : i32
        %mul3A_1334 = vector.broadcast %mul3A_1333 : i32 to vector<16xi32>
        %mul3A_1335 = arith.muli %mul3A_1334, %masked_cumsum3A_1332 : vector<16xi32>
        %add3A_1336 = arith.addi %add3A_1306, %mul3A_1335 : vector<16xi32>
        tpu.vector_store_idx %arg10[%add3A_1336], %gather3A_1313 masked %and3A_1328 : memref<3072xi32, #tpu.memory_space<vmem>>[vector<16xi32>], vector<16xi32>, vector<16xi1>
        %add3A_1337 = arith.constant 1 : i32
        %add3A_1338 = vector.broadcast %add3A_1337 : i32 to vector<16xi32>
        %add3A_1339 = arith.addi %add3A_1336, %add3A_1338 : vector<16xi32>
        %add3A_1340 = arith.addi %gather3A_1317, %gather3A_641 : vector<16xi32>
        tpu.vector_store_idx %arg10[%add3A_1339], %add3A_1340 masked %and3A_1328 : memref<3072xi32, #tpu.memory_space<vmem>>[vector<16xi32>], vector<16xi32>, vector<16xi1>
        %add3A_1341 = arith.constant 2 : i32
        %add3A_1342 = vector.broadcast %add3A_1341 : i32 to vector<16xi32>
        %add3A_1343 = arith.addi %add3A_1336, %add3A_1342 : vector<16xi32>
        %add3A_1344 = arith.addi %gather3A_1321, %gather3A_641 : vector<16xi32>
        tpu.vector_store_idx %arg10[%add3A_1343], %add3A_1344 masked %and3A_1328 : memref<3072xi32, #tpu.memory_space<vmem>>[vector<16xi32>], vector<16xi32>, vector<16xi1>
        %all_reduce_population_count3A_1345 = tpu.all_reduce %and3A_1328 {dim = 0 : i64, kind = #tpu.reduction_kind<sum>} : vector<16xi1> -> vector<16xi32>
        %mul3A_1346 = arith.constant 3 : i32
        %mul3A_1347 = vector.broadcast %mul3A_1346 : i32 to vector<16xi32>
        %mul3A_1348 = arith.muli %mul3A_1347, %all_reduce_population_count3A_1345 : vector<16xi32>
        %add3A_1349 = arith.addi %add3A_1306, %mul3A_1348 : vector<16xi32>
        %add3A_1350 = arith.constant 240 : i32
        %add3A_1351 = vector.broadcast %add3A_1350 : i32 to vector<16xi32>
        %add3A_1352 = arith.addi %add3A_1138, %add3A_1351 : vector<16xi32>
        %add3A_1353 = arith.constant 80 : i32
        %add3A_1354 = vector.broadcast %add3A_1353 : i32 to vector<16xi32>
        %add3A_1355 = arith.addi %add3A_1134, %add3A_1354 : vector<16xi32>
        %gather3A_1356 = tpu.vector_load_idx %arg8[%add3A_1352] : memref<3072xi32, #tpu.memory_space<vmem>>[vector<16xi32>], vector<16xi32>,
        %add3A_1357 = arith.constant 1 : i32
        %add3A_1358 = vector.broadcast %add3A_1357 : i32 to vector<16xi32>
        %add3A_1359 = arith.addi %add3A_1352, %add3A_1358 : vector<16xi32>
        %gather3A_1360 = tpu.vector_load_idx %arg8[%add3A_1359] : memref<3072xi32, #tpu.memory_space<vmem>>[vector<16xi32>], vector<16xi32>,
        %add3A_1361 = arith.constant 2 : i32
        %add3A_1362 = vector.broadcast %add3A_1361 : i32 to vector<16xi32>
        %add3A_1363 = arith.addi %add3A_1352, %add3A_1362 : vector<16xi32>
        %gather3A_1364 = tpu.vector_load_idx %arg8[%add3A_1363] : memref<3072xi32, #tpu.memory_space<vmem>>[vector<16xi32>], vector<16xi32>,
        %lt3A_1365 = arith.cmpi slt, %add3A_1355, %gather3A_649 : vector<16xi32>
        %ge3A_1366 = arith.cmpi sge, %gather3A_1364, %gather3A_1360 : vector<16xi32>
        %and3A_1367 = arith.andi %lt3A_1365, %ge3A_1366 : vector<16xi1>
        %le3A_1368 = arith.cmpi sle, %gather3A_641, %gather3A_1360 : vector<16xi32>
        %and3A_1369 = arith.andi %and3A_1367, %le3A_1368 : vector<16xi1>
        %ge3A_1370 = arith.cmpi sge, %gather3A_648, %gather3A_1364 : vector<16xi32>
        %and3A_1371 = arith.andi %and3A_1369, %ge3A_1370 : vector<16xi1>
        %convert_element_type3A_1372 = arith.extui %and3A_1371 : vector<16xi1> to vector<16xi32>
        %broadcast_in_dim3A_1373 = arith.constant true
        %broadcast_in_dim3A_1374 = vector.broadcast %broadcast_in_dim3A_1373 : i1 to vector<16xi1>
        %masked_cumsum3A_1375 = tpu.scan <sum>, %convert_element_type3A_1372 masked %broadcast_in_dim3A_1374 : vector<16xi32>, vector<16xi1> -> vector<16xi32>
        %mul3A_1376 = arith.constant 3 : i32
        %mul3A_1377 = vector.broadcast %mul3A_1376 : i32 to vector<16xi32>
        %mul3A_1378 = arith.muli %mul3A_1377, %masked_cumsum3A_1375 : vector<16xi32>
        %add3A_1379 = arith.addi %add3A_1349, %mul3A_1378 : vector<16xi32>
        tpu.vector_store_idx %arg10[%add3A_1379], %gather3A_1356 masked %and3A_1371 : memref<3072xi32, #tpu.memory_space<vmem>>[vector<16xi32>], vector<16xi32>, vector<16xi1>
        %add3A_1380 = arith.constant 1 : i32
        %add3A_1381 = vector.broadcast %add3A_1380 : i32 to vector<16xi32>
        %add3A_1382 = arith.addi %add3A_1379, %add3A_1381 : vector<16xi32>
        %add3A_1383 = arith.addi %gather3A_1360, %gather3A_641 : vector<16xi32>
        tpu.vector_store_idx %arg10[%add3A_1382], %add3A_1383 masked %and3A_1371 : memref<3072xi32, #tpu.memory_space<vmem>>[vector<16xi32>], vector<16xi32>, vector<16xi1>
        %add3A_1384 = arith.constant 2 : i32
        %add3A_1385 = vector.broadcast %add3A_1384 : i32 to vector<16xi32>
        %add3A_1386 = arith.addi %add3A_1379, %add3A_1385 : vector<16xi32>
        %add3A_1387 = arith.addi %gather3A_1364, %gather3A_641 : vector<16xi32>
        tpu.vector_store_idx %arg10[%add3A_1386], %add3A_1387 masked %and3A_1371 : memref<3072xi32, #tpu.memory_space<vmem>>[vector<16xi32>], vector<16xi32>, vector<16xi1>
        %all_reduce_population_count3A_1388 = tpu.all_reduce %and3A_1371 {dim = 0 : i64, kind = #tpu.reduction_kind<sum>} : vector<16xi1> -> vector<16xi32>
        %mul3A_1389 = arith.constant 3 : i32
        %mul3A_1390 = vector.broadcast %mul3A_1389 : i32 to vector<16xi32>
        %mul3A_1391 = arith.muli %mul3A_1390, %all_reduce_population_count3A_1388 : vector<16xi32>
        %add3A_1392 = arith.addi %add3A_1349, %mul3A_1391 : vector<16xi32>
        %add3A_1393 = arith.constant 288 : i32
        %add3A_1394 = vector.broadcast %add3A_1393 : i32 to vector<16xi32>
        %add3A_1395 = arith.addi %add3A_1138, %add3A_1394 : vector<16xi32>
        %add3A_1396 = arith.constant 96 : i32
        %add3A_1397 = vector.broadcast %add3A_1396 : i32 to vector<16xi32>
        %add3A_1398 = arith.addi %add3A_1134, %add3A_1397 : vector<16xi32>
        %gather3A_1399 = tpu.vector_load_idx %arg8[%add3A_1395] : memref<3072xi32, #tpu.memory_space<vmem>>[vector<16xi32>], vector<16xi32>,
        %add3A_1400 = arith.constant 1 : i32
        %add3A_1401 = vector.broadcast %add3A_1400 : i32 to vector<16xi32>
        %add3A_1402 = arith.addi %add3A_1395, %add3A_1401 : vector<16xi32>
        %gather3A_1403 = tpu.vector_load_idx %arg8[%add3A_1402] : memref<3072xi32, #tpu.memory_space<vmem>>[vector<16xi32>], vector<16xi32>,
        %add3A_1404 = arith.constant 2 : i32
        %add3A_1405 = vector.broadcast %add3A_1404 : i32 to vector<16xi32>
        %add3A_1406 = arith.addi %add3A_1395, %add3A_1405 : vector<16xi32>
        %gather3A_1407 = tpu.vector_load_idx %arg8[%add3A_1406] : memref<3072xi32, #tpu.memory_space<vmem>>[vector<16xi32>], vector<16xi32>,
        %lt3A_1408 = arith.cmpi slt, %add3A_1398, %gather3A_649 : vector<16xi32>
        %ge3A_1409 = arith.cmpi sge, %gather3A_1407, %gather3A_1403 : vector<16xi32>
        %and3A_1410 = arith.andi %lt3A_1408, %ge3A_1409 : vector<16xi1>
        %le3A_1411 = arith.cmpi sle, %gather3A_641, %gather3A_1403 : vector<16xi32>
        %and3A_1412 = arith.andi %and3A_1410, %le3A_1411 : vector<16xi1>
        %ge3A_1413 = arith.cmpi sge, %gather3A_648, %gather3A_1407 : vector<16xi32>
        %and3A_1414 = arith.andi %and3A_1412, %ge3A_1413 : vector<16xi1>
        %convert_element_type3A_1415 = arith.extui %and3A_1414 : vector<16xi1> to vector<16xi32>
        %broadcast_in_dim3A_1416 = arith.constant true
        %broadcast_in_dim3A_1417 = vector.broadcast %broadcast_in_dim3A_1416 : i1 to vector<16xi1>
        %masked_cumsum3A_1418 = tpu.scan <sum>, %convert_element_type3A_1415 masked %broadcast_in_dim3A_1417 : vector<16xi32>, vector<16xi1> -> vector<16xi32>
        %mul3A_1419 = arith.constant 3 : i32
        %mul3A_1420 = vector.broadcast %mul3A_1419 : i32 to vector<16xi32>
        %mul3A_1421 = arith.muli %mul3A_1420, %masked_cumsum3A_1418 : vector<16xi32>
        %add3A_1422 = arith.addi %add3A_1392, %mul3A_1421 : vector<16xi32>
        tpu.vector_store_idx %arg10[%add3A_1422], %gather3A_1399 masked %and3A_1414 : memref<3072xi32, #tpu.memory_space<vmem>>[vector<16xi32>], vector<16xi32>, vector<16xi1>
        %add3A_1423 = arith.constant 1 : i32
        %add3A_1424 = vector.broadcast %add3A_1423 : i32 to vector<16xi32>
        %add3A_1425 = arith.addi %add3A_1422, %add3A_1424 : vector<16xi32>
        %add3A_1426 = arith.addi %gather3A_1403, %gather3A_641 : vector<16xi32>
        tpu.vector_store_idx %arg10[%add3A_1425], %add3A_1426 masked %and3A_1414 : memref<3072xi32, #tpu.memory_space<vmem>>[vector<16xi32>], vector<16xi32>, vector<16xi1>
        %add3A_1427 = arith.constant 2 : i32
        %add3A_1428 = vector.broadcast %add3A_1427 : i32 to vector<16xi32>
        %add3A_1429 = arith.addi %add3A_1422, %add3A_1428 : vector<16xi32>
        %add3A_1430 = arith.addi %gather3A_1407, %gather3A_641 : vector<16xi32>
        tpu.vector_store_idx %arg10[%add3A_1429], %add3A_1430 masked %and3A_1414 : memref<3072xi32, #tpu.memory_space<vmem>>[vector<16xi32>], vector<16xi32>, vector<16xi1>
        %all_reduce_population_count3A_1431 = tpu.all_reduce %and3A_1414 {dim = 0 : i64, kind = #tpu.reduction_kind<sum>} : vector<16xi1> -> vector<16xi32>
        %mul3A_1432 = arith.constant 3 : i32
        %mul3A_1433 = vector.broadcast %mul3A_1432 : i32 to vector<16xi32>
        %mul3A_1434 = arith.muli %mul3A_1433, %all_reduce_population_count3A_1431 : vector<16xi32>
        %add3A_1435 = arith.addi %add3A_1392, %mul3A_1434 : vector<16xi32>
        %add3A_1436 = arith.constant 336 : i32
        %add3A_1437 = vector.broadcast %add3A_1436 : i32 to vector<16xi32>
        %add3A_1438 = arith.addi %add3A_1138, %add3A_1437 : vector<16xi32>
        %add3A_1439 = arith.constant 112 : i32
        %add3A_1440 = vector.broadcast %add3A_1439 : i32 to vector<16xi32>
        %add3A_1441 = arith.addi %add3A_1134, %add3A_1440 : vector<16xi32>
        %gather3A_1442 = tpu.vector_load_idx %arg8[%add3A_1438] : memref<3072xi32, #tpu.memory_space<vmem>>[vector<16xi32>], vector<16xi32>,
        %add3A_1443 = arith.constant 1 : i32
        %add3A_1444 = vector.broadcast %add3A_1443 : i32 to vector<16xi32>
        %add3A_1445 = arith.addi %add3A_1438, %add3A_1444 : vector<16xi32>
        %gather3A_1446 = tpu.vector_load_idx %arg8[%add3A_1445] : memref<3072xi32, #tpu.memory_space<vmem>>[vector<16xi32>], vector<16xi32>,
        %add3A_1447 = arith.constant 2 : i32
        %add3A_1448 = vector.broadcast %add3A_1447 : i32 to vector<16xi32>
        %add3A_1449 = arith.addi %add3A_1438, %add3A_1448 : vector<16xi32>
        %gather3A_1450 = tpu.vector_load_idx %arg8[%add3A_1449] : memref<3072xi32, #tpu.memory_space<vmem>>[vector<16xi32>], vector<16xi32>,
        %lt3A_1451 = arith.cmpi slt, %add3A_1441, %gather3A_649 : vector<16xi32>
        %ge3A_1452 = arith.cmpi sge, %gather3A_1450, %gather3A_1446 : vector<16xi32>
        %and3A_1453 = arith.andi %lt3A_1451, %ge3A_1452 : vector<16xi1>
        %le3A_1454 = arith.cmpi sle, %gather3A_641, %gather3A_1446 : vector<16xi32>
        %and3A_1455 = arith.andi %and3A_1453, %le3A_1454 : vector<16xi1>
        %ge3A_1456 = arith.cmpi sge, %gather3A_648, %gather3A_1450 : vector<16xi32>
        %and3A_1457 = arith.andi %and3A_1455, %ge3A_1456 : vector<16xi1>
        %convert_element_type3A_1458 = arith.extui %and3A_1457 : vector<16xi1> to vector<16xi32>
        %broadcast_in_dim3A_1459 = arith.constant true
        %broadcast_in_dim3A_1460 = vector.broadcast %broadcast_in_dim3A_1459 : i1 to vector<16xi1>
        %masked_cumsum3A_1461 = tpu.scan <sum>, %convert_element_type3A_1458 masked %broadcast_in_dim3A_1460 : vector<16xi32>, vector<16xi1> -> vector<16xi32>
        %mul3A_1462 = arith.constant 3 : i32
        %mul3A_1463 = vector.broadcast %mul3A_1462 : i32 to vector<16xi32>
        %mul3A_1464 = arith.muli %mul3A_1463, %masked_cumsum3A_1461 : vector<16xi32>
        %add3A_1465 = arith.addi %add3A_1435, %mul3A_1464 : vector<16xi32>
        tpu.vector_store_idx %arg10[%add3A_1465], %gather3A_1442 masked %and3A_1457 : memref<3072xi32, #tpu.memory_space<vmem>>[vector<16xi32>], vector<16xi32>, vector<16xi1>
        %add3A_1466 = arith.constant 1 : i32
        %add3A_1467 = vector.broadcast %add3A_1466 : i32 to vector<16xi32>
        %add3A_1468 = arith.addi %add3A_1465, %add3A_1467 : vector<16xi32>
        %add3A_1469 = arith.addi %gather3A_1446, %gather3A_641 : vector<16xi32>
        tpu.vector_store_idx %arg10[%add3A_1468], %add3A_1469 masked %and3A_1457 : memref<3072xi32, #tpu.memory_space<vmem>>[vector<16xi32>], vector<16xi32>, vector<16xi1>
        %add3A_1470 = arith.constant 2 : i32
        %add3A_1471 = vector.broadcast %add3A_1470 : i32 to vector<16xi32>
        %add3A_1472 = arith.addi %add3A_1465, %add3A_1471 : vector<16xi32>
        %add3A_1473 = arith.addi %gather3A_1450, %gather3A_641 : vector<16xi32>
        tpu.vector_store_idx %arg10[%add3A_1472], %add3A_1473 masked %and3A_1457 : memref<3072xi32, #tpu.memory_space<vmem>>[vector<16xi32>], vector<16xi32>, vector<16xi1>
        %all_reduce_population_count3A_1474 = tpu.all_reduce %and3A_1457 {dim = 0 : i64, kind = #tpu.reduction_kind<sum>} : vector<16xi1> -> vector<16xi32>
        %mul3A_1475 = arith.constant 3 : i32
        %mul3A_1476 = vector.broadcast %mul3A_1475 : i32 to vector<16xi32>
        %mul3A_1477 = arith.muli %mul3A_1476, %all_reduce_population_count3A_1474 : vector<16xi32>
        %add3A_1478 = arith.addi %add3A_1435, %mul3A_1477 : vector<16xi32>
        scf.yield %add3A_1478 : vector<16xi32>
      }
      %add3A_1086 = arith.constant 3 : i32
      %add3A_1087 = vector.broadcast %add3A_1086 : i32 to vector<16xi32>
      %add3A_1088 = arith.addi %while3A_1085, %add3A_1087 : vector<16xi32>
      %jit3A_1089 = arith.constant 3 : i32
      %div3A_1090 = vector.broadcast %jit3A_1089 : i32 to vector<16xi32>
      %div3A_1091 = arith.divsi %add3A_1088, %div3A_1090 : vector<16xi32>
      %sign3A_1092 = arith.constant 0 : i32
      %sign3A_1093 = vector.broadcast %sign3A_1092 : i32 to vector<16xi32>
      %sign3A_1094 = arith.cmpi sgt, %add3A_1088, %sign3A_1093 : vector<16xi32>
      %sign3A_1095 = arith.extui %sign3A_1094 : vector<16xi1> to vector<16xi32>
      %sign3A_1096 = arith.constant 0 : i32
      %sign3A_1097 = vector.broadcast %sign3A_1096 : i32 to vector<16xi32>
      %sign3A_1098 = arith.cmpi slt, %add3A_1088, %sign3A_1097 : vector<16xi32>
      %sign3A_1099 = arith.extui %sign3A_1098 : vector<16xi1> to vector<16xi32>
      %sign3A_1100 = arith.subi %sign3A_1095, %sign3A_1099 : vector<16xi32>
      %sign3A_1101 = arith.constant 0 : i32
      %sign3A_1102 = arith.cmpi sgt, %jit3A_1089, %sign3A_1101 : i32
      %sign3A_1103 = arith.extui %sign3A_1102 : i1 to i32
      %sign3A_1104 = arith.constant 0 : i32
      %sign3A_1105 = arith.cmpi slt, %jit3A_1089, %sign3A_1104 : i32
      %sign3A_1106 = arith.extui %sign3A_1105 : i1 to i32
      %sign3A_1107 = arith.subi %sign3A_1103, %sign3A_1106 : i32
      %ne3A_1108 = vector.broadcast %sign3A_1107 : i32 to vector<16xi32>
      %ne3A_1109 = arith.cmpi ne, %sign3A_1100, %ne3A_1108 : vector<16xi32>
      %rem3A_1110 = vector.broadcast %jit3A_1089 : i32 to vector<16xi32>
      %rem3A_1111 = arith.remsi %add3A_1088, %rem3A_1110 : vector<16xi32>
      %ne3A_1112 = arith.constant 0 : i32
      %ne3A_1113 = vector.broadcast %ne3A_1112 : i32 to vector<16xi32>
      %ne3A_1114 = arith.cmpi ne, %rem3A_1111, %ne3A_1113 : vector<16xi32>
      %and3A_1115 = arith.andi %ne3A_1109, %ne3A_1114 : vector<16xi1>
      %sub3A_1116 = arith.constant 1 : i32
      %sub3A_1117 = vector.broadcast %sub3A_1116 : i32 to vector<16xi32>
      %sub3A_1118 = arith.subi %div3A_1091, %sub3A_1117 : vector<16xi32>
      %select_n3A_1119 = arith.select %and3A_1115, %sub3A_1118, %div3A_1091 : vector<16xi1>, vector<16xi32>
      tpu.vector_store_idx %arg13[%broadcast_in_dim3A_637], %select_n3A_1119 masked %eq3A_9 : memref<128xi32, #tpu.memory_space<vmem>>[vector<16xi32>], vector<16xi32>, vector<16xi1>
      %add3A_1120 = arith.constant 1 : i32
      %add3A_1121 = arith.addi %mul3A_116, %add3A_1120 : i32
      %add3A_1122 = arith.addi %mul3A_2, %add3A_1121 : i32
      %dma_start3A_1123 = arith.constant 0 : i32
      %dma_start3A_1124 = tpu.memref_slice %arg5[%add3A_1122, %dma_start3A_1123] : memref<4096x3072xi32, #tpu.memory_space<hbm>> -> memref<1x3072xi32, #tpu.memory_space<hbm>>
      %dma_start3A_1125 = tpu.memref_squeeze %dma_start3A_1124 : memref<1x3072xi32, #tpu.memory_space<hbm>> -> memref<3072xi32, #tpu.memory_space<hbm>>
      %dma_start3A_1126 = arith.constant 0 : i32
      %dma_start3A_1127 = tpu.memref_slice %arg5[%add3A_1122, %dma_start3A_1126] : memref<4096x3072xi32, #tpu.memory_space<hbm>> -> memref<1x3072xi32, #tpu.memory_space<hbm>>
      %dma_start3A_1128 = tpu.memref_squeeze %dma_start3A_1127 : memref<1x3072xi32, #tpu.memory_space<hbm>> -> memref<3072xi32, #tpu.memory_space<hbm>>
      tpu.enqueue_dma source(%arg10 : memref<3072xi32, #tpu.memory_space<vmem>>) target(%dma_start3A_1128 : memref<3072xi32, #tpu.memory_space<hbm>>) target_semaphore(%arg17 : memref<!tpu.dma_semaphore, #tpu.memory_space<semaphore_mem>>)
    }
    %scan3A_96 = arith.constant 64 : i32
    %dma_wait3A = arith.constant 0 : i32
    %dma_wait3A_97 = tpu.memref_slice %arg2[%mul3A_2, %dma_wait3A] : memref<4096x3072xi32, #tpu.memory_space<hbm>> -> memref<1x3072xi32, #tpu.memory_space<hbm>>
    %dma_wait3A_98 = tpu.memref_squeeze %dma_wait3A_97 : memref<1x3072xi32, #tpu.memory_space<hbm>> -> memref<3072xi32, #tpu.memory_space<hbm>>
    %dma_wait3A_99 = arith.constant 0 : i32
    %dma_wait3A_100 = tpu.memref_slice %arg2[%mul3A_2, %dma_wait3A_99] : memref<4096x3072xi32, #tpu.memory_space<hbm>> -> memref<1x3072xi32, #tpu.memory_space<hbm>>
    %dma_wait3A_101 = tpu.memref_squeeze %dma_wait3A_100 : memref<1x3072xi32, #tpu.memory_space<hbm>> -> memref<3072xi32, #tpu.memory_space<hbm>>
    tpu.wait_dma2 semaphore(%arg14 : memref<!tpu.dma_semaphore, #tpu.memory_space<semaphore_mem>>) src(%dma_wait3A_101 : memref<3072xi32, #tpu.memory_space<hbm>>) dst(%arg7 : memref<3072xi32, #tpu.memory_space<vmem>>)
    %dma_wait3A_102 = arith.constant 0 : i32
    %dma_wait3A_103 = tpu.memref_slice %arg5[%mul3A_2, %dma_wait3A_102] : memref<4096x3072xi32, #tpu.memory_space<hbm>> -> memref<1x3072xi32, #tpu.memory_space<hbm>>
    %dma_wait3A_104 = tpu.memref_squeeze %dma_wait3A_103 : memref<1x3072xi32, #tpu.memory_space<hbm>> -> memref<3072xi32, #tpu.memory_space<hbm>>
    %dma_wait3A_105 = arith.constant 0 : i32
    %dma_wait3A_106 = tpu.memref_slice %arg5[%mul3A_2, %dma_wait3A_105] : memref<4096x3072xi32, #tpu.memory_space<hbm>> -> memref<1x3072xi32, #tpu.memory_space<hbm>>
    %dma_wait3A_107 = tpu.memref_squeeze %dma_wait3A_106 : memref<1x3072xi32, #tpu.memory_space<hbm>> -> memref<3072xi32, #tpu.memory_space<hbm>>
    tpu.wait_dma2 semaphore(%arg16 : memref<!tpu.dma_semaphore, #tpu.memory_space<semaphore_mem>>) src(%arg9 : memref<3072xi32, #tpu.memory_space<vmem>>) dst(%dma_wait3A_107 : memref<3072xi32, #tpu.memory_space<hbm>>)
    %dma_wait3A_108 = arith.constant 0 : i32
    %dma_wait3A_109 = tpu.memref_slice %arg5[%mul3A_2, %dma_wait3A_108] : memref<4096x3072xi32, #tpu.memory_space<hbm>> -> memref<1x3072xi32, #tpu.memory_space<hbm>>
    %dma_wait3A_110 = tpu.memref_squeeze %dma_wait3A_109 : memref<1x3072xi32, #tpu.memory_space<hbm>> -> memref<3072xi32, #tpu.memory_space<hbm>>
    %dma_wait3A_111 = arith.constant 0 : i32
    %dma_wait3A_112 = tpu.memref_slice %arg5[%mul3A_2, %dma_wait3A_111] : memref<4096x3072xi32, #tpu.memory_space<hbm>> -> memref<1x3072xi32, #tpu.memory_space<hbm>>
    %dma_wait3A_113 = tpu.memref_squeeze %dma_wait3A_112 : memref<1x3072xi32, #tpu.memory_space<hbm>> -> memref<3072xi32, #tpu.memory_space<hbm>>
    tpu.wait_dma2 semaphore(%arg17 : memref<!tpu.dma_semaphore, #tpu.memory_space<semaphore_mem>>) src(%arg10 : memref<3072xi32, #tpu.memory_space<vmem>>) dst(%dma_wait3A_113 : memref<3072xi32, #tpu.memory_space<hbm>>)
    "tpu.region"() ({
      %run_scoped3A = tpu.sem_alloc : memref<!tpu.dma_semaphore, #tpu.memory_space<semaphore_mem>>
      %dma_start3A_114 = tpu.memref_slice %arg6[%mul3A_2] : memref<4096xi32, #tpu.memory_space<hbm>> -> memref<128xi32, #tpu.memory_space<hbm>>
      %dma_start3A_115 = tpu.memref_slice %arg6[%mul3A_2] : memref<4096xi32, #tpu.memory_space<hbm>> -> memref<128xi32, #tpu.memory_space<hbm>>
      tpu.enqueue_dma source(%arg13 : memref<128xi32, #tpu.memory_space<vmem>>) target(%dma_start3A_115 : memref<128xi32, #tpu.memory_space<hbm>>) target_semaphore(%run_scoped3A : memref<!tpu.dma_semaphore, #tpu.memory_space<semaphore_mem>>)
      %dma_wait3A_116 = tpu.memref_slice %arg6[%mul3A_2] : memref<4096xi32, #tpu.memory_space<hbm>> -> memref<128xi32, #tpu.memory_space<hbm>>
      %dma_wait3A_117 = tpu.memref_slice %arg6[%mul3A_2] : memref<4096xi32, #tpu.memory_space<hbm>> -> memref<128xi32, #tpu.memory_space<hbm>>
      tpu.wait_dma2 semaphore(%run_scoped3A : memref<!tpu.dma_semaphore, #tpu.memory_space<semaphore_mem>>) src(%arg13 : memref<128xi32, #tpu.memory_space<vmem>>) dst(%dma_wait3A_117 : memref<128xi32, #tpu.memory_space<hbm>>)
      tpu.yield
    }) : () -> ()
    return
  }
}

</mosaic_0001>

<sc_bundles>
// kernel: _run.3.cloned.1.call-start
scs
__scs_entry_jumppad:
0x0: {  	(pc) =	sbr.rel $0x88, $3  }
0x1: {  	(tag) =	ssettag $0x0;
	lr =	simm.s32 $0x1  }
0x2: {  	[smem:$0x3F9E] =	sst lr;
	_ =	strace $0xD0000000  }
0x3: {  	_ = 	snop  }
0x4: {  	_ = 	snop  }
0x5: {  	_ = 	snop  }
0x6: {  	_ = 	snop  }
0x7: {  	_ = 	snop  }
__scs_overlays_trampoline_lowered:
0x8: {  	[smem:$0x3FAD] =	sst s0  }
0x9: {  	[smem:$0x3FAE] =	sst s1  }
0xa: {  	[smem:$0x3FAF] =	sst s2  }
0xb: {  	[smem:$0x3FB0] =	sst s3  }
0xc: {  	[smem:$0x3FB1] =	sst s4  }
0xd: {  	[smem:$0x3FB2] =	sst s5  }
0xe: {  	[smem:$0x3FB3] =	sst s6  }
0xf: {  	[smem:$0x3FB4] =	sst s7  }
0x10: {  	[smem:$0x3FB5] =	sst s8  }
0x11: {  	[smem:$0x3FB6] =	sst s9;
	s0 =	simm.s32 @!p0 $0x0  }
0x12: {  	s1 =	sld [smem:$0x3F9C];
	s0 =	simm.s32 @p0 $0x1  }
0x13: {  	[smem:$0x3FB7] =	sst s0;
	s0 =	simm.s32 @!p1 $0x0  }
0x14: {  	s2 =	sld [smem:$0x3F9B];
	s0 =	simm.s32 @p1 $0x1  }
0x15: {  	[smem:$0x3FB8] =	sst s0;
	s0 =	simm.s32 @!p2 $0x0  }
0x16: {  	s3 =	sld [smem:$0x3FDB];
	s0 =	simm.s32 @p2 $0x1  }
0x17: {  	s4 =	simm.s32 $0x1BF5;
	[smem:$0x3FBA] =	sst s0  }
0x18: {  	s0 =	sld [smem:$0x3F9D];
	_ =	swait.ge [sflag:s4], $0x0  }
0x19: {  	s7 =	sld [smem:$0x3F9E]  }
0x1a: {  	s8 =	sadd.s32 $0xFFFFE003, lr  }
0x1b: {  	s9 =	sadd.s32 $0xFFFFFEF7, lr;
	s5 =	simm.s32 $0xFFFFFFFF;
	p2 =	slt.u32 s8, $0xFFFFF086  }
0x1c: {  	p1 =	slt.u32 s9, $0xF7A;
	s5 =	simm.s32 @!p2 $0x0  }
0x1d: {  	s5 =	simm.s32 @p1 $0x1;
	p0 =	seq.s32 s7, s2  }
0x1e: {  	s7 =	smul.u32 @!p0 $0xF7A, s2;
	p2 =	seq.s32 @!p0 s5, $0x0  }
0x1f: {  	s9 =	smul.u32 $0xF7A, s1;
	s8 =	simm.s32 @!p0 $0x1BF5;
	p2 =	por !p2, p0  }
0x20: {  	[sflag:s8] =	ssyncset.s32 @!p0 $0xFFFFF086;
	s6 =	sadd.s32 @!p0 s3, s7;
	s7 =	simm.s32 @!p0 $0x108  }
0x21: {  	s3 =	sadd.s32 s3, s9;
	s6 =	sadd.s32 @!p0 $0x88, s6;
	s7 =	simm.s32 @p2 $0x1082  }
0x22: {  	[simem:s7], [sflag:s8] =	dma.local @!p0 [hbm:s6], $0xF7A  }
0x23: {  	s9 =	sor.u32 $0xD0000000, s2;
	s6 =	simm.s32 $0x108;
	_ =	swait.ge @!p0 [sflag:s8], $0x0  }
0x24: {  	s3 =	sadd.s32 $0x88, s3;
	s6 =	simm.s32 @!p1 $0x1082;
	[sflag:s4] =	ssyncset.s32 $0xFFFFF086  }
0x25: {  	[simem:s6], [sflag:s4] =	dma.local [hbm:s3], $0xF7A  }
0x26: {  	[smem:$0x3F9E] =	sst s1;
	(tag) =	ssettag s2;
	_ =	strace s9  }
0x27: {  	s1 =	sld [smem:$0x3FAE]  }
0x28: {  	s2 =	sld [smem:$0x3FAF]  }
0x29: {  	s4 =	sld [smem:$0x3FB1]  }
0x2a: {  	p0 =	seq.s32 s5, $0x0;
	s5 =	sld [smem:$0x3FB2]  }
0x2b: {  	s6 =	sld [smem:$0x3FB3]  }
0x2c: {  	s7 =	sld [smem:$0x3FB4]  }
0x2d: {  	s3 =	simm.s32 $0x108;
	s8 =	sld [smem:$0x3FB5]  }
0x2e: {  	s3 =	simm.s32 @!p0 $0x1082;
	s9 =	sld [smem:$0x3FB6]  }
0x2f: {  	lr =	sadd.s32 s0, s3;
	s0 =	sld [smem:$0x3FAD]  }
0x30: {  	s3 =	sld [smem:$0x3FB0]  }
0x31: {  	[smem:$0x3FB9] =	sst s10  }
0x32: {  	s10 =	sld [smem:$0x3FB7];
	_ =	sdelay $0x3  }
0x33: {  	p0 =	seq.s32 s10, $0x1;
	s10 =	sld [smem:$0x3FB9];
	_ =	sdelay $0x3  }
0x34: {  	[smem:$0x3FB9] =	sst s10  }
0x35: {  	s10 =	sld [smem:$0x3FB8];
	_ =	sdelay $0x3  }
0x36: {  	p1 =	seq.s32 s10, $0x1;
	s10 =	sld [smem:$0x3FB9];
	_ =	sdelay $0x3  }
0x37: {  	[smem:$0x3FB9] =	sst s10  }
0x38: {  	s10 =	sld [smem:$0x3FBA]  }
0x39: {  	_ = 	snop;
	(pc) =	sbr.ind lr, $3  }
0x3a: {  	_ = 	snop  }
0x3b: {  	_ = 	snop  }
0x3c: {  	p2 =	seq.s32 s10, $0x1;
	s10 =	sld [smem:$0x3FB9]  }
0x3d: {  	_ =	shalt  }
0x3e: {  	_ =	shalt  }
0x3f: {  	_ =	shalt  }
0x40: {  	_ =	shalt  }
0x41: {  	_ =	shalt  }
0x42: {  	_ =	shalt  }
0x43: {  	_ =	shalt  }
0x44: {  	_ =	shalt  }
0x45: {  	_ =	shalt  }
0x46: {  	_ =	shalt  }
0x47: {  	_ =	shalt  }
0x48: {  	_ =	shalt  }
0x49: {  	_ =	shalt  }
0x4a: {  	_ =	shalt  }
0x4b: {  	_ =	shalt  }
0x4c: {  	_ =	shalt  }
0x4d: {  	_ =	shalt  }
0x4e: {  	_ =	shalt  }
0x4f: {  	_ =	shalt  }
0x50: {  	_ =	shalt  }
0x51: {  	_ =	shalt  }
0x52: {  	_ =	shalt  }
0x53: {  	_ =	shalt  }
0x54: {  	_ =	shalt  }
0x55: {  	_ =	shalt  }
0x56: {  	_ =	shalt  }
0x57: {  	_ =	shalt  }
0x58: {  	_ =	shalt  }
0x59: {  	_ =	shalt  }
0x5a: {  	_ =	shalt  }
0x5b: {  	_ =	shalt  }
0x5c: {  	_ =	shalt  }
0x5d: {  	_ =	shalt  }
0x5e: {  	_ =	shalt  }
0x5f: {  	_ =	shalt  }
0x60: {  	_ =	shalt  }
0x61: {  	_ =	shalt  }
0x62: {  	_ =	shalt  }
0x63: {  	_ =	shalt  }
0x64: {  	_ =	shalt  }
0x65: {  	_ =	shalt  }
0x66: {  	_ =	shalt  }
0x67: {  	_ =	shalt  }
0x68: {  	_ =	shalt  }
0x69: {  	_ =	shalt  }
0x6a: {  	_ =	shalt  }
0x6b: {  	_ =	shalt  }
0x6c: {  	_ =	shalt  }
0x6d: {  	_ =	shalt  }
0x6e: {  	_ =	shalt  }
0x6f: {  	_ =	shalt  }
0x70: {  	_ =	shalt  }
0x71: {  	_ =	shalt  }
0x72: {  	_ =	shalt  }
0x73: {  	_ =	shalt  }
0x74: {  	_ =	shalt  }
0x75: {  	_ =	shalt  }
0x76: {  	_ =	shalt  }
0x77: {  	_ =	shalt  }
0x78: {  	_ =	shalt  }
0x79: {  	_ =	shalt  }
0x7a: {  	_ =	shalt  }
0x7b: {  	_ =	shalt  }
0x7c: {  	_ =	shalt  }
0x7d: {  	_ =	shalt  }
0x7e: {  	_ =	shalt  }
0x7f: {  	_ =	shalt  }
0x80: {  	_ =	shalt  }
0x81: {  	_ =	shalt  }
0x82: {  	_ =	shalt  }
0x83: {  	_ =	shalt  }
0x84: {  	_ =	shalt  }
0x85: {  	_ =	shalt  }
0x86: {  	_ =	shalt  }
0x87: {  	_ =	shalt  }
.Lfunc_end0:
.L_simem_size_0:
called_computation_lowered:
.L_overlay_start_0:
0x88: {  	s2 =	sld [smem:$0x3FD9]  }
0x89: {  	s3 =	sld [smem:$0x3FFE];
	_ =	sdelay $0x1  }
0x8a: {  	s1 =	srdreg.scid  }
0x8b: {  	s0 =	sand.u32 $0x1, s1  }
0x8c: {  	s15 =	sshll.u32 s0, $0xA;
	s2 =	sadd.s32 s3, s2  }
0x8d: {  	s2 =	sadd.s32 s2, s15  }
0x8e: {  	[smem:$0x3FC5] =	sst s2  }
0x8f: {  	_ = 	snop  }
0x90: {  	s2 =	sld [smem:$0x3FD0]  }
0x91: {  	s16 =	sld [smem:$0x3FC9]  }
0x92: {  	s4 =	sld [smem:$0x3FC8]  }
0x93: {  	s6 =	simm.s32 $0xA;
	s7 =	simm.s32 $0x10;
	s5 =	sld [smem:$0x3FC7]  }
0x94: {  	[smem:s7], [sflag:s6] =	dma.local [hbm:s2], $0x1  }
0x95: {  	_ =	swait.eq [sflag:s6], $0x1  }
0x96: {  	[sflag:s6] =	ssyncset.done $0x0  }
0x97: {  	s17 =	sld [smem:$0x10];
	[sflag:s6] =	ssyncadd.s32 $0xFFFFFFFF  }
0x98: {  	s18 =	sld [smem:$0x11];
	(tm) =	ssettm $0x1  }
0x99: {  	s19 =	sld [smem:$0x3FFB];
	_ =	sdelay $0x3  }
0x9a: {  	_ =	strace s19  }
0x9b: {  	s7 =	sld [smem:$0x3FFC];
	_ =	sdelay $0x3  }
0x9c: {  	_ =	strace s7  }
0x9d: {  	s7 =	sld [smem:$0x3FFD];
	_ =	sdelay $0x3  }
0x9e: {  	_ =	strace s7  }
0x9f: {  	_ =	strace $0x8FFFFFFF  }
0xa0: {  	s20 =	sld [smem:$0x3FDB];
	_ =	sdelay $0x1  }
0xa1: {  	s8 =	simm.s32 $_scs_section_size  }
0xa2: {  	s9 =	simm.s32 $_size__tile_overlayer_lowered;
	s10 =	simm.s32 $_tile_overlayer_lowered  }
0xa3: {  	s23 =	simm.s32 $0x1BFF;
	s22 =	sshll.u32 s10, $0x1;
	s7 =	sadd.s32 s8, s20  }
0xa4: {  	s11 =	simm.s32 $0x0;
	s21 =	sshll.u32 s9, $0x1;
	s9 =	sadd.s32 s22, s7  }
0xa5: {  	[timem:s11], [sflag:s23] =	dma.local [hbm:s9], s21  }
0xa6: {  	_ =	swait.ge [sflag:s23], s21  }
0xa7: {  	s8 =	ssub.s32 $0x0, s21;
	[sflag:s23] =	ssyncset.done $0x0  }
0xa8: {  	[sflag:s23] =	ssyncadd.s32 s8;
	_ =	sdelay $0x1  }
0xa9: {  	s24 =	simm.s32 $0x1B8B  }
0xaa: {  	_ =	swait.ge [sflag:s24], $0x1  }
0xab: {  	[sflag:s24] =	ssyncset.done $0x0  }
0xac: {  	s25 =	simm.s32 $0x1B8E;
	[sflag:s24] =	ssyncadd.s32 $0xFFFFFFFF  }
0xad: {  	s26 =	simm.s32 $execute0_lowered;
	[smem:$0x3FD2] =	sst s25  }
0xae: {  	s8 =	sshll.u32 s26, $0x1;
	_ =	strace $0x80000046;
	[dreg:$0x1] =	wrdreg $0xFFFFFFFF  }
0xaf: {  	s28 =	simm.s32 $_size_execute0_lowered;
	s7 =	sadd.s32 s7, s8;
	[dreg:$0x0] =	wrdreg $0x0  }
0xb0: {  	s8 =	sshll.u32 s28, $0x1;
	[dreg:$0x2] =	wrdreg s7  }
0xb1: {  	[dreg:$0x3] =	wrdreg s8  }
0xb2: {  	[dreg:$0x4] =	wrdreg $0xC0  }
0xb3: {  	_ =	task [dreg:s11], $0x5FFFF  }
0xb4: {  	[dreg:$0x1] =	wrdreg $0xFFFFFFFF  }
0xb5: {  	[dreg:$0x0] =	wrdreg $0x60  }
0xb6: {  	[dreg:$0x2] =	wrdreg s16  }
0xb7: {  	[dreg:$0x3] =	wrdreg s4  }
0xb8: {  	[dreg:$0x4] =	wrdreg s5  }
0xb9: {  	[dreg:$0x5] =	wrdreg s17  }
0xba: {  	[dreg:$0x6] =	wrdreg s18  }
0xbb: {  	[dreg:$0x7] =	wrdreg $0x9  }
0xbc: {  	_ =	task.clear_ibuf [dreg:s11], $0x8FFFF;
	_ =	strace $0x90000046  }
0xbd: {  	s29 =	simm.s32 $0x9;
	_ =	strace $0x80000048  }
0xbe: {  	_ =	swait.ge [sflag:s29], $0x1  }
0xbf: {  	[sflag:s29] =	ssyncadd.s32 $0xFFFFFFFF  }
0xc0: {  	_ =	strace $0x90000048  }
0xc1: {  	_ =	sfence  }
0xc2: {  	s30 =	sld [smem:$0x0];
	_ =	sdelay $0x2  }
0xc3: {  	s31 =	sshll.u32 s1, $0xD;
	s1 =	sshrl.u32 s1, $0x2  }
0xc4: {  	s3 =	sand.u32 $0x4000, s31;
	s1 =	sadd.s32 s1, s30  }
0xc5: {  	s0 =	sor.u32 s3, s0;
	s1 =	sshll.u32 s1, $0x11  }
0xc6: {  	s0 =	sor.u32 s1, s0  }
0xc7: {  	s0 =	sadd.s32 $0x8F2B, s0  }
0xc8: {  	[sflag:s0] =	ssyncadd.remote.s32 $0x1  }
0xc9: {  	_ =	sfence.sel $0xFFFF  }
0xca: {  	[dreg:$0x0] =	wrdreg $0xFFFFFFFF;
	(pc) =	sbr.abs _section_cstart, $3  }
0xcb: {  	[dreg:$0x1] =	wrdreg $0xFFFFFFFF  }
0xcc: {  	_ =	task.clear_ibuf [dreg:s11], $0x2FFFF;
	_ =	strace $0x9FFFFFFF  }
0xcd: {  	(tm) =	ssettm $0x7FFFFFFF  }
tec
execute0_lowered:
.L_overlay_start_1:
0x0: {  	(tag) =	ssettag $0x1  }
0x1: {  	vm0 =	vcmask $0xF0C;
	vm1 =	vcmask $0x33C;
	vm2 =	vcmask $0x2724  }
0x2: {  	vm3 =	vcmask $0x130C;
	vm4 =	vcmask $0x73C;
	vm5 =	vcmask $0x338  }
0x3: {  	v0 =	vlaneseq.u32;
	vm6 =	vcmask $0x3730;
	v4 =	vimm.s32 $0x0  }
0x4: {  	v9 =	vimm.s32 $0x17E7B78;
	v10 =	vimm.s32 $0x75726F6C;
	v15 =	vimm.s32 $0x7673706D  }
0x5: {  	v16 =	vimm.s32 $0x3007D7A;
	v18 =	vimm.s32 $0x6B686562;
	v19 =	vimm.s32 $0x7774716E  }
0x6: {  	v29 =	vimm.s32 $0x110E0B08;
	v30 =	vimm.s32 $0x79767370;
	v31 =	vimm.s32 $0x5027F7C  }
0x7: {  	v56 =	vimm.s32 $0x120F0C09;
	v57 =	vimm.s32 $0x1E1B1815;
	v58 =	vimm.s32 $0x7A777471  }
0x8: {  	v36 =	vimm.s32 $0x603007D;
	v37 =	vimm.s32 $0x13100D0A;
	v59 =	vimm.s32 $0x1F1C1916  }
0x9: {  	v39 =	vimm.s32 $0x7B787572;
	v40 =	vimm.s32 $0x704017E;
	v48 =	vimm.s32 $0xECA86420  }
0xa: {  	vm7 =	vcmask $0x300;
	vm8 =	vcmask $0x2320;
	vm9 =	vcmask $0x2B28  }
0xb: {  	vm10 =	vcmask $0x3B38;
	vm11 =	vmmov $0xff;
	vm1 =	vmor vm1, vm0  }
0xc: {  	vm0 =	vcmask $0x1B18;
	vm3 =	vmor vm4, vm3;
	vm4 =	vcmask $0x1F18  }
0xd: {  	v1 =	vmul.u32 $0x3, v0;
	v5 =	vor.u32 $0x10, v0;
	v11 =	vunpack.c.0.s8.s32 v9  }
0xe: {  	v9 =	vimm.s32 $0xD0A0704;
	v14 =	vunpack.c.0.s8.s32 v10;
	v10 =	vor.u32 $0x20, v0  }
0xf: {  	v15 =	vunpack.c.0.s8.s32 v15;
	v16 =	vunpack.c.0.s8.s32 v16;
	v18 =	vunpack.c.0.s8.s32 v18  }
0x10: {  	v19 =	vunpack.c.0.s8.s32 v19;
	v24 =	vor.u32 $0x40, v0;
	v32 =	vunpack.c.0.s8.s32 v29  }
0x11: {  	v29 =	vimm.s32 $0x1D1A1714;
	v34 =	vunpack.c.0.s8.s32 v30;
	v35 =	vunpack.c.0.s8.s32 v31  }
0x12: {  	v31 =	vor.u32 $0x50, v0;
	v38 =	vunpack.c.0.s8.s32 v58;
	v36 =	vunpack.c.0.s8.s32 v36  }
0x13: {  	v37 =	vunpack.c.0.s8.s32 v37;
	v41 =	vunpack.c.0.s8.s32 v59;
	v39 =	vunpack.c.0.s8.s32 v39  }
0x14: {  	v40 =	vunpack.c.0.s8.s32 v40;
	v45 =	vor.u32 $0x70, v0;
	v51 =	vunpack.c.l.s4.s8 v48  }
0x15: {  	v63 =	vmul.u32 $0x2, v0;
	vm1 =	vmor vm1, vm0;
	vm3 =	vmor vm3, vm4  }
0x16: {  	vm4 =	vcmask $0x2B24;
	v12 =	vunpack.c.0.s8.s32 v9;
	v9 =	vimm.s32 $0x69666360  }
0x17: {  	v33 =	vunpack.c.0.s8.s32 v29;
	vm2 =	vmor vm1, vm2;
	vm1 =	vcmask $0x3330  }
0x18: {  	vm3 =	vmor vm3, vm4;
	vm4 =	vcmask $0xF08;
	v2 =	vadd.s32 $0x1, v1  }
0x19: {  	v3 =	vadd.s32 $0x2, v1;
	v6 =	vadd.s32 $0x30, v1;
	v7 =	vadd.s32 $0x31, v1  }
0x1a: {  	v8 =	vadd.s32 $0x32, v1;
	v13 =	vunpack.c.0.s8.s32 v9;
	v9 =	vadd.s32 $0x60, v1  }
0x1b: {  	v21 =	vadd.s32 $0x92, v1;
	v22 =	vadd.s32 $0x12, v1;
	v23 =	vor.u32 $0xC0, v1  }
0x1c: {  	v25 =	vor.u32 $0x40, v1;
	v26 =	vadd.s32 $0xC1, v1;
	v27 =	vadd.s32 $0x41, v1  }
0x1d: {  	v28 =	vadd.s32 $0xC2, v1;
	v29 =	vadd.s32 $0x42, v1;
	v30 =	vadd.s32 $0xF0, v1  }
0x1e: {  	v42 =	vadd.s32 $0x122, v1;
	v43 =	vadd.s32 $0x22, v1;
	v44 =	vadd.s32 $0x150, v1  }
0x1f: {  	v46 =	vadd.s32 $0x50, v1;
	v47 =	vadd.s32 $0x151, v1;
	v48 =	vadd.s32 $0x51, v1  }
0x20: {  	v49 =	vadd.s32 $0x152, v1;
	vm4 =	vmor vm5, vm4;
	vm5 =	vcmask $0x1B14  }
0x21: {  	v50 =	vadd.s32 $0x52, v1;
	vm4 =	vmor vm4, vm5;
	vm5 =	vcmask $0x2720  }
0x22: {  	v51 =	vunpack.c.0.s8.s32 v51;
	vm4 =	vmor vm4, vm5;
	vm5 =	vcmask $0x332C  }
0x23: {  	vm2 =	vmor vm2, vm1;
	vm4 =	vmor vm4, vm5;
	vm5 =	vcmask $0x1F10  }
0x24: {  	s31 =	rddreg [dreg:$0x0];
	vm3 =	vmor vm3, vm6;
	vm6 =	vcmask $0x1310;
	v11 =	vsel vm5, v12, v11  }
0x25: {  	s2 =	rddreg [dreg:$0x1];
	v12 =	vsel vm5, v14, v13;
	v13 =	vimm.s32 $0x27F7C79;
	v14 =	vimm.s32 $0xE0B0805  }
0x26: {  	s3 =	rddreg [dreg:$0x2];
	v32 =	vsel vm5, v33, v32;
	v55 =	vsel vm5, v35, v34;
	v34 =	vunpack.c.0.s8.s32 v56  }
0x27: {  	s9 =	rddreg [dreg:$0x4];
	s5 =	srdreg.scid;
	v35 =	vunpack.c.0.s8.s32 v57;
	v33 =	vadd.s32 $0xF1, v1;
	v60 =	vsel vm5, v36, v38  }
0x28: {  	s4 =	simm.s32 $0x0;
	s0 =	stileid.u32;
	s13 =	simm.s32 $0x3000;
	v61 =	vsel vm5, v41, v37;
	v62 =	vsel vm5, v40, v39;
	v37 =	vadd.s32 $0x120, v1  }
0x29: {  	s14 =	simm.s32 $0x80;
	s15 =	simm.s32 $0x400;
	s16 =	simm.s32 $0xC00;
	v38 =	vor.u32 $0x60, v0;
	v39 =	vadd.s32 $0x20, v1;
	v40 =	vadd.s32 $0x121, v1  }
0x2a: {  	s18 =	simm.s32 $0x1800;
	s5 =	sand.u32 $0x1, s5;
	s7 =	sshll.u32 s0, $0x1;
	v41 =	vadd.s32 $0x21, v1;
	v11 =	vcombine.low v12, v11;
	v13 =	vunpack.c.0.s8.s32 v13  }
0x2b: {  	s21 =	simm.s32 $0x2400;
	[smem:$0x7FF] =	sst s4;
	s7 =	sor.u32 s5, s7;
	v14 =	vunpack.c.0.s8.s32 v14;
	v12 =	vimm.s32 $0x6A676461;
	v32 =	vcombine.low v55, v32  }
0x2c: {  	s6 =	ssub.s32 $0x2, s5;
	_ =	strace $0x80000047;
	s11 =	sshll.u32 s7, $0x4;
	v36 =	vcombine.low v62, v61;
	v17 =	vunpack.c.0.s8.s32 v12;
	v12 =	vimm.s32 $0xF0C0906  }
0x2d: {  	s23 =	smul.u32 $0xC000, s7;
	s25 =	sshll.u32 s7, $0x5;
	s24 =	sadd.s32 s3, s11;
	v34 =	vsel vm5, v35, v34;
	v35 =	vadd.s32 $0xF2, v1;
	v20 =	vunpack.c.0.s8.s32 v12  }
.Ltmp0:
0x2e: {  	s26 =	sadd.s32 s2, s25;
	[dreg:$0x6] =	wrdreg s24;
	v12 =	vadd.s32 $0x61, v1;
	v13 =	vsel vm5, v14, v13;
	v14 =	vsel vm5, v15, v17;
	(pc) =	sbr.rel .LBB2_1-.Ltmp0, $4  }
0x2f: {  	s8 =	sshrl.u32 s6, $0x1;
	s29 =	sadd.s32 s9, s11;
	[dreg:$0x7] =	wrdreg s26;
	v34 =	vcombine.low v60, v34;
	v17 =	vor.u32 $0x30, v0;
	v13 =	vcombine.low v14, v13  }
0x30: {  	s10 =	ssub.s32 s6, s8;
	s28 =	sadd.s32 s31, s23;
	[dreg:$0x9] =	wrdreg s29;
	v15 =	vsel vm5, v20, v16;
	v16 =	vsel vm5, v19, v18;
	v14 =	vadd.s32 $0x62, v1  }
0x31: {  	s1 =	simm.s32 $0x0;
	[tilespmem:$0x1FFF0] =	vst v63;
	s30 =	smax.u32 s10, $0x1;
	[dreg:$0x8] =	wrdreg s28;
	v18 =	vadd.s32 $0x10, v1;
	v19 =	vadd.s32 $0x91, v1;
	v20 =	vadd.s32 $0x11, v1  }
0x32: {  	s5 =	sshll.u32 s7, $0x7;
	s2 =	simm.s32 $0x5;
	[tilespmem:$0x1FFE0] =	vst v51;
	[dreg:$0xa] =	wrdreg s30;
	vm5 =	vcmask $0xB08;
	v15 =	vcombine.low v16, v15;
	v16 =	vadd.s32 $0x90, v1  }
.LBB2_11:
0x33: {  	s0 =	simm.s32 $0x1  }
0x34: {  	_ =	swait.ge [sflag:s0], $0xC00  }
0x35: {  	[sflag:s0] =	ssyncset.done $0x0  }
0x36: {  	s25 =	simm.s32 $0x3;
	[sflag:s0] =	ssyncadd.s32 $0xFFFFF400  }
0x37: {  	_ =	swait.ge [sflag:s25], $0xC00  }
0x38: {  	[sflag:s25] =	ssyncset.done $0x0  }
0x39: {  	s26 =	simm.s32 $0x4;
	[sflag:s25] =	ssyncadd.s32 $0xFFFFF400  }
0x3a: {  	_ =	swait.ge [sflag:s26], $0xC00  }
0x3b: {  	s1 =	simm.s32 $0x3200;
	[sflag:s26] =	ssyncset.done $0x0  }
0x3c: {  	s2 =	simm.s32 $0x5;
	s28 =	rddreg [dreg:$0x9];
	[sflag:s26] =	ssyncadd.s32 $0xFFFFF400  }
0x3d: {  	[hbm4b:s28+s4] =	stream.linear.scatter [tilespmem:s1], [sflag:$0x5], $0x80, $0x38;
	[tilespmem:$0x3280] =	vst v63  }
0x3e: {  	_ =	swait.ge [sflag:s2], $0x80  }
0x3f: {  	s29 =	rddreg [dreg:$0xb]  }
0x40: {  	s30 =	rddreg [dreg:$0xa];
	s1 =	sadd.s32 $0x1, s29  }
0x41: {  	p0 =	sne.s32 s1, s30  }
.Ltmp1:
0x42: {  	_ = 	snop;
	(pc) =	sbr.rel @!p0 .LBB2_12-.Ltmp1, $3  }
0x43: {  	_ =	sdelay $0x1  }
0x44: {  	[sflag:s2] =	ssyncset.done $0x0  }
0x45: {  	[sflag:s2] =	ssyncadd.s32 $0xFFFFFF80  }
.LBB2_1:
0x46: {  	[dreg:$0xb] =	wrdreg s1  }
0x47: {  	s0 =	rddreg [dreg:$0x6];
	s28 =	simm.s32 $0x3100  }
0x48: {  	[tilespmem:s28], [sflag:$0x5] =	stream.linear.gather [hbm4b:s0+s4], $0x80, $0x38;
	[tilespmem:$0x3280] =	vst v63  }
0x49: {  	_ =	swait.ge [sflag:s2], $0x80  }
0x4a: {  	[sflag:s2] =	ssyncset.done $0x0  }
0x4b: {  	s29 =	rddreg [dreg:$0x7];
	[sflag:s2] =	ssyncadd.s32 $0xFFFFFF80  }
0x4c: {  	[tilespmem:s13], [sflag:$0x5] =	stream.linear.gather [hbm4b:s29+s4], $0x100, $0x38;
	[tilespmem:$0x3280] =	vst v63  }
.Ltmp2:
0x4d: {  	_ = 	snop;
	(pc) =	sbr.rel .LBB2_2-.Ltmp2, $4  }
0x4e: {  	_ =	swait.ge [sflag:s2], $0x100  }
0x4f: {  	[sflag:s2] =	ssyncset.done $0x0  }
0x50: {  	s25 =	simm.s32 $0x0;
	s30 =	rddreg [dreg:$0x8];
	[sflag:s2] =	ssyncadd.s32 $0xFFFFFF00  }
0x51: {  	[tilespmem:s4], [sflag:$0x1] =	stream.strided.gather [hbm4b:s30+s14], $0xC00, s15, s14, $0x38;
	[tilespmem:$0x3280] =	vst v63  }
.LBB2_10:
0x52: {  	(v2sf) =	vpush v53, $0xD;
	_ =	sdelay $0x1  }
0x53: {  	(v2sf) =	vpush v53, $0xC;
	_ =	sdelay $0x1  }
0x54: {  	(v2sf) =	vpush v53, $0xE;
	_ =	sdelay $0x1  }
0x55: {  	(v2sf) =	vpush v53, $0xF;
	_ =	sdelay $0x1  }
0x56: {  	(v2sf) =	vpush v53, $0x9;
	_ =	sdelay $0x1  }
0x57: {  	(v2sf) =	vpush v53, $0x8;
	_ =	sdelay $0x1  }
0x58: {  	(v2sf) =	vpush v53, $0xA;
	_ =	sdelay $0x1  }
0x59: {  	(v2sf) =	vpush v53, $0xB  }
0x5a: {  	s0 =	spop (v2sf)  }
0x5b: {  	(v2sf) =	vpush v53, $0x1;
	s1 =	smulhi.u32 $0x55555556, s0;
	s0 =	sshra.s32 s0, $0x1F  }
0x5c: {  	s2 =	spop (v2sf);
	s0 =	smul.u32 $0x55555556, s0  }
0x5d: {  	(v2sf) =	vpush v53, $0x0;
	s3 =	smulhi.u32 $0x55555556, s2;
	s2 =	sshra.s32 s2, $0x1F  }
0x5e: {  	s6 =	spop (v2sf);
	s2 =	smul.u32 $0x55555556, s2  }
0x5f: {  	(v2sf) =	vpush v53, $0x2;
	s7 =	smulhi.u32 $0x55555556, s6;
	s6 =	sshra.s32 s6, $0x1F  }
0x60: {  	s8 =	spop (v2sf);
	s6 =	smul.u32 $0x55555556, s6  }
0x61: {  	(v2sf) =	vpush v53, $0x3;
	s9 =	smulhi.u32 $0x55555556, s8;
	s8 =	sshra.s32 s8, $0x1F  }
0x62: {  	s10 =	spop (v2sf);
	s8 =	smul.u32 $0x55555556, s8  }
0x63: {  	(v2sf) =	vpush v53, $0x4;
	s11 =	smulhi.u32 $0x55555556, s10;
	s10 =	sshra.s32 s10, $0x1F  }
0x64: {  	s12 =	spop (v2sf);
	s10 =	smul.u32 $0x55555556, s10  }
0x65: {  	(v2sf) =	vpush v53, $0x5;
	s19 =	smulhi.u32 $0x55555556, s12;
	s12 =	sshra.s32 s12, $0x1F  }
0x66: {  	s20 =	spop (v2sf);
	s12 =	smul.u32 $0x55555556, s12  }
0x67: {  	(v2sf) =	vpush v53, $0x6;
	s22 =	smulhi.u32 $0x55555556, s20;
	s20 =	sshra.s32 s20, $0x1F  }
0x68: {  	s28 =	sadd.s32 s0, s1;
	s23 =	spop (v2sf);
	s20 =	smul.u32 $0x55555556, s20  }
0x69: {  	s30 =	sadd.s32 s2, s3;
	(v2sf) =	vpush v53, $0x7;
	s24 =	smulhi.u32 $0x55555556, s23;
	s23 =	sshra.s32 s23, $0x1F  }
0x6a: {  	s3 =	sadd.s32 s6, s7;
	s23 =	smul.u32 $0x55555556, s23;
	s29 =	spop (v2sf)  }
0x6b: {  	v52 =	vmov s30;
	s2 =	sadd.s32 s8, s9;
	s0 =	smulhi.u32 $0x55555556, s29;
	s1 =	sshra.s32 s29, $0x1F  }
0x6c: {  	v52 =	vsel vm5, s28, v52;
	s28 =	sshrl.u32 s28, $0x1F;
	s17 =	spop (v2sf);
	s1 =	smul.u32 $0x55555556, s1  }
0x6d: {  	s8 =	sadd.s32 s10, s11;
	s6 =	smulhi.u32 $0x55555556, s17;
	s7 =	sshra.s32 s17, $0x1F  }
0x6e: {  	s12 =	sadd.s32 s12, s19;
	s17 =	spop (v2sf);
	s7 =	smul.u32 $0x55555556, s7  }
0x6f: {  	s19 =	sadd.s32 s20, s22;
	s9 =	smulhi.u32 $0x55555556, s17;
	s17 =	sshra.s32 s17, $0x1F  }
0x70: {  	v55 =	vmov s12;
	s12 =	sshrl.u32 s12, $0x1F;
	s29 =	spop (v2sf);
	s10 =	smul.u32 $0x55555556, s17  }
0x71: {  	v55 =	vsel vm5, s8, v55;
	s8 =	sshrl.u32 s8, $0x1F;
	s20 =	smulhi.u32 $0x55555556, s29;
	s11 =	sshra.s32 s29, $0x1F  }
0x72: {  	s17 =	spop (v2sf);
	s29 =	sadd.s32 s23, s24;
	s11 =	smul.u32 $0x55555556, s11  }
0x73: {  	s6 =	sadd.s32 s7, s6;
	s7 =	smulhi.u32 $0x55555556, s17;
	s22 =	sshra.s32 s17, $0x1F  }
0x74: {  	s0 =	sadd.s32 s1, s0;
	s17 =	spop (v2sf);
	s1 =	smul.u32 $0x55555556, s22  }
0x75: {  	v52 =	vsel vm6, s3, v52;
	s9 =	sadd.s32 s10, s9;
	s10 =	smulhi.u32 $0x55555556, s17;
	s23 =	sshra.s32 s17, $0x1F  }
0x76: {  	v52 =	vsel vm0, s2, v52;
	v57 =	vmov s12;
	v51 =	vmov s6;
	s24 =	spop (v2sf);
	s6 =	sshrl.u32 s6, $0x1F;
	s17 =	smul.u32 $0x55555556, s23  }
0x77: {  	v55 =	vsel vm6, s19, v55;
	v57 =	vsel vm5, s8, v57;
	v51 =	vnsel vm7, $0x0, v51;
	s23 =	sshra.s32 s24, $0x1F;
	s1 =	sadd.s32 s1, s7;
	s7 =	smulhi.u32 $0x55555556, s24  }
0x78: {  	v55 =	vsel vm0, s29, v55;
	s11 =	sadd.s32 s11, s20;
	v56 =	vmov s6;
	v51 =	vsel vm5, s0, v51;
	s22 =	smul.u32 $0x55555556, s23;
	s24 =	spop (v2sf)  }
0x79: {  	v52 =	vcombine.low v55, v52;
	v56 =	vnsel vm7, $0x0, v56;
	s0 =	sshrl.u32 s0, $0x1F;
	s23 =	sshrl.u32 s30, $0x1F;
	v51 =	vsel vm6, s9, v51;
	s10 =	sadd.s32 s17, s10  }
0x7a: {  	v60 =	vld [tilespmem:$0x1FFE0];
	s6 =	smulhi.u32 $0x55555556, s24;
	s17 =	sshra.s32 s24, $0x1F;
	v62 =	vsel vm5, s0, v56;
	s24 =	sshrl.u32 s9, $0x1F;
	v63 =	vmov s23;
	v51 =	vsel vm0, s11, v51  }
0x7b: {  	v58 =	vld [tilespmem:$0x1FFF0];
	s3 =	sshrl.u32 s3, $0x1F;
	s30 =	sshrl.u32 s11, $0x1F;
	v55 =	vsel vm6, s24, v62;
	v56 =	vsel vm5, s28, v63;
	s11 =	sshrl.u32 s19, $0x1F;
	v51 =	vsel vm8, s1, v51  }
0x7c: {  	s12 =	sshrl.u32 s1, $0x1F;
	s20 =	smul.u32 $0x55555556, s17;
	s17 =	sshrl.u32 s2, $0x1F;
	v55 =	vsel vm0, s30, v55;
	v56 =	vsel vm6, s3, v56;
	v57 =	vsel vm6, s11, v57  }
0x7d: {  	s7 =	sadd.s32 s22, s7;
	s19 =	sshrl.u32 s29, $0x1F;
	s22 =	sshrl.u32 s10, $0x1F;
	v51 =	vsel vm9, s10, v51;
	v55 =	vsel vm8, s12, v55;
	v56 =	vsel vm0, s17, v56  }
0x7e: {  	s24 =	sshrl.u32 s7, $0x1F;
	s23 =	sadd.s32 s20, s6;
	v57 =	vsel vm0, s19, v57;
	v51 =	vsel vm1, s7, v51;
	v55 =	vsel vm9, s22, v55  }
0x7f: {  	v56 =	vcombine.low v57, v56;
	s28 =	sshrl.u32 s23, $0x1F;
	v51 =	vsel vm10, s23, v51;
	v55 =	vsel vm1, s24, v55  }
0x80: {  	v52 =	vperm.xlane v52, v60;
	v51 =	vperm.xlane v51, v58;
	v55 =	vsel vm10, s28, v55  }
0x81: {  	v56 =	vperm.xlane v56, v60;
	v55 =	vperm.xlane v55, v58;
	_ =	sdelay $0x1  }
0x82: {  	v51 =	vsel vm11, v51, v52;
	v61 =	vsel vm11, v55, v56  }
0x83: {  	v51 =	vadd.s32 v61, v51  }
0x84: {  	v52 =	vmul.u32 $0xFFFFFFFD, v51  }
0x85: {  	s25 =	sadd.s32 $0x1, s25;
	v62 =	vsub.s32 $0x0, v53  }
0x86: {  	vm12 =	vlt.s32 v53, $0x1;
	p0 =	sne.s32 s25, $0x40;
	vm13 =	vne.s32 v52, v62  }
.Ltmp3:
0x87: {  	vm12 =	vmand vm12, vm13;
	(pc) =	sbr.rel @!p0 .LBB2_11-.Ltmp3, $4  }
0x88: {  	v63 =	vsel vm12, $0xFFFFFFFF, v4  }
0x89: {  	s29 =	simm.s32 $0x3200;
	s30 =	rddreg [dreg:$0x3];
	v51 =	vadd.s32 v63, v51  }
0x8a: {  	s0 =	sadd.s32 s30, s26;
	[tilespmem:v54+s29+$0x0] =	vst.idx.msk $0x1, v51  }
0x8b: {  	[hbm4b:s0+s14] =	stream.strided.scatter [tilespmem:s21], [sflag:$0x4], $0xC00, s15, s14, $0x38;
	[tilespmem:$0x3280] =	vst v63  }
.LBB2_2:
0x8c: {  	s28 =	sshll.u32 s25, $0x1  }
0x8d: {  	s2 =	sor.u32 s5, s28  }
0x8e: {  	s29 =	sshllo.u32 s25, $0x1;
	s2 =	sshrl.u32 s2, $0x3  }
0x8f: {  	s20 =	sshll.u32 s29, $0x7;
	s30 =	smul.u32 $0x6000, s2  }
0x90: {  	s2 =	sand.u32 $0x380, s20  }
0x91: {  	s2 =	sor.u32 s2, s30  }
0x92: {  	s26 =	sshrl.u32 s2, $0x3  }
0x93: {  	s0 =	simm.s32 $0x1;
	s2 =	sadd.s32 s31, s26  }
0x94: {  	[tilespmem:s16], [sflag:$0x2] =	stream.strided.gather [hbm4b:s2+s14], $0xC00, s15, s14, $0x38;
	[tilespmem:$0x3280] =	vst v63  }
0x95: {  	v60 =	vmov s28;
	_ =	swait.ge [sflag:s0], $0xC00  }
0x96: {  	p0 =	seq.s32 s25, $0x0;
	v53 =	vshll.u32 v60, $0x1;
	[sflag:s0] =	ssyncset.done $0x0  }
0x97: {  	s2 =	simm.s32 @!p0 $0x3;
	[sflag:s0] =	ssyncadd.s32 $0xFFFFF400  }
0x98: {  	_ =	swait.ge @!p0 [sflag:s2], $0xC00  }
0x99: {  	[sflag:s2] =	ssyncset.done @!p0 $0x0  }
0x9a: {  	[sflag:s2] =	ssyncadd.s32 @!p0 $0xFFFFF400  }
0x9b: {  	v56 =	vor.u32 $0x1, v53;
	v55 =	vld.idx.msk [tilespmem:v53+s13+$0x0], $0xffff;
	_ =	sdelay $0x4  }
0x9c: {  	s22 =	simm.s32 $0x3100;
	v56 =	vld.idx.msk [tilespmem:v56+s13+$0x0], $0xffff;
	v53 =	vsel vm2, $0x0, v55  }
0x9d: {  	v57 =	vld.idx.msk [tilespmem:v60+s22+$0x0], $0xffff;
	v58 =	vnsel vm3, $0x0, v55;
	[tilespmem:$0x1800] =	vst v53  }
0x9e: {  	v59 =	vnsel vm4, $0x0, v55;
	[tilespmem:$0x1810] =	vst v58  }
0x9f: {  	[tilespmem:$0x1820] =	vst v59  }
0xa0: {  	[tilespmem:$0x1830] =	vst v53  }
0xa1: {  	[tilespmem:$0x1840] =	vst v58  }
0xa2: {  	[tilespmem:$0x1850] =	vst v59  }
0xa3: {  	[tilespmem:$0x1860] =	vst v53  }
0xa4: {  	[tilespmem:$0x1870] =	vst v58  }
0xa5: {  	[tilespmem:$0x1880] =	vst v59  }
0xa6: {  	[tilespmem:$0x1890] =	vst v53  }
0xa7: {  	[tilespmem:$0x18A0] =	vst v58  }
0xa8: {  	[tilespmem:$0x18B0] =	vst v59  }
0xa9: {  	[tilespmem:$0x18C0] =	vst v53  }
0xaa: {  	[tilespmem:$0x18D0] =	vst v58  }
0xab: {  	[tilespmem:$0x18E0] =	vst v59  }
0xac: {  	[tilespmem:$0x18F0] =	vst v53  }
0xad: {  	[tilespmem:$0x1900] =	vst v58  }
0xae: {  	[tilespmem:$0x1910] =	vst v59  }
0xaf: {  	[tilespmem:$0x1920] =	vst v53  }
0xb0: {  	[tilespmem:$0x1930] =	vst v58  }
0xb1: {  	[tilespmem:$0x1940] =	vst v59  }
0xb2: {  	[tilespmem:$0x1950] =	vst v53  }
0xb3: {  	[tilespmem:$0x1960] =	vst v58  }
0xb4: {  	[tilespmem:$0x1970] =	vst v59  }
0xb5: {  	[tilespmem:$0x1980] =	vst v53  }
0xb6: {  	[tilespmem:$0x1990] =	vst v58  }
0xb7: {  	[tilespmem:$0x19A0] =	vst v59  }
0xb8: {  	[tilespmem:$0x19B0] =	vst v53  }
0xb9: {  	[tilespmem:$0x19C0] =	vst v58  }
0xba: {  	[tilespmem:$0x19D0] =	vst v59  }
0xbb: {  	[tilespmem:$0x19E0] =	vst v53  }
0xbc: {  	[tilespmem:$0x19F0] =	vst v58  }
0xbd: {  	[tilespmem:$0x1A00] =	vst v59  }
0xbe: {  	[tilespmem:$0x1A10] =	vst v53  }
0xbf: {  	[tilespmem:$0x1A20] =	vst v58  }
0xc0: {  	[tilespmem:$0x1A30] =	vst v59  }
0xc1: {  	[tilespmem:$0x1A40] =	vst v53  }
0xc2: {  	[tilespmem:$0x1A50] =	vst v58  }
0xc3: {  	[tilespmem:$0x1A60] =	vst v59  }
0xc4: {  	[tilespmem:$0x1A70] =	vst v53  }
0xc5: {  	[tilespmem:$0x1A80] =	vst v58  }
0xc6: {  	[tilespmem:$0x1A90] =	vst v59  }
0xc7: {  	[tilespmem:$0x1AA0] =	vst v53  }
0xc8: {  	[tilespmem:$0x1AB0] =	vst v58  }
0xc9: {  	[tilespmem:$0x1AC0] =	vst v59  }
0xca: {  	[tilespmem:$0x1AD0] =	vst v53  }
0xcb: {  	[tilespmem:$0x1AE0] =	vst v58  }
0xcc: {  	[tilespmem:$0x1AF0] =	vst v59  }
0xcd: {  	[tilespmem:$0x1B00] =	vst v53  }
0xce: {  	[tilespmem:$0x1B10] =	vst v58  }
0xcf: {  	[tilespmem:$0x1B20] =	vst v59  }
0xd0: {  	[tilespmem:$0x1B30] =	vst v53  }
0xd1: {  	[tilespmem:$0x1B40] =	vst v58  }
0xd2: {  	[tilespmem:$0x1B50] =	vst v59  }
0xd3: {  	[tilespmem:$0x1B60] =	vst v53  }
0xd4: {  	[tilespmem:$0x1B70] =	vst v58  }
0xd5: {  	[tilespmem:$0x1B80] =	vst v59  }
0xd6: {  	[tilespmem:$0x1B90] =	vst v53  }
0xd7: {  	[tilespmem:$0x1BA0] =	vst v58  }
0xd8: {  	[tilespmem:$0x1BB0] =	vst v59  }
0xd9: {  	[tilespmem:$0x1BC0] =	vst v53  }
0xda: {  	[tilespmem:$0x1BD0] =	vst v58  }
0xdb: {  	[tilespmem:$0x1BE0] =	vst v59  }
0xdc: {  	[tilespmem:$0x1BF0] =	vst v53  }
0xdd: {  	[tilespmem:$0x1C00] =	vst v58  }
0xde: {  	[tilespmem:$0x1C10] =	vst v59  }
0xdf: {  	[tilespmem:$0x1C20] =	vst v53  }
0xe0: {  	[tilespmem:$0x1C30] =	vst v58  }
0xe1: {  	[tilespmem:$0x1C40] =	vst v59  }
0xe2: {  	[tilespmem:$0x1C50] =	vst v53  }
0xe3: {  	[tilespmem:$0x1C60] =	vst v58  }
0xe4: {  	[tilespmem:$0x1C70] =	vst v59  }
0xe5: {  	[tilespmem:$0x1C80] =	vst v53  }
0xe6: {  	[tilespmem:$0x1C90] =	vst v58  }
0xe7: {  	[tilespmem:$0x1CA0] =	vst v59  }
0xe8: {  	[tilespmem:$0x1CB0] =	vst v53  }
0xe9: {  	[tilespmem:$0x1CC0] =	vst v58  }
0xea: {  	[tilespmem:$0x1CD0] =	vst v59  }
0xeb: {  	[tilespmem:$0x1CE0] =	vst v53  }
0xec: {  	[tilespmem:$0x1CF0] =	vst v58  }
0xed: {  	[tilespmem:$0x1D00] =	vst v59  }
0xee: {  	[tilespmem:$0x1D10] =	vst v53  }
0xef: {  	[tilespmem:$0x1D20] =	vst v58  }
0xf0: {  	[tilespmem:$0x1D30] =	vst v59  }
0xf1: {  	[tilespmem:$0x1D40] =	vst v53  }
0xf2: {  	[tilespmem:$0x1D50] =	vst v58  }
0xf3: {  	[tilespmem:$0x1D60] =	vst v59  }
0xf4: {  	[tilespmem:$0x1D70] =	vst v53  }
0xf5: {  	[tilespmem:$0x1D80] =	vst v58  }
0xf6: {  	[tilespmem:$0x1D90] =	vst v59  }
0xf7: {  	[tilespmem:$0x1DA0] =	vst v53  }
0xf8: {  	[tilespmem:$0x1DB0] =	vst v58  }
0xf9: {  	[tilespmem:$0x1DC0] =	vst v59  }
0xfa: {  	[tilespmem:$0x1DD0] =	vst v53  }
0xfb: {  	[tilespmem:$0x1DE0] =	vst v58  }
0xfc: {  	[tilespmem:$0x1DF0] =	vst v59  }
0xfd: {  	[tilespmem:$0x1E00] =	vst v53  }
0xfe: {  	[tilespmem:$0x1E10] =	vst v58  }
0xff: {  	[tilespmem:$0x1E20] =	vst v59  }
0x100: {  	[tilespmem:$0x1E30] =	vst v53  }
0x101: {  	[tilespmem:$0x1E40] =	vst v58  }
0x102: {  	[tilespmem:$0x1E50] =	vst v59  }
0x103: {  	[tilespmem:$0x1E60] =	vst v53  }
0x104: {  	[tilespmem:$0x1E70] =	vst v58  }
0x105: {  	[tilespmem:$0x1E80] =	vst v59  }
0x106: {  	[tilespmem:$0x1E90] =	vst v53  }
0x107: {  	[tilespmem:$0x1EA0] =	vst v58  }
0x108: {  	[tilespmem:$0x1EB0] =	vst v59  }
0x109: {  	[tilespmem:$0x1EC0] =	vst v53  }
0x10a: {  	[tilespmem:$0x1ED0] =	vst v58  }
0x10b: {  	[tilespmem:$0x1EE0] =	vst v59  }
0x10c: {  	[tilespmem:$0x1EF0] =	vst v53  }
0x10d: {  	[tilespmem:$0x1F00] =	vst v58  }
0x10e: {  	[tilespmem:$0x1F10] =	vst v59  }
0x10f: {  	[tilespmem:$0x1F20] =	vst v53  }
0x110: {  	[tilespmem:$0x1F30] =	vst v58  }
0x111: {  	[tilespmem:$0x1F40] =	vst v59  }
0x112: {  	[tilespmem:$0x1F50] =	vst v53  }
0x113: {  	[tilespmem:$0x1F60] =	vst v58  }
0x114: {  	[tilespmem:$0x1F70] =	vst v59  }
0x115: {  	[tilespmem:$0x1F80] =	vst v53  }
0x116: {  	[tilespmem:$0x1F90] =	vst v58  }
0x117: {  	[tilespmem:$0x1FA0] =	vst v59  }
0x118: {  	[tilespmem:$0x1FB0] =	vst v53  }
0x119: {  	[tilespmem:$0x1FC0] =	vst v58  }
0x11a: {  	[tilespmem:$0x1FD0] =	vst v59  }
0x11b: {  	[tilespmem:$0x1FE0] =	vst v53  }
0x11c: {  	[tilespmem:$0x1FF0] =	vst v58  }
0x11d: {  	[tilespmem:$0x2000] =	vst v59  }
0x11e: {  	[tilespmem:$0x2010] =	vst v53  }
0x11f: {  	[tilespmem:$0x2020] =	vst v58  }
0x120: {  	[tilespmem:$0x2030] =	vst v59  }
0x121: {  	[tilespmem:$0x2040] =	vst v53  }
0x122: {  	[tilespmem:$0x2050] =	vst v58  }
0x123: {  	[tilespmem:$0x2060] =	vst v59  }
0x124: {  	[tilespmem:$0x2070] =	vst v53  }
0x125: {  	[tilespmem:$0x2080] =	vst v58  }
0x126: {  	[tilespmem:$0x2090] =	vst v59  }
0x127: {  	[tilespmem:$0x20A0] =	vst v53  }
0x128: {  	[tilespmem:$0x20B0] =	vst v58  }
0x129: {  	[tilespmem:$0x20C0] =	vst v59  }
0x12a: {  	[tilespmem:$0x20D0] =	vst v53  }
0x12b: {  	[tilespmem:$0x20E0] =	vst v58  }
0x12c: {  	[tilespmem:$0x20F0] =	vst v59  }
0x12d: {  	[tilespmem:$0x2100] =	vst v53  }
0x12e: {  	[tilespmem:$0x2110] =	vst v58  }
0x12f: {  	[tilespmem:$0x2120] =	vst v59  }
0x130: {  	[tilespmem:$0x2130] =	vst v53  }
0x131: {  	[tilespmem:$0x2140] =	vst v58  }
0x132: {  	[tilespmem:$0x2150] =	vst v59  }
0x133: {  	[tilespmem:$0x2160] =	vst v53  }
0x134: {  	[tilespmem:$0x2170] =	vst v58  }
0x135: {  	[tilespmem:$0x2180] =	vst v59  }
0x136: {  	[tilespmem:$0x2190] =	vst v53  }
0x137: {  	[tilespmem:$0x21A0] =	vst v58  }
0x138: {  	[tilespmem:$0x21B0] =	vst v59  }
0x139: {  	[tilespmem:$0x21C0] =	vst v53  }
0x13a: {  	[tilespmem:$0x21D0] =	vst v58  }
0x13b: {  	[tilespmem:$0x21E0] =	vst v59  }
0x13c: {  	[tilespmem:$0x21F0] =	vst v53  }
0x13d: {  	[tilespmem:$0x2200] =	vst v58  }
0x13e: {  	[tilespmem:$0x2210] =	vst v59  }
0x13f: {  	[tilespmem:$0x2220] =	vst v53  }
0x140: {  	[tilespmem:$0x2230] =	vst v58  }
0x141: {  	[tilespmem:$0x2240] =	vst v59  }
0x142: {  	[tilespmem:$0x2250] =	vst v53  }
0x143: {  	[tilespmem:$0x2260] =	vst v58  }
0x144: {  	[tilespmem:$0x2270] =	vst v59  }
0x145: {  	[tilespmem:$0x2280] =	vst v53  }
0x146: {  	[tilespmem:$0x2290] =	vst v58  }
0x147: {  	[tilespmem:$0x22A0] =	vst v59  }
0x148: {  	[tilespmem:$0x22B0] =	vst v53  }
0x149: {  	[tilespmem:$0x22C0] =	vst v58  }
0x14a: {  	[tilespmem:$0x22D0] =	vst v59  }
0x14b: {  	[tilespmem:$0x22E0] =	vst v53  }
0x14c: {  	[tilespmem:$0x22F0] =	vst v58  }
0x14d: {  	[tilespmem:$0x2300] =	vst v59  }
0x14e: {  	[tilespmem:$0x2310] =	vst v53  }
0x14f: {  	[tilespmem:$0x2320] =	vst v58  }
0x150: {  	[tilespmem:$0x2330] =	vst v59  }
0x151: {  	[tilespmem:$0x2340] =	vst v53  }
0x152: {  	[tilespmem:$0x2350] =	vst v58  }
0x153: {  	[tilespmem:$0x2360] =	vst v59  }
0x154: {  	[tilespmem:$0x2370] =	vst v53  }
0x155: {  	[tilespmem:$0x2380] =	vst v58  }
0x156: {  	[tilespmem:$0x2390] =	vst v59  }
0x157: {  	[tilespmem:$0x23A0] =	vst v53  }
0x158: {  	[tilespmem:$0x23B0] =	vst v58  }
0x159: {  	[tilespmem:$0x23C0] =	vst v59  }
0x15a: {  	[tilespmem:$0x23D0] =	vst v53  }
0x15b: {  	[tilespmem:$0x23E0] =	vst v58  }
0x15c: {  	[tilespmem:$0x23F0] =	vst v59  }
0x15d: {  	v53 =	vld [tilespmem:s28+$0x3100];
	_ =	sdelay $0x4  }
0x15e: {  	(v2sf) =	vpush v53, $0x0;
	_ =	sdelay $0xe  }
0x15f: {  	s23 =	spop (v2sf)  }
0x160: {  	s2 =	sadd.s32 $0x7F, s23  }
0x161: {  	s3 =	sand.u32 $0x7F, s2  }
0x162: {  	s24 =	sshra.s32 s2, $0x1F;
	p2 =	slt.s32 s2, $0x1;
	p1 =	sne.s32 s3, $0x0  }
0x163: {  	s3 =	sshrl.u32 s24, $0x19;
	p1 =	por !p2, !p1  }
0x164: {  	s2 =	sadd.s32 s3, s2;
	s3 =	simm.s32 $0x1;
	p1 =	por !p1, !p1  }
0x165: {  	s2 =	sshra.s32 s2, $0x7;
	s3 =	simm.s32 @!p1 $0x0  }
0x166: {  	s17 =	smov.u32 s31;
	s31 =	ssub.s32 s2, s3  }
0x167: {  	p1 =	slt.s32 s31, $0x1  }
.Ltmp4:
0x168: {  	_ = 	snop;
	(pc) =	sbr.rel @p1 .LBB2_6-.Ltmp4, $2  }
0x169: {  	_ =	sdelay $0x2  }
0x16a: {  	v58 =	vimm.s32 $0x0;
	v53 =	vimm.s32 $0x0  }
0x16b: {  	[tilespmem:$0x1FFD0] =	vst v60;
	v58 =	vimm.s32 $0xFFFFFFFD;
	s2 =	simm.s32 $0x0;
	s3 =	simm.s32 $0x0  }
.LBB2_4:
0x16c: {  	v59 =	vor.u32 s3, v2  }
0x16d: {  	v60 =	vor.u32 s3, v3;
	_ =	sdelay $0x3  }
0x16e: {  	v59 =	vld.idx.msk [tilespmem:v59+s4+$0x0], $0xffff  }
0x16f: {  	v60 =	vld.idx.msk [tilespmem:v60+s4+$0x0], $0xffff;
	_ =	sdelay $0x3  }
0x170: {  	v61 =	vor.u32 s2, v0  }
0x171: {  	vm12 =	vlt.s32 v61, v57;
	vm13 =	vge.s32 v60, v59  }
0x172: {  	vm12 =	vmand vm12, vm13;
	vm13 =	vle.s32 v55, v59  }
0x173: {  	vm12 =	vmand vm13, vm12;
	vm13 =	vge.s32 v56, v60  }
0x174: {  	vm12 =	vmand vm13, vm12  }
0x175: {  	v52 =	vsel vm12, $0x1, v4  }
0x176: {  	(xrf0) =	vadd.scan.msk.s32 $0xffff, v52;
	_ =	sdelay $0x3  }
0x177: {  	v54 =	vor.u32 s3, v1;
	_ =	sdelay $0x1  }
0x178: {  	v62, _, _ =	vpop (xrf0)  }
0x179: {  	v62 =	vmul.u32 $0x3, v62;
	_ =	sdelay $0x1  }
0x17a: {  	v61 =	vld.idx.msk [tilespmem:v54+s4+$0x0], $0xffff;
	v62 =	vadd.s32 v58, v62  }
0x17b: {  	v63 =	vadd.s32 $0x1, v62  }
0x17c: {  	v51 =	vadd.s32 $0x2, v62  }
0x17d: {  	v52 =	vor.u32 s3, v7  }
0x17e: {  	v54 =	vor.u32 s3, v8  }
0x17f: {  	v59 =	vadd.s32 v55, v59;
	[tilespmem:v62+s18+$0x0] =	vst.idx.msk vm12, v61  }
0x180: {  	v60 =	vadd.s32 v55, v60;
	[tilespmem:v63+s18+$0x0] =	vst.idx.msk vm12, v59  }
0x181: {  	[tilespmem:v51+s18+$0x0] =	vst.idx.msk vm12, v60  }
0x182: {  	v51 =	vld.idx.msk [tilespmem:v52+s4+$0x0], $0xffff  }
0x183: {  	v52 =	vld.idx.msk [tilespmem:v54+s4+$0x0], $0xffff;
	_ =	sdelay $0x3  }
0x184: {  	v61 =	vor.u32 s2, v5  }
0x185: {  	vm13 =	vlt.s32 v61, v57;
	vm14 =	vge.s32 v52, v51  }
0x186: {  	vm13 =	vmand vm13, vm14;
	vm14 =	vle.s32 v55, v51  }
0x187: {  	vm13 =	vmand vm14, vm13;
	vm14 =	vge.s32 v56, v52  }
0x188: {  	vm13 =	vmand vm14, vm13  }
0x189: {  	v62 =	vsel vm13, $0x1, v4  }
0x18a: {  	(xrf0) =	vadd.scan.msk.s32 $0xffff, v62;
	_ =	sdelay $0x3  }
0x18b: {  	v63 =	vmpcnt.ones.xlane vm12;
	v59 =	vor.u32 s3, v6;
	_ =	sdelay $0x1  }
0x18c: {  	v54 =	vmul.u32 $0x3, v63;
	v60, _, _ =	vpop (xrf0)  }
0x18d: {  	v60 =	vmul.u32 $0x3, v60  }
0x18e: {  	v54 =	vadd.s32 v58, v54  }
0x18f: {  	v58 =	vld.idx.msk [tilespmem:v59+s4+$0x0], $0xffff;
	v59 =	vadd.s32 v54, v60  }
0x190: {  	v61 =	vadd.s32 s3, v12;
	v60 =	vadd.s32 $0x1, v59  }
0x191: {  	v61 =	vand.u32 $0xFFFFFF80, v61;
	v63 =	vadd.s32 s3, v14;
	v62 =	vadd.s32 $0x2, v59  }
0x192: {  	v61 =	vor.u32 v13, v61;
	v63 =	vand.u32 $0xFFFFFF80, v63  }
0x193: {  	v63 =	vor.u32 v15, v63  }
0x194: {  	v51 =	vadd.s32 v55, v51;
	[tilespmem:v59+s18+$0x0] =	vst.idx.msk vm13, v58  }
0x195: {  	v59 =	vadd.s32 v55, v52;
	[tilespmem:v60+s18+$0x0] =	vst.idx.msk vm13, v51  }
0x196: {  	[tilespmem:v62+s18+$0x0] =	vst.idx.msk vm13, v59  }
0x197: {  	v51 =	vld.idx.msk [tilespmem:v61+s4+$0x0], $0xffff  }
0x198: {  	v52 =	vld.idx.msk [tilespmem:v63+s4+$0x0], $0xffff;
	_ =	sdelay $0x3  }
0x199: {  	v60 =	vor.u32 s2, v10  }
0x19a: {  	vm12 =	vlt.s32 v60, v57;
	vm14 =	vge.s32 v52, v51  }
0x19b: {  	vm12 =	vmand vm12, vm14;
	vm14 =	vle.s32 v55, v51  }
0x19c: {  	vm12 =	vmand vm14, vm12;
	vm14 =	vge.s32 v56, v52  }
0x19d: {  	vm12 =	vmand vm14, vm12  }
0x19e: {  	v61 =	vsel vm12, $0x1, v4  }
0x19f: {  	(xrf0) =	vadd.scan.msk.s32 $0xffff, v61;
	_ =	sdelay $0x1  }
0x1a0: {  	v62 =	vadd.s32 s3, v9  }
0x1a1: {  	v58 =	vand.u32 $0xFFFFFF80, v62  }
0x1a2: {  	v63 =	vmpcnt.ones.xlane vm13;
	v58 =	vor.u32 v11, v58;
	_ =	sdelay $0x1  }
0x1a3: {  	v59 =	vmul.u32 $0x3, v63;
	v60, _, _ =	vpop (xrf0)  }
0x1a4: {  	v60 =	vmul.u32 $0x3, v60  }
0x1a5: {  	v54 =	vadd.s32 v54, v59  }
0x1a6: {  	v58 =	vld.idx.msk [tilespmem:v58+s4+$0x0], $0xffff;
	v59 =	vadd.s32 v54, v60  }
0x1a7: {  	v61 =	vadd.s32 s3, v19;
	v60 =	vadd.s32 $0x1, v59  }
0x1a8: {  	v63 =	vadd.s32 s3, v21;
	v61 =	vand.u32 $0xFFFFFF80, v61;
	v62 =	vadd.s32 $0x2, v59  }
0x1a9: {  	v63 =	vand.u32 $0xFFFFFF80, v63;
	v61 =	vor.u32 v20, v61  }
0x1aa: {  	v63 =	vor.u32 v22, v63  }
0x1ab: {  	v51 =	vadd.s32 v55, v51;
	[tilespmem:v59+s18+$0x0] =	vst.idx.msk vm12, v58  }
0x1ac: {  	v59 =	vadd.s32 v55, v52;
	[tilespmem:v60+s18+$0x0] =	vst.idx.msk vm12, v51  }
0x1ad: {  	[tilespmem:v62+s18+$0x0] =	vst.idx.msk vm12, v59  }
0x1ae: {  	v51 =	vld.idx.msk [tilespmem:v61+s4+$0x0], $0xffff  }
0x1af: {  	v52 =	vld.idx.msk [tilespmem:v63+s4+$0x0], $0xffff;
	_ =	sdelay $0x3  }
0x1b0: {  	v60 =	vor.u32 s2, v17  }
0x1b1: {  	vm13 =	vlt.s32 v60, v57;
	vm14 =	vge.s32 v52, v51  }
0x1b2: {  	vm13 =	vmand vm13, vm14;
	vm14 =	vle.s32 v55, v51  }
0x1b3: {  	vm13 =	vmand vm14, vm13;
	vm14 =	vge.s32 v56, v52  }
0x1b4: {  	vm13 =	vmand vm14, vm13  }
0x1b5: {  	v61 =	vsel vm13, $0x1, v4  }
0x1b6: {  	(xrf0) =	vadd.scan.msk.s32 $0xffff, v61;
	_ =	sdelay $0x1  }
0x1b7: {  	v62 =	vadd.s32 s3, v16  }
0x1b8: {  	v58 =	vand.u32 $0xFFFFFF80, v62  }
0x1b9: {  	v63 =	vmpcnt.ones.xlane vm12;
	v58 =	vor.u32 v18, v58;
	_ =	sdelay $0x1  }
0x1ba: {  	v59 =	vmul.u32 $0x3, v63;
	v60, _, _ =	vpop (xrf0)  }
0x1bb: {  	v60 =	vmul.u32 $0x3, v60  }
0x1bc: {  	v54 =	vadd.s32 v54, v59  }
0x1bd: {  	v58 =	vld.idx.msk [tilespmem:v58+s4+$0x0], $0xffff;
	v59 =	vadd.s32 v54, v60  }
0x1be: {  	v61 =	vadd.s32 s3, v26;
	v60 =	vadd.s32 $0x1, v59  }
0x1bf: {  	v63 =	vadd.s32 s3, v28;
	v61 =	vand.u32 $0xFFFFFF80, v61;
	v62 =	vadd.s32 $0x2, v59  }
0x1c0: {  	v63 =	vand.u32 $0xFFFFFF80, v63;
	v61 =	vor.u32 v27, v61  }
0x1c1: {  	v63 =	vor.u32 v29, v63  }
0x1c2: {  	v51 =	vadd.s32 v55, v51;
	[tilespmem:v59+s18+$0x0] =	vst.idx.msk vm13, v58  }
0x1c3: {  	v59 =	vadd.s32 v55, v52;
	[tilespmem:v60+s18+$0x0] =	vst.idx.msk vm13, v51  }
0x1c4: {  	[tilespmem:v62+s18+$0x0] =	vst.idx.msk vm13, v59  }
0x1c5: {  	v51 =	vld.idx.msk [tilespmem:v61+s4+$0x0], $0xffff  }
0x1c6: {  	v52 =	vld.idx.msk [tilespmem:v63+s4+$0x0], $0xffff;
	_ =	sdelay $0x3  }
0x1c7: {  	v60 =	vor.u32 s2, v24  }
0x1c8: {  	vm12 =	vlt.s32 v60, v57;
	vm14 =	vge.s32 v52, v51  }
0x1c9: {  	vm12 =	vmand vm12, vm14;
	vm14 =	vle.s32 v55, v51  }
0x1ca: {  	vm12 =	vmand vm14, vm12;
	vm14 =	vge.s32 v56, v52  }
0x1cb: {  	vm12 =	vmand vm14, vm12  }
0x1cc: {  	v61 =	vsel vm12, $0x1, v4  }
0x1cd: {  	(xrf0) =	vadd.scan.msk.s32 $0xffff, v61;
	_ =	sdelay $0x1  }
0x1ce: {  	v62 =	vadd.s32 s3, v23  }
0x1cf: {  	v58 =	vand.u32 $0xFFFFFF80, v62  }
0x1d0: {  	v63 =	vmpcnt.ones.xlane vm13;
	v58 =	vor.u32 v25, v58;
	_ =	sdelay $0x1  }
0x1d1: {  	v59 =	vmul.u32 $0x3, v63;
	v60, _, _ =	vpop (xrf0)  }
0x1d2: {  	v60 =	vmul.u32 $0x3, v60  }
0x1d3: {  	v54 =	vadd.s32 v54, v59  }
0x1d4: {  	v58 =	vld.idx.msk [tilespmem:v58+s4+$0x0], $0xffff;
	v59 =	vadd.s32 v54, v60  }
0x1d5: {  	v61 =	vadd.s32 s3, v33;
	v60 =	vadd.s32 $0x1, v59  }
0x1d6: {  	v63 =	vadd.s32 s3, v35;
	v61 =	vand.u32 $0xFFFFFF80, v61;
	v62 =	vadd.s32 $0x2, v59  }
0x1d7: {  	v63 =	vand.u32 $0xFFFFFF80, v63;
	v61 =	vor.u32 v34, v61  }
0x1d8: {  	v63 =	vor.u32 v36, v63  }
0x1d9: {  	v51 =	vadd.s32 v55, v51;
	[tilespmem:v59+s18+$0x0] =	vst.idx.msk vm12, v58  }
0x1da: {  	v59 =	vadd.s32 v55, v52;
	[tilespmem:v60+s18+$0x0] =	vst.idx.msk vm12, v51  }
0x1db: {  	[tilespmem:v62+s18+$0x0] =	vst.idx.msk vm12, v59  }
0x1dc: {  	v51 =	vld.idx.msk [tilespmem:v61+s4+$0x0], $0xffff  }
0x1dd: {  	v52 =	vld.idx.msk [tilespmem:v63+s4+$0x0], $0xffff;
	_ =	sdelay $0x3  }
0x1de: {  	v60 =	vor.u32 s2, v31  }
0x1df: {  	vm13 =	vlt.s32 v60, v57;
	vm14 =	vge.s32 v52, v51  }
0x1e0: {  	vm13 =	vmand vm13, vm14;
	vm14 =	vle.s32 v55, v51  }
0x1e1: {  	vm13 =	vmand vm14, vm13;
	vm14 =	vge.s32 v56, v52  }
0x1e2: {  	vm13 =	vmand vm14, vm13  }
0x1e3: {  	v61 =	vsel vm13, $0x1, v4  }
0x1e4: {  	(xrf0) =	vadd.scan.msk.s32 $0xffff, v61;
	_ =	sdelay $0x1  }
0x1e5: {  	v62 =	vadd.s32 s3, v30  }
0x1e6: {  	v58 =	vand.u32 $0xFFFFFF80, v62  }
0x1e7: {  	v63 =	vmpcnt.ones.xlane vm12;
	v58 =	vor.u32 v32, v58;
	_ =	sdelay $0x1  }
0x1e8: {  	v59 =	vmul.u32 $0x3, v63;
	v60, _, _ =	vpop (xrf0)  }
0x1e9: {  	v60 =	vmul.u32 $0x3, v60  }
0x1ea: {  	v54 =	vadd.s32 v54, v59  }
0x1eb: {  	v58 =	vld.idx.msk [tilespmem:v58+s4+$0x0], $0xffff;
	v59 =	vadd.s32 v54, v60  }
0x1ec: {  	v61 =	vadd.s32 s3, v40;
	v60 =	vadd.s32 $0x1, v59  }
0x1ed: {  	v63 =	vadd.s32 s3, v42;
	v61 =	vand.u32 $0xFFFFFF80, v61;
	v62 =	vadd.s32 $0x2, v59  }
0x1ee: {  	v63 =	vand.u32 $0xFFFFFF80, v63;
	v61 =	vor.u32 v41, v61  }
0x1ef: {  	v63 =	vor.u32 v43, v63  }
0x1f0: {  	v51 =	vadd.s32 v55, v51;
	[tilespmem:v59+s18+$0x0] =	vst.idx.msk vm13, v58  }
0x1f1: {  	v59 =	vadd.s32 v55, v52;
	[tilespmem:v60+s18+$0x0] =	vst.idx.msk vm13, v51  }
0x1f2: {  	[tilespmem:v62+s18+$0x0] =	vst.idx.msk vm13, v59  }
0x1f3: {  	v51 =	vld.idx.msk [tilespmem:v61+s4+$0x0], $0xffff  }
0x1f4: {  	v52 =	vld.idx.msk [tilespmem:v63+s4+$0x0], $0xffff;
	_ =	sdelay $0x3  }
0x1f5: {  	v60 =	vor.u32 s2, v38  }
0x1f6: {  	vm12 =	vlt.s32 v60, v57;
	vm14 =	vge.s32 v52, v51  }
0x1f7: {  	vm12 =	vmand vm12, vm14;
	vm14 =	vle.s32 v55, v51  }
0x1f8: {  	vm12 =	vmand vm14, vm12;
	vm14 =	vge.s32 v56, v52  }
0x1f9: {  	vm12 =	vmand vm14, vm12  }
0x1fa: {  	v61 =	vsel vm12, $0x1, v4  }
0x1fb: {  	(xrf0) =	vadd.scan.msk.s32 $0xffff, v61;
	_ =	sdelay $0x1  }
0x1fc: {  	v62 =	vadd.s32 s3, v37  }
0x1fd: {  	v58 =	vand.u32 $0xFFFFFF80, v62  }
0x1fe: {  	v63 =	vmpcnt.ones.xlane vm13;
	v58 =	vor.u32 v39, v58;
	_ =	sdelay $0x1  }
0x1ff: {  	v59 =	vmul.u32 $0x3, v63;
	v60, _, _ =	vpop (xrf0)  }
0x200: {  	v60 =	vmul.u32 $0x3, v60  }
0x201: {  	v54 =	vadd.s32 v54, v59  }
0x202: {  	v58 =	vld.idx.msk [tilespmem:v58+s4+$0x0], $0xffff;
	v59 =	vadd.s32 v54, v60  }
0x203: {  	v61 =	vadd.s32 s3, v47;
	v60 =	vadd.s32 $0x1, v59  }
0x204: {  	v63 =	vadd.s32 s3, v49;
	v61 =	vand.u32 $0xFFFFFF80, v61;
	v62 =	vadd.s32 $0x2, v59  }
0x205: {  	v63 =	vand.u32 $0xFFFFFF80, v63;
	v61 =	vor.u32 v48, v61  }
0x206: {  	v63 =	vor.u32 v50, v63  }
0x207: {  	v51 =	vadd.s32 v55, v51;
	[tilespmem:v59+s18+$0x0] =	vst.idx.msk vm12, v58  }
0x208: {  	[tilespmem:v60+s18+$0x0] =	vst.idx.msk vm12, v51;
	v60 =	vadd.s32 v55, v52  }
0x209: {  	[tilespmem:v62+s18+$0x0] =	vst.idx.msk vm12, v60  }
0x20a: {  	v51 =	vld.idx.msk [tilespmem:v61+s4+$0x0], $0xffff  }
0x20b: {  	v52 =	vld.idx.msk [tilespmem:v63+s4+$0x0], $0xffff;
	_ =	sdelay $0x3  }
0x20c: {  	v62 =	vor.u32 s2, v45  }
0x20d: {  	vm13 =	vlt.s32 v62, v57;
	vm14 =	vge.s32 v52, v51  }
0x20e: {  	vm13 =	vmand vm13, vm14;
	vm14 =	vle.s32 v55, v51  }
0x20f: {  	vm13 =	vmand vm14, vm13;
	vm14 =	vge.s32 v56, v52  }
0x210: {  	vm13 =	vmand vm14, vm13  }
0x211: {  	v63 =	vsel vm13, $0x1, v4  }
0x212: {  	(xrf0) =	vadd.scan.msk.s32 $0xffff, v63;
	_ =	sdelay $0x1  }
0x213: {  	v60 =	vadd.s32 s3, v44  }
0x214: {  	v58 =	vand.u32 $0xFFFFFF80, v60  }
0x215: {  	v61 =	vmpcnt.ones.xlane vm12;
	v58 =	vor.u32 v46, v58;
	_ =	sdelay $0x1  }
0x216: {  	v59 =	vmul.u32 $0x3, v61;
	v60, _, _ =	vpop (xrf0)  }
0x217: {  	v60 =	vmul.u32 $0x3, v60  }
0x218: {  	v54 =	vadd.s32 v54, v59  }
0x219: {  	v58 =	vld.idx.msk [tilespmem:v58+s4+$0x0], $0xffff;
	v59 =	vadd.s32 v54, v60  }
0x21a: {  	v60 =	vadd.s32 $0x1, v59  }
0x21b: {  	p1 =	sne.s32 s31, $0x1;
	v61 =	vadd.s32 $0x2, v59  }
.Ltmp5:
0x21c: {  	v62 =	vmpcnt.ones.xlane vm13;
	(pc) =	sbr.rel @p1 .LBB2_4-.Ltmp5, $4  }
0x21d: {  	_ = 	snop  }
0x21e: {  	v51 =	vadd.s32 v55, v51;
	v62 =	vmul.u32 $0x3, v62;
	[tilespmem:v59+s18+$0x0] =	vst.idx.msk vm13, v58  }
0x21f: {  	v63 =	vadd.s32 v55, v52;
	[tilespmem:v60+s18+$0x0] =	vst.idx.msk vm13, v51  }
0x220: {  	s31 =	sadd.s32 $0xFFFFFFFF, s31;
	s3 =	sadd.s32 $0x180, s3;
	s2 =	sadd.s32 $0x80, s2;
	v58 =	vadd.s32 v54, v62;
	[tilespmem:v61+s18+$0x0] =	vst.idx.msk vm13, v63  }
0x221: {  	v58 =	vadd.s32 $0x3, v58;
	v60 =	vld [tilespmem:$0x1FFD0]  }
.LBB2_6:
0x222: {  	(v2sf) =	vpush v58, $0xD;
	_ =	sdelay $0x1  }
0x223: {  	(v2sf) =	vpush v58, $0xC;
	_ =	sdelay $0x1  }
0x224: {  	(v2sf) =	vpush v58, $0xE;
	_ =	sdelay $0x1  }
0x225: {  	(v2sf) =	vpush v58, $0xF;
	_ =	sdelay $0x1  }
0x226: {  	(v2sf) =	vpush v58, $0x9;
	_ =	sdelay $0x1  }
0x227: {  	(v2sf) =	vpush v58, $0x8;
	_ =	sdelay $0x1  }
0x228: {  	(v2sf) =	vpush v58, $0xA;
	_ =	sdelay $0x1  }
0x229: {  	(v2sf) =	vpush v58, $0xB  }
0x22a: {  	s2 =	spop (v2sf)  }
0x22b: {  	(v2sf) =	vpush v58, $0x1;
	s3 =	smulhi.u32 $0x55555556, s2;
	s2 =	sshra.s32 s2, $0x1F  }
0x22c: {  	s31 =	spop (v2sf);
	s2 =	smul.u32 $0x55555556, s2  }
0x22d: {  	(v2sf) =	vpush v58, $0x0;
	s6 =	smulhi.u32 $0x55555556, s31;
	s31 =	sshra.s32 s31, $0x1F  }
0x22e: {  	s7 =	spop (v2sf);
	s31 =	smul.u32 $0x55555556, s31  }
0x22f: {  	(v2sf) =	vpush v58, $0x2;
	s8 =	smulhi.u32 $0x55555556, s7;
	s7 =	sshra.s32 s7, $0x1F  }
0x230: {  	s9 =	spop (v2sf);
	s7 =	smul.u32 $0x55555556, s7  }
0x231: {  	(v2sf) =	vpush v58, $0x3;
	s10 =	smulhi.u32 $0x55555556, s9;
	s9 =	sshra.s32 s9, $0x1F  }
0x232: {  	s22 =	spop (v2sf);
	s9 =	smul.u32 $0x55555556, s9  }
0x233: {  	(v2sf) =	vpush v58, $0x4;
	s23 =	smulhi.u32 $0x55555556, s22;
	s22 =	sshra.s32 s22, $0x1F  }
0x234: {  	s3 =	sadd.s32 s2, s3;
	s12 =	spop (v2sf);
	s22 =	smul.u32 $0x55555556, s22  }
0x235: {  	(v2sf) =	vpush v58, $0x5;
	s6 =	sadd.s32 s31, s6;
	s24 =	smulhi.u32 $0x55555556, s12;
	s12 =	sshra.s32 s12, $0x1F  }
0x236: {  	s0 =	spop (v2sf);
	s7 =	sadd.s32 s7, s8;
	s12 =	smul.u32 $0x55555556, s12  }
0x237: {  	v51 =	vmov s6;
	s6 =	sshrl.u32 s6, $0x1F;
	s1 =	smulhi.u32 $0x55555556, s0;
	s0 =	sshra.s32 s0, $0x1F  }
0x238: {  	(v2sf) =	vpush v58, $0x6;
	s11 =	spop (v2sf);
	s9 =	sadd.s32 s9, s10;
	s0 =	smul.u32 $0x55555556, s0  }
0x239: {  	v51 =	vsel vm5, s3, v51;
	s3 =	sshrl.u32 s3, $0x1F;
	s19 =	smulhi.u32 $0x55555556, s11;
	s11 =	sshra.s32 s11, $0x1F  }
0x23a: {  	s22 =	sadd.s32 s22, s23;
	s11 =	smul.u32 $0x55555556, s11;
	s20 =	spop (v2sf);
	(v2sf) =	vpush v58, $0x7  }
0x23b: {  	v51 =	vsel vm6, s7, v51;
	s7 =	sshrl.u32 s7, $0x1F;
	s31 =	smulhi.u32 $0x55555556, s20;
	s2 =	sshra.s32 s20, $0x1F  }
0x23c: {  	s12 =	sadd.s32 s12, s24;
	s20 =	spop (v2sf);
	s8 =	smul.u32 $0x55555556, s2  }
0x23d: {  	v51 =	vsel vm0, s9, v51;
	s9 =	sshrl.u32 s9, $0x1F;
	s10 =	smulhi.u32 $0x55555556, s20;
	s2 =	sshra.s32 s20, $0x1F  }
0x23e: {  	s0 =	sadd.s32 s0, s1;
	v54 =	vmov s12;
	s23 =	spop (v2sf);
	s20 =	smul.u32 $0x55555556, s2  }
0x23f: {  	s12 =	sshrl.u32 s12, $0x1F;
	v54 =	vsel vm5, s22, v54;
	s24 =	smulhi.u32 $0x55555556, s23;
	s23 =	sshra.s32 s23, $0x1F  }
0x240: {  	v54 =	vsel vm6, s0, v54;
	s0 =	sshrl.u32 s0, $0x1F;
	s1 =	spop (v2sf);
	s23 =	smul.u32 $0x55555556, s23  }
0x241: {  	s2 =	sadd.s32 s11, s19;
	s11 =	smulhi.u32 $0x55555556, s1;
	s1 =	sshra.s32 s1, $0x1F  }
0x242: {  	s8 =	sadd.s32 s8, s31;
	s19 =	spop (v2sf);
	s1 =	smul.u32 $0x55555556, s1  }
0x243: {  	s10 =	sadd.s32 s20, s10;
	s20 =	smulhi.u32 $0x55555556, s19;
	s19 =	sshra.s32 s19, $0x1F  }
0x244: {  	v52 =	vmov s6;
	s23 =	sadd.s32 s23, s24;
	s19 =	smul.u32 $0x55555556, s19;
	s24 =	spop (v2sf)  }
0x245: {  	v52 =	vsel vm5, s3, v52;
	v54 =	vsel vm0, s2, v54;
	s2 =	sshrl.u32 s2, $0x1F;
	s1 =	sadd.s32 s1, s11;
	s3 =	smulhi.u32 $0x55555556, s24  }
0x246: {  	v52 =	vsel vm6, s7, v52;
	v56 =	vmov s10;
	s6 =	sshra.s32 s24, $0x1F;
	s11 =	sadd.s32 s19, s20;
	s20 =	sshrl.u32 s10, $0x1F  }
0x247: {  	v55 =	vmov s12;
	s12 =	sshrl.u32 s8, $0x1F;
	v56 =	vnsel vm7, $0x0, v56;
	s19 =	spop (v2sf);
	s6 =	smul.u32 $0x55555556, s6;
	v57 =	vmov s20  }
0x248: {  	v52 =	vsel vm0, s9, v52;
	s24 =	sshrl.u32 s22, $0x1F;
	v56 =	vsel vm5, s8, v56;
	s9 =	smulhi.u32 $0x55555556, s19;
	s7 =	sshra.s32 s19, $0x1F;
	v57 =	vnsel vm7, $0x0, v57  }
0x249: {  	v51 =	vcombine.low v54, v51;
	v56 =	vsel vm6, s23, v56;
	s20 =	sshrl.u32 s23, $0x1F;
	s10 =	smul.u32 $0x55555556, s7;
	v57 =	vsel vm5, s12, v57;
	s19 =	spop (v2sf)  }
0x24a: {  	v62 =	vld [tilespmem:$0x1FFE0];
	v55 =	vsel vm5, s24, v55;
	v56 =	vsel vm0, s1, v56;
	s1 =	sshrl.u32 s1, $0x1F;
	v57 =	vsel vm6, s20, v57;
	s22 =	smulhi.u32 $0x55555556, s19;
	s7 =	sshra.s32 s19, $0x1F  }
0x24b: {  	v59 =	vld [tilespmem:$0x1FFF0];
	v55 =	vsel vm6, s0, v55;
	s24 =	sshrl.u32 s11, $0x1F;
	s3 =	sadd.s32 s6, s3;
	v56 =	vsel vm8, s11, v56;
	v57 =	vsel vm0, s1, v57;
	s23 =	smul.u32 $0x55555556, s7  }
0x24c: {  	v55 =	vsel vm0, s2, v55;
	s8 =	sshrl.u32 s3, $0x1F;
	s6 =	sadd.s32 s10, s9;
	v56 =	vsel vm9, s3, v56;
	v57 =	vsel vm8, s24, v57  }
0x24d: {  	v52 =	vcombine.low v55, v52;
	v63 =	vsel vm1, s6, v56;
	s9 =	sshrl.u32 s6, $0x1F;
	v57 =	vsel vm9, s8, v57;
	s0 =	sadd.s32 s23, s22  }
0x24e: {  	v61 =	vsel vm1, s9, v57;
	v54 =	vsel vm10, s0, v63;
	s0 =	sshrl.u32 s0, $0x1F  }
0x24f: {  	v51 =	vperm.xlane v51, v62;
	v52 =	vperm.xlane v52, v62;
	v63 =	vsel vm10, s0, v61  }
0x250: {  	v54 =	vperm.xlane v54, v59;
	v55 =	vperm.xlane v63, v59;
	_ =	sdelay $0x1  }
0x251: {  	v51 =	vsel vm11, v54, v51;
	v52 =	vsel vm11, v55, v52  }
0x252: {  	v51 =	vadd.s32 v52, v51  }
0x253: {  	v52 =	vmul.u32 $0xFFFFFFFD, v51  }
0x254: {  	v59 =	vsub.s32 $0x0, v58  }
0x255: {  	vm12 =	vlt.s32 v58, $0x1;
	s10 =	sshll.u32 s25, $0x8;
	vm13 =	vne.s32 v52, v59  }
0x256: {  	s0 =	sand.u32 $0x300, s10;
	vm12 =	vmand vm12, vm13  }
0x257: {  	s0 =	sor.u32 s0, s30;
	v61 =	vsel vm12, $0xFFFFFFFF, v4  }
0x258: {  	s11 =	simm.s32 $0x3200;
	s12 =	rddreg [dreg:$0x3];
	s0 =	sshrl.u32 s0, $0x3;
	v51 =	vadd.s32 v61, v51  }
0x259: {  	s19 =	smin.u32 s28, $0x7D;
	s0 =	sadd.s32 s12, s0;
	[tilespmem:v60+s11+$0x0] =	vst.idx.msk $0x1, v51  }
0x25a: {  	[hbm4b:s0+s14] =	stream.strided.scatter [tilespmem:s18], [sflag:$0x3], $0xC00, s15, s14, $0x38;
	[tilespmem:$0x3280] =	vst v63  }
0x25b: {  	s0 =	sadd.s32 $0x2, s19  }
0x25c: {  	s20 =	sadd.s32 s5, s0  }
0x25d: {  	s1 =	sshrl.u32 s20, $0x3  }
0x25e: {  	s0 =	sshll.u32 s0, $0x7;
	s1 =	smul.u32 $0x6000, s1  }
0x25f: {  	s0 =	sand.u32 $0x380, s0  }
0x260: {  	s0 =	sor.u32 s0, s1  }
0x261: {  	s0 =	sshrl.u32 s0, $0x3  }
0x262: {  	s22 =	simm.s32 $0x2;
	s0 =	sadd.s32 s17, s0  }
0x263: {  	[tilespmem:s4], [sflag:$0x1] =	stream.strided.gather [hbm4b:s0+s14], $0xC00, s15, s14, $0x38;
	[tilespmem:$0x3280] =	vst v63  }
0x264: {  	v54 =	vmov s29;
	_ =	swait.ge [sflag:s22], $0xC00  }
0x265: {  	v62 =	vshll.u32 v54, $0x1;
	[sflag:s22] =	ssyncset.done $0x0  }
0x266: {  	s0 =	simm.s32 @!p0 $0x4;
	[sflag:s22] =	ssyncadd.s32 $0xFFFFF400  }
0x267: {  	_ =	swait.ge @!p0 [sflag:s0], $0xC00  }
0x268: {  	[sflag:s0] =	ssyncset.done @!p0 $0x0  }
0x269: {  	[sflag:s0] =	ssyncadd.s32 @!p0 $0xFFFFF400  }
0x26a: {  	v63 =	vor.u32 $0x1, v62;
	v55 =	vld.idx.msk [tilespmem:v62+s13+$0x0], $0xffff;
	_ =	sdelay $0x4  }
0x26b: {  	s23 =	simm.s32 $0x3100;
	v56 =	vld.idx.msk [tilespmem:v63+s13+$0x0], $0xffff;
	v58 =	vsel vm2, $0x0, v55  }
0x26c: {  	v57 =	vld.idx.msk [tilespmem:v54+s23+$0x0], $0xffff;
	v51 =	vnsel vm3, $0x0, v55;
	[tilespmem:$0x2400] =	vst v58  }
0x26d: {  	v52 =	vnsel vm4, $0x0, v55;
	[tilespmem:$0x2410] =	vst v51  }
0x26e: {  	[tilespmem:$0x2420] =	vst v52  }
0x26f: {  	[tilespmem:$0x2430] =	vst v58  }
0x270: {  	[tilespmem:$0x2440] =	vst v51  }
0x271: {  	[tilespmem:$0x2450] =	vst v52  }
0x272: {  	[tilespmem:$0x2460] =	vst v58  }
0x273: {  	[tilespmem:$0x2470] =	vst v51  }
0x274: {  	[tilespmem:$0x2480] =	vst v52  }
0x275: {  	[tilespmem:$0x2490] =	vst v58  }
0x276: {  	[tilespmem:$0x24A0] =	vst v51  }
0x277: {  	[tilespmem:$0x24B0] =	vst v52  }
0x278: {  	[tilespmem:$0x24C0] =	vst v58  }
0x279: {  	[tilespmem:$0x24D0] =	vst v51  }
0x27a: {  	[tilespmem:$0x24E0] =	vst v52  }
0x27b: {  	[tilespmem:$0x24F0] =	vst v58  }
0x27c: {  	[tilespmem:$0x2500] =	vst v51  }
0x27d: {  	[tilespmem:$0x2510] =	vst v52  }
0x27e: {  	[tilespmem:$0x2520] =	vst v58  }
0x27f: {  	[tilespmem:$0x2530] =	vst v51  }
0x280: {  	[tilespmem:$0x2540] =	vst v52  }
0x281: {  	[tilespmem:$0x2550] =	vst v58  }
0x282: {  	[tilespmem:$0x2560] =	vst v51  }
0x283: {  	[tilespmem:$0x2570] =	vst v52  }
0x284: {  	[tilespmem:$0x2580] =	vst v58  }
0x285: {  	[tilespmem:$0x2590] =	vst v51  }
0x286: {  	[tilespmem:$0x25A0] =	vst v52  }
0x287: {  	[tilespmem:$0x25B0] =	vst v58  }
0x288: {  	[tilespmem:$0x25C0] =	vst v51  }
0x289: {  	[tilespmem:$0x25D0] =	vst v52  }
0x28a: {  	[tilespmem:$0x25E0] =	vst v58  }
0x28b: {  	[tilespmem:$0x25F0] =	vst v51  }
0x28c: {  	[tilespmem:$0x2600] =	vst v52  }
0x28d: {  	[tilespmem:$0x2610] =	vst v58  }
0x28e: {  	[tilespmem:$0x2620] =	vst v51  }
0x28f: {  	[tilespmem:$0x2630] =	vst v52  }
0x290: {  	[tilespmem:$0x2640] =	vst v58  }
0x291: {  	[tilespmem:$0x2650] =	vst v51  }
0x292: {  	[tilespmem:$0x2660] =	vst v52  }
0x293: {  	[tilespmem:$0x2670] =	vst v58  }
0x294: {  	[tilespmem:$0x2680] =	vst v51  }
0x295: {  	[tilespmem:$0x2690] =	vst v52  }
0x296: {  	[tilespmem:$0x26A0] =	vst v58  }
0x297: {  	[tilespmem:$0x26B0] =	vst v51  }
0x298: {  	[tilespmem:$0x26C0] =	vst v52  }
0x299: {  	[tilespmem:$0x26D0] =	vst v58  }
0x29a: {  	[tilespmem:$0x26E0] =	vst v51  }
0x29b: {  	[tilespmem:$0x26F0] =	vst v52  }
0x29c: {  	[tilespmem:$0x2700] =	vst v58  }
0x29d: {  	[tilespmem:$0x2710] =	vst v51  }
0x29e: {  	[tilespmem:$0x2720] =	vst v52  }
0x29f: {  	[tilespmem:$0x2730] =	vst v58  }
0x2a0: {  	[tilespmem:$0x2740] =	vst v51  }
0x2a1: {  	[tilespmem:$0x2750] =	vst v52  }
0x2a2: {  	[tilespmem:$0x2760] =	vst v58  }
0x2a3: {  	[tilespmem:$0x2770] =	vst v51  }
0x2a4: {  	[tilespmem:$0x2780] =	vst v52  }
0x2a5: {  	[tilespmem:$0x2790] =	vst v58  }
0x2a6: {  	[tilespmem:$0x27A0] =	vst v51  }
0x2a7: {  	[tilespmem:$0x27B0] =	vst v52  }
0x2a8: {  	[tilespmem:$0x27C0] =	vst v58  }
0x2a9: {  	[tilespmem:$0x27D0] =	vst v51  }
0x2aa: {  	[tilespmem:$0x27E0] =	vst v52  }
0x2ab: {  	[tilespmem:$0x27F0] =	vst v58  }
0x2ac: {  	[tilespmem:$0x2800] =	vst v51  }
0x2ad: {  	[tilespmem:$0x2810] =	vst v52  }
0x2ae: {  	[tilespmem:$0x2820] =	vst v58  }
0x2af: {  	[tilespmem:$0x2830] =	vst v51  }
0x2b0: {  	[tilespmem:$0x2840] =	vst v52  }
0x2b1: {  	[tilespmem:$0x2850] =	vst v58  }
0x2b2: {  	[tilespmem:$0x2860] =	vst v51  }
0x2b3: {  	[tilespmem:$0x2870] =	vst v52  }
0x2b4: {  	[tilespmem:$0x2880] =	vst v58  }
0x2b5: {  	[tilespmem:$0x2890] =	vst v51  }
0x2b6: {  	[tilespmem:$0x28A0] =	vst v52  }
0x2b7: {  	[tilespmem:$0x28B0] =	vst v58  }
0x2b8: {  	[tilespmem:$0x28C0] =	vst v51  }
0x2b9: {  	[tilespmem:$0x28D0] =	vst v52  }
0x2ba: {  	[tilespmem:$0x28E0] =	vst v58  }
0x2bb: {  	[tilespmem:$0x28F0] =	vst v51  }
0x2bc: {  	[tilespmem:$0x2900] =	vst v52  }
0x2bd: {  	[tilespmem:$0x2910] =	vst v58  }
0x2be: {  	[tilespmem:$0x2920] =	vst v51  }
0x2bf: {  	[tilespmem:$0x2930] =	vst v52  }
0x2c0: {  	[tilespmem:$0x2940] =	vst v58  }
0x2c1: {  	[tilespmem:$0x2950] =	vst v51  }
0x2c2: {  	[tilespmem:$0x2960] =	vst v52  }
0x2c3: {  	[tilespmem:$0x2970] =	vst v58  }
0x2c4: {  	[tilespmem:$0x2980] =	vst v51  }
0x2c5: {  	[tilespmem:$0x2990] =	vst v52  }
0x2c6: {  	[tilespmem:$0x29A0] =	vst v58  }
0x2c7: {  	[tilespmem:$0x29B0] =	vst v51  }
0x2c8: {  	[tilespmem:$0x29C0] =	vst v52  }
0x2c9: {  	[tilespmem:$0x29D0] =	vst v58  }
0x2ca: {  	[tilespmem:$0x29E0] =	vst v51  }
0x2cb: {  	[tilespmem:$0x29F0] =	vst v52  }
0x2cc: {  	[tilespmem:$0x2A00] =	vst v58  }
0x2cd: {  	[tilespmem:$0x2A10] =	vst v51  }
0x2ce: {  	[tilespmem:$0x2A20] =	vst v52  }
0x2cf: {  	[tilespmem:$0x2A30] =	vst v58  }
0x2d0: {  	[tilespmem:$0x2A40] =	vst v51  }
0x2d1: {  	[tilespmem:$0x2A50] =	vst v52  }
0x2d2: {  	[tilespmem:$0x2A60] =	vst v58  }
0x2d3: {  	[tilespmem:$0x2A70] =	vst v51  }
0x2d4: {  	[tilespmem:$0x2A80] =	vst v52  }
0x2d5: {  	[tilespmem:$0x2A90] =	vst v58  }
0x2d6: {  	[tilespmem:$0x2AA0] =	vst v51  }
0x2d7: {  	[tilespmem:$0x2AB0] =	vst v52  }
0x2d8: {  	[tilespmem:$0x2AC0] =	vst v58  }
0x2d9: {  	[tilespmem:$0x2AD0] =	vst v51  }
0x2da: {  	[tilespmem:$0x2AE0] =	vst v52  }
0x2db: {  	[tilespmem:$0x2AF0] =	vst v58  }
0x2dc: {  	[tilespmem:$0x2B00] =	vst v51  }
0x2dd: {  	[tilespmem:$0x2B10] =	vst v52  }
0x2de: {  	[tilespmem:$0x2B20] =	vst v58  }
0x2df: {  	[tilespmem:$0x2B30] =	vst v51  }
0x2e0: {  	[tilespmem:$0x2B40] =	vst v52  }
0x2e1: {  	[tilespmem:$0x2B50] =	vst v58  }
0x2e2: {  	[tilespmem:$0x2B60] =	vst v51  }
0x2e3: {  	[tilespmem:$0x2B70] =	vst v52  }
0x2e4: {  	[tilespmem:$0x2B80] =	vst v58  }
0x2e5: {  	[tilespmem:$0x2B90] =	vst v51  }
0x2e6: {  	[tilespmem:$0x2BA0] =	vst v52  }
0x2e7: {  	[tilespmem:$0x2BB0] =	vst v58  }
0x2e8: {  	[tilespmem:$0x2BC0] =	vst v51  }
0x2e9: {  	[tilespmem:$0x2BD0] =	vst v52  }
0x2ea: {  	[tilespmem:$0x2BE0] =	vst v58  }
0x2eb: {  	[tilespmem:$0x2BF0] =	vst v51  }
0x2ec: {  	[tilespmem:$0x2C00] =	vst v52  }
0x2ed: {  	[tilespmem:$0x2C10] =	vst v58  }
0x2ee: {  	[tilespmem:$0x2C20] =	vst v51  }
0x2ef: {  	[tilespmem:$0x2C30] =	vst v52  }
0x2f0: {  	[tilespmem:$0x2C40] =	vst v58  }
0x2f1: {  	[tilespmem:$0x2C50] =	vst v51  }
0x2f2: {  	[tilespmem:$0x2C60] =	vst v52  }
0x2f3: {  	[tilespmem:$0x2C70] =	vst v58  }
0x2f4: {  	[tilespmem:$0x2C80] =	vst v51  }
0x2f5: {  	[tilespmem:$0x2C90] =	vst v52  }
0x2f6: {  	[tilespmem:$0x2CA0] =	vst v58  }
0x2f7: {  	[tilespmem:$0x2CB0] =	vst v51  }
0x2f8: {  	[tilespmem:$0x2CC0] =	vst v52  }
0x2f9: {  	[tilespmem:$0x2CD0] =	vst v58  }
0x2fa: {  	[tilespmem:$0x2CE0] =	vst v51  }
0x2fb: {  	[tilespmem:$0x2CF0] =	vst v52  }
0x2fc: {  	[tilespmem:$0x2D00] =	vst v58  }
0x2fd: {  	[tilespmem:$0x2D10] =	vst v51  }
0x2fe: {  	[tilespmem:$0x2D20] =	vst v52  }
0x2ff: {  	[tilespmem:$0x2D30] =	vst v58  }
0x300: {  	[tilespmem:$0x2D40] =	vst v51  }
0x301: {  	[tilespmem:$0x2D50] =	vst v52  }
0x302: {  	[tilespmem:$0x2D60] =	vst v58  }
0x303: {  	[tilespmem:$0x2D70] =	vst v51  }
0x304: {  	[tilespmem:$0x2D80] =	vst v52  }
0x305: {  	[tilespmem:$0x2D90] =	vst v58  }
0x306: {  	[tilespmem:$0x2DA0] =	vst v51  }
0x307: {  	[tilespmem:$0x2DB0] =	vst v52  }
0x308: {  	[tilespmem:$0x2DC0] =	vst v58  }
0x309: {  	[tilespmem:$0x2DD0] =	vst v51  }
0x30a: {  	[tilespmem:$0x2DE0] =	vst v52  }
0x30b: {  	[tilespmem:$0x2DF0] =	vst v58  }
0x30c: {  	[tilespmem:$0x2E00] =	vst v51  }
0x30d: {  	[tilespmem:$0x2E10] =	vst v52  }
0x30e: {  	[tilespmem:$0x2E20] =	vst v58  }
0x30f: {  	[tilespmem:$0x2E30] =	vst v51  }
0x310: {  	[tilespmem:$0x2E40] =	vst v52  }
0x311: {  	[tilespmem:$0x2E50] =	vst v58  }
0x312: {  	[tilespmem:$0x2E60] =	vst v51  }
0x313: {  	[tilespmem:$0x2E70] =	vst v52  }
0x314: {  	[tilespmem:$0x2E80] =	vst v58  }
0x315: {  	[tilespmem:$0x2E90] =	vst v51  }
0x316: {  	[tilespmem:$0x2EA0] =	vst v52  }
0x317: {  	[tilespmem:$0x2EB0] =	vst v58  }
0x318: {  	[tilespmem:$0x2EC0] =	vst v51  }
0x319: {  	[tilespmem:$0x2ED0] =	vst v52  }
0x31a: {  	[tilespmem:$0x2EE0] =	vst v58  }
0x31b: {  	[tilespmem:$0x2EF0] =	vst v51  }
0x31c: {  	[tilespmem:$0x2F00] =	vst v52  }
0x31d: {  	[tilespmem:$0x2F10] =	vst v58  }
0x31e: {  	[tilespmem:$0x2F20] =	vst v51  }
0x31f: {  	[tilespmem:$0x2F30] =	vst v52  }
0x320: {  	[tilespmem:$0x2F40] =	vst v58  }
0x321: {  	[tilespmem:$0x2F50] =	vst v51  }
0x322: {  	[tilespmem:$0x2F60] =	vst v52  }
0x323: {  	[tilespmem:$0x2F70] =	vst v58  }
0x324: {  	[tilespmem:$0x2F80] =	vst v51  }
0x325: {  	[tilespmem:$0x2F90] =	vst v52  }
0x326: {  	[tilespmem:$0x2FA0] =	vst v58  }
0x327: {  	[tilespmem:$0x2FB0] =	vst v51  }
0x328: {  	[tilespmem:$0x2FC0] =	vst v52  }
0x329: {  	[tilespmem:$0x2FD0] =	vst v58  }
0x32a: {  	[tilespmem:$0x2FE0] =	vst v51  }
0x32b: {  	[tilespmem:$0x2FF0] =	vst v52  }
0x32c: {  	v63 =	vld [tilespmem:s28+$0x3101];
	_ =	sdelay $0x4  }
0x32d: {  	(v2sf) =	vpush v63, $0x0;
	_ =	sdelay $0xe  }
0x32e: {  	s24 =	spop (v2sf)  }
0x32f: {  	s0 =	sadd.s32 $0x7F, s24  }
0x330: {  	s29 =	sand.u32 $0x7F, s0  }
0x331: {  	s30 =	sshra.s32 s0, $0x1F;
	p1 =	slt.s32 s0, $0x1;
	p6 =	sne.s32 s29, $0x0  }
0x332: {  	s1 =	sshrl.u32 s30, $0x19;
	p0 =	por !p1, !p6  }
0x333: {  	s0 =	sadd.s32 s1, s0;
	s1 =	simm.s32 $0x1;
	p0 =	por !p0, !p0  }
0x334: {  	s0 =	sshra.s32 s0, $0x7;
	s1 =	simm.s32 @!p0 $0x0  }
0x335: {  	s28 =	ssub.s32 s0, s1  }
0x336: {  	p0 =	slt.s32 s28, $0x1  }
.Ltmp6:
0x337: {  	_ = 	snop;
	(pc) =	sbr.rel @p0 .LBB2_10-.Ltmp6, $2  }
0x338: {  	_ =	sdelay $0x2  }
0x339: {  	s31 =	smov.u32 s17  }
0x33a: {  	v53 =	vimm.s32 $0xFFFFFFFD;
	s2 =	simm.s32 $0x0;
	s3 =	simm.s32 $0x0  }
.LBB2_8:
0x33b: {  	v51 =	vor.u32 s3, v2  }
0x33c: {  	v52 =	vor.u32 s3, v3;
	_ =	sdelay $0x3  }
0x33d: {  	v51 =	vld.idx.msk [tilespmem:v51+s16+$0x0], $0xffff  }
0x33e: {  	v52 =	vld.idx.msk [tilespmem:v52+s16+$0x0], $0xffff;
	_ =	sdelay $0x3  }
0x33f: {  	v58 =	vor.u32 s2, v0  }
0x340: {  	vm12 =	vlt.s32 v58, v57;
	vm13 =	vge.s32 v52, v51  }
0x341: {  	vm12 =	vmand vm12, vm13;
	vm13 =	vle.s32 v55, v51  }
0x342: {  	vm12 =	vmand vm13, vm12;
	vm13 =	vge.s32 v56, v52  }
0x343: {  	vm12 =	vmand vm13, vm12  }
0x344: {  	v62 =	vsel vm12, $0x1, v4  }
0x345: {  	(xrf0) =	vadd.scan.msk.s32 $0xffff, v62;
	_ =	sdelay $0x3  }
0x346: {  	v63 =	vor.u32 s3, v1;
	_ =	sdelay $0x1  }
0x347: {  	v59, _, _ =	vpop (xrf0)  }
0x348: {  	v59 =	vmul.u32 $0x3, v59;
	_ =	sdelay $0x1  }
0x349: {  	v58 =	vld.idx.msk [tilespmem:v63+s16+$0x0], $0xffff;
	v59 =	vadd.s32 v53, v59  }
0x34a: {  	v60 =	vadd.s32 $0x1, v59  }
0x34b: {  	v61 =	vadd.s32 $0x2, v59  }
0x34c: {  	v62 =	vor.u32 s3, v7  }
0x34d: {  	v63 =	vor.u32 s3, v8  }
0x34e: {  	v51 =	vadd.s32 v55, v51;
	[tilespmem:v59+s21+$0x0] =	vst.idx.msk vm12, v58  }
0x34f: {  	[tilespmem:v60+s21+$0x0] =	vst.idx.msk vm12, v51;
	v60 =	vadd.s32 v55, v52  }
0x350: {  	[tilespmem:v61+s21+$0x0] =	vst.idx.msk vm12, v60  }
0x351: {  	v51 =	vld.idx.msk [tilespmem:v62+s16+$0x0], $0xffff  }
0x352: {  	v52 =	vld.idx.msk [tilespmem:v63+s16+$0x0], $0xffff;
	_ =	sdelay $0x3  }
0x353: {  	v61 =	vor.u32 s2, v5  }
0x354: {  	vm13 =	vlt.s32 v61, v57;
	vm14 =	vge.s32 v52, v51  }
0x355: {  	vm13 =	vmand vm13, vm14;
	vm14 =	vle.s32 v55, v51  }
0x356: {  	vm13 =	vmand vm14, vm13;
	vm14 =	vge.s32 v56, v52  }
0x357: {  	vm13 =	vmand vm14, vm13  }
0x358: {  	v62 =	vsel vm13, $0x1, v4  }
0x359: {  	(xrf0) =	vadd.scan.msk.s32 $0xffff, v62;
	_ =	sdelay $0x3  }
0x35a: {  	v59 =	vor.u32 s3, v6;
	v63 =	vmpcnt.ones.xlane vm12;
	_ =	sdelay $0x1  }
0x35b: {  	v58 =	vmul.u32 $0x3, v63;
	v60, _, _ =	vpop (xrf0)  }
0x35c: {  	v60 =	vmul.u32 $0x3, v60  }
0x35d: {  	v53 =	vadd.s32 v53, v58  }
0x35e: {  	v58 =	vld.idx.msk [tilespmem:v59+s16+$0x0], $0xffff;
	v59 =	vadd.s32 v53, v60  }
0x35f: {  	v61 =	vadd.s32 s3, v12;
	v60 =	vadd.s32 $0x1, v59  }
0x360: {  	v61 =	vand.u32 $0xFFFFFF80, v61;
	v63 =	vadd.s32 s3, v14;
	v62 =	vadd.s32 $0x2, v59  }
0x361: {  	v61 =	vor.u32 v13, v61;
	v63 =	vand.u32 $0xFFFFFF80, v63  }
0x362: {  	v63 =	vor.u32 v15, v63  }
0x363: {  	v51 =	vadd.s32 v55, v51;
	[tilespmem:v59+s21+$0x0] =	vst.idx.msk vm13, v58  }
0x364: {  	v59 =	vadd.s32 v55, v52;
	[tilespmem:v60+s21+$0x0] =	vst.idx.msk vm13, v51  }
0x365: {  	[tilespmem:v62+s21+$0x0] =	vst.idx.msk vm13, v59  }
0x366: {  	v51 =	vld.idx.msk [tilespmem:v61+s16+$0x0], $0xffff  }
0x367: {  	v52 =	vld.idx.msk [tilespmem:v63+s16+$0x0], $0xffff;
	_ =	sdelay $0x3  }
0x368: {  	v60 =	vor.u32 s2, v10  }
0x369: {  	vm12 =	vlt.s32 v60, v57;
	vm14 =	vge.s32 v52, v51  }
0x36a: {  	vm12 =	vmand vm12, vm14;
	vm14 =	vle.s32 v55, v51  }
0x36b: {  	vm12 =	vmand vm14, vm12;
	vm14 =	vge.s32 v56, v52  }
0x36c: {  	vm12 =	vmand vm14, vm12  }
0x36d: {  	v61 =	vsel vm12, $0x1, v4  }
0x36e: {  	(xrf0) =	vadd.scan.msk.s32 $0xffff, v61;
	_ =	sdelay $0x1  }
0x36f: {  	v62 =	vadd.s32 s3, v9  }
0x370: {  	v58 =	vand.u32 $0xFFFFFF80, v62  }
0x371: {  	v63 =	vmpcnt.ones.xlane vm13;
	v58 =	vor.u32 v11, v58;
	_ =	sdelay $0x1  }
0x372: {  	v59 =	vmul.u32 $0x3, v63;
	v60, _, _ =	vpop (xrf0)  }
0x373: {  	v60 =	vmul.u32 $0x3, v60  }
0x374: {  	v53 =	vadd.s32 v53, v59  }
0x375: {  	v58 =	vld.idx.msk [tilespmem:v58+s16+$0x0], $0xffff;
	v59 =	vadd.s32 v53, v60  }
0x376: {  	v61 =	vadd.s32 s3, v19;
	v60 =	vadd.s32 $0x1, v59  }
0x377: {  	v63 =	vadd.s32 s3, v21;
	v61 =	vand.u32 $0xFFFFFF80, v61;
	v62 =	vadd.s32 $0x2, v59  }
0x378: {  	v63 =	vand.u32 $0xFFFFFF80, v63;
	v61 =	vor.u32 v20, v61  }
0x379: {  	v63 =	vor.u32 v22, v63  }
0x37a: {  	v51 =	vadd.s32 v55, v51;
	[tilespmem:v59+s21+$0x0] =	vst.idx.msk vm12, v58  }
0x37b: {  	v59 =	vadd.s32 v55, v52;
	[tilespmem:v60+s21+$0x0] =	vst.idx.msk vm12, v51  }
0x37c: {  	[tilespmem:v62+s21+$0x0] =	vst.idx.msk vm12, v59  }
0x37d: {  	v51 =	vld.idx.msk [tilespmem:v61+s16+$0x0], $0xffff  }
0x37e: {  	v52 =	vld.idx.msk [tilespmem:v63+s16+$0x0], $0xffff;
	_ =	sdelay $0x3  }
0x37f: {  	v60 =	vor.u32 s2, v17  }
0x380: {  	vm13 =	vlt.s32 v60, v57;
	vm14 =	vge.s32 v52, v51  }
0x381: {  	vm13 =	vmand vm13, vm14;
	vm14 =	vle.s32 v55, v51  }
0x382: {  	vm13 =	vmand vm14, vm13;
	vm14 =	vge.s32 v56, v52  }
0x383: {  	vm13 =	vmand vm14, vm13  }
0x384: {  	v61 =	vsel vm13, $0x1, v4  }
0x385: {  	(xrf0) =	vadd.scan.msk.s32 $0xffff, v61;
	_ =	sdelay $0x1  }
0x386: {  	v62 =	vadd.s32 s3, v16  }
0x387: {  	v58 =	vand.u32 $0xFFFFFF80, v62  }
0x388: {  	v63 =	vmpcnt.ones.xlane vm12;
	v58 =	vor.u32 v18, v58;
	_ =	sdelay $0x1  }
0x389: {  	v59 =	vmul.u32 $0x3, v63;
	v60, _, _ =	vpop (xrf0)  }
0x38a: {  	v60 =	vmul.u32 $0x3, v60  }
0x38b: {  	v53 =	vadd.s32 v53, v59  }
0x38c: {  	v58 =	vld.idx.msk [tilespmem:v58+s16+$0x0], $0xffff;
	v59 =	vadd.s32 v53, v60  }
0x38d: {  	v61 =	vadd.s32 s3, v26;
	v60 =	vadd.s32 $0x1, v59  }
0x38e: {  	v63 =	vadd.s32 s3, v28;
	v61 =	vand.u32 $0xFFFFFF80, v61;
	v62 =	vadd.s32 $0x2, v59  }
0x38f: {  	v63 =	vand.u32 $0xFFFFFF80, v63;
	v61 =	vor.u32 v27, v61  }
0x390: {  	v63 =	vor.u32 v29, v63  }
0x391: {  	v51 =	vadd.s32 v55, v51;
	[tilespmem:v59+s21+$0x0] =	vst.idx.msk vm13, v58  }
0x392: {  	v59 =	vadd.s32 v55, v52;
	[tilespmem:v60+s21+$0x0] =	vst.idx.msk vm13, v51  }
0x393: {  	[tilespmem:v62+s21+$0x0] =	vst.idx.msk vm13, v59  }
0x394: {  	v51 =	vld.idx.msk [tilespmem:v61+s16+$0x0], $0xffff  }
0x395: {  	v52 =	vld.idx.msk [tilespmem:v63+s16+$0x0], $0xffff;
	_ =	sdelay $0x3  }
0x396: {  	v60 =	vor.u32 s2, v24  }
0x397: {  	vm12 =	vlt.s32 v60, v57;
	vm14 =	vge.s32 v52, v51  }
0x398: {  	vm12 =	vmand vm12, vm14;
	vm14 =	vle.s32 v55, v51  }
0x399: {  	vm12 =	vmand vm14, vm12;
	vm14 =	vge.s32 v56, v52  }
0x39a: {  	vm12 =	vmand vm14, vm12  }
0x39b: {  	v61 =	vsel vm12, $0x1, v4  }
0x39c: {  	(xrf0) =	vadd.scan.msk.s32 $0xffff, v61;
	_ =	sdelay $0x1  }
0x39d: {  	v62 =	vadd.s32 s3, v23  }
0x39e: {  	v58 =	vand.u32 $0xFFFFFF80, v62  }
0x39f: {  	v63 =	vmpcnt.ones.xlane vm13;
	v58 =	vor.u32 v25, v58;
	_ =	sdelay $0x1  }
0x3a0: {  	v59 =	vmul.u32 $0x3, v63;
	v60, _, _ =	vpop (xrf0)  }
0x3a1: {  	v60 =	vmul.u32 $0x3, v60  }
0x3a2: {  	v53 =	vadd.s32 v53, v59  }
0x3a3: {  	v58 =	vld.idx.msk [tilespmem:v58+s16+$0x0], $0xffff;
	v59 =	vadd.s32 v53, v60  }
0x3a4: {  	v61 =	vadd.s32 s3, v33;
	v60 =	vadd.s32 $0x1, v59  }
0x3a5: {  	v63 =	vadd.s32 s3, v35;
	v61 =	vand.u32 $0xFFFFFF80, v61;
	v62 =	vadd.s32 $0x2, v59  }
0x3a6: {  	v63 =	vand.u32 $0xFFFFFF80, v63;
	v61 =	vor.u32 v34, v61  }
0x3a7: {  	v63 =	vor.u32 v36, v63  }
0x3a8: {  	v51 =	vadd.s32 v55, v51;
	[tilespmem:v59+s21+$0x0] =	vst.idx.msk vm12, v58  }
0x3a9: {  	v59 =	vadd.s32 v55, v52;
	[tilespmem:v60+s21+$0x0] =	vst.idx.msk vm12, v51  }
0x3aa: {  	[tilespmem:v62+s21+$0x0] =	vst.idx.msk vm12, v59  }
0x3ab: {  	v51 =	vld.idx.msk [tilespmem:v61+s16+$0x0], $0xffff  }
0x3ac: {  	v52 =	vld.idx.msk [tilespmem:v63+s16+$0x0], $0xffff;
	_ =	sdelay $0x3  }
0x3ad: {  	v60 =	vor.u32 s2, v31  }
0x3ae: {  	vm13 =	vlt.s32 v60, v57;
	vm14 =	vge.s32 v52, v51  }
0x3af: {  	vm13 =	vmand vm13, vm14;
	vm14 =	vle.s32 v55, v51  }
0x3b0: {  	vm13 =	vmand vm14, vm13;
	vm14 =	vge.s32 v56, v52  }
0x3b1: {  	vm13 =	vmand vm14, vm13  }
0x3b2: {  	v61 =	vsel vm13, $0x1, v4  }
0x3b3: {  	(xrf0) =	vadd.scan.msk.s32 $0xffff, v61;
	_ =	sdelay $0x1  }
0x3b4: {  	v62 =	vadd.s32 s3, v30  }
0x3b5: {  	v58 =	vand.u32 $0xFFFFFF80, v62  }
0x3b6: {  	v63 =	vmpcnt.ones.xlane vm12;
	v58 =	vor.u32 v32, v58;
	_ =	sdelay $0x1  }
0x3b7: {  	v59 =	vmul.u32 $0x3, v63;
	v60, _, _ =	vpop (xrf0)  }
0x3b8: {  	v60 =	vmul.u32 $0x3, v60  }
0x3b9: {  	v53 =	vadd.s32 v53, v59  }
0x3ba: {  	v58 =	vld.idx.msk [tilespmem:v58+s16+$0x0], $0xffff;
	v59 =	vadd.s32 v53, v60  }
0x3bb: {  	v61 =	vadd.s32 s3, v40;
	v60 =	vadd.s32 $0x1, v59  }
0x3bc: {  	v63 =	vadd.s32 s3, v42;
	v61 =	vand.u32 $0xFFFFFF80, v61;
	v62 =	vadd.s32 $0x2, v59  }
0x3bd: {  	v63 =	vand.u32 $0xFFFFFF80, v63;
	v61 =	vor.u32 v41, v61  }
0x3be: {  	v63 =	vor.u32 v43, v63  }
0x3bf: {  	v51 =	vadd.s32 v55, v51;
	[tilespmem:v59+s21+$0x0] =	vst.idx.msk vm13, v58  }
0x3c0: {  	v59 =	vadd.s32 v55, v52;
	[tilespmem:v60+s21+$0x0] =	vst.idx.msk vm13, v51  }
0x3c1: {  	[tilespmem:v62+s21+$0x0] =	vst.idx.msk vm13, v59  }
0x3c2: {  	v51 =	vld.idx.msk [tilespmem:v61+s16+$0x0], $0xffff  }
0x3c3: {  	v52 =	vld.idx.msk [tilespmem:v63+s16+$0x0], $0xffff;
	_ =	sdelay $0x3  }
0x3c4: {  	v60 =	vor.u32 s2, v38  }
0x3c5: {  	vm12 =	vlt.s32 v60, v57;
	vm14 =	vge.s32 v52, v51  }
0x3c6: {  	vm12 =	vmand vm12, vm14;
	vm14 =	vle.s32 v55, v51  }
0x3c7: {  	vm12 =	vmand vm14, vm12;
	vm14 =	vge.s32 v56, v52  }
0x3c8: {  	vm12 =	vmand vm14, vm12  }
0x3c9: {  	v61 =	vsel vm12, $0x1, v4  }
0x3ca: {  	(xrf0) =	vadd.scan.msk.s32 $0xffff, v61;
	_ =	sdelay $0x1  }
0x3cb: {  	v62 =	vadd.s32 s3, v37  }
0x3cc: {  	v58 =	vand.u32 $0xFFFFFF80, v62  }
0x3cd: {  	v63 =	vmpcnt.ones.xlane vm13;
	v58 =	vor.u32 v39, v58;
	_ =	sdelay $0x1  }
0x3ce: {  	v59 =	vmul.u32 $0x3, v63;
	v60, _, _ =	vpop (xrf0)  }
0x3cf: {  	v60 =	vmul.u32 $0x3, v60  }
0x3d0: {  	v53 =	vadd.s32 v53, v59  }
0x3d1: {  	v58 =	vld.idx.msk [tilespmem:v58+s16+$0x0], $0xffff;
	v59 =	vadd.s32 v53, v60  }
0x3d2: {  	v61 =	vadd.s32 s3, v47;
	v60 =	vadd.s32 $0x1, v59  }
0x3d3: {  	v63 =	vadd.s32 s3, v49;
	v61 =	vand.u32 $0xFFFFFF80, v61;
	v62 =	vadd.s32 $0x2, v59  }
0x3d4: {  	v63 =	vand.u32 $0xFFFFFF80, v63;
	v61 =	vor.u32 v48, v61  }
0x3d5: {  	v63 =	vor.u32 v50, v63  }
0x3d6: {  	v51 =	vadd.s32 v55, v51;
	[tilespmem:v59+s21+$0x0] =	vst.idx.msk vm12, v58  }
0x3d7: {  	[tilespmem:v60+s21+$0x0] =	vst.idx.msk vm12, v51;
	v60 =	vadd.s32 v55, v52  }
0x3d8: {  	[tilespmem:v62+s21+$0x0] =	vst.idx.msk vm12, v60  }
0x3d9: {  	v51 =	vld.idx.msk [tilespmem:v61+s16+$0x0], $0xffff  }
0x3da: {  	v52 =	vld.idx.msk [tilespmem:v63+s16+$0x0], $0xffff;
	_ =	sdelay $0x3  }
0x3db: {  	v62 =	vor.u32 s2, v45  }
0x3dc: {  	vm13 =	vlt.s32 v62, v57;
	vm14 =	vge.s32 v52, v51  }
0x3dd: {  	vm13 =	vmand vm13, vm14;
	vm14 =	vle.s32 v55, v51  }
0x3de: {  	vm13 =	vmand vm14, vm13;
	vm14 =	vge.s32 v56, v52  }
0x3df: {  	vm13 =	vmand vm14, vm13  }
0x3e0: {  	v63 =	vsel vm13, $0x1, v4  }
0x3e1: {  	(xrf0) =	vadd.scan.msk.s32 $0xffff, v63;
	_ =	sdelay $0x1  }
0x3e2: {  	v60 =	vadd.s32 s3, v44  }
0x3e3: {  	v58 =	vand.u32 $0xFFFFFF80, v60  }
0x3e4: {  	v61 =	vmpcnt.ones.xlane vm12;
	v58 =	vor.u32 v46, v58;
	_ =	sdelay $0x1  }
0x3e5: {  	v59 =	vmul.u32 $0x3, v61;
	v60, _, _ =	vpop (xrf0)  }
0x3e6: {  	v60 =	vmul.u32 $0x3, v60  }
0x3e7: {  	v53 =	vadd.s32 v53, v59  }
0x3e8: {  	v58 =	vld.idx.msk [tilespmem:v58+s16+$0x0], $0xffff;
	v59 =	vadd.s32 v53, v60  }
0x3e9: {  	v60 =	vadd.s32 $0x1, v59  }
0x3ea: {  	p0 =	sne.s32 s28, $0x1;
	v61 =	vadd.s32 $0x2, v59  }
.Ltmp7:
0x3eb: {  	v62 =	vmpcnt.ones.xlane vm13;
	(pc) =	sbr.rel @p0 .LBB2_8-.Ltmp7, $4  }
0x3ec: {  	_ = 	snop  }
0x3ed: {  	v51 =	vadd.s32 v55, v51;
	v62 =	vmul.u32 $0x3, v62;
	[tilespmem:v59+s21+$0x0] =	vst.idx.msk vm13, v58  }
0x3ee: {  	v63 =	vadd.s32 v55, v52;
	[tilespmem:v60+s21+$0x0] =	vst.idx.msk vm13, v51  }
0x3ef: {  	s28 =	sadd.s32 $0xFFFFFFFF, s28;
	s3 =	sadd.s32 $0x180, s3;
	s2 =	sadd.s32 $0x80, s2;
	v53 =	vadd.s32 v53, v62;
	[tilespmem:v61+s21+$0x0] =	vst.idx.msk vm13, v63  }
.Ltmp8:
0x3f0: {  	(pc) =	sbr.rel .LBB2_10-.Ltmp8, $2  }
0x3f1: {  	_ =	sdelay $0x2  }
0x3f2: {  	v53 =	vadd.s32 $0x3, v53  }
.LBB2_12:
0x3f3: {  	_ =	sfence.sel $0x180000  }
0x3f4: {  	[bflag:$0x0] =	sbarrier.arrive $0xFFFF  }
0x3f5: {  	_ =	strace $0x90000047  }
0x3f6: {  	s0 =	stileid.u32;
	[bflag:$0x2] =	sbarrier.arrive $0xFFFF  }
0x3f7: {  	p0 =	sne.s32 s0, $0x0;
	s0 =	rddreg [dreg:$0x5]  }
0x3f8: {  	s0 =	sadd.s32 @!p0 $0x100000, s0  }
0x3f9: {  	[sflag:s0] =	ssyncadd.tile.s32 @!p0 $0x1;
	_ =	shalt  }
.Lfunc_end2:
_tile_overlayer_lowered:
.L_overlay_start_2:
0x3fa: {  	(tag) =	ssettag $0x2  }
0x3fb: {  	s0 =	rddreg [dreg:$0x0];
	s2 =	stileid.u32  }
0x3fc: {  	s1 =	rddreg [dreg:$0x1];
	p0 =	sne.s32 s2, $0x0  }
0x3fd: {  	s3 =	rddreg [dreg:$0x2];
	[bflag:$0x3] =	sbarrier.arrive $0xFFFF;
	s2 =	simm.s32 @!p0 $0x1C05  }
0x3fe: {  	[timem:s3], [sflag:s2] =	dma.local @!p0 [hbm:s0], s1  }
0x3ff: {  	s0 =	simm.s32 @!p0 $0x5  }
0x400: {  	_ =	swait.ge @!p0 [sflag:s0], s1  }
0x401: {  	s1 =	ssub.s32 @!p0 $0x0, s1;
	[sflag:s0] =	ssyncset.done @!p0 $0x0  }
0x402: {  	[sflag:s0] =	ssyncadd.s32 @!p0 s1  }
0x403: {  	[bflag:$0x3] =	sbarrier.arrive $0xFFFF  }
0x404: {  	_ =	shalt  }

</sc_bundles>
